<compile_context>
chip_gen: v7x
topology: tpu7x:2x2x1
jax: 0.10.2.dev20260603
libtpu: 0.0.44.dev20260713+nightly
codegen_flags: <defaults>
</compile_context>

<pallas_src>
import functools

import jax
import jax.numpy as jnp
from jax import lax
from jax.experimental import pallas as pl
from jax.experimental.pallas import tpu as pltpu
from jax.experimental.pallas import tpu_sc as plsc

N = 10000
E = 320000
D = 128
H = 128
O = 128
G = 128

NC, NS, L = 2, 16, 16
NW = NC * NS
K = 32
R = 8
EPWP = 10240
EP = NW * EPWP
NG = EPWP // (R * K)
NP = 10240
EPW0 = EPWP
EPW1 = EPWP
NG0 = NG
NG1 = NG
RPT = NP // NS
DW = 16

_f32 = jnp.float32


def _sc_deg_body(dst_hbm, out_hbm, *rest):
    dbuf = rest[:R]
    ones_v = rest[R]
    zbuf = rest[R + 1]
    acc = rest[R + 2]
    sems = rest[R + 3:]
    c = lax.axis_index("c")
    s = lax.axis_index("s")
    w = c * NS + s
    sem_i = sems[:R]
    sem_s = sems[R:]

    offs = sorted({min(o, K - L) for o in range(0, K, L)})
    for o in offs:
        ones_v[pl.ds(o, L)] = jnp.ones((L,), _f32)
    for i in range(RPT // L):
        zbuf[pl.ds(i * L, L)] = jnp.zeros((L,), _f32)
    pltpu.sync_copy(zbuf, acc.at[pl.ds(s * RPT, RPT)])
    plsc.subcore_barrier()

    base = w * EPWP

    def load_idx(chunk, r):
        pltpu.async_copy(dst_hbm.at[pl.ds(base + chunk * K, K)], dbuf[r],
                         sem_i[r])

    def wait_idx(r):
        pltpu.make_async_copy(dst_hbm.at[pl.ds(0, K)], dbuf[r],
                              sem_i[r]).wait()

    def scatter(r):
        pltpu.async_copy(ones_v, acc.at[dbuf[r]], sem_s[r], add=True)

    def wait_sc(r):
        pltpu.make_async_copy(ones_v, acc.at[dbuf[r]], sem_s[r]).wait()

    for r in range(R):
        load_idx(r, r)
    for r in range(R):
        wait_idx(r)
        scatter(r)

    def grp(gi, carry):
        for r in range(R):
            wait_sc(r)
            load_idx(R * (gi + 1) + r, r)
        for r in range(R):
            wait_idx(r)
            scatter(r)
        return carry

    lax.fori_loop(0, NG - 1, grp, 0)
    for r in range(R):
        wait_sc(r)
    plsc.subcore_barrier()
    pltpu.sync_copy(acc.at[pl.ds(s * RPT, RPT)],
                    out_hbm.at[c, pl.ds(s * RPT, RPT)])


@functools.cache
def _sc_degree_kernel():
    return pl.kernel(
        _sc_deg_body,
        out_type=jax.ShapeDtypeStruct((NC, NP), _f32),
        mesh=plsc.VectorSubcoreMesh(core_axis_name="c", subcore_axis_name="s",
                                    num_cores=NC, num_subcores=NS),
        scratch_types=(
            [pltpu.VMEM((K,), jnp.int32)] * R
            + [pltpu.VMEM((K,), _f32),
               pltpu.VMEM((RPT,), _f32),
               pltpu.VMEM_SHARED((NP,), _f32)]
            + [pltpu.SemaphoreType.DMA] * (2 * R)
        ),
    )


def _sc_agg_body(g_hbm, src_hbm, dst_hbm, z_hbm, out_hbm, *rest):
    sbuf = rest[:R]
    dbuf = rest[R:2 * R]
    rows = rest[2 * R:3 * R]
    acc = rest[3 * R]
    sems = rest[3 * R + 1:]
    c = lax.axis_index("c")
    s = lax.axis_index("s")
    w = c * NS + s
    sem_i = sems[:R]
    sem_g = sems[R:2 * R]
    sem_s = sems[2 * R:]

    with jax.named_scope("agg_zero"):
        pltpu.sync_copy(z_hbm.at[pl.ds(s * RPT, RPT)],
                        acc.at[pl.ds(s * RPT, RPT)])
        plsc.subcore_barrier()

    is0 = c == 0
    epw = jnp.where(is0, EPW0, EPW1)
    ngw = jnp.where(is0, NG0, NG1)
    base = c * (NS * EPW0) + s * epw

    def load_idx(chunk, r):
        off = base + chunk * K
        pltpu.async_copy(src_hbm.at[pl.ds(off, K)], sbuf[r], sem_i[r])
        pltpu.async_copy(dst_hbm.at[pl.ds(off, K)], dbuf[r], sem_i[r])

    def wait_idx(r):
        pltpu.make_async_copy(src_hbm.at[pl.ds(0, K)], sbuf[r],
                              sem_i[r]).wait()
        pltpu.make_async_copy(dst_hbm.at[pl.ds(0, K)], dbuf[r],
                              sem_i[r]).wait()

    def gather(r):
        pltpu.async_copy(g_hbm.at[sbuf[r]], rows[r], sem_g[r])

    def wait_gather(r):
        pltpu.make_async_copy(g_hbm.at[sbuf[r]], rows[r], sem_g[r]).wait()

    def scatter(r):
        pltpu.async_copy(rows[r], acc.at[dbuf[r]], sem_s[r], add=True)

    def wait_scatter(r):
        pltpu.make_async_copy(rows[r], acc.at[dbuf[r]], sem_s[r]).wait()

    with jax.named_scope("agg_edges"):
        for r in range(R):
            load_idx(r, r)
        for r in range(R):
            wait_idx(r)
            gather(r)

        def grp(gi, carry):
            for r in range(R):
                wait_gather(r)
                scatter(r)
            for r in range(R):
                wait_scatter(r)
                load_idx(R * (gi + 1) + r, r)
            for r in range(R):
                wait_idx(r)
                gather(r)
            return carry

        lax.fori_loop(0, ngw - 1, grp, 0)
        for r in range(R):
            wait_gather(r)
            scatter(r)
        for r in range(R):
            wait_scatter(r)
        plsc.subcore_barrier()
    with jax.named_scope("agg_out"):
        for j in range(RPT // 128):
            lo = s * RPT + j * 128
            pltpu.sync_copy(acc.at[pl.ds(lo, 128)],
                            out_hbm.at[c, pl.ds(lo, 128)])


@functools.cache
def _sc_aggregate_kernel():
    return pl.kernel(
        _sc_agg_body,
        out_type=jax.ShapeDtypeStruct((NC, NP, H), _f32),
        mesh=plsc.VectorSubcoreMesh(core_axis_name="c", subcore_axis_name="s",
                                    num_cores=NC, num_subcores=NS),
        scratch_types=(
            [pltpu.VMEM((K,), jnp.int32)] * (2 * R)
            + [pltpu.VMEM((K, H), _f32)] * R
            + [pltpu.VMEM_SHARED((NP, H), _f32)]
            + [pltpu.SemaphoreType.DMA] * (3 * R)
        ),
    )


BLK = 2000
GRID = N // BLK
_DOT = (((1,), (1,)), ((), ()))
_DOT0 = (((0,), (0,)), ((), ()))


def _dinv_of(dp_ref):
    deg = dp_ref[0, :, 0:1] + dp_ref[1, :, 0:1] + 1.0
    return lax.rsqrt(deg)


def _mm1_body(x_ref, w_ref, h_ref):
    h_ref[...] = lax.dot_general(x_ref[...], w_ref[...], _DOT,
                                 preferred_element_type=_f32)


def _scale_body(h_ref, dp_ref, g_ref):
    g_ref[...] = h_ref[...] * _dinv_of(dp_ref)


def _prep2_body(p_ref, g1_ref, dp_ref, b_ref, w_ref, g2_ref):
    dinv = _dinv_of(dp_ref)
    pre = (p_ref[0] + p_ref[1] + g1_ref[...]) * dinv + b_ref[...]
    h1 = jnp.maximum(pre, 0.0)
    g2_ref[...] = lax.dot_general(h1, w_ref[...], _DOT,
                                  preferred_element_type=_f32) * dinv


def _final_body(q_ref, g2_ref, dp_ref, b_ref, bt_ref, wl_ref, bl_ref,
                o_ref, psum, pcnt):
    i = pl.program_id(0)

    @pl.when(i == 0)
    def _():
        psum[...] = jnp.zeros_like(psum)
        pcnt[...] = jnp.zeros_like(pcnt)

    dinv = _dinv_of(dp_ref)
    pre = (q_ref[0] + q_ref[1] + g2_ref[...]) * dinv + b_ref[...]
    h2 = jnp.maximum(pre, 0.0)
    oh = (lax.broadcasted_iota(jnp.int32, (BLK, G), 1)
          == bt_ref[...]).astype(_f32)
    psum[...] += lax.dot_general(oh, h2, _DOT0, preferred_element_type=_f32)
    pcnt[...] += lax.dot_general(oh, jnp.ones((BLK, H), _f32), _DOT0,
                                 preferred_element_type=_f32)

    @pl.when(i == GRID - 1)
    def _():
        pooled = psum[...] / jnp.maximum(pcnt[...], 1.0)
        o_ref[...] = lax.dot_general(pooled, wl_ref[...], _DOT,
                                     preferred_element_type=_f32) + bl_ref[...]


def _mm1(x, W1):
    return pl.pallas_call(
        _mm1_body,
        grid=(GRID,),
        in_specs=[
            pl.BlockSpec((BLK, D), lambda i: (i, 0)),
            pl.BlockSpec((H, D), lambda i: (0, 0)),
        ],
        out_specs=pl.BlockSpec((BLK, H), lambda i: (i, 0)),
        out_shape=jax.ShapeDtypeStruct((N, H), _f32),
    )(x, W1)


def _scale(h, degp):
    return pl.pallas_call(
        _scale_body,
        grid=(GRID,),
        in_specs=[
            pl.BlockSpec((BLK, H), lambda i: (i, 0)),
            pl.BlockSpec((NC, BLK, 1), lambda i: (0, i, 0)),
        ],
        out_specs=pl.BlockSpec((BLK, H), lambda i: (i, 0)),
        out_shape=jax.ShapeDtypeStruct((N, H), _f32),
    )(h, degp)


def _prep2(P, g1, degp, b1, W2):
    return pl.pallas_call(
        _prep2_body,
        grid=(GRID,),
        in_specs=[
            pl.BlockSpec((NC, BLK, H), lambda i: (0, i, 0)),
            pl.BlockSpec((BLK, H), lambda i: (i, 0)),
            pl.BlockSpec((NC, BLK, 1), lambda i: (0, i, 0)),
            pl.BlockSpec((1, H), lambda i: (0, 0)),
            pl.BlockSpec((H, H), lambda i: (0, 0)),
        ],
        out_specs=pl.BlockSpec((BLK, H), lambda i: (i, 0)),
        out_shape=jax.ShapeDtypeStruct((N, H), _f32),
    )(P, g1, degp, b1, W2)


def _final(Q, g2, degp, b2, batch2, Wl, bl):
    return pl.pallas_call(
        _final_body,
        grid=(GRID,),
        in_specs=[
            pl.BlockSpec((NC, BLK, H), lambda i: (0, i, 0)),
            pl.BlockSpec((BLK, H), lambda i: (i, 0)),
            pl.BlockSpec((NC, BLK, 1), lambda i: (0, i, 0)),
            pl.BlockSpec((1, H), lambda i: (0, 0)),
            pl.BlockSpec((BLK, 1), lambda i: (i, 0)),
            pl.BlockSpec((O, H), lambda i: (0, 0)),
            pl.BlockSpec((1, O), lambda i: (0, 0)),
        ],
        out_specs=pl.BlockSpec((G, O), lambda i: (0, 0)),
        out_shape=jax.ShapeDtypeStruct((G, O), _f32),
        scratch_shapes=[
            pltpu.VMEM((G, H), _f32),
            pltpu.VMEM((G, H), _f32),
        ],
    )(Q, g2, degp, b2, batch2, Wl, bl)


def _pack_edges(edge_index):
    pad = EP - E
    spread = jnp.arange(pad, dtype=edge_index.dtype)
    src_p = jnp.concatenate([edge_index[0], spread % N])
    dst_p = jnp.concatenate([edge_index[1], N + spread % (NP - N)])
    return src_p, dst_p


def kernel(x, edge_index, batch, W1, b1, W2, b2, Wl, bl):
    srcp, dstp = _pack_edges(edge_index)
    h1raw = _mm1(x, W1)
    degp = _sc_degree_kernel()(dstp).reshape(NC, NP, 1)
    zrs = jnp.zeros((NP, H), _f32)
    g1 = _scale(h1raw, degp)
    P = _sc_aggregate_kernel()(g1, srcp, dstp, zrs)
    g2 = _prep2(P, g1, degp, b1.reshape(1, H), W2)
    Q = _sc_aggregate_kernel()(g2, srcp, dstp, zrs)
    return _final(Q, g2, degp, b2.reshape(1, H), batch.reshape(N, 1), Wl,
                  bl.reshape(1, O))

# --- scband reference (transcript-rebuilt; emitter-appended) ---
"""Pipeline reference for scband-gcngraph-embedding-70875550319263 (READ-ONLY COPY).

The authoritative reference and input builder live on the scoring server;
editing this copy changes nothing except your own understanding.
"""

import jax, jax.numpy as jnp
import numpy as np

N = 10000
E = 320000
D = 128
H = 128
O = 128
G = 128


def gcn_conv(x, edge_index, W, b):
    # PyG GCNConv: x' = D^{-1/2} (A + I) D^{-1/2} (x @ W^T) + b
    n = x.shape[0]
    h = x @ W.T
    loop = jnp.arange(n, dtype=edge_index.dtype)
    src = jnp.concatenate([edge_index[0], loop])
    dst = jnp.concatenate([edge_index[1], loop])
    deg = jnp.zeros((n,), dtype=h.dtype).at[dst].add(1.0)
    dinv = jnp.where(deg > 0, 1.0 / jnp.sqrt(deg), 0.0)
    norm = dinv[src] * dinv[dst]
    msg = h[src] * norm[:, None]
    out = jnp.zeros_like(h).at[dst].add(msg)
    return out + b


def setup_inputs(seed: int = 0) -> dict:
    key = jax.random.key(seed)
    ks = jax.random.split(key, 9)
    x = jax.random.normal(ks[0], (N, D), dtype=jnp.float32)
    edge_index = jax.random.randint(ks[1], (2, E), 0, N, dtype=jnp.int32)
    batch = jnp.sort(jax.random.randint(ks[2], (N,), 0, G, dtype=jnp.int32))
    W1 = jax.random.normal(ks[3], (H, D), dtype=jnp.float32) * (1.0 / np.sqrt(D))
    b1 = jnp.zeros((H,), dtype=jnp.float32)
    W2 = jax.random.normal(ks[4], (H, H), dtype=jnp.float32) * (1.0 / np.sqrt(H))
    b2 = jnp.zeros((H,), dtype=jnp.float32)
    Wl = jax.random.normal(ks[5], (O, H), dtype=jnp.float32) * (1.0 / np.sqrt(H))
    bl = jnp.zeros((O,), dtype=jnp.float32)
    return {"x": x, "edge_index": edge_index, "batch": batch,
            "W1": W1, "b1": b1, "W2": W2, "b2": b2, "Wl": Wl, "bl": bl}


def reference(x, edge_index, batch, W1, b1, W2, b2, Wl, bl):
    h = jax.nn.relu(gcn_conv(x, edge_index, W1, b1))
    # dropout is identity at inference (training=False)
    h = jax.nn.relu(gcn_conv(h, edge_index, W2, b2))
    s = jax.ops.segment_sum(h, batch, num_segments=G)
    cnt = jax.ops.segment_sum(jnp.ones((h.shape[0], 1), dtype=h.dtype), batch, num_segments=G)
    pooled = s / jnp.maximum(cnt, 1.0)
    return pooled @ Wl.T + bl

if __name__ == "__main__":
    import jax
    _d = setup_inputs()
    print(jax.jit(kernel)(*tuple(_d.values())))

</pallas_src>

<mosaic_0001>
#map = affine_map<(d0, d1) -> (0)>
#map1 = affine_map<(d0, d1) -> (0, 0)>
module attributes {stable_mosaic.version = 14 : i64} {
  func.func @_sc_deg_body(%arg0: i32, %arg1: i32, %arg2: memref<327680xi32, #tpu.memory_space<hbm>>, %arg3: memref<2x10240xf32, #tpu.memory_space<hbm>>, %arg4: memref<32xi32, #tpu.memory_space<vmem>>, %arg5: memref<32xi32, #tpu.memory_space<vmem>>, %arg6: memref<32xi32, #tpu.memory_space<vmem>>, %arg7: memref<32xi32, #tpu.memory_space<vmem>>, %arg8: memref<32xi32, #tpu.memory_space<vmem>>, %arg9: memref<32xi32, #tpu.memory_space<vmem>>, %arg10: memref<32xi32, #tpu.memory_space<vmem>>, %arg11: memref<32xi32, #tpu.memory_space<vmem>>, %arg12: memref<32xf32, #tpu.memory_space<vmem>>, %arg13: memref<640xf32, #tpu.memory_space<vmem>>, %arg14: memref<10240xf32, #tpu.memory_space<vmem_shared>>, %arg15: memref<!tpu.dma_semaphore, #tpu.memory_space<semaphore_mem>>, %arg16: memref<!tpu.dma_semaphore, #tpu.memory_space<semaphore_mem>>, %arg17: memref<!tpu.dma_semaphore, #tpu.memory_space<semaphore_mem>>, %arg18: memref<!tpu.dma_semaphore, #tpu.memory_space<semaphore_mem>>, %arg19: memref<!tpu.dma_semaphore, #tpu.memory_space<semaphore_mem>>, %arg20: memref<!tpu.dma_semaphore, #tpu.memory_space<semaphore_mem>>, %arg21: memref<!tpu.dma_semaphore, #tpu.memory_space<semaphore_mem>>, %arg22: memref<!tpu.dma_semaphore, #tpu.memory_space<semaphore_mem>>, %arg23: memref<!tpu.dma_semaphore, #tpu.memory_space<semaphore_mem>>, %arg24: memref<!tpu.dma_semaphore, #tpu.memory_space<semaphore_mem>>, %arg25: memref<!tpu.dma_semaphore, #tpu.memory_space<semaphore_mem>>, %arg26: memref<!tpu.dma_semaphore, #tpu.memory_space<semaphore_mem>>, %arg27: memref<!tpu.dma_semaphore, #tpu.memory_space<semaphore_mem>>, %arg28: memref<!tpu.dma_semaphore, #tpu.memory_space<semaphore_mem>>, %arg29: memref<!tpu.dma_semaphore, #tpu.memory_space<semaphore_mem>>, %arg30: memref<!tpu.dma_semaphore, #tpu.memory_space<semaphore_mem>>) attributes {dimension_semantics = [#tpu.dimension_semantics<core_parallel>, #tpu.dimension_semantics<subcore_parallel>], iteration_bounds = array<i64: 2, 16>, scalar_prefetch = 0 : i64, scratch_operands = 27 : i64, tpu.core_type = #tpu.core_type<sc_vector_subcore>, window_params = [{transform_indices = #map}, {transform_indices = #map1}]} {
    %mul3A = arith.constant 16 : i32
    %mul3A_0 = arith.muli %arg0, %mul3A : i32
    %add3A = arith.addi %mul3A_0, %arg1 : i32
    %broadcast_in_dim3A = arith.constant 1.000000e+00 : f32
    %broadcast_in_dim3A_1 = vector.broadcast %broadcast_in_dim3A : f32 to vector<16xf32>
    %swap3A = arith.constant 0 : index
    %swap3A_2 = tpu.vector_load %arg12[%swap3A] {strides = array<i32>} : memref<32xf32, #tpu.memory_space<vmem>>, vector<16xf32>,
    %swap3A_3 = vector.shape_cast %swap3A_2 : vector<16xf32> to vector<16xf32>
    %swap3A_4 = vector.shape_cast %broadcast_in_dim3A_1 : vector<16xf32> to vector<16xf32>
    tpu.vector_store %arg12[%swap3A], %swap3A_4 {strides = array<i32>} : memref<32xf32, #tpu.memory_space<vmem>>, vector<16xf32>,
    %broadcast_in_dim3A_5 = arith.constant 1.000000e+00 : f32
    %broadcast_in_dim3A_6 = vector.broadcast %broadcast_in_dim3A_5 : f32 to vector<16xf32>
    %swap3A_7 = arith.constant 16 : index
    %swap3A_8 = tpu.vector_load %arg12[%swap3A_7] {strides = array<i32>} : memref<32xf32, #tpu.memory_space<vmem>>, vector<16xf32>,
    %swap3A_9 = vector.shape_cast %swap3A_8 : vector<16xf32> to vector<16xf32>
    %swap3A_10 = vector.shape_cast %broadcast_in_dim3A_6 : vector<16xf32> to vector<16xf32>
    tpu.vector_store %arg12[%swap3A_7], %swap3A_10 {strides = array<i32>} : memref<32xf32, #tpu.memory_space<vmem>>, vector<16xf32>,
    %broadcast_in_dim3A_11 = arith.constant 0.000000e+00 : f32
    %broadcast_in_dim3A_12 = vector.broadcast %broadcast_in_dim3A_11 : f32 to vector<16xf32>
    %swap3A_13 = arith.constant 0 : index
    %swap3A_14 = tpu.vector_load %arg13[%swap3A_13] {strides = array<i32>} : memref<640xf32, #tpu.memory_space<vmem>>, vector<16xf32>,
    %swap3A_15 = vector.shape_cast %swap3A_14 : vector<16xf32> to vector<16xf32>
    %swap3A_16 = vector.shape_cast %broadcast_in_dim3A_12 : vector<16xf32> to vector<16xf32>
    tpu.vector_store %arg13[%swap3A_13], %swap3A_16 {strides = array<i32>} : memref<640xf32, #tpu.memory_space<vmem>>, vector<16xf32>,
    %broadcast_in_dim3A_17 = arith.constant 0.000000e+00 : f32
    %broadcast_in_dim3A_18 = vector.broadcast %broadcast_in_dim3A_17 : f32 to vector<16xf32>
    %swap3A_19 = arith.constant 16 : index
    %swap3A_20 = tpu.vector_load %arg13[%swap3A_19] {strides = array<i32>} : memref<640xf32, #tpu.memory_space<vmem>>, vector<16xf32>,
    %swap3A_21 = vector.shape_cast %swap3A_20 : vector<16xf32> to vector<16xf32>
    %swap3A_22 = vector.shape_cast %broadcast_in_dim3A_18 : vector<16xf32> to vector<16xf32>
    tpu.vector_store %arg13[%swap3A_19], %swap3A_22 {strides = array<i32>} : memref<640xf32, #tpu.memory_space<vmem>>, vector<16xf32>,
    %broadcast_in_dim3A_23 = arith.constant 0.000000e+00 : f32
    %broadcast_in_dim3A_24 = vector.broadcast %broadcast_in_dim3A_23 : f32 to vector<16xf32>
    %swap3A_25 = arith.constant 32 : index
    %swap3A_26 = tpu.vector_load %arg13[%swap3A_25] {strides = array<i32>} : memref<640xf32, #tpu.memory_space<vmem>>, vector<16xf32>,
    %swap3A_27 = vector.shape_cast %swap3A_26 : vector<16xf32> to vector<16xf32>
    %swap3A_28 = vector.shape_cast %broadcast_in_dim3A_24 : vector<16xf32> to vector<16xf32>
    tpu.vector_store %arg13[%swap3A_25], %swap3A_28 {strides = array<i32>} : memref<640xf32, #tpu.memory_space<vmem>>, vector<16xf32>,
    %broadcast_in_dim3A_29 = arith.constant 0.000000e+00 : f32
    %broadcast_in_dim3A_30 = vector.broadcast %broadcast_in_dim3A_29 : f32 to vector<16xf32>
    %swap3A_31 = arith.constant 48 : index
    %swap3A_32 = tpu.vector_load %arg13[%swap3A_31] {strides = array<i32>} : memref<640xf32, #tpu.memory_space<vmem>>, vector<16xf32>,
    %swap3A_33 = vector.shape_cast %swap3A_32 : vector<16xf32> to vector<16xf32>
    %swap3A_34 = vector.shape_cast %broadcast_in_dim3A_30 : vector<16xf32> to vector<16xf32>
    tpu.vector_store %arg13[%swap3A_31], %swap3A_34 {strides = array<i32>} : memref<640xf32, #tpu.memory_space<vmem>>, vector<16xf32>,
    %broadcast_in_dim3A_35 = arith.constant 0.000000e+00 : f32
    %broadcast_in_dim3A_36 = vector.broadcast %broadcast_in_dim3A_35 : f32 to vector<16xf32>
    %swap3A_37 = arith.constant 64 : index
    %swap3A_38 = tpu.vector_load %arg13[%swap3A_37] {strides = array<i32>} : memref<640xf32, #tpu.memory_space<vmem>>, vector<16xf32>,
    %swap3A_39 = vector.shape_cast %swap3A_38 : vector<16xf32> to vector<16xf32>
    %swap3A_40 = vector.shape_cast %broadcast_in_dim3A_36 : vector<16xf32> to vector<16xf32>
    tpu.vector_store %arg13[%swap3A_37], %swap3A_40 {strides = array<i32>} : memref<640xf32, #tpu.memory_space<vmem>>, vector<16xf32>,
    %broadcast_in_dim3A_41 = arith.constant 0.000000e+00 : f32
    %broadcast_in_dim3A_42 = vector.broadcast %broadcast_in_dim3A_41 : f32 to vector<16xf32>
    %swap3A_43 = arith.constant 80 : index
    %swap3A_44 = tpu.vector_load %arg13[%swap3A_43] {strides = array<i32>} : memref<640xf32, #tpu.memory_space<vmem>>, vector<16xf32>,
    %swap3A_45 = vector.shape_cast %swap3A_44 : vector<16xf32> to vector<16xf32>
    %swap3A_46 = vector.shape_cast %broadcast_in_dim3A_42 : vector<16xf32> to vector<16xf32>
    tpu.vector_store %arg13[%swap3A_43], %swap3A_46 {strides = array<i32>} : memref<640xf32, #tpu.memory_space<vmem>>, vector<16xf32>,
    %broadcast_in_dim3A_47 = arith.constant 0.000000e+00 : f32
    %broadcast_in_dim3A_48 = vector.broadcast %broadcast_in_dim3A_47 : f32 to vector<16xf32>
    %swap3A_49 = arith.constant 96 : index
    %swap3A_50 = tpu.vector_load %arg13[%swap3A_49] {strides = array<i32>} : memref<640xf32, #tpu.memory_space<vmem>>, vector<16xf32>,
    %swap3A_51 = vector.shape_cast %swap3A_50 : vector<16xf32> to vector<16xf32>
    %swap3A_52 = vector.shape_cast %broadcast_in_dim3A_48 : vector<16xf32> to vector<16xf32>
    tpu.vector_store %arg13[%swap3A_49], %swap3A_52 {strides = array<i32>} : memref<640xf32, #tpu.memory_space<vmem>>, vector<16xf32>,
    %broadcast_in_dim3A_53 = arith.constant 0.000000e+00 : f32
    %broadcast_in_dim3A_54 = vector.broadcast %broadcast_in_dim3A_53 : f32 to vector<16xf32>
    %swap3A_55 = arith.constant 112 : index
    %swap3A_56 = tpu.vector_load %arg13[%swap3A_55] {strides = array<i32>} : memref<640xf32, #tpu.memory_space<vmem>>, vector<16xf32>,
    %swap3A_57 = vector.shape_cast %swap3A_56 : vector<16xf32> to vector<16xf32>
    %swap3A_58 = vector.shape_cast %broadcast_in_dim3A_54 : vector<16xf32> to vector<16xf32>
    tpu.vector_store %arg13[%swap3A_55], %swap3A_58 {strides = array<i32>} : memref<640xf32, #tpu.memory_space<vmem>>, vector<16xf32>,
    %broadcast_in_dim3A_59 = arith.constant 0.000000e+00 : f32
    %broadcast_in_dim3A_60 = vector.broadcast %broadcast_in_dim3A_59 : f32 to vector<16xf32>
    %swap3A_61 = arith.constant 128 : index
    %swap3A_62 = tpu.vector_load %arg13[%swap3A_61] {strides = array<i32>} : memref<640xf32, #tpu.memory_space<vmem>>, vector<16xf32>,
    %swap3A_63 = vector.shape_cast %swap3A_62 : vector<16xf32> to vector<16xf32>
    %swap3A_64 = vector.shape_cast %broadcast_in_dim3A_60 : vector<16xf32> to vector<16xf32>
    tpu.vector_store %arg13[%swap3A_61], %swap3A_64 {strides = array<i32>} : memref<640xf32, #tpu.memory_space<vmem>>, vector<16xf32>,
    %broadcast_in_dim3A_65 = arith.constant 0.000000e+00 : f32
    %broadcast_in_dim3A_66 = vector.broadcast %broadcast_in_dim3A_65 : f32 to vector<16xf32>
    %swap3A_67 = arith.constant 144 : index
    %swap3A_68 = tpu.vector_load %arg13[%swap3A_67] {strides = array<i32>} : memref<640xf32, #tpu.memory_space<vmem>>, vector<16xf32>,
    %swap3A_69 = vector.shape_cast %swap3A_68 : vector<16xf32> to vector<16xf32>
    %swap3A_70 = vector.shape_cast %broadcast_in_dim3A_66 : vector<16xf32> to vector<16xf32>
    tpu.vector_store %arg13[%swap3A_67], %swap3A_70 {strides = array<i32>} : memref<640xf32, #tpu.memory_space<vmem>>, vector<16xf32>,
    %broadcast_in_dim3A_71 = arith.constant 0.000000e+00 : f32
    %broadcast_in_dim3A_72 = vector.broadcast %broadcast_in_dim3A_71 : f32 to vector<16xf32>
    %swap3A_73 = arith.constant 160 : index
    %swap3A_74 = tpu.vector_load %arg13[%swap3A_73] {strides = array<i32>} : memref<640xf32, #tpu.memory_space<vmem>>, vector<16xf32>,
    %swap3A_75 = vector.shape_cast %swap3A_74 : vector<16xf32> to vector<16xf32>
    %swap3A_76 = vector.shape_cast %broadcast_in_dim3A_72 : vector<16xf32> to vector<16xf32>
    tpu.vector_store %arg13[%swap3A_73], %swap3A_76 {strides = array<i32>} : memref<640xf32, #tpu.memory_space<vmem>>, vector<16xf32>,
    %broadcast_in_dim3A_77 = arith.constant 0.000000e+00 : f32
    %broadcast_in_dim3A_78 = vector.broadcast %broadcast_in_dim3A_77 : f32 to vector<16xf32>
    %swap3A_79 = arith.constant 176 : index
    %swap3A_80 = tpu.vector_load %arg13[%swap3A_79] {strides = array<i32>} : memref<640xf32, #tpu.memory_space<vmem>>, vector<16xf32>,
    %swap3A_81 = vector.shape_cast %swap3A_80 : vector<16xf32> to vector<16xf32>
    %swap3A_82 = vector.shape_cast %broadcast_in_dim3A_78 : vector<16xf32> to vector<16xf32>
    tpu.vector_store %arg13[%swap3A_79], %swap3A_82 {strides = array<i32>} : memref<640xf32, #tpu.memory_space<vmem>>, vector<16xf32>,
    %broadcast_in_dim3A_83 = arith.constant 0.000000e+00 : f32
    %broadcast_in_dim3A_84 = vector.broadcast %broadcast_in_dim3A_83 : f32 to vector<16xf32>
    %swap3A_85 = arith.constant 192 : index
    %swap3A_86 = tpu.vector_load %arg13[%swap3A_85] {strides = array<i32>} : memref<640xf32, #tpu.memory_space<vmem>>, vector<16xf32>,
    %swap3A_87 = vector.shape_cast %swap3A_86 : vector<16xf32> to vector<16xf32>
    %swap3A_88 = vector.shape_cast %broadcast_in_dim3A_84 : vector<16xf32> to vector<16xf32>
    tpu.vector_store %arg13[%swap3A_85], %swap3A_88 {strides = array<i32>} : memref<640xf32, #tpu.memory_space<vmem>>, vector<16xf32>,
    %broadcast_in_dim3A_89 = arith.constant 0.000000e+00 : f32
    %broadcast_in_dim3A_90 = vector.broadcast %broadcast_in_dim3A_89 : f32 to vector<16xf32>
    %swap3A_91 = arith.constant 208 : index
    %swap3A_92 = tpu.vector_load %arg13[%swap3A_91] {strides = array<i32>} : memref<640xf32, #tpu.memory_space<vmem>>, vector<16xf32>,
    %swap3A_93 = vector.shape_cast %swap3A_92 : vector<16xf32> to vector<16xf32>
    %swap3A_94 = vector.shape_cast %broadcast_in_dim3A_90 : vector<16xf32> to vector<16xf32>
    tpu.vector_store %arg13[%swap3A_91], %swap3A_94 {strides = array<i32>} : memref<640xf32, #tpu.memory_space<vmem>>, vector<16xf32>,
    %broadcast_in_dim3A_95 = arith.constant 0.000000e+00 : f32
    %broadcast_in_dim3A_96 = vector.broadcast %broadcast_in_dim3A_95 : f32 to vector<16xf32>
    %swap3A_97 = arith.constant 224 : index
    %swap3A_98 = tpu.vector_load %arg13[%swap3A_97] {strides = array<i32>} : memref<640xf32, #tpu.memory_space<vmem>>, vector<16xf32>,
    %swap3A_99 = vector.shape_cast %swap3A_98 : vector<16xf32> to vector<16xf32>
    %swap3A_100 = vector.shape_cast %broadcast_in_dim3A_96 : vector<16xf32> to vector<16xf32>
    tpu.vector_store %arg13[%swap3A_97], %swap3A_100 {strides = array<i32>} : memref<640xf32, #tpu.memory_space<vmem>>, vector<16xf32>,
    %broadcast_in_dim3A_101 = arith.constant 0.000000e+00 : f32
    %broadcast_in_dim3A_102 = vector.broadcast %broadcast_in_dim3A_101 : f32 to vector<16xf32>
    %swap3A_103 = arith.constant 240 : index
    %swap3A_104 = tpu.vector_load %arg13[%swap3A_103] {strides = array<i32>} : memref<640xf32, #tpu.memory_space<vmem>>, vector<16xf32>,
    %swap3A_105 = vector.shape_cast %swap3A_104 : vector<16xf32> to vector<16xf32>
    %swap3A_106 = vector.shape_cast %broadcast_in_dim3A_102 : vector<16xf32> to vector<16xf32>
    tpu.vector_store %arg13[%swap3A_103], %swap3A_106 {strides = array<i32>} : memref<640xf32, #tpu.memory_space<vmem>>, vector<16xf32>,
    %broadcast_in_dim3A_107 = arith.constant 0.000000e+00 : f32
    %broadcast_in_dim3A_108 = vector.broadcast %broadcast_in_dim3A_107 : f32 to vector<16xf32>
    %swap3A_109 = arith.constant 256 : index
    %swap3A_110 = tpu.vector_load %arg13[%swap3A_109] {strides = array<i32>} : memref<640xf32, #tpu.memory_space<vmem>>, vector<16xf32>,
    %swap3A_111 = vector.shape_cast %swap3A_110 : vector<16xf32> to vector<16xf32>
    %swap3A_112 = vector.shape_cast %broadcast_in_dim3A_108 : vector<16xf32> to vector<16xf32>
    tpu.vector_store %arg13[%swap3A_109], %swap3A_112 {strides = array<i32>} : memref<640xf32, #tpu.memory_space<vmem>>, vector<16xf32>,
    %broadcast_in_dim3A_113 = arith.constant 0.000000e+00 : f32
    %broadcast_in_dim3A_114 = vector.broadcast %broadcast_in_dim3A_113 : f32 to vector<16xf32>
    %swap3A_115 = arith.constant 272 : index
    %swap3A_116 = tpu.vector_load %arg13[%swap3A_115] {strides = array<i32>} : memref<640xf32, #tpu.memory_space<vmem>>, vector<16xf32>,
    %swap3A_117 = vector.shape_cast %swap3A_116 : vector<16xf32> to vector<16xf32>
    %swap3A_118 = vector.shape_cast %broadcast_in_dim3A_114 : vector<16xf32> to vector<16xf32>
    tpu.vector_store %arg13[%swap3A_115], %swap3A_118 {strides = array<i32>} : memref<640xf32, #tpu.memory_space<vmem>>, vector<16xf32>,
    %broadcast_in_dim3A_119 = arith.constant 0.000000e+00 : f32
    %broadcast_in_dim3A_120 = vector.broadcast %broadcast_in_dim3A_119 : f32 to vector<16xf32>
    %swap3A_121 = arith.constant 288 : index
    %swap3A_122 = tpu.vector_load %arg13[%swap3A_121] {strides = array<i32>} : memref<640xf32, #tpu.memory_space<vmem>>, vector<16xf32>,
    %swap3A_123 = vector.shape_cast %swap3A_122 : vector<16xf32> to vector<16xf32>
    %swap3A_124 = vector.shape_cast %broadcast_in_dim3A_120 : vector<16xf32> to vector<16xf32>
    tpu.vector_store %arg13[%swap3A_121], %swap3A_124 {strides = array<i32>} : memref<640xf32, #tpu.memory_space<vmem>>, vector<16xf32>,
    %broadcast_in_dim3A_125 = arith.constant 0.000000e+00 : f32
    %broadcast_in_dim3A_126 = vector.broadcast %broadcast_in_dim3A_125 : f32 to vector<16xf32>
    %swap3A_127 = arith.constant 304 : index
    %swap3A_128 = tpu.vector_load %arg13[%swap3A_127] {strides = array<i32>} : memref<640xf32, #tpu.memory_space<vmem>>, vector<16xf32>,
    %swap3A_129 = vector.shape_cast %swap3A_128 : vector<16xf32> to vector<16xf32>
    %swap3A_130 = vector.shape_cast %broadcast_in_dim3A_126 : vector<16xf32> to vector<16xf32>
    tpu.vector_store %arg13[%swap3A_127], %swap3A_130 {strides = array<i32>} : memref<640xf32, #tpu.memory_space<vmem>>, vector<16xf32>,
    %broadcast_in_dim3A_131 = arith.constant 0.000000e+00 : f32
    %broadcast_in_dim3A_132 = vector.broadcast %broadcast_in_dim3A_131 : f32 to vector<16xf32>
    %swap3A_133 = arith.constant 320 : index
    %swap3A_134 = tpu.vector_load %arg13[%swap3A_133] {strides = array<i32>} : memref<640xf32, #tpu.memory_space<vmem>>, vector<16xf32>,
    %swap3A_135 = vector.shape_cast %swap3A_134 : vector<16xf32> to vector<16xf32>
    %swap3A_136 = vector.shape_cast %broadcast_in_dim3A_132 : vector<16xf32> to vector<16xf32>
    tpu.vector_store %arg13[%swap3A_133], %swap3A_136 {strides = array<i32>} : memref<640xf32, #tpu.memory_space<vmem>>, vector<16xf32>,
    %broadcast_in_dim3A_137 = arith.constant 0.000000e+00 : f32
    %broadcast_in_dim3A_138 = vector.broadcast %broadcast_in_dim3A_137 : f32 to vector<16xf32>
    %swap3A_139 = arith.constant 336 : index
    %swap3A_140 = tpu.vector_load %arg13[%swap3A_139] {strides = array<i32>} : memref<640xf32, #tpu.memory_space<vmem>>, vector<16xf32>,
    %swap3A_141 = vector.shape_cast %swap3A_140 : vector<16xf32> to vector<16xf32>
    %swap3A_142 = vector.shape_cast %broadcast_in_dim3A_138 : vector<16xf32> to vector<16xf32>
    tpu.vector_store %arg13[%swap3A_139], %swap3A_142 {strides = array<i32>} : memref<640xf32, #tpu.memory_space<vmem>>, vector<16xf32>,
    %broadcast_in_dim3A_143 = arith.constant 0.000000e+00 : f32
    %broadcast_in_dim3A_144 = vector.broadcast %broadcast_in_dim3A_143 : f32 to vector<16xf32>
    %swap3A_145 = arith.constant 352 : index
    %swap3A_146 = tpu.vector_load %arg13[%swap3A_145] {strides = array<i32>} : memref<640xf32, #tpu.memory_space<vmem>>, vector<16xf32>,
    %swap3A_147 = vector.shape_cast %swap3A_146 : vector<16xf32> to vector<16xf32>
    %swap3A_148 = vector.shape_cast %broadcast_in_dim3A_144 : vector<16xf32> to vector<16xf32>
    tpu.vector_store %arg13[%swap3A_145], %swap3A_148 {strides = array<i32>} : memref<640xf32, #tpu.memory_space<vmem>>, vector<16xf32>,
    %broadcast_in_dim3A_149 = arith.constant 0.000000e+00 : f32
    %broadcast_in_dim3A_150 = vector.broadcast %broadcast_in_dim3A_149 : f32 to vector<16xf32>
    %swap3A_151 = arith.constant 368 : index
    %swap3A_152 = tpu.vector_load %arg13[%swap3A_151] {strides = array<i32>} : memref<640xf32, #tpu.memory_space<vmem>>, vector<16xf32>,
    %swap3A_153 = vector.shape_cast %swap3A_152 : vector<16xf32> to vector<16xf32>
    %swap3A_154 = vector.shape_cast %broadcast_in_dim3A_150 : vector<16xf32> to vector<16xf32>
    tpu.vector_store %arg13[%swap3A_151], %swap3A_154 {strides = array<i32>} : memref<640xf32, #tpu.memory_space<vmem>>, vector<16xf32>,
    %broadcast_in_dim3A_155 = arith.constant 0.000000e+00 : f32
    %broadcast_in_dim3A_156 = vector.broadcast %broadcast_in_dim3A_155 : f32 to vector<16xf32>
    %swap3A_157 = arith.constant 384 : index
    %swap3A_158 = tpu.vector_load %arg13[%swap3A_157] {strides = array<i32>} : memref<640xf32, #tpu.memory_space<vmem>>, vector<16xf32>,
    %swap3A_159 = vector.shape_cast %swap3A_158 : vector<16xf32> to vector<16xf32>
    %swap3A_160 = vector.shape_cast %broadcast_in_dim3A_156 : vector<16xf32> to vector<16xf32>
    tpu.vector_store %arg13[%swap3A_157], %swap3A_160 {strides = array<i32>} : memref<640xf32, #tpu.memory_space<vmem>>, vector<16xf32>,
    %broadcast_in_dim3A_161 = arith.constant 0.000000e+00 : f32
    %broadcast_in_dim3A_162 = vector.broadcast %broadcast_in_dim3A_161 : f32 to vector<16xf32>
    %swap3A_163 = arith.constant 400 : index
    %swap3A_164 = tpu.vector_load %arg13[%swap3A_163] {strides = array<i32>} : memref<640xf32, #tpu.memory_space<vmem>>, vector<16xf32>,
    %swap3A_165 = vector.shape_cast %swap3A_164 : vector<16xf32> to vector<16xf32>
    %swap3A_166 = vector.shape_cast %broadcast_in_dim3A_162 : vector<16xf32> to vector<16xf32>
    tpu.vector_store %arg13[%swap3A_163], %swap3A_166 {strides = array<i32>} : memref<640xf32, #tpu.memory_space<vmem>>, vector<16xf32>,
    %broadcast_in_dim3A_167 = arith.constant 0.000000e+00 : f32
    %broadcast_in_dim3A_168 = vector.broadcast %broadcast_in_dim3A_167 : f32 to vector<16xf32>
    %swap3A_169 = arith.constant 416 : index
    %swap3A_170 = tpu.vector_load %arg13[%swap3A_169] {strides = array<i32>} : memref<640xf32, #tpu.memory_space<vmem>>, vector<16xf32>,
    %swap3A_171 = vector.shape_cast %swap3A_170 : vector<16xf32> to vector<16xf32>
    %swap3A_172 = vector.shape_cast %broadcast_in_dim3A_168 : vector<16xf32> to vector<16xf32>
    tpu.vector_store %arg13[%swap3A_169], %swap3A_172 {strides = array<i32>} : memref<640xf32, #tpu.memory_space<vmem>>, vector<16xf32>,
    %broadcast_in_dim3A_173 = arith.constant 0.000000e+00 : f32
    %broadcast_in_dim3A_174 = vector.broadcast %broadcast_in_dim3A_173 : f32 to vector<16xf32>
    %swap3A_175 = arith.constant 432 : index
    %swap3A_176 = tpu.vector_load %arg13[%swap3A_175] {strides = array<i32>} : memref<640xf32, #tpu.memory_space<vmem>>, vector<16xf32>,
    %swap3A_177 = vector.shape_cast %swap3A_176 : vector<16xf32> to vector<16xf32>
    %swap3A_178 = vector.shape_cast %broadcast_in_dim3A_174 : vector<16xf32> to vector<16xf32>
    tpu.vector_store %arg13[%swap3A_175], %swap3A_178 {strides = array<i32>} : memref<640xf32, #tpu.memory_space<vmem>>, vector<16xf32>,
    %broadcast_in_dim3A_179 = arith.constant 0.000000e+00 : f32
    %broadcast_in_dim3A_180 = vector.broadcast %broadcast_in_dim3A_179 : f32 to vector<16xf32>
    %swap3A_181 = arith.constant 448 : index
    %swap3A_182 = tpu.vector_load %arg13[%swap3A_181] {strides = array<i32>} : memref<640xf32, #tpu.memory_space<vmem>>, vector<16xf32>,
    %swap3A_183 = vector.shape_cast %swap3A_182 : vector<16xf32> to vector<16xf32>
    %swap3A_184 = vector.shape_cast %broadcast_in_dim3A_180 : vector<16xf32> to vector<16xf32>
    tpu.vector_store %arg13[%swap3A_181], %swap3A_184 {strides = array<i32>} : memref<640xf32, #tpu.memory_space<vmem>>, vector<16xf32>,
    %broadcast_in_dim3A_185 = arith.constant 0.000000e+00 : f32
    %broadcast_in_dim3A_186 = vector.broadcast %broadcast_in_dim3A_185 : f32 to vector<16xf32>
    %swap3A_187 = arith.constant 464 : index
    %swap3A_188 = tpu.vector_load %arg13[%swap3A_187] {strides = array<i32>} : memref<640xf32, #tpu.memory_space<vmem>>, vector<16xf32>,
    %swap3A_189 = vector.shape_cast %swap3A_188 : vector<16xf32> to vector<16xf32>
    %swap3A_190 = vector.shape_cast %broadcast_in_dim3A_186 : vector<16xf32> to vector<16xf32>
    tpu.vector_store %arg13[%swap3A_187], %swap3A_190 {strides = array<i32>} : memref<640xf32, #tpu.memory_space<vmem>>, vector<16xf32>,
    %broadcast_in_dim3A_191 = arith.constant 0.000000e+00 : f32
    %broadcast_in_dim3A_192 = vector.broadcast %broadcast_in_dim3A_191 : f32 to vector<16xf32>
    %swap3A_193 = arith.constant 480 : index
    %swap3A_194 = tpu.vector_load %arg13[%swap3A_193] {strides = array<i32>} : memref<640xf32, #tpu.memory_space<vmem>>, vector<16xf32>,
    %swap3A_195 = vector.shape_cast %swap3A_194 : vector<16xf32> to vector<16xf32>
    %swap3A_196 = vector.shape_cast %broadcast_in_dim3A_192 : vector<16xf32> to vector<16xf32>
    tpu.vector_store %arg13[%swap3A_193], %swap3A_196 {strides = array<i32>} : memref<640xf32, #tpu.memory_space<vmem>>, vector<16xf32>,
    %broadcast_in_dim3A_197 = arith.constant 0.000000e+00 : f32
    %broadcast_in_dim3A_198 = vector.broadcast %broadcast_in_dim3A_197 : f32 to vector<16xf32>
    %swap3A_199 = arith.constant 496 : index
    %swap3A_200 = tpu.vector_load %arg13[%swap3A_199] {strides = array<i32>} : memref<640xf32, #tpu.memory_space<vmem>>, vector<16xf32>,
    %swap3A_201 = vector.shape_cast %swap3A_200 : vector<16xf32> to vector<16xf32>
    %swap3A_202 = vector.shape_cast %broadcast_in_dim3A_198 : vector<16xf32> to vector<16xf32>
    tpu.vector_store %arg13[%swap3A_199], %swap3A_202 {strides = array<i32>} : memref<640xf32, #tpu.memory_space<vmem>>, vector<16xf32>,
    %broadcast_in_dim3A_203 = arith.constant 0.000000e+00 : f32
    %broadcast_in_dim3A_204 = vector.broadcast %broadcast_in_dim3A_203 : f32 to vector<16xf32>
    %swap3A_205 = arith.constant 512 : index
    %swap3A_206 = tpu.vector_load %arg13[%swap3A_205] {strides = array<i32>} : memref<640xf32, #tpu.memory_space<vmem>>, vector<16xf32>,
    %swap3A_207 = vector.shape_cast %swap3A_206 : vector<16xf32> to vector<16xf32>
    %swap3A_208 = vector.shape_cast %broadcast_in_dim3A_204 : vector<16xf32> to vector<16xf32>
    tpu.vector_store %arg13[%swap3A_205], %swap3A_208 {strides = array<i32>} : memref<640xf32, #tpu.memory_space<vmem>>, vector<16xf32>,
    %broadcast_in_dim3A_209 = arith.constant 0.000000e+00 : f32
    %broadcast_in_dim3A_210 = vector.broadcast %broadcast_in_dim3A_209 : f32 to vector<16xf32>
    %swap3A_211 = arith.constant 528 : index
    %swap3A_212 = tpu.vector_load %arg13[%swap3A_211] {strides = array<i32>} : memref<640xf32, #tpu.memory_space<vmem>>, vector<16xf32>,
    %swap3A_213 = vector.shape_cast %swap3A_212 : vector<16xf32> to vector<16xf32>
    %swap3A_214 = vector.shape_cast %broadcast_in_dim3A_210 : vector<16xf32> to vector<16xf32>
    tpu.vector_store %arg13[%swap3A_211], %swap3A_214 {strides = array<i32>} : memref<640xf32, #tpu.memory_space<vmem>>, vector<16xf32>,
    %broadcast_in_dim3A_215 = arith.constant 0.000000e+00 : f32
    %broadcast_in_dim3A_216 = vector.broadcast %broadcast_in_dim3A_215 : f32 to vector<16xf32>
    %swap3A_217 = arith.constant 544 : index
    %swap3A_218 = tpu.vector_load %arg13[%swap3A_217] {strides = array<i32>} : memref<640xf32, #tpu.memory_space<vmem>>, vector<16xf32>,
    %swap3A_219 = vector.shape_cast %swap3A_218 : vector<16xf32> to vector<16xf32>
    %swap3A_220 = vector.shape_cast %broadcast_in_dim3A_216 : vector<16xf32> to vector<16xf32>
    tpu.vector_store %arg13[%swap3A_217], %swap3A_220 {strides = array<i32>} : memref<640xf32, #tpu.memory_space<vmem>>, vector<16xf32>,
    %broadcast_in_dim3A_221 = arith.constant 0.000000e+00 : f32
    %broadcast_in_dim3A_222 = vector.broadcast %broadcast_in_dim3A_221 : f32 to vector<16xf32>
    %swap3A_223 = arith.constant 560 : index
    %swap3A_224 = tpu.vector_load %arg13[%swap3A_223] {strides = array<i32>} : memref<640xf32, #tpu.memory_space<vmem>>, vector<16xf32>,
    %swap3A_225 = vector.shape_cast %swap3A_224 : vector<16xf32> to vector<16xf32>
    %swap3A_226 = vector.shape_cast %broadcast_in_dim3A_222 : vector<16xf32> to vector<16xf32>
    tpu.vector_store %arg13[%swap3A_223], %swap3A_226 {strides = array<i32>} : memref<640xf32, #tpu.memory_space<vmem>>, vector<16xf32>,
    %broadcast_in_dim3A_227 = arith.constant 0.000000e+00 : f32
    %broadcast_in_dim3A_228 = vector.broadcast %broadcast_in_dim3A_227 : f32 to vector<16xf32>
    %swap3A_229 = arith.constant 576 : index
    %swap3A_230 = tpu.vector_load %arg13[%swap3A_229] {strides = array<i32>} : memref<640xf32, #tpu.memory_space<vmem>>, vector<16xf32>,
    %swap3A_231 = vector.shape_cast %swap3A_230 : vector<16xf32> to vector<16xf32>
    %swap3A_232 = vector.shape_cast %broadcast_in_dim3A_228 : vector<16xf32> to vector<16xf32>
    tpu.vector_store %arg13[%swap3A_229], %swap3A_232 {strides = array<i32>} : memref<640xf32, #tpu.memory_space<vmem>>, vector<16xf32>,
    %broadcast_in_dim3A_233 = arith.constant 0.000000e+00 : f32
    %broadcast_in_dim3A_234 = vector.broadcast %broadcast_in_dim3A_233 : f32 to vector<16xf32>
    %swap3A_235 = arith.constant 592 : index
    %swap3A_236 = tpu.vector_load %arg13[%swap3A_235] {strides = array<i32>} : memref<640xf32, #tpu.memory_space<vmem>>, vector<16xf32>,
    %swap3A_237 = vector.shape_cast %swap3A_236 : vector<16xf32> to vector<16xf32>
    %swap3A_238 = vector.shape_cast %broadcast_in_dim3A_234 : vector<16xf32> to vector<16xf32>
    tpu.vector_store %arg13[%swap3A_235], %swap3A_238 {strides = array<i32>} : memref<640xf32, #tpu.memory_space<vmem>>, vector<16xf32>,
    %broadcast_in_dim3A_239 = arith.constant 0.000000e+00 : f32
    %broadcast_in_dim3A_240 = vector.broadcast %broadcast_in_dim3A_239 : f32 to vector<16xf32>
    %swap3A_241 = arith.constant 608 : index
    %swap3A_242 = tpu.vector_load %arg13[%swap3A_241] {strides = array<i32>} : memref<640xf32, #tpu.memory_space<vmem>>, vector<16xf32>,
    %swap3A_243 = vector.shape_cast %swap3A_242 : vector<16xf32> to vector<16xf32>
    %swap3A_244 = vector.shape_cast %broadcast_in_dim3A_240 : vector<16xf32> to vector<16xf32>
    tpu.vector_store %arg13[%swap3A_241], %swap3A_244 {strides = array<i32>} : memref<640xf32, #tpu.memory_space<vmem>>, vector<16xf32>,
    %broadcast_in_dim3A_245 = arith.constant 0.000000e+00 : f32
    %broadcast_in_dim3A_246 = vector.broadcast %broadcast_in_dim3A_245 : f32 to vector<16xf32>
    %swap3A_247 = arith.constant 624 : index
    %swap3A_248 = tpu.vector_load %arg13[%swap3A_247] {strides = array<i32>} : memref<640xf32, #tpu.memory_space<vmem>>, vector<16xf32>,
    %swap3A_249 = vector.shape_cast %swap3A_248 : vector<16xf32> to vector<16xf32>
    %swap3A_250 = vector.shape_cast %broadcast_in_dim3A_246 : vector<16xf32> to vector<16xf32>
    tpu.vector_store %arg13[%swap3A_247], %swap3A_250 {strides = array<i32>} : memref<640xf32, #tpu.memory_space<vmem>>, vector<16xf32>,
    %mul3A_251 = arith.constant 640 : i32
    %mul3A_252 = arith.muli %arg1, %mul3A_251 : i32
    "tpu.region"() ({
      %run_scoped3A = tpu.sem_alloc : memref<!tpu.dma_semaphore, #tpu.memory_space<semaphore_mem>>
      %dma_start3A_359 = tpu.memref_slice %arg14[%mul3A_252] : memref<10240xf32, #tpu.memory_space<vmem_shared>> -> memref<640xf32, #tpu.memory_space<vmem_shared>>
      %dma_start3A_360 = tpu.memref_slice %arg14[%mul3A_252] : memref<10240xf32, #tpu.memory_space<vmem_shared>> -> memref<640xf32, #tpu.memory_space<vmem_shared>>
      tpu.enqueue_dma source(%arg13 : memref<640xf32, #tpu.memory_space<vmem>>) target(%dma_start3A_360 : memref<640xf32, #tpu.memory_space<vmem_shared>>) target_semaphore(%run_scoped3A : memref<!tpu.dma_semaphore, #tpu.memory_space<semaphore_mem>>)
      %dma_wait3A_361 = tpu.memref_slice %arg14[%mul3A_252] : memref<10240xf32, #tpu.memory_space<vmem_shared>> -> memref<640xf32, #tpu.memory_space<vmem_shared>>
      %dma_wait3A_362 = tpu.memref_slice %arg14[%mul3A_252] : memref<10240xf32, #tpu.memory_space<vmem_shared>> -> memref<640xf32, #tpu.memory_space<vmem_shared>>
      tpu.wait_dma2 semaphore(%run_scoped3A : memref<!tpu.dma_semaphore, #tpu.memory_space<semaphore_mem>>) src(%arg13 : memref<640xf32, #tpu.memory_space<vmem>>) dst(%dma_wait3A_362 : memref<640xf32, #tpu.memory_space<vmem_shared>>)
      tpu.yield
    }) : () -> ()
    %barrier3A = arith.constant 0 : index
    tpu.barrier barrier_id(%barrier3A)
    %mul3A_253 = arith.constant 10240 : i32
    %mul3A_254 = arith.muli %add3A, %mul3A_253 : i32
    %add3A_255 = arith.constant 0 : i32
    %add3A_256 = arith.addi %mul3A_254, %add3A_255 : i32
    %dma_start3A = tpu.memref_slice %arg2[%add3A_256] : memref<327680xi32, #tpu.memory_space<hbm>> -> memref<32xi32, #tpu.memory_space<hbm>>
    %dma_start3A_257 = tpu.memref_slice %arg2[%add3A_256] : memref<327680xi32, #tpu.memory_space<hbm>> -> memref<32xi32, #tpu.memory_space<hbm>>
    tpu.enqueue_dma source(%dma_start3A_257 : memref<32xi32, #tpu.memory_space<hbm>>) target(%arg4 : memref<32xi32, #tpu.memory_space<vmem>>) target_semaphore(%arg15 : memref<!tpu.dma_semaphore, #tpu.memory_space<semaphore_mem>>)
    %add3A_258 = arith.constant 32 : i32
    %add3A_259 = arith.addi %mul3A_254, %add3A_258 : i32
    %dma_start3A_260 = tpu.memref_slice %arg2[%add3A_259] : memref<327680xi32, #tpu.memory_space<hbm>> -> memref<32xi32, #tpu.memory_space<hbm>>
    %dma_start3A_261 = tpu.memref_slice %arg2[%add3A_259] : memref<327680xi32, #tpu.memory_space<hbm>> -> memref<32xi32, #tpu.memory_space<hbm>>
    tpu.enqueue_dma source(%dma_start3A_261 : memref<32xi32, #tpu.memory_space<hbm>>) target(%arg5 : memref<32xi32, #tpu.memory_space<vmem>>) target_semaphore(%arg16 : memref<!tpu.dma_semaphore, #tpu.memory_space<semaphore_mem>>)
    %add3A_262 = arith.constant 64 : i32
    %add3A_263 = arith.addi %mul3A_254, %add3A_262 : i32
    %dma_start3A_264 = tpu.memref_slice %arg2[%add3A_263] : memref<327680xi32, #tpu.memory_space<hbm>> -> memref<32xi32, #tpu.memory_space<hbm>>
    %dma_start3A_265 = tpu.memref_slice %arg2[%add3A_263] : memref<327680xi32, #tpu.memory_space<hbm>> -> memref<32xi32, #tpu.memory_space<hbm>>
    tpu.enqueue_dma source(%dma_start3A_265 : memref<32xi32, #tpu.memory_space<hbm>>) target(%arg6 : memref<32xi32, #tpu.memory_space<vmem>>) target_semaphore(%arg17 : memref<!tpu.dma_semaphore, #tpu.memory_space<semaphore_mem>>)
    %add3A_266 = arith.constant 96 : i32
    %add3A_267 = arith.addi %mul3A_254, %add3A_266 : i32
    %dma_start3A_268 = tpu.memref_slice %arg2[%add3A_267] : memref<327680xi32, #tpu.memory_space<hbm>> -> memref<32xi32, #tpu.memory_space<hbm>>
    %dma_start3A_269 = tpu.memref_slice %arg2[%add3A_267] : memref<327680xi32, #tpu.memory_space<hbm>> -> memref<32xi32, #tpu.memory_space<hbm>>
    tpu.enqueue_dma source(%dma_start3A_269 : memref<32xi32, #tpu.memory_space<hbm>>) target(%arg7 : memref<32xi32, #tpu.memory_space<vmem>>) target_semaphore(%arg18 : memref<!tpu.dma_semaphore, #tpu.memory_space<semaphore_mem>>)
    %add3A_270 = arith.constant 128 : i32
    %add3A_271 = arith.addi %mul3A_254, %add3A_270 : i32
    %dma_start3A_272 = tpu.memref_slice %arg2[%add3A_271] : memref<327680xi32, #tpu.memory_space<hbm>> -> memref<32xi32, #tpu.memory_space<hbm>>
    %dma_start3A_273 = tpu.memref_slice %arg2[%add3A_271] : memref<327680xi32, #tpu.memory_space<hbm>> -> memref<32xi32, #tpu.memory_space<hbm>>
    tpu.enqueue_dma source(%dma_start3A_273 : memref<32xi32, #tpu.memory_space<hbm>>) target(%arg8 : memref<32xi32, #tpu.memory_space<vmem>>) target_semaphore(%arg19 : memref<!tpu.dma_semaphore, #tpu.memory_space<semaphore_mem>>)
    %add3A_274 = arith.constant 160 : i32
    %add3A_275 = arith.addi %mul3A_254, %add3A_274 : i32
    %dma_start3A_276 = tpu.memref_slice %arg2[%add3A_275] : memref<327680xi32, #tpu.memory_space<hbm>> -> memref<32xi32, #tpu.memory_space<hbm>>
    %dma_start3A_277 = tpu.memref_slice %arg2[%add3A_275] : memref<327680xi32, #tpu.memory_space<hbm>> -> memref<32xi32, #tpu.memory_space<hbm>>
    tpu.enqueue_dma source(%dma_start3A_277 : memref<32xi32, #tpu.memory_space<hbm>>) target(%arg9 : memref<32xi32, #tpu.memory_space<vmem>>) target_semaphore(%arg20 : memref<!tpu.dma_semaphore, #tpu.memory_space<semaphore_mem>>)
    %add3A_278 = arith.constant 192 : i32
    %add3A_279 = arith.addi %mul3A_254, %add3A_278 : i32
    %dma_start3A_280 = tpu.memref_slice %arg2[%add3A_279] : memref<327680xi32, #tpu.memory_space<hbm>> -> memref<32xi32, #tpu.memory_space<hbm>>
    %dma_start3A_281 = tpu.memref_slice %arg2[%add3A_279] : memref<327680xi32, #tpu.memory_space<hbm>> -> memref<32xi32, #tpu.memory_space<hbm>>
    tpu.enqueue_dma source(%dma_start3A_281 : memref<32xi32, #tpu.memory_space<hbm>>) target(%arg10 : memref<32xi32, #tpu.memory_space<vmem>>) target_semaphore(%arg21 : memref<!tpu.dma_semaphore, #tpu.memory_space<semaphore_mem>>)
    %add3A_282 = arith.constant 224 : i32
    %add3A_283 = arith.addi %mul3A_254, %add3A_282 : i32
    %dma_start3A_284 = tpu.memref_slice %arg2[%add3A_283] : memref<327680xi32, #tpu.memory_space<hbm>> -> memref<32xi32, #tpu.memory_space<hbm>>
    %dma_start3A_285 = tpu.memref_slice %arg2[%add3A_283] : memref<327680xi32, #tpu.memory_space<hbm>> -> memref<32xi32, #tpu.memory_space<hbm>>
    tpu.enqueue_dma source(%dma_start3A_285 : memref<32xi32, #tpu.memory_space<hbm>>) target(%arg11 : memref<32xi32, #tpu.memory_space<vmem>>) target_semaphore(%arg22 : memref<!tpu.dma_semaphore, #tpu.memory_space<semaphore_mem>>)
    %dma_wait3A = arith.constant 0 : i32
    %dma_wait3A_286 = tpu.memref_slice %arg2[%dma_wait3A] : memref<327680xi32, #tpu.memory_space<hbm>> -> memref<32xi32, #tpu.memory_space<hbm>>
    %dma_wait3A_287 = arith.constant 0 : i32
    %dma_wait3A_288 = tpu.memref_slice %arg2[%dma_wait3A_287] : memref<327680xi32, #tpu.memory_space<hbm>> -> memref<32xi32, #tpu.memory_space<hbm>>
    tpu.wait_dma2 semaphore(%arg15 : memref<!tpu.dma_semaphore, #tpu.memory_space<semaphore_mem>>) src(%dma_wait3A_288 : memref<32xi32, #tpu.memory_space<hbm>>) dst(%arg4 : memref<32xi32, #tpu.memory_space<vmem>>)
    %dma_start3A_289 = arith.constant 0 : i32
    %dma_start3A_290 = tpu.memref_slice %arg14[%dma_start3A_289] : memref<10240xf32, #tpu.memory_space<vmem_shared>> -> memref<10240xf32, #tpu.memory_space<vmem_shared>>
    tpu.enqueue_indirect_dma source(%arg12 : memref<32xf32, #tpu.memory_space<vmem>>) target(%dma_start3A_290 : memref<10240xf32, #tpu.memory_space<vmem_shared>>) offsets(%arg4 : memref<32xi32, #tpu.memory_space<vmem>>) semaphore(%arg23 : memref<!tpu.dma_semaphore, #tpu.memory_space<semaphore_mem>>) {add = true}
    %dma_wait3A_291 = arith.constant 0 : i32
    %dma_wait3A_292 = tpu.memref_slice %arg2[%dma_wait3A_291] : memref<327680xi32, #tpu.memory_space<hbm>> -> memref<32xi32, #tpu.memory_space<hbm>>
    %dma_wait3A_293 = arith.constant 0 : i32
    %dma_wait3A_294 = tpu.memref_slice %arg2[%dma_wait3A_293] : memref<327680xi32, #tpu.memory_space<hbm>> -> memref<32xi32, #tpu.memory_space<hbm>>
    tpu.wait_dma2 semaphore(%arg16 : memref<!tpu.dma_semaphore, #tpu.memory_space<semaphore_mem>>) src(%dma_wait3A_294 : memref<32xi32, #tpu.memory_space<hbm>>) dst(%arg5 : memref<32xi32, #tpu.memory_space<vmem>>)
    %dma_start3A_295 = arith.constant 0 : i32
    %dma_start3A_296 = tpu.memref_slice %arg14[%dma_start3A_295] : memref<10240xf32, #tpu.memory_space<vmem_shared>> -> memref<10240xf32, #tpu.memory_space<vmem_shared>>
    tpu.enqueue_indirect_dma source(%arg12 : memref<32xf32, #tpu.memory_space<vmem>>) target(%dma_start3A_296 : memref<10240xf32, #tpu.memory_space<vmem_shared>>) offsets(%arg5 : memref<32xi32, #tpu.memory_space<vmem>>) semaphore(%arg24 : memref<!tpu.dma_semaphore, #tpu.memory_space<semaphore_mem>>) {add = true}
    %dma_wait3A_297 = arith.constant 0 : i32
    %dma_wait3A_298 = tpu.memref_slice %arg2[%dma_wait3A_297] : memref<327680xi32, #tpu.memory_space<hbm>> -> memref<32xi32, #tpu.memory_space<hbm>>
    %dma_wait3A_299 = arith.constant 0 : i32
    %dma_wait3A_300 = tpu.memref_slice %arg2[%dma_wait3A_299] : memref<327680xi32, #tpu.memory_space<hbm>> -> memref<32xi32, #tpu.memory_space<hbm>>
    tpu.wait_dma2 semaphore(%arg17 : memref<!tpu.dma_semaphore, #tpu.memory_space<semaphore_mem>>) src(%dma_wait3A_300 : memref<32xi32, #tpu.memory_space<hbm>>) dst(%arg6 : memref<32xi32, #tpu.memory_space<vmem>>)
    %dma_start3A_301 = arith.constant 0 : i32
    %dma_start3A_302 = tpu.memref_slice %arg14[%dma_start3A_301] : memref<10240xf32, #tpu.memory_space<vmem_shared>> -> memref<10240xf32, #tpu.memory_space<vmem_shared>>
    tpu.enqueue_indirect_dma source(%arg12 : memref<32xf32, #tpu.memory_space<vmem>>) target(%dma_start3A_302 : memref<10240xf32, #tpu.memory_space<vmem_shared>>) offsets(%arg6 : memref<32xi32, #tpu.memory_space<vmem>>) semaphore(%arg25 : memref<!tpu.dma_semaphore, #tpu.memory_space<semaphore_mem>>) {add = true}
    %dma_wait3A_303 = arith.constant 0 : i32
    %dma_wait3A_304 = tpu.memref_slice %arg2[%dma_wait3A_303] : memref<327680xi32, #tpu.memory_space<hbm>> -> memref<32xi32, #tpu.memory_space<hbm>>
    %dma_wait3A_305 = arith.constant 0 : i32
    %dma_wait3A_306 = tpu.memref_slice %arg2[%dma_wait3A_305] : memref<327680xi32, #tpu.memory_space<hbm>> -> memref<32xi32, #tpu.memory_space<hbm>>
    tpu.wait_dma2 semaphore(%arg18 : memref<!tpu.dma_semaphore, #tpu.memory_space<semaphore_mem>>) src(%dma_wait3A_306 : memref<32xi32, #tpu.memory_space<hbm>>) dst(%arg7 : memref<32xi32, #tpu.memory_space<vmem>>)
    %dma_start3A_307 = arith.constant 0 : i32
    %dma_start3A_308 = tpu.memref_slice %arg14[%dma_start3A_307] : memref<10240xf32, #tpu.memory_space<vmem_shared>> -> memref<10240xf32, #tpu.memory_space<vmem_shared>>
    tpu.enqueue_indirect_dma source(%arg12 : memref<32xf32, #tpu.memory_space<vmem>>) target(%dma_start3A_308 : memref<10240xf32, #tpu.memory_space<vmem_shared>>) offsets(%arg7 : memref<32xi32, #tpu.memory_space<vmem>>) semaphore(%arg26 : memref<!tpu.dma_semaphore, #tpu.memory_space<semaphore_mem>>) {add = true}
    %dma_wait3A_309 = arith.constant 0 : i32
    %dma_wait3A_310 = tpu.memref_slice %arg2[%dma_wait3A_309] : memref<327680xi32, #tpu.memory_space<hbm>> -> memref<32xi32, #tpu.memory_space<hbm>>
    %dma_wait3A_311 = arith.constant 0 : i32
    %dma_wait3A_312 = tpu.memref_slice %arg2[%dma_wait3A_311] : memref<327680xi32, #tpu.memory_space<hbm>> -> memref<32xi32, #tpu.memory_space<hbm>>
    tpu.wait_dma2 semaphore(%arg19 : memref<!tpu.dma_semaphore, #tpu.memory_space<semaphore_mem>>) src(%dma_wait3A_312 : memref<32xi32, #tpu.memory_space<hbm>>) dst(%arg8 : memref<32xi32, #tpu.memory_space<vmem>>)
    %dma_start3A_313 = arith.constant 0 : i32
    %dma_start3A_314 = tpu.memref_slice %arg14[%dma_start3A_313] : memref<10240xf32, #tpu.memory_space<vmem_shared>> -> memref<10240xf32, #tpu.memory_space<vmem_shared>>
    tpu.enqueue_indirect_dma source(%arg12 : memref<32xf32, #tpu.memory_space<vmem>>) target(%dma_start3A_314 : memref<10240xf32, #tpu.memory_space<vmem_shared>>) offsets(%arg8 : memref<32xi32, #tpu.memory_space<vmem>>) semaphore(%arg27 : memref<!tpu.dma_semaphore, #tpu.memory_space<semaphore_mem>>) {add = true}
    %dma_wait3A_315 = arith.constant 0 : i32
    %dma_wait3A_316 = tpu.memref_slice %arg2[%dma_wait3A_315] : memref<327680xi32, #tpu.memory_space<hbm>> -> memref<32xi32, #tpu.memory_space<hbm>>
    %dma_wait3A_317 = arith.constant 0 : i32
    %dma_wait3A_318 = tpu.memref_slice %arg2[%dma_wait3A_317] : memref<327680xi32, #tpu.memory_space<hbm>> -> memref<32xi32, #tpu.memory_space<hbm>>
    tpu.wait_dma2 semaphore(%arg20 : memref<!tpu.dma_semaphore, #tpu.memory_space<semaphore_mem>>) src(%dma_wait3A_318 : memref<32xi32, #tpu.memory_space<hbm>>) dst(%arg9 : memref<32xi32, #tpu.memory_space<vmem>>)
    %dma_start3A_319 = arith.constant 0 : i32
    %dma_start3A_320 = tpu.memref_slice %arg14[%dma_start3A_319] : memref<10240xf32, #tpu.memory_space<vmem_shared>> -> memref<10240xf32, #tpu.memory_space<vmem_shared>>
    tpu.enqueue_indirect_dma source(%arg12 : memref<32xf32, #tpu.memory_space<vmem>>) target(%dma_start3A_320 : memref<10240xf32, #tpu.memory_space<vmem_shared>>) offsets(%arg9 : memref<32xi32, #tpu.memory_space<vmem>>) semaphore(%arg28 : memref<!tpu.dma_semaphore, #tpu.memory_space<semaphore_mem>>) {add = true}
    %dma_wait3A_321 = arith.constant 0 : i32
    %dma_wait3A_322 = tpu.memref_slice %arg2[%dma_wait3A_321] : memref<327680xi32, #tpu.memory_space<hbm>> -> memref<32xi32, #tpu.memory_space<hbm>>
    %dma_wait3A_323 = arith.constant 0 : i32
    %dma_wait3A_324 = tpu.memref_slice %arg2[%dma_wait3A_323] : memref<327680xi32, #tpu.memory_space<hbm>> -> memref<32xi32, #tpu.memory_space<hbm>>
    tpu.wait_dma2 semaphore(%arg21 : memref<!tpu.dma_semaphore, #tpu.memory_space<semaphore_mem>>) src(%dma_wait3A_324 : memref<32xi32, #tpu.memory_space<hbm>>) dst(%arg10 : memref<32xi32, #tpu.memory_space<vmem>>)
    %dma_start3A_325 = arith.constant 0 : i32
    %dma_start3A_326 = tpu.memref_slice %arg14[%dma_start3A_325] : memref<10240xf32, #tpu.memory_space<vmem_shared>> -> memref<10240xf32, #tpu.memory_space<vmem_shared>>
    tpu.enqueue_indirect_dma source(%arg12 : memref<32xf32, #tpu.memory_space<vmem>>) target(%dma_start3A_326 : memref<10240xf32, #tpu.memory_space<vmem_shared>>) offsets(%arg10 : memref<32xi32, #tpu.memory_space<vmem>>) semaphore(%arg29 : memref<!tpu.dma_semaphore, #tpu.memory_space<semaphore_mem>>) {add = true}
    %dma_wait3A_327 = arith.constant 0 : i32
    %dma_wait3A_328 = tpu.memref_slice %arg2[%dma_wait3A_327] : memref<327680xi32, #tpu.memory_space<hbm>> -> memref<32xi32, #tpu.memory_space<hbm>>
    %dma_wait3A_329 = arith.constant 0 : i32
    %dma_wait3A_330 = tpu.memref_slice %arg2[%dma_wait3A_329] : memref<327680xi32, #tpu.memory_space<hbm>> -> memref<32xi32, #tpu.memory_space<hbm>>
    tpu.wait_dma2 semaphore(%arg22 : memref<!tpu.dma_semaphore, #tpu.memory_space<semaphore_mem>>) src(%dma_wait3A_330 : memref<32xi32, #tpu.memory_space<hbm>>) dst(%arg11 : memref<32xi32, #tpu.memory_space<vmem>>)
    %dma_start3A_331 = arith.constant 0 : i32
    %dma_start3A_332 = tpu.memref_slice %arg14[%dma_start3A_331] : memref<10240xf32, #tpu.memory_space<vmem_shared>> -> memref<10240xf32, #tpu.memory_space<vmem_shared>>
    tpu.enqueue_indirect_dma source(%arg12 : memref<32xf32, #tpu.memory_space<vmem>>) target(%dma_start3A_332 : memref<10240xf32, #tpu.memory_space<vmem_shared>>) offsets(%arg11 : memref<32xi32, #tpu.memory_space<vmem>>) semaphore(%arg30 : memref<!tpu.dma_semaphore, #tpu.memory_space<semaphore_mem>>) {add = true}
    %scan3A = arith.constant 0 : i32
    %scan3A_333 = arith.constant 0 : i32
    %scan3A_334 = arith.constant 39 : i32
    %scan3A_335 = arith.addi %scan3A_333, %scan3A_334 : i32
    %scan3A_336 = arith.constant 1 : i32
    scf.for %scan3A_359 = %scan3A_333 to %scan3A_335 step %scan3A_336  : i32 {
      %dma_wait3A_360 = arith.constant 0 : i32
      %dma_wait3A_361 = tpu.memref_slice %arg14[%dma_wait3A_360] : memref<10240xf32, #tpu.memory_space<vmem_shared>> -> memref<10240xf32, #tpu.memory_space<vmem_shared>>
      tpu.wait_indirect_dma semaphore(%arg23 : memref<!tpu.dma_semaphore, #tpu.memory_space<semaphore_mem>>) src(%arg12 : memref<32xf32, #tpu.memory_space<vmem>>) dst(%dma_wait3A_361 : memref<10240xf32, #tpu.memory_space<vmem_shared>>)
      %add3A_362 = arith.constant 1 : i32
      %add3A_363 = arith.addi %scan3A_359, %add3A_362 : i32
      %mul3A_364 = arith.constant 8 : i32
      %mul3A_365 = arith.muli %mul3A_364, %add3A_363 : i32
      %add3A_366 = arith.constant 0 : i32
      %add3A_367 = arith.addi %mul3A_365, %add3A_366 : i32
      %mul3A_368 = arith.constant 32 : i32
      %mul3A_369 = arith.muli %add3A_367, %mul3A_368 : i32
      %add3A_370 = arith.addi %mul3A_254, %mul3A_369 : i32
      %dma_start3A_371 = tpu.memref_slice %arg2[%add3A_370] : memref<327680xi32, #tpu.memory_space<hbm>> -> memref<32xi32, #tpu.memory_space<hbm>>
      %dma_start3A_372 = tpu.memref_slice %arg2[%add3A_370] : memref<327680xi32, #tpu.memory_space<hbm>> -> memref<32xi32, #tpu.memory_space<hbm>>
      tpu.enqueue_dma source(%dma_start3A_372 : memref<32xi32, #tpu.memory_space<hbm>>) target(%arg4 : memref<32xi32, #tpu.memory_space<vmem>>) target_semaphore(%arg15 : memref<!tpu.dma_semaphore, #tpu.memory_space<semaphore_mem>>)
      %dma_wait3A_373 = arith.constant 0 : i32
      %dma_wait3A_374 = tpu.memref_slice %arg14[%dma_wait3A_373] : memref<10240xf32, #tpu.memory_space<vmem_shared>> -> memref<10240xf32, #tpu.memory_space<vmem_shared>>
      tpu.wait_indirect_dma semaphore(%arg24 : memref<!tpu.dma_semaphore, #tpu.memory_space<semaphore_mem>>) src(%arg12 : memref<32xf32, #tpu.memory_space<vmem>>) dst(%dma_wait3A_374 : memref<10240xf32, #tpu.memory_space<vmem_shared>>)
      %add3A_375 = arith.constant 1 : i32
      %add3A_376 = arith.addi %scan3A_359, %add3A_375 : i32
      %mul3A_377 = arith.constant 8 : i32
      %mul3A_378 = arith.muli %mul3A_377, %add3A_376 : i32
      %add3A_379 = arith.constant 1 : i32
      %add3A_380 = arith.addi %mul3A_378, %add3A_379 : i32
      %mul3A_381 = arith.constant 32 : i32
      %mul3A_382 = arith.muli %add3A_380, %mul3A_381 : i32
      %add3A_383 = arith.addi %mul3A_254, %mul3A_382 : i32
      %dma_start3A_384 = tpu.memref_slice %arg2[%add3A_383] : memref<327680xi32, #tpu.memory_space<hbm>> -> memref<32xi32, #tpu.memory_space<hbm>>
      %dma_start3A_385 = tpu.memref_slice %arg2[%add3A_383] : memref<327680xi32, #tpu.memory_space<hbm>> -> memref<32xi32, #tpu.memory_space<hbm>>
      tpu.enqueue_dma source(%dma_start3A_385 : memref<32xi32, #tpu.memory_space<hbm>>) target(%arg5 : memref<32xi32, #tpu.memory_space<vmem>>) target_semaphore(%arg16 : memref<!tpu.dma_semaphore, #tpu.memory_space<semaphore_mem>>)
      %dma_wait3A_386 = arith.constant 0 : i32
      %dma_wait3A_387 = tpu.memref_slice %arg14[%dma_wait3A_386] : memref<10240xf32, #tpu.memory_space<vmem_shared>> -> memref<10240xf32, #tpu.memory_space<vmem_shared>>
      tpu.wait_indirect_dma semaphore(%arg25 : memref<!tpu.dma_semaphore, #tpu.memory_space<semaphore_mem>>) src(%arg12 : memref<32xf32, #tpu.memory_space<vmem>>) dst(%dma_wait3A_387 : memref<10240xf32, #tpu.memory_space<vmem_shared>>)
      %add3A_388 = arith.constant 1 : i32
      %add3A_389 = arith.addi %scan3A_359, %add3A_388 : i32
      %mul3A_390 = arith.constant 8 : i32
      %mul3A_391 = arith.muli %mul3A_390, %add3A_389 : i32
      %add3A_392 = arith.constant 2 : i32
      %add3A_393 = arith.addi %mul3A_391, %add3A_392 : i32
      %mul3A_394 = arith.constant 32 : i32
      %mul3A_395 = arith.muli %add3A_393, %mul3A_394 : i32
      %add3A_396 = arith.addi %mul3A_254, %mul3A_395 : i32
      %dma_start3A_397 = tpu.memref_slice %arg2[%add3A_396] : memref<327680xi32, #tpu.memory_space<hbm>> -> memref<32xi32, #tpu.memory_space<hbm>>
      %dma_start3A_398 = tpu.memref_slice %arg2[%add3A_396] : memref<327680xi32, #tpu.memory_space<hbm>> -> memref<32xi32, #tpu.memory_space<hbm>>
      tpu.enqueue_dma source(%dma_start3A_398 : memref<32xi32, #tpu.memory_space<hbm>>) target(%arg6 : memref<32xi32, #tpu.memory_space<vmem>>) target_semaphore(%arg17 : memref<!tpu.dma_semaphore, #tpu.memory_space<semaphore_mem>>)
      %dma_wait3A_399 = arith.constant 0 : i32
      %dma_wait3A_400 = tpu.memref_slice %arg14[%dma_wait3A_399] : memref<10240xf32, #tpu.memory_space<vmem_shared>> -> memref<10240xf32, #tpu.memory_space<vmem_shared>>
      tpu.wait_indirect_dma semaphore(%arg26 : memref<!tpu.dma_semaphore, #tpu.memory_space<semaphore_mem>>) src(%arg12 : memref<32xf32, #tpu.memory_space<vmem>>) dst(%dma_wait3A_400 : memref<10240xf32, #tpu.memory_space<vmem_shared>>)
      %add3A_401 = arith.constant 1 : i32
      %add3A_402 = arith.addi %scan3A_359, %add3A_401 : i32
      %mul3A_403 = arith.constant 8 : i32
      %mul3A_404 = arith.muli %mul3A_403, %add3A_402 : i32
      %add3A_405 = arith.constant 3 : i32
      %add3A_406 = arith.addi %mul3A_404, %add3A_405 : i32
      %mul3A_407 = arith.constant 32 : i32
      %mul3A_408 = arith.muli %add3A_406, %mul3A_407 : i32
      %add3A_409 = arith.addi %mul3A_254, %mul3A_408 : i32
      %dma_start3A_410 = tpu.memref_slice %arg2[%add3A_409] : memref<327680xi32, #tpu.memory_space<hbm>> -> memref<32xi32, #tpu.memory_space<hbm>>
      %dma_start3A_411 = tpu.memref_slice %arg2[%add3A_409] : memref<327680xi32, #tpu.memory_space<hbm>> -> memref<32xi32, #tpu.memory_space<hbm>>
      tpu.enqueue_dma source(%dma_start3A_411 : memref<32xi32, #tpu.memory_space<hbm>>) target(%arg7 : memref<32xi32, #tpu.memory_space<vmem>>) target_semaphore(%arg18 : memref<!tpu.dma_semaphore, #tpu.memory_space<semaphore_mem>>)
      %dma_wait3A_412 = arith.constant 0 : i32
      %dma_wait3A_413 = tpu.memref_slice %arg14[%dma_wait3A_412] : memref<10240xf32, #tpu.memory_space<vmem_shared>> -> memref<10240xf32, #tpu.memory_space<vmem_shared>>
      tpu.wait_indirect_dma semaphore(%arg27 : memref<!tpu.dma_semaphore, #tpu.memory_space<semaphore_mem>>) src(%arg12 : memref<32xf32, #tpu.memory_space<vmem>>) dst(%dma_wait3A_413 : memref<10240xf32, #tpu.memory_space<vmem_shared>>)
      %add3A_414 = arith.constant 1 : i32
      %add3A_415 = arith.addi %scan3A_359, %add3A_414 : i32
      %mul3A_416 = arith.constant 8 : i32
      %mul3A_417 = arith.muli %mul3A_416, %add3A_415 : i32
      %add3A_418 = arith.constant 4 : i32
      %add3A_419 = arith.addi %mul3A_417, %add3A_418 : i32
      %mul3A_420 = arith.constant 32 : i32
      %mul3A_421 = arith.muli %add3A_419, %mul3A_420 : i32
      %add3A_422 = arith.addi %mul3A_254, %mul3A_421 : i32
      %dma_start3A_423 = tpu.memref_slice %arg2[%add3A_422] : memref<327680xi32, #tpu.memory_space<hbm>> -> memref<32xi32, #tpu.memory_space<hbm>>
      %dma_start3A_424 = tpu.memref_slice %arg2[%add3A_422] : memref<327680xi32, #tpu.memory_space<hbm>> -> memref<32xi32, #tpu.memory_space<hbm>>
      tpu.enqueue_dma source(%dma_start3A_424 : memref<32xi32, #tpu.memory_space<hbm>>) target(%arg8 : memref<32xi32, #tpu.memory_space<vmem>>) target_semaphore(%arg19 : memref<!tpu.dma_semaphore, #tpu.memory_space<semaphore_mem>>)
      %dma_wait3A_425 = arith.constant 0 : i32
      %dma_wait3A_426 = tpu.memref_slice %arg14[%dma_wait3A_425] : memref<10240xf32, #tpu.memory_space<vmem_shared>> -> memref<10240xf32, #tpu.memory_space<vmem_shared>>
      tpu.wait_indirect_dma semaphore(%arg28 : memref<!tpu.dma_semaphore, #tpu.memory_space<semaphore_mem>>) src(%arg12 : memref<32xf32, #tpu.memory_space<vmem>>) dst(%dma_wait3A_426 : memref<10240xf32, #tpu.memory_space<vmem_shared>>)
      %add3A_427 = arith.constant 1 : i32
      %add3A_428 = arith.addi %scan3A_359, %add3A_427 : i32
      %mul3A_429 = arith.constant 8 : i32
      %mul3A_430 = arith.muli %mul3A_429, %add3A_428 : i32
      %add3A_431 = arith.constant 5 : i32
      %add3A_432 = arith.addi %mul3A_430, %add3A_431 : i32
      %mul3A_433 = arith.constant 32 : i32
      %mul3A_434 = arith.muli %add3A_432, %mul3A_433 : i32
      %add3A_435 = arith.addi %mul3A_254, %mul3A_434 : i32
      %dma_start3A_436 = tpu.memref_slice %arg2[%add3A_435] : memref<327680xi32, #tpu.memory_space<hbm>> -> memref<32xi32, #tpu.memory_space<hbm>>
      %dma_start3A_437 = tpu.memref_slice %arg2[%add3A_435] : memref<327680xi32, #tpu.memory_space<hbm>> -> memref<32xi32, #tpu.memory_space<hbm>>
      tpu.enqueue_dma source(%dma_start3A_437 : memref<32xi32, #tpu.memory_space<hbm>>) target(%arg9 : memref<32xi32, #tpu.memory_space<vmem>>) target_semaphore(%arg20 : memref<!tpu.dma_semaphore, #tpu.memory_space<semaphore_mem>>)
      %dma_wait3A_438 = arith.constant 0 : i32
      %dma_wait3A_439 = tpu.memref_slice %arg14[%dma_wait3A_438] : memref<10240xf32, #tpu.memory_space<vmem_shared>> -> memref<10240xf32, #tpu.memory_space<vmem_shared>>
      tpu.wait_indirect_dma semaphore(%arg29 : memref<!tpu.dma_semaphore, #tpu.memory_space<semaphore_mem>>) src(%arg12 : memref<32xf32, #tpu.memory_space<vmem>>) dst(%dma_wait3A_439 : memref<10240xf32, #tpu.memory_space<vmem_shared>>)
      %add3A_440 = arith.constant 1 : i32
      %add3A_441 = arith.addi %scan3A_359, %add3A_440 : i32
      %mul3A_442 = arith.constant 8 : i32
      %mul3A_443 = arith.muli %mul3A_442, %add3A_441 : i32
      %add3A_444 = arith.constant 6 : i32
      %add3A_445 = arith.addi %mul3A_443, %add3A_444 : i32
      %mul3A_446 = arith.constant 32 : i32
      %mul3A_447 = arith.muli %add3A_445, %mul3A_446 : i32
      %add3A_448 = arith.addi %mul3A_254, %mul3A_447 : i32
      %dma_start3A_449 = tpu.memref_slice %arg2[%add3A_448] : memref<327680xi32, #tpu.memory_space<hbm>> -> memref<32xi32, #tpu.memory_space<hbm>>
      %dma_start3A_450 = tpu.memref_slice %arg2[%add3A_448] : memref<327680xi32, #tpu.memory_space<hbm>> -> memref<32xi32, #tpu.memory_space<hbm>>
      tpu.enqueue_dma source(%dma_start3A_450 : memref<32xi32, #tpu.memory_space<hbm>>) target(%arg10 : memref<32xi32, #tpu.memory_space<vmem>>) target_semaphore(%arg21 : memref<!tpu.dma_semaphore, #tpu.memory_space<semaphore_mem>>)
      %dma_wait3A_451 = arith.constant 0 : i32
      %dma_wait3A_452 = tpu.memref_slice %arg14[%dma_wait3A_451] : memref<10240xf32, #tpu.memory_space<vmem_shared>> -> memref<10240xf32, #tpu.memory_space<vmem_shared>>
      tpu.wait_indirect_dma semaphore(%arg30 : memref<!tpu.dma_semaphore, #tpu.memory_space<semaphore_mem>>) src(%arg12 : memref<32xf32, #tpu.memory_space<vmem>>) dst(%dma_wait3A_452 : memref<10240xf32, #tpu.memory_space<vmem_shared>>)
      %add3A_453 = arith.constant 1 : i32
      %add3A_454 = arith.addi %scan3A_359, %add3A_453 : i32
      %mul3A_455 = arith.constant 8 : i32
      %mul3A_456 = arith.muli %mul3A_455, %add3A_454 : i32
      %add3A_457 = arith.constant 7 : i32
      %add3A_458 = arith.addi %mul3A_456, %add3A_457 : i32
      %mul3A_459 = arith.constant 32 : i32
      %mul3A_460 = arith.muli %add3A_458, %mul3A_459 : i32
      %add3A_461 = arith.addi %mul3A_254, %mul3A_460 : i32
      %dma_start3A_462 = tpu.memref_slice %arg2[%add3A_461] : memref<327680xi32, #tpu.memory_space<hbm>> -> memref<32xi32, #tpu.memory_space<hbm>>
      %dma_start3A_463 = tpu.memref_slice %arg2[%add3A_461] : memref<327680xi32, #tpu.memory_space<hbm>> -> memref<32xi32, #tpu.memory_space<hbm>>
      tpu.enqueue_dma source(%dma_start3A_463 : memref<32xi32, #tpu.memory_space<hbm>>) target(%arg11 : memref<32xi32, #tpu.memory_space<vmem>>) target_semaphore(%arg22 : memref<!tpu.dma_semaphore, #tpu.memory_space<semaphore_mem>>)
      %dma_wait3A_464 = arith.constant 0 : i32
      %dma_wait3A_465 = tpu.memref_slice %arg2[%dma_wait3A_464] : memref<327680xi32, #tpu.memory_space<hbm>> -> memref<32xi32, #tpu.memory_space<hbm>>
      %dma_wait3A_466 = arith.constant 0 : i32
      %dma_wait3A_467 = tpu.memref_slice %arg2[%dma_wait3A_466] : memref<327680xi32, #tpu.memory_space<hbm>> -> memref<32xi32, #tpu.memory_space<hbm>>
      tpu.wait_dma2 semaphore(%arg15 : memref<!tpu.dma_semaphore, #tpu.memory_space<semaphore_mem>>) src(%dma_wait3A_467 : memref<32xi32, #tpu.memory_space<hbm>>) dst(%arg4 : memref<32xi32, #tpu.memory_space<vmem>>)
      %dma_start3A_468 = arith.constant 0 : i32
      %dma_start3A_469 = tpu.memref_slice %arg14[%dma_start3A_468] : memref<10240xf32, #tpu.memory_space<vmem_shared>> -> memref<10240xf32, #tpu.memory_space<vmem_shared>>
      tpu.enqueue_indirect_dma source(%arg12 : memref<32xf32, #tpu.memory_space<vmem>>) target(%dma_start3A_469 : memref<10240xf32, #tpu.memory_space<vmem_shared>>) offsets(%arg4 : memref<32xi32, #tpu.memory_space<vmem>>) semaphore(%arg23 : memref<!tpu.dma_semaphore, #tpu.memory_space<semaphore_mem>>) {add = true}
      %dma_wait3A_470 = arith.constant 0 : i32
      %dma_wait3A_471 = tpu.memref_slice %arg2[%dma_wait3A_470] : memref<327680xi32, #tpu.memory_space<hbm>> -> memref<32xi32, #tpu.memory_space<hbm>>
      %dma_wait3A_472 = arith.constant 0 : i32
      %dma_wait3A_473 = tpu.memref_slice %arg2[%dma_wait3A_472] : memref<327680xi32, #tpu.memory_space<hbm>> -> memref<32xi32, #tpu.memory_space<hbm>>
      tpu.wait_dma2 semaphore(%arg16 : memref<!tpu.dma_semaphore, #tpu.memory_space<semaphore_mem>>) src(%dma_wait3A_473 : memref<32xi32, #tpu.memory_space<hbm>>) dst(%arg5 : memref<32xi32, #tpu.memory_space<vmem>>)
      %dma_start3A_474 = arith.constant 0 : i32
      %dma_start3A_475 = tpu.memref_slice %arg14[%dma_start3A_474] : memref<10240xf32, #tpu.memory_space<vmem_shared>> -> memref<10240xf32, #tpu.memory_space<vmem_shared>>
      tpu.enqueue_indirect_dma source(%arg12 : memref<32xf32, #tpu.memory_space<vmem>>) target(%dma_start3A_475 : memref<10240xf32, #tpu.memory_space<vmem_shared>>) offsets(%arg5 : memref<32xi32, #tpu.memory_space<vmem>>) semaphore(%arg24 : memref<!tpu.dma_semaphore, #tpu.memory_space<semaphore_mem>>) {add = true}
      %dma_wait3A_476 = arith.constant 0 : i32
      %dma_wait3A_477 = tpu.memref_slice %arg2[%dma_wait3A_476] : memref<327680xi32, #tpu.memory_space<hbm>> -> memref<32xi32, #tpu.memory_space<hbm>>
      %dma_wait3A_478 = arith.constant 0 : i32
      %dma_wait3A_479 = tpu.memref_slice %arg2[%dma_wait3A_478] : memref<327680xi32, #tpu.memory_space<hbm>> -> memref<32xi32, #tpu.memory_space<hbm>>
      tpu.wait_dma2 semaphore(%arg17 : memref<!tpu.dma_semaphore, #tpu.memory_space<semaphore_mem>>) src(%dma_wait3A_479 : memref<32xi32, #tpu.memory_space<hbm>>) dst(%arg6 : memref<32xi32, #tpu.memory_space<vmem>>)
      %dma_start3A_480 = arith.constant 0 : i32
      %dma_start3A_481 = tpu.memref_slice %arg14[%dma_start3A_480] : memref<10240xf32, #tpu.memory_space<vmem_shared>> -> memref<10240xf32, #tpu.memory_space<vmem_shared>>
      tpu.enqueue_indirect_dma source(%arg12 : memref<32xf32, #tpu.memory_space<vmem>>) target(%dma_start3A_481 : memref<10240xf32, #tpu.memory_space<vmem_shared>>) offsets(%arg6 : memref<32xi32, #tpu.memory_space<vmem>>) semaphore(%arg25 : memref<!tpu.dma_semaphore, #tpu.memory_space<semaphore_mem>>) {add = true}
      %dma_wait3A_482 = arith.constant 0 : i32
      %dma_wait3A_483 = tpu.memref_slice %arg2[%dma_wait3A_482] : memref<327680xi32, #tpu.memory_space<hbm>> -> memref<32xi32, #tpu.memory_space<hbm>>
      %dma_wait3A_484 = arith.constant 0 : i32
      %dma_wait3A_485 = tpu.memref_slice %arg2[%dma_wait3A_484] : memref<327680xi32, #tpu.memory_space<hbm>> -> memref<32xi32, #tpu.memory_space<hbm>>
      tpu.wait_dma2 semaphore(%arg18 : memref<!tpu.dma_semaphore, #tpu.memory_space<semaphore_mem>>) src(%dma_wait3A_485 : memref<32xi32, #tpu.memory_space<hbm>>) dst(%arg7 : memref<32xi32, #tpu.memory_space<vmem>>)
      %dma_start3A_486 = arith.constant 0 : i32
      %dma_start3A_487 = tpu.memref_slice %arg14[%dma_start3A_486] : memref<10240xf32, #tpu.memory_space<vmem_shared>> -> memref<10240xf32, #tpu.memory_space<vmem_shared>>
      tpu.enqueue_indirect_dma source(%arg12 : memref<32xf32, #tpu.memory_space<vmem>>) target(%dma_start3A_487 : memref<10240xf32, #tpu.memory_space<vmem_shared>>) offsets(%arg7 : memref<32xi32, #tpu.memory_space<vmem>>) semaphore(%arg26 : memref<!tpu.dma_semaphore, #tpu.memory_space<semaphore_mem>>) {add = true}
      %dma_wait3A_488 = arith.constant 0 : i32
      %dma_wait3A_489 = tpu.memref_slice %arg2[%dma_wait3A_488] : memref<327680xi32, #tpu.memory_space<hbm>> -> memref<32xi32, #tpu.memory_space<hbm>>
      %dma_wait3A_490 = arith.constant 0 : i32
      %dma_wait3A_491 = tpu.memref_slice %arg2[%dma_wait3A_490] : memref<327680xi32, #tpu.memory_space<hbm>> -> memref<32xi32, #tpu.memory_space<hbm>>
      tpu.wait_dma2 semaphore(%arg19 : memref<!tpu.dma_semaphore, #tpu.memory_space<semaphore_mem>>) src(%dma_wait3A_491 : memref<32xi32, #tpu.memory_space<hbm>>) dst(%arg8 : memref<32xi32, #tpu.memory_space<vmem>>)
      %dma_start3A_492 = arith.constant 0 : i32
      %dma_start3A_493 = tpu.memref_slice %arg14[%dma_start3A_492] : memref<10240xf32, #tpu.memory_space<vmem_shared>> -> memref<10240xf32, #tpu.memory_space<vmem_shared>>
      tpu.enqueue_indirect_dma source(%arg12 : memref<32xf32, #tpu.memory_space<vmem>>) target(%dma_start3A_493 : memref<10240xf32, #tpu.memory_space<vmem_shared>>) offsets(%arg8 : memref<32xi32, #tpu.memory_space<vmem>>) semaphore(%arg27 : memref<!tpu.dma_semaphore, #tpu.memory_space<semaphore_mem>>) {add = true}
      %dma_wait3A_494 = arith.constant 0 : i32
      %dma_wait3A_495 = tpu.memref_slice %arg2[%dma_wait3A_494] : memref<327680xi32, #tpu.memory_space<hbm>> -> memref<32xi32, #tpu.memory_space<hbm>>
      %dma_wait3A_496 = arith.constant 0 : i32
      %dma_wait3A_497 = tpu.memref_slice %arg2[%dma_wait3A_496] : memref<327680xi32, #tpu.memory_space<hbm>> -> memref<32xi32, #tpu.memory_space<hbm>>
      tpu.wait_dma2 semaphore(%arg20 : memref<!tpu.dma_semaphore, #tpu.memory_space<semaphore_mem>>) src(%dma_wait3A_497 : memref<32xi32, #tpu.memory_space<hbm>>) dst(%arg9 : memref<32xi32, #tpu.memory_space<vmem>>)
      %dma_start3A_498 = arith.constant 0 : i32
      %dma_start3A_499 = tpu.memref_slice %arg14[%dma_start3A_498] : memref<10240xf32, #tpu.memory_space<vmem_shared>> -> memref<10240xf32, #tpu.memory_space<vmem_shared>>
      tpu.enqueue_indirect_dma source(%arg12 : memref<32xf32, #tpu.memory_space<vmem>>) target(%dma_start3A_499 : memref<10240xf32, #tpu.memory_space<vmem_shared>>) offsets(%arg9 : memref<32xi32, #tpu.memory_space<vmem>>) semaphore(%arg28 : memref<!tpu.dma_semaphore, #tpu.memory_space<semaphore_mem>>) {add = true}
      %dma_wait3A_500 = arith.constant 0 : i32
      %dma_wait3A_501 = tpu.memref_slice %arg2[%dma_wait3A_500] : memref<327680xi32, #tpu.memory_space<hbm>> -> memref<32xi32, #tpu.memory_space<hbm>>
      %dma_wait3A_502 = arith.constant 0 : i32
      %dma_wait3A_503 = tpu.memref_slice %arg2[%dma_wait3A_502] : memref<327680xi32, #tpu.memory_space<hbm>> -> memref<32xi32, #tpu.memory_space<hbm>>
      tpu.wait_dma2 semaphore(%arg21 : memref<!tpu.dma_semaphore, #tpu.memory_space<semaphore_mem>>) src(%dma_wait3A_503 : memref<32xi32, #tpu.memory_space<hbm>>) dst(%arg10 : memref<32xi32, #tpu.memory_space<vmem>>)
      %dma_start3A_504 = arith.constant 0 : i32
      %dma_start3A_505 = tpu.memref_slice %arg14[%dma_start3A_504] : memref<10240xf32, #tpu.memory_space<vmem_shared>> -> memref<10240xf32, #tpu.memory_space<vmem_shared>>
      tpu.enqueue_indirect_dma source(%arg12 : memref<32xf32, #tpu.memory_space<vmem>>) target(%dma_start3A_505 : memref<10240xf32, #tpu.memory_space<vmem_shared>>) offsets(%arg10 : memref<32xi32, #tpu.memory_space<vmem>>) semaphore(%arg29 : memref<!tpu.dma_semaphore, #tpu.memory_space<semaphore_mem>>) {add = true}
      %dma_wait3A_506 = arith.constant 0 : i32
      %dma_wait3A_507 = tpu.memref_slice %arg2[%dma_wait3A_506] : memref<327680xi32, #tpu.memory_space<hbm>> -> memref<32xi32, #tpu.memory_space<hbm>>
      %dma_wait3A_508 = arith.constant 0 : i32
      %dma_wait3A_509 = tpu.memref_slice %arg2[%dma_wait3A_508] : memref<327680xi32, #tpu.memory_space<hbm>> -> memref<32xi32, #tpu.memory_space<hbm>>
      tpu.wait_dma2 semaphore(%arg22 : memref<!tpu.dma_semaphore, #tpu.memory_space<semaphore_mem>>) src(%dma_wait3A_509 : memref<32xi32, #tpu.memory_space<hbm>>) dst(%arg11 : memref<32xi32, #tpu.memory_space<vmem>>)
      %dma_start3A_510 = arith.constant 0 : i32
      %dma_start3A_511 = tpu.memref_slice %arg14[%dma_start3A_510] : memref<10240xf32, #tpu.memory_space<vmem_shared>> -> memref<10240xf32, #tpu.memory_space<vmem_shared>>
      tpu.enqueue_indirect_dma source(%arg12 : memref<32xf32, #tpu.memory_space<vmem>>) target(%dma_start3A_511 : memref<10240xf32, #tpu.memory_space<vmem_shared>>) offsets(%arg11 : memref<32xi32, #tpu.memory_space<vmem>>) semaphore(%arg30 : memref<!tpu.dma_semaphore, #tpu.memory_space<semaphore_mem>>) {add = true}
    }
    %scan3A_337 = arith.constant 39 : i32
    %dma_wait3A_338 = arith.constant 0 : i32
    %dma_wait3A_339 = tpu.memref_slice %arg14[%dma_wait3A_338] : memref<10240xf32, #tpu.memory_space<vmem_shared>> -> memref<10240xf32, #tpu.memory_space<vmem_shared>>
    tpu.wait_indirect_dma semaphore(%arg23 : memref<!tpu.dma_semaphore, #tpu.memory_space<semaphore_mem>>) src(%arg12 : memref<32xf32, #tpu.memory_space<vmem>>) dst(%dma_wait3A_339 : memref<10240xf32, #tpu.memory_space<vmem_shared>>)
    %dma_wait3A_340 = arith.constant 0 : i32
    %dma_wait3A_341 = tpu.memref_slice %arg14[%dma_wait3A_340] : memref<10240xf32, #tpu.memory_space<vmem_shared>> -> memref<10240xf32, #tpu.memory_space<vmem_shared>>
    tpu.wait_indirect_dma semaphore(%arg24 : memref<!tpu.dma_semaphore, #tpu.memory_space<semaphore_mem>>) src(%arg12 : memref<32xf32, #tpu.memory_space<vmem>>) dst(%dma_wait3A_341 : memref<10240xf32, #tpu.memory_space<vmem_shared>>)
    %dma_wait3A_342 = arith.constant 0 : i32
    %dma_wait3A_343 = tpu.memref_slice %arg14[%dma_wait3A_342] : memref<10240xf32, #tpu.memory_space<vmem_shared>> -> memref<10240xf32, #tpu.memory_space<vmem_shared>>
    tpu.wait_indirect_dma semaphore(%arg25 : memref<!tpu.dma_semaphore, #tpu.memory_space<semaphore_mem>>) src(%arg12 : memref<32xf32, #tpu.memory_space<vmem>>) dst(%dma_wait3A_343 : memref<10240xf32, #tpu.memory_space<vmem_shared>>)
    %dma_wait3A_344 = arith.constant 0 : i32
    %dma_wait3A_345 = tpu.memref_slice %arg14[%dma_wait3A_344] : memref<10240xf32, #tpu.memory_space<vmem_shared>> -> memref<10240xf32, #tpu.memory_space<vmem_shared>>
    tpu.wait_indirect_dma semaphore(%arg26 : memref<!tpu.dma_semaphore, #tpu.memory_space<semaphore_mem>>) src(%arg12 : memref<32xf32, #tpu.memory_space<vmem>>) dst(%dma_wait3A_345 : memref<10240xf32, #tpu.memory_space<vmem_shared>>)
    %dma_wait3A_346 = arith.constant 0 : i32
    %dma_wait3A_347 = tpu.memref_slice %arg14[%dma_wait3A_346] : memref<10240xf32, #tpu.memory_space<vmem_shared>> -> memref<10240xf32, #tpu.memory_space<vmem_shared>>
    tpu.wait_indirect_dma semaphore(%arg27 : memref<!tpu.dma_semaphore, #tpu.memory_space<semaphore_mem>>) src(%arg12 : memref<32xf32, #tpu.memory_space<vmem>>) dst(%dma_wait3A_347 : memref<10240xf32, #tpu.memory_space<vmem_shared>>)
    %dma_wait3A_348 = arith.constant 0 : i32
    %dma_wait3A_349 = tpu.memref_slice %arg14[%dma_wait3A_348] : memref<10240xf32, #tpu.memory_space<vmem_shared>> -> memref<10240xf32, #tpu.memory_space<vmem_shared>>
    tpu.wait_indirect_dma semaphore(%arg28 : memref<!tpu.dma_semaphore, #tpu.memory_space<semaphore_mem>>) src(%arg12 : memref<32xf32, #tpu.memory_space<vmem>>) dst(%dma_wait3A_349 : memref<10240xf32, #tpu.memory_space<vmem_shared>>)
    %dma_wait3A_350 = arith.constant 0 : i32
    %dma_wait3A_351 = tpu.memref_slice %arg14[%dma_wait3A_350] : memref<10240xf32, #tpu.memory_space<vmem_shared>> -> memref<10240xf32, #tpu.memory_space<vmem_shared>>
    tpu.wait_indirect_dma semaphore(%arg29 : memref<!tpu.dma_semaphore, #tpu.memory_space<semaphore_mem>>) src(%arg12 : memref<32xf32, #tpu.memory_space<vmem>>) dst(%dma_wait3A_351 : memref<10240xf32, #tpu.memory_space<vmem_shared>>)
    %dma_wait3A_352 = arith.constant 0 : i32
    %dma_wait3A_353 = tpu.memref_slice %arg14[%dma_wait3A_352] : memref<10240xf32, #tpu.memory_space<vmem_shared>> -> memref<10240xf32, #tpu.memory_space<vmem_shared>>
    tpu.wait_indirect_dma semaphore(%arg30 : memref<!tpu.dma_semaphore, #tpu.memory_space<semaphore_mem>>) src(%arg12 : memref<32xf32, #tpu.memory_space<vmem>>) dst(%dma_wait3A_353 : memref<10240xf32, #tpu.memory_space<vmem_shared>>)
    %barrier3A_354 = arith.constant 0 : index
    tpu.barrier barrier_id(%barrier3A_354)
    %mul3A_355 = arith.constant 640 : i32
    %mul3A_356 = arith.muli %arg1, %mul3A_355 : i32
    %mul3A_357 = arith.constant 640 : i32
    %mul3A_358 = arith.muli %arg1, %mul3A_357 : i32
    "tpu.region"() ({
      %run_scoped3A = tpu.sem_alloc : memref<!tpu.dma_semaphore, #tpu.memory_space<semaphore_mem>>
      %dma_start3A_359 = tpu.memref_slice %arg3[%arg0, %mul3A_358] : memref<2x10240xf32, #tpu.memory_space<hbm>> -> memref<1x640xf32, #tpu.memory_space<hbm>>
      %dma_start3A_360 = tpu.memref_squeeze %dma_start3A_359 : memref<1x640xf32, #tpu.memory_space<hbm>> -> memref<640xf32, #tpu.memory_space<hbm>>
      %dma_start3A_361 = tpu.memref_slice %arg14[%mul3A_356] : memref<10240xf32, #tpu.memory_space<vmem_shared>> -> memref<640xf32, #tpu.memory_space<vmem_shared>>
      tpu.enqueue_dma source(%dma_start3A_361 : memref<640xf32, #tpu.memory_space<vmem_shared>>) target(%dma_start3A_360 : memref<640xf32, #tpu.memory_space<hbm>>) target_semaphore(%run_scoped3A : memref<!tpu.dma_semaphore, #tpu.memory_space<semaphore_mem>>)
      %dma_wait3A_362 = tpu.memref_slice %arg3[%arg0, %mul3A_358] : memref<2x10240xf32, #tpu.memory_space<hbm>> -> memref<1x640xf32, #tpu.memory_space<hbm>>
      %dma_wait3A_363 = tpu.memref_squeeze %dma_wait3A_362 : memref<1x640xf32, #tpu.memory_space<hbm>> -> memref<640xf32, #tpu.memory_space<hbm>>
      %dma_wait3A_364 = tpu.memref_slice %arg14[%mul3A_356] : memref<10240xf32, #tpu.memory_space<vmem_shared>> -> memref<640xf32, #tpu.memory_space<vmem_shared>>
      tpu.wait_dma2 semaphore(%run_scoped3A : memref<!tpu.dma_semaphore, #tpu.memory_space<semaphore_mem>>) src(%dma_wait3A_364 : memref<640xf32, #tpu.memory_space<vmem_shared>>) dst(%dma_wait3A_363 : memref<640xf32, #tpu.memory_space<hbm>>)
      tpu.yield
    }) : () -> ()
    return
  }
}

#map = affine_map<(d0, d1) -> (0, 0)>
#map1 = affine_map<(d0, d1) -> (0)>
#map2 = affine_map<(d0, d1) -> (0, 0, 0)>
module attributes {stable_mosaic.version = 14 : i64} {
  func.func @_sc_agg_body(%arg0: i32, %arg1: i32, %arg2: memref<10000x128xf32, #tpu.memory_space<hbm>>, %arg3: memref<327680xi32, #tpu.memory_space<hbm>>, %arg4: memref<327680xi32, #tpu.memory_space<hbm>>, %arg5: memref<10240x128xf32, #tpu.memory_space<hbm>>, %arg6: memref<2x10240x128xf32, #tpu.memory_space<hbm>>, %arg7: memref<32xi32, #tpu.memory_space<vmem>>, %arg8: memref<32xi32, #tpu.memory_space<vmem>>, %arg9: memref<32xi32, #tpu.memory_space<vmem>>, %arg10: memref<32xi32, #tpu.memory_space<vmem>>, %arg11: memref<32xi32, #tpu.memory_space<vmem>>, %arg12: memref<32xi32, #tpu.memory_space<vmem>>, %arg13: memref<32xi32, #tpu.memory_space<vmem>>, %arg14: memref<32xi32, #tpu.memory_space<vmem>>, %arg15: memref<32xi32, #tpu.memory_space<vmem>>, %arg16: memref<32xi32, #tpu.memory_space<vmem>>, %arg17: memref<32xi32, #tpu.memory_space<vmem>>, %arg18: memref<32xi32, #tpu.memory_space<vmem>>, %arg19: memref<32xi32, #tpu.memory_space<vmem>>, %arg20: memref<32xi32, #tpu.memory_space<vmem>>, %arg21: memref<32xi32, #tpu.memory_space<vmem>>, %arg22: memref<32xi32, #tpu.memory_space<vmem>>, %arg23: memref<32x128xf32, #tpu.memory_space<vmem>>, %arg24: memref<32x128xf32, #tpu.memory_space<vmem>>, %arg25: memref<32x128xf32, #tpu.memory_space<vmem>>, %arg26: memref<32x128xf32, #tpu.memory_space<vmem>>, %arg27: memref<32x128xf32, #tpu.memory_space<vmem>>, %arg28: memref<32x128xf32, #tpu.memory_space<vmem>>, %arg29: memref<32x128xf32, #tpu.memory_space<vmem>>, %arg30: memref<32x128xf32, #tpu.memory_space<vmem>>, %arg31: memref<10240x128xf32, #tpu.memory_space<vmem_shared>>, %arg32: memref<!tpu.dma_semaphore, #tpu.memory_space<semaphore_mem>>, %arg33: memref<!tpu.dma_semaphore, #tpu.memory_space<semaphore_mem>>, %arg34: memref<!tpu.dma_semaphore, #tpu.memory_space<semaphore_mem>>, %arg35: memref<!tpu.dma_semaphore, #tpu.memory_space<semaphore_mem>>, %arg36: memref<!tpu.dma_semaphore, #tpu.memory_space<semaphore_mem>>, %arg37: memref<!tpu.dma_semaphore, #tpu.memory_space<semaphore_mem>>, %arg38: memref<!tpu.dma_semaphore, #tpu.memory_space<semaphore_mem>>, %arg39: memref<!tpu.dma_semaphore, #tpu.memory_space<semaphore_mem>>, %arg40: memref<!tpu.dma_semaphore, #tpu.memory_space<semaphore_mem>>, %arg41: memref<!tpu.dma_semaphore, #tpu.memory_space<semaphore_mem>>, %arg42: memref<!tpu.dma_semaphore, #tpu.memory_space<semaphore_mem>>, %arg43: memref<!tpu.dma_semaphore, #tpu.memory_space<semaphore_mem>>, %arg44: memref<!tpu.dma_semaphore, #tpu.memory_space<semaphore_mem>>, %arg45: memref<!tpu.dma_semaphore, #tpu.memory_space<semaphore_mem>>, %arg46: memref<!tpu.dma_semaphore, #tpu.memory_space<semaphore_mem>>, %arg47: memref<!tpu.dma_semaphore, #tpu.memory_space<semaphore_mem>>, %arg48: memref<!tpu.dma_semaphore, #tpu.memory_space<semaphore_mem>>, %arg49: memref<!tpu.dma_semaphore, #tpu.memory_space<semaphore_mem>>, %arg50: memref<!tpu.dma_semaphore, #tpu.memory_space<semaphore_mem>>, %arg51: memref<!tpu.dma_semaphore, #tpu.memory_space<semaphore_mem>>, %arg52: memref<!tpu.dma_semaphore, #tpu.memory_space<semaphore_mem>>, %arg53: memref<!tpu.dma_semaphore, #tpu.memory_space<semaphore_mem>>, %arg54: memref<!tpu.dma_semaphore, #tpu.memory_space<semaphore_mem>>, %arg55: memref<!tpu.dma_semaphore, #tpu.memory_space<semaphore_mem>>) attributes {dimension_semantics = [#tpu.dimension_semantics<core_parallel>, #tpu.dimension_semantics<subcore_parallel>], iteration_bounds = array<i64: 2, 16>, scalar_prefetch = 0 : i64, scratch_operands = 49 : i64, tpu.core_type = #tpu.core_type<sc_vector_subcore>, window_params = [{transform_indices = #map}, {transform_indices = #map1}, {transform_indices = #map1}, {transform_indices = #map}, {transform_indices = #map2}]} {
    %mul3A = arith.constant 16 : i32
    %mul3A_0 = arith.muli %arg0, %mul3A : i32
    %add3A = arith.addi %mul3A_0, %arg1 : i32
    "tpu.trace_start"() <{level = 10 : i32, message = "agg_zero"}> : () -> ()
    %mul3A_1 = arith.constant 640 : i32
    %mul3A_2 = arith.muli %arg1, %mul3A_1 : i32
    %mul3A_3 = arith.constant 640 : i32
    %mul3A_4 = arith.muli %arg1, %mul3A_3 : i32
    "tpu.region"() ({
      %run_scoped3A = tpu.sem_alloc : memref<!tpu.dma_semaphore, #tpu.memory_space<semaphore_mem>>
      %dma_start3A_251 = arith.constant 0 : i32
      %dma_start3A_252 = tpu.memref_slice %arg31[%mul3A_4, %dma_start3A_251] : memref<10240x128xf32, #tpu.memory_space<vmem_shared>> -> memref<640x128xf32, #tpu.memory_space<vmem_shared>>
      %dma_start3A_253 = arith.constant 0 : i32
      %dma_start3A_254 = tpu.memref_slice %arg5[%mul3A_2, %dma_start3A_253] : memref<10240x128xf32, #tpu.memory_space<hbm>> -> memref<640x128xf32, #tpu.memory_space<hbm>>
      tpu.enqueue_dma source(%dma_start3A_254 : memref<640x128xf32, #tpu.memory_space<hbm>>) target(%dma_start3A_252 : memref<640x128xf32, #tpu.memory_space<vmem_shared>>) target_semaphore(%run_scoped3A : memref<!tpu.dma_semaphore, #tpu.memory_space<semaphore_mem>>)
      %dma_wait3A_255 = arith.constant 0 : i32
      %dma_wait3A_256 = tpu.memref_slice %arg31[%mul3A_4, %dma_wait3A_255] : memref<10240x128xf32, #tpu.memory_space<vmem_shared>> -> memref<640x128xf32, #tpu.memory_space<vmem_shared>>
      %dma_wait3A_257 = arith.constant 0 : i32
      %dma_wait3A_258 = tpu.memref_slice %arg5[%mul3A_2, %dma_wait3A_257] : memref<10240x128xf32, #tpu.memory_space<hbm>> -> memref<640x128xf32, #tpu.memory_space<hbm>>
      tpu.wait_dma2 semaphore(%run_scoped3A : memref<!tpu.dma_semaphore, #tpu.memory_space<semaphore_mem>>) src(%dma_wait3A_258 : memref<640x128xf32, #tpu.memory_space<hbm>>) dst(%dma_wait3A_256 : memref<640x128xf32, #tpu.memory_space<vmem_shared>>)
      tpu.yield
    }) : () -> ()
    %barrier3A = arith.constant 0 : index
    tpu.barrier barrier_id(%barrier3A)
    %eq3A = arith.constant 0 : i32
    "tpu.trace_stop"() : () -> ()
    %eq3A_5 = arith.cmpi eq, %arg0, %eq3A : i32
    %jit3A = arith.constant 10240 : i32
    %jit3A_6 = arith.constant 10240 : i32
    %select_n3A = arith.select %eq3A_5, %jit3A, %jit3A_6 : i32
    %jit3A_7 = arith.constant 40 : i32
    %jit3A_8 = arith.constant 40 : i32
    %select_n3A_9 = arith.select %eq3A_5, %jit3A_7, %jit3A_8 : i32
    %mul3A_10 = arith.constant 163840 : i32
    %mul3A_11 = arith.muli %arg0, %mul3A_10 : i32
    %mul3A_12 = arith.muli %arg1, %select_n3A : i32
    %add3A_13 = arith.addi %mul3A_11, %mul3A_12 : i32
    "tpu.trace_start"() <{level = 10 : i32, message = "agg_edges"}> : () -> ()
    %add3A_14 = arith.constant 0 : i32
    %add3A_15 = arith.addi %add3A_13, %add3A_14 : i32
    %dma_start3A = tpu.memref_slice %arg3[%add3A_15] : memref<327680xi32, #tpu.memory_space<hbm>> -> memref<32xi32, #tpu.memory_space<hbm>>
    %dma_start3A_16 = tpu.memref_slice %arg3[%add3A_15] : memref<327680xi32, #tpu.memory_space<hbm>> -> memref<32xi32, #tpu.memory_space<hbm>>
    tpu.enqueue_dma source(%dma_start3A_16 : memref<32xi32, #tpu.memory_space<hbm>>) target(%arg7 : memref<32xi32, #tpu.memory_space<vmem>>) target_semaphore(%arg32 : memref<!tpu.dma_semaphore, #tpu.memory_space<semaphore_mem>>)
    %dma_start3A_17 = tpu.memref_slice %arg4[%add3A_15] : memref<327680xi32, #tpu.memory_space<hbm>> -> memref<32xi32, #tpu.memory_space<hbm>>
    %dma_start3A_18 = tpu.memref_slice %arg4[%add3A_15] : memref<327680xi32, #tpu.memory_space<hbm>> -> memref<32xi32, #tpu.memory_space<hbm>>
    tpu.enqueue_dma source(%dma_start3A_18 : memref<32xi32, #tpu.memory_space<hbm>>) target(%arg15 : memref<32xi32, #tpu.memory_space<vmem>>) target_semaphore(%arg32 : memref<!tpu.dma_semaphore, #tpu.memory_space<semaphore_mem>>)
    %add3A_19 = arith.constant 32 : i32
    %add3A_20 = arith.addi %add3A_13, %add3A_19 : i32
    %dma_start3A_21 = tpu.memref_slice %arg3[%add3A_20] : memref<327680xi32, #tpu.memory_space<hbm>> -> memref<32xi32, #tpu.memory_space<hbm>>
    %dma_start3A_22 = tpu.memref_slice %arg3[%add3A_20] : memref<327680xi32, #tpu.memory_space<hbm>> -> memref<32xi32, #tpu.memory_space<hbm>>
    tpu.enqueue_dma source(%dma_start3A_22 : memref<32xi32, #tpu.memory_space<hbm>>) target(%arg8 : memref<32xi32, #tpu.memory_space<vmem>>) target_semaphore(%arg33 : memref<!tpu.dma_semaphore, #tpu.memory_space<semaphore_mem>>)
    %dma_start3A_23 = tpu.memref_slice %arg4[%add3A_20] : memref<327680xi32, #tpu.memory_space<hbm>> -> memref<32xi32, #tpu.memory_space<hbm>>
    %dma_start3A_24 = tpu.memref_slice %arg4[%add3A_20] : memref<327680xi32, #tpu.memory_space<hbm>> -> memref<32xi32, #tpu.memory_space<hbm>>
    tpu.enqueue_dma source(%dma_start3A_24 : memref<32xi32, #tpu.memory_space<hbm>>) target(%arg16 : memref<32xi32, #tpu.memory_space<vmem>>) target_semaphore(%arg33 : memref<!tpu.dma_semaphore, #tpu.memory_space<semaphore_mem>>)
    %add3A_25 = arith.constant 64 : i32
    %add3A_26 = arith.addi %add3A_13, %add3A_25 : i32
    %dma_start3A_27 = tpu.memref_slice %arg3[%add3A_26] : memref<327680xi32, #tpu.memory_space<hbm>> -> memref<32xi32, #tpu.memory_space<hbm>>
    %dma_start3A_28 = tpu.memref_slice %arg3[%add3A_26] : memref<327680xi32, #tpu.memory_space<hbm>> -> memref<32xi32, #tpu.memory_space<hbm>>
    tpu.enqueue_dma source(%dma_start3A_28 : memref<32xi32, #tpu.memory_space<hbm>>) target(%arg9 : memref<32xi32, #tpu.memory_space<vmem>>) target_semaphore(%arg34 : memref<!tpu.dma_semaphore, #tpu.memory_space<semaphore_mem>>)
    %dma_start3A_29 = tpu.memref_slice %arg4[%add3A_26] : memref<327680xi32, #tpu.memory_space<hbm>> -> memref<32xi32, #tpu.memory_space<hbm>>
    %dma_start3A_30 = tpu.memref_slice %arg4[%add3A_26] : memref<327680xi32, #tpu.memory_space<hbm>> -> memref<32xi32, #tpu.memory_space<hbm>>
    tpu.enqueue_dma source(%dma_start3A_30 : memref<32xi32, #tpu.memory_space<hbm>>) target(%arg17 : memref<32xi32, #tpu.memory_space<vmem>>) target_semaphore(%arg34 : memref<!tpu.dma_semaphore, #tpu.memory_space<semaphore_mem>>)
    %add3A_31 = arith.constant 96 : i32
    %add3A_32 = arith.addi %add3A_13, %add3A_31 : i32
    %dma_start3A_33 = tpu.memref_slice %arg3[%add3A_32] : memref<327680xi32, #tpu.memory_space<hbm>> -> memref<32xi32, #tpu.memory_space<hbm>>
    %dma_start3A_34 = tpu.memref_slice %arg3[%add3A_32] : memref<327680xi32, #tpu.memory_space<hbm>> -> memref<32xi32, #tpu.memory_space<hbm>>
    tpu.enqueue_dma source(%dma_start3A_34 : memref<32xi32, #tpu.memory_space<hbm>>) target(%arg10 : memref<32xi32, #tpu.memory_space<vmem>>) target_semaphore(%arg35 : memref<!tpu.dma_semaphore, #tpu.memory_space<semaphore_mem>>)
    %dma_start3A_35 = tpu.memref_slice %arg4[%add3A_32] : memref<327680xi32, #tpu.memory_space<hbm>> -> memref<32xi32, #tpu.memory_space<hbm>>
    %dma_start3A_36 = tpu.memref_slice %arg4[%add3A_32] : memref<327680xi32, #tpu.memory_space<hbm>> -> memref<32xi32, #tpu.memory_space<hbm>>
    tpu.enqueue_dma source(%dma_start3A_36 : memref<32xi32, #tpu.memory_space<hbm>>) target(%arg18 : memref<32xi32, #tpu.memory_space<vmem>>) target_semaphore(%arg35 : memref<!tpu.dma_semaphore, #tpu.memory_space<semaphore_mem>>)
    %add3A_37 = arith.constant 128 : i32
    %add3A_38 = arith.addi %add3A_13, %add3A_37 : i32
    %dma_start3A_39 = tpu.memref_slice %arg3[%add3A_38] : memref<327680xi32, #tpu.memory_space<hbm>> -> memref<32xi32, #tpu.memory_space<hbm>>
    %dma_start3A_40 = tpu.memref_slice %arg3[%add3A_38] : memref<327680xi32, #tpu.memory_space<hbm>> -> memref<32xi32, #tpu.memory_space<hbm>>
    tpu.enqueue_dma source(%dma_start3A_40 : memref<32xi32, #tpu.memory_space<hbm>>) target(%arg11 : memref<32xi32, #tpu.memory_space<vmem>>) target_semaphore(%arg36 : memref<!tpu.dma_semaphore, #tpu.memory_space<semaphore_mem>>)
    %dma_start3A_41 = tpu.memref_slice %arg4[%add3A_38] : memref<327680xi32, #tpu.memory_space<hbm>> -> memref<32xi32, #tpu.memory_space<hbm>>
    %dma_start3A_42 = tpu.memref_slice %arg4[%add3A_38] : memref<327680xi32, #tpu.memory_space<hbm>> -> memref<32xi32, #tpu.memory_space<hbm>>
    tpu.enqueue_dma source(%dma_start3A_42 : memref<32xi32, #tpu.memory_space<hbm>>) target(%arg19 : memref<32xi32, #tpu.memory_space<vmem>>) target_semaphore(%arg36 : memref<!tpu.dma_semaphore, #tpu.memory_space<semaphore_mem>>)
    %add3A_43 = arith.constant 160 : i32
    %add3A_44 = arith.addi %add3A_13, %add3A_43 : i32
    %dma_start3A_45 = tpu.memref_slice %arg3[%add3A_44] : memref<327680xi32, #tpu.memory_space<hbm>> -> memref<32xi32, #tpu.memory_space<hbm>>
    %dma_start3A_46 = tpu.memref_slice %arg3[%add3A_44] : memref<327680xi32, #tpu.memory_space<hbm>> -> memref<32xi32, #tpu.memory_space<hbm>>
    tpu.enqueue_dma source(%dma_start3A_46 : memref<32xi32, #tpu.memory_space<hbm>>) target(%arg12 : memref<32xi32, #tpu.memory_space<vmem>>) target_semaphore(%arg37 : memref<!tpu.dma_semaphore, #tpu.memory_space<semaphore_mem>>)
    %dma_start3A_47 = tpu.memref_slice %arg4[%add3A_44] : memref<327680xi32, #tpu.memory_space<hbm>> -> memref<32xi32, #tpu.memory_space<hbm>>
    %dma_start3A_48 = tpu.memref_slice %arg4[%add3A_44] : memref<327680xi32, #tpu.memory_space<hbm>> -> memref<32xi32, #tpu.memory_space<hbm>>
    tpu.enqueue_dma source(%dma_start3A_48 : memref<32xi32, #tpu.memory_space<hbm>>) target(%arg20 : memref<32xi32, #tpu.memory_space<vmem>>) target_semaphore(%arg37 : memref<!tpu.dma_semaphore, #tpu.memory_space<semaphore_mem>>)
    %add3A_49 = arith.constant 192 : i32
    %add3A_50 = arith.addi %add3A_13, %add3A_49 : i32
    %dma_start3A_51 = tpu.memref_slice %arg3[%add3A_50] : memref<327680xi32, #tpu.memory_space<hbm>> -> memref<32xi32, #tpu.memory_space<hbm>>
    %dma_start3A_52 = tpu.memref_slice %arg3[%add3A_50] : memref<327680xi32, #tpu.memory_space<hbm>> -> memref<32xi32, #tpu.memory_space<hbm>>
    tpu.enqueue_dma source(%dma_start3A_52 : memref<32xi32, #tpu.memory_space<hbm>>) target(%arg13 : memref<32xi32, #tpu.memory_space<vmem>>) target_semaphore(%arg38 : memref<!tpu.dma_semaphore, #tpu.memory_space<semaphore_mem>>)
    %dma_start3A_53 = tpu.memref_slice %arg4[%add3A_50] : memref<327680xi32, #tpu.memory_space<hbm>> -> memref<32xi32, #tpu.memory_space<hbm>>
    %dma_start3A_54 = tpu.memref_slice %arg4[%add3A_50] : memref<327680xi32, #tpu.memory_space<hbm>> -> memref<32xi32, #tpu.memory_space<hbm>>
    tpu.enqueue_dma source(%dma_start3A_54 : memref<32xi32, #tpu.memory_space<hbm>>) target(%arg21 : memref<32xi32, #tpu.memory_space<vmem>>) target_semaphore(%arg38 : memref<!tpu.dma_semaphore, #tpu.memory_space<semaphore_mem>>)
    %add3A_55 = arith.constant 224 : i32
    %add3A_56 = arith.addi %add3A_13, %add3A_55 : i32
    %dma_start3A_57 = tpu.memref_slice %arg3[%add3A_56] : memref<327680xi32, #tpu.memory_space<hbm>> -> memref<32xi32, #tpu.memory_space<hbm>>
    %dma_start3A_58 = tpu.memref_slice %arg3[%add3A_56] : memref<327680xi32, #tpu.memory_space<hbm>> -> memref<32xi32, #tpu.memory_space<hbm>>
    tpu.enqueue_dma source(%dma_start3A_58 : memref<32xi32, #tpu.memory_space<hbm>>) target(%arg14 : memref<32xi32, #tpu.memory_space<vmem>>) target_semaphore(%arg39 : memref<!tpu.dma_semaphore, #tpu.memory_space<semaphore_mem>>)
    %dma_start3A_59 = tpu.memref_slice %arg4[%add3A_56] : memref<327680xi32, #tpu.memory_space<hbm>> -> memref<32xi32, #tpu.memory_space<hbm>>
    %dma_start3A_60 = tpu.memref_slice %arg4[%add3A_56] : memref<327680xi32, #tpu.memory_space<hbm>> -> memref<32xi32, #tpu.memory_space<hbm>>
    tpu.enqueue_dma source(%dma_start3A_60 : memref<32xi32, #tpu.memory_space<hbm>>) target(%arg22 : memref<32xi32, #tpu.memory_space<vmem>>) target_semaphore(%arg39 : memref<!tpu.dma_semaphore, #tpu.memory_space<semaphore_mem>>)
    %dma_wait3A = arith.constant 0 : i32
    %dma_wait3A_61 = tpu.memref_slice %arg3[%dma_wait3A] : memref<327680xi32, #tpu.memory_space<hbm>> -> memref<32xi32, #tpu.memory_space<hbm>>
    %dma_wait3A_62 = arith.constant 0 : i32
    %dma_wait3A_63 = tpu.memref_slice %arg3[%dma_wait3A_62] : memref<327680xi32, #tpu.memory_space<hbm>> -> memref<32xi32, #tpu.memory_space<hbm>>
    tpu.wait_dma2 semaphore(%arg32 : memref<!tpu.dma_semaphore, #tpu.memory_space<semaphore_mem>>) src(%dma_wait3A_63 : memref<32xi32, #tpu.memory_space<hbm>>) dst(%arg7 : memref<32xi32, #tpu.memory_space<vmem>>)
    %dma_wait3A_64 = arith.constant 0 : i32
    %dma_wait3A_65 = tpu.memref_slice %arg4[%dma_wait3A_64] : memref<327680xi32, #tpu.memory_space<hbm>> -> memref<32xi32, #tpu.memory_space<hbm>>
    %dma_wait3A_66 = arith.constant 0 : i32
    %dma_wait3A_67 = tpu.memref_slice %arg4[%dma_wait3A_66] : memref<327680xi32, #tpu.memory_space<hbm>> -> memref<32xi32, #tpu.memory_space<hbm>>
    tpu.wait_dma2 semaphore(%arg32 : memref<!tpu.dma_semaphore, #tpu.memory_space<semaphore_mem>>) src(%dma_wait3A_67 : memref<32xi32, #tpu.memory_space<hbm>>) dst(%arg15 : memref<32xi32, #tpu.memory_space<vmem>>)
    %dma_start3A_68 = arith.constant 0 : i32
    %dma_start3A_69 = arith.constant 0 : i32
    %dma_start3A_70 = tpu.memref_slice %arg2[%dma_start3A_68, %dma_start3A_69] : memref<10000x128xf32, #tpu.memory_space<hbm>> -> memref<10000x128xf32, #tpu.memory_space<hbm>>
    tpu.enqueue_indirect_dma source(%dma_start3A_70 : memref<10000x128xf32, #tpu.memory_space<hbm>>) target(%arg23 : memref<32x128xf32, #tpu.memory_space<vmem>>) offsets(%arg7 : memref<32xi32, #tpu.memory_space<vmem>>) semaphore(%arg40 : memref<!tpu.dma_semaphore, #tpu.memory_space<semaphore_mem>>)
    %dma_wait3A_71 = arith.constant 0 : i32
    %dma_wait3A_72 = tpu.memref_slice %arg3[%dma_wait3A_71] : memref<327680xi32, #tpu.memory_space<hbm>> -> memref<32xi32, #tpu.memory_space<hbm>>
    %dma_wait3A_73 = arith.constant 0 : i32
    %dma_wait3A_74 = tpu.memref_slice %arg3[%dma_wait3A_73] : memref<327680xi32, #tpu.memory_space<hbm>> -> memref<32xi32, #tpu.memory_space<hbm>>
    tpu.wait_dma2 semaphore(%arg33 : memref<!tpu.dma_semaphore, #tpu.memory_space<semaphore_mem>>) src(%dma_wait3A_74 : memref<32xi32, #tpu.memory_space<hbm>>) dst(%arg8 : memref<32xi32, #tpu.memory_space<vmem>>)
    %dma_wait3A_75 = arith.constant 0 : i32
    %dma_wait3A_76 = tpu.memref_slice %arg4[%dma_wait3A_75] : memref<327680xi32, #tpu.memory_space<hbm>> -> memref<32xi32, #tpu.memory_space<hbm>>
    %dma_wait3A_77 = arith.constant 0 : i32
    %dma_wait3A_78 = tpu.memref_slice %arg4[%dma_wait3A_77] : memref<327680xi32, #tpu.memory_space<hbm>> -> memref<32xi32, #tpu.memory_space<hbm>>
    tpu.wait_dma2 semaphore(%arg33 : memref<!tpu.dma_semaphore, #tpu.memory_space<semaphore_mem>>) src(%dma_wait3A_78 : memref<32xi32, #tpu.memory_space<hbm>>) dst(%arg16 : memref<32xi32, #tpu.memory_space<vmem>>)
    %dma_start3A_79 = arith.constant 0 : i32
    %dma_start3A_80 = arith.constant 0 : i32
    %dma_start3A_81 = tpu.memref_slice %arg2[%dma_start3A_79, %dma_start3A_80] : memref<10000x128xf32, #tpu.memory_space<hbm>> -> memref<10000x128xf32, #tpu.memory_space<hbm>>
    tpu.enqueue_indirect_dma source(%dma_start3A_81 : memref<10000x128xf32, #tpu.memory_space<hbm>>) target(%arg24 : memref<32x128xf32, #tpu.memory_space<vmem>>) offsets(%arg8 : memref<32xi32, #tpu.memory_space<vmem>>) semaphore(%arg41 : memref<!tpu.dma_semaphore, #tpu.memory_space<semaphore_mem>>)
    %dma_wait3A_82 = arith.constant 0 : i32
    %dma_wait3A_83 = tpu.memref_slice %arg3[%dma_wait3A_82] : memref<327680xi32, #tpu.memory_space<hbm>> -> memref<32xi32, #tpu.memory_space<hbm>>
    %dma_wait3A_84 = arith.constant 0 : i32
    %dma_wait3A_85 = tpu.memref_slice %arg3[%dma_wait3A_84] : memref<327680xi32, #tpu.memory_space<hbm>> -> memref<32xi32, #tpu.memory_space<hbm>>
    tpu.wait_dma2 semaphore(%arg34 : memref<!tpu.dma_semaphore, #tpu.memory_space<semaphore_mem>>) src(%dma_wait3A_85 : memref<32xi32, #tpu.memory_space<hbm>>) dst(%arg9 : memref<32xi32, #tpu.memory_space<vmem>>)
    %dma_wait3A_86 = arith.constant 0 : i32
    %dma_wait3A_87 = tpu.memref_slice %arg4[%dma_wait3A_86] : memref<327680xi32, #tpu.memory_space<hbm>> -> memref<32xi32, #tpu.memory_space<hbm>>
    %dma_wait3A_88 = arith.constant 0 : i32
    %dma_wait3A_89 = tpu.memref_slice %arg4[%dma_wait3A_88] : memref<327680xi32, #tpu.memory_space<hbm>> -> memref<32xi32, #tpu.memory_space<hbm>>
    tpu.wait_dma2 semaphore(%arg34 : memref<!tpu.dma_semaphore, #tpu.memory_space<semaphore_mem>>) src(%dma_wait3A_89 : memref<32xi32, #tpu.memory_space<hbm>>) dst(%arg17 : memref<32xi32, #tpu.memory_space<vmem>>)
    %dma_start3A_90 = arith.constant 0 : i32
    %dma_start3A_91 = arith.constant 0 : i32
    %dma_start3A_92 = tpu.memref_slice %arg2[%dma_start3A_90, %dma_start3A_91] : memref<10000x128xf32, #tpu.memory_space<hbm>> -> memref<10000x128xf32, #tpu.memory_space<hbm>>
    tpu.enqueue_indirect_dma source(%dma_start3A_92 : memref<10000x128xf32, #tpu.memory_space<hbm>>) target(%arg25 : memref<32x128xf32, #tpu.memory_space<vmem>>) offsets(%arg9 : memref<32xi32, #tpu.memory_space<vmem>>) semaphore(%arg42 : memref<!tpu.dma_semaphore, #tpu.memory_space<semaphore_mem>>)
    %dma_wait3A_93 = arith.constant 0 : i32
    %dma_wait3A_94 = tpu.memref_slice %arg3[%dma_wait3A_93] : memref<327680xi32, #tpu.memory_space<hbm>> -> memref<32xi32, #tpu.memory_space<hbm>>
    %dma_wait3A_95 = arith.constant 0 : i32
    %dma_wait3A_96 = tpu.memref_slice %arg3[%dma_wait3A_95] : memref<327680xi32, #tpu.memory_space<hbm>> -> memref<32xi32, #tpu.memory_space<hbm>>
    tpu.wait_dma2 semaphore(%arg35 : memref<!tpu.dma_semaphore, #tpu.memory_space<semaphore_mem>>) src(%dma_wait3A_96 : memref<32xi32, #tpu.memory_space<hbm>>) dst(%arg10 : memref<32xi32, #tpu.memory_space<vmem>>)
    %dma_wait3A_97 = arith.constant 0 : i32
    %dma_wait3A_98 = tpu.memref_slice %arg4[%dma_wait3A_97] : memref<327680xi32, #tpu.memory_space<hbm>> -> memref<32xi32, #tpu.memory_space<hbm>>
    %dma_wait3A_99 = arith.constant 0 : i32
    %dma_wait3A_100 = tpu.memref_slice %arg4[%dma_wait3A_99] : memref<327680xi32, #tpu.memory_space<hbm>> -> memref<32xi32, #tpu.memory_space<hbm>>
    tpu.wait_dma2 semaphore(%arg35 : memref<!tpu.dma_semaphore, #tpu.memory_space<semaphore_mem>>) src(%dma_wait3A_100 : memref<32xi32, #tpu.memory_space<hbm>>) dst(%arg18 : memref<32xi32, #tpu.memory_space<vmem>>)
    %dma_start3A_101 = arith.constant 0 : i32
    %dma_start3A_102 = arith.constant 0 : i32
    %dma_start3A_103 = tpu.memref_slice %arg2[%dma_start3A_101, %dma_start3A_102] : memref<10000x128xf32, #tpu.memory_space<hbm>> -> memref<10000x128xf32, #tpu.memory_space<hbm>>
    tpu.enqueue_indirect_dma source(%dma_start3A_103 : memref<10000x128xf32, #tpu.memory_space<hbm>>) target(%arg26 : memref<32x128xf32, #tpu.memory_space<vmem>>) offsets(%arg10 : memref<32xi32, #tpu.memory_space<vmem>>) semaphore(%arg43 : memref<!tpu.dma_semaphore, #tpu.memory_space<semaphore_mem>>)
    %dma_wait3A_104 = arith.constant 0 : i32
    %dma_wait3A_105 = tpu.memref_slice %arg3[%dma_wait3A_104] : memref<327680xi32, #tpu.memory_space<hbm>> -> memref<32xi32, #tpu.memory_space<hbm>>
    %dma_wait3A_106 = arith.constant 0 : i32
    %dma_wait3A_107 = tpu.memref_slice %arg3[%dma_wait3A_106] : memref<327680xi32, #tpu.memory_space<hbm>> -> memref<32xi32, #tpu.memory_space<hbm>>
    tpu.wait_dma2 semaphore(%arg36 : memref<!tpu.dma_semaphore, #tpu.memory_space<semaphore_mem>>) src(%dma_wait3A_107 : memref<32xi32, #tpu.memory_space<hbm>>) dst(%arg11 : memref<32xi32, #tpu.memory_space<vmem>>)
    %dma_wait3A_108 = arith.constant 0 : i32
    %dma_wait3A_109 = tpu.memref_slice %arg4[%dma_wait3A_108] : memref<327680xi32, #tpu.memory_space<hbm>> -> memref<32xi32, #tpu.memory_space<hbm>>
    %dma_wait3A_110 = arith.constant 0 : i32
    %dma_wait3A_111 = tpu.memref_slice %arg4[%dma_wait3A_110] : memref<327680xi32, #tpu.memory_space<hbm>> -> memref<32xi32, #tpu.memory_space<hbm>>
    tpu.wait_dma2 semaphore(%arg36 : memref<!tpu.dma_semaphore, #tpu.memory_space<semaphore_mem>>) src(%dma_wait3A_111 : memref<32xi32, #tpu.memory_space<hbm>>) dst(%arg19 : memref<32xi32, #tpu.memory_space<vmem>>)
    %dma_start3A_112 = arith.constant 0 : i32
    %dma_start3A_113 = arith.constant 0 : i32
    %dma_start3A_114 = tpu.memref_slice %arg2[%dma_start3A_112, %dma_start3A_113] : memref<10000x128xf32, #tpu.memory_space<hbm>> -> memref<10000x128xf32, #tpu.memory_space<hbm>>
    tpu.enqueue_indirect_dma source(%dma_start3A_114 : memref<10000x128xf32, #tpu.memory_space<hbm>>) target(%arg27 : memref<32x128xf32, #tpu.memory_space<vmem>>) offsets(%arg11 : memref<32xi32, #tpu.memory_space<vmem>>) semaphore(%arg44 : memref<!tpu.dma_semaphore, #tpu.memory_space<semaphore_mem>>)
    %dma_wait3A_115 = arith.constant 0 : i32
    %dma_wait3A_116 = tpu.memref_slice %arg3[%dma_wait3A_115] : memref<327680xi32, #tpu.memory_space<hbm>> -> memref<32xi32, #tpu.memory_space<hbm>>
    %dma_wait3A_117 = arith.constant 0 : i32
    %dma_wait3A_118 = tpu.memref_slice %arg3[%dma_wait3A_117] : memref<327680xi32, #tpu.memory_space<hbm>> -> memref<32xi32, #tpu.memory_space<hbm>>
    tpu.wait_dma2 semaphore(%arg37 : memref<!tpu.dma_semaphore, #tpu.memory_space<semaphore_mem>>) src(%dma_wait3A_118 : memref<32xi32, #tpu.memory_space<hbm>>) dst(%arg12 : memref<32xi32, #tpu.memory_space<vmem>>)
    %dma_wait3A_119 = arith.constant 0 : i32
    %dma_wait3A_120 = tpu.memref_slice %arg4[%dma_wait3A_119] : memref<327680xi32, #tpu.memory_space<hbm>> -> memref<32xi32, #tpu.memory_space<hbm>>
    %dma_wait3A_121 = arith.constant 0 : i32
    %dma_wait3A_122 = tpu.memref_slice %arg4[%dma_wait3A_121] : memref<327680xi32, #tpu.memory_space<hbm>> -> memref<32xi32, #tpu.memory_space<hbm>>
    tpu.wait_dma2 semaphore(%arg37 : memref<!tpu.dma_semaphore, #tpu.memory_space<semaphore_mem>>) src(%dma_wait3A_122 : memref<32xi32, #tpu.memory_space<hbm>>) dst(%arg20 : memref<32xi32, #tpu.memory_space<vmem>>)
    %dma_start3A_123 = arith.constant 0 : i32
    %dma_start3A_124 = arith.constant 0 : i32
    %dma_start3A_125 = tpu.memref_slice %arg2[%dma_start3A_123, %dma_start3A_124] : memref<10000x128xf32, #tpu.memory_space<hbm>> -> memref<10000x128xf32, #tpu.memory_space<hbm>>
    tpu.enqueue_indirect_dma source(%dma_start3A_125 : memref<10000x128xf32, #tpu.memory_space<hbm>>) target(%arg28 : memref<32x128xf32, #tpu.memory_space<vmem>>) offsets(%arg12 : memref<32xi32, #tpu.memory_space<vmem>>) semaphore(%arg45 : memref<!tpu.dma_semaphore, #tpu.memory_space<semaphore_mem>>)
    %dma_wait3A_126 = arith.constant 0 : i32
    %dma_wait3A_127 = tpu.memref_slice %arg3[%dma_wait3A_126] : memref<327680xi32, #tpu.memory_space<hbm>> -> memref<32xi32, #tpu.memory_space<hbm>>
    %dma_wait3A_128 = arith.constant 0 : i32
    %dma_wait3A_129 = tpu.memref_slice %arg3[%dma_wait3A_128] : memref<327680xi32, #tpu.memory_space<hbm>> -> memref<32xi32, #tpu.memory_space<hbm>>
    tpu.wait_dma2 semaphore(%arg38 : memref<!tpu.dma_semaphore, #tpu.memory_space<semaphore_mem>>) src(%dma_wait3A_129 : memref<32xi32, #tpu.memory_space<hbm>>) dst(%arg13 : memref<32xi32, #tpu.memory_space<vmem>>)
    %dma_wait3A_130 = arith.constant 0 : i32
    %dma_wait3A_131 = tpu.memref_slice %arg4[%dma_wait3A_130] : memref<327680xi32, #tpu.memory_space<hbm>> -> memref<32xi32, #tpu.memory_space<hbm>>
    %dma_wait3A_132 = arith.constant 0 : i32
    %dma_wait3A_133 = tpu.memref_slice %arg4[%dma_wait3A_132] : memref<327680xi32, #tpu.memory_space<hbm>> -> memref<32xi32, #tpu.memory_space<hbm>>
    tpu.wait_dma2 semaphore(%arg38 : memref<!tpu.dma_semaphore, #tpu.memory_space<semaphore_mem>>) src(%dma_wait3A_133 : memref<32xi32, #tpu.memory_space<hbm>>) dst(%arg21 : memref<32xi32, #tpu.memory_space<vmem>>)
    %dma_start3A_134 = arith.constant 0 : i32
    %dma_start3A_135 = arith.constant 0 : i32
    %dma_start3A_136 = tpu.memref_slice %arg2[%dma_start3A_134, %dma_start3A_135] : memref<10000x128xf32, #tpu.memory_space<hbm>> -> memref<10000x128xf32, #tpu.memory_space<hbm>>
    tpu.enqueue_indirect_dma source(%dma_start3A_136 : memref<10000x128xf32, #tpu.memory_space<hbm>>) target(%arg29 : memref<32x128xf32, #tpu.memory_space<vmem>>) offsets(%arg13 : memref<32xi32, #tpu.memory_space<vmem>>) semaphore(%arg46 : memref<!tpu.dma_semaphore, #tpu.memory_space<semaphore_mem>>)
    %dma_wait3A_137 = arith.constant 0 : i32
    %dma_wait3A_138 = tpu.memref_slice %arg3[%dma_wait3A_137] : memref<327680xi32, #tpu.memory_space<hbm>> -> memref<32xi32, #tpu.memory_space<hbm>>
    %dma_wait3A_139 = arith.constant 0 : i32
    %dma_wait3A_140 = tpu.memref_slice %arg3[%dma_wait3A_139] : memref<327680xi32, #tpu.memory_space<hbm>> -> memref<32xi32, #tpu.memory_space<hbm>>
    tpu.wait_dma2 semaphore(%arg39 : memref<!tpu.dma_semaphore, #tpu.memory_space<semaphore_mem>>) src(%dma_wait3A_140 : memref<32xi32, #tpu.memory_space<hbm>>) dst(%arg14 : memref<32xi32, #tpu.memory_space<vmem>>)
    %dma_wait3A_141 = arith.constant 0 : i32
    %dma_wait3A_142 = tpu.memref_slice %arg4[%dma_wait3A_141] : memref<327680xi32, #tpu.memory_space<hbm>> -> memref<32xi32, #tpu.memory_space<hbm>>
    %dma_wait3A_143 = arith.constant 0 : i32
    %dma_wait3A_144 = tpu.memref_slice %arg4[%dma_wait3A_143] : memref<327680xi32, #tpu.memory_space<hbm>> -> memref<32xi32, #tpu.memory_space<hbm>>
    tpu.wait_dma2 semaphore(%arg39 : memref<!tpu.dma_semaphore, #tpu.memory_space<semaphore_mem>>) src(%dma_wait3A_144 : memref<32xi32, #tpu.memory_space<hbm>>) dst(%arg22 : memref<32xi32, #tpu.memory_space<vmem>>)
    %dma_start3A_145 = arith.constant 0 : i32
    %dma_start3A_146 = arith.constant 0 : i32
    %dma_start3A_147 = tpu.memref_slice %arg2[%dma_start3A_145, %dma_start3A_146] : memref<10000x128xf32, #tpu.memory_space<hbm>> -> memref<10000x128xf32, #tpu.memory_space<hbm>>
    tpu.enqueue_indirect_dma source(%dma_start3A_147 : memref<10000x128xf32, #tpu.memory_space<hbm>>) target(%arg30 : memref<32x128xf32, #tpu.memory_space<vmem>>) offsets(%arg14 : memref<32xi32, #tpu.memory_space<vmem>>) semaphore(%arg47 : memref<!tpu.dma_semaphore, #tpu.memory_space<semaphore_mem>>)
    %sub3A = arith.constant 1 : i32
    %sub3A_148 = arith.subi %select_n3A_9, %sub3A : i32
    %while3A = arith.constant 0 : i32
    %while3A_149 = arith.constant 0 : i32
    %while3A_150 = arith.subi %sub3A_148, %while3A_149 : i32
    %while3A_151 = arith.addi %while3A_149, %while3A_150 : i32
    %while3A_152 = arith.constant 1 : i32
    %while3A_153 = arith.divsi %while3A_150, %while3A_152 : i32
    %while3A_154 = arith.muli %while3A_153, %while3A_152 : i32
    %while3A_155 = arith.addi %while3A_149, %while3A_154 : i32
    %while3A_156 = arith.constant 1 : i32
    scf.for %while3A_251 = %while3A_149 to %while3A_155 step %while3A_156  : i32 {
      %dma_wait3A_252 = arith.constant 0 : i32
      %dma_wait3A_253 = arith.constant 0 : i32
      %dma_wait3A_254 = tpu.memref_slice %arg2[%dma_wait3A_252, %dma_wait3A_253] : memref<10000x128xf32, #tpu.memory_space<hbm>> -> memref<10000x128xf32, #tpu.memory_space<hbm>>
      tpu.wait_indirect_dma semaphore(%arg40 : memref<!tpu.dma_semaphore, #tpu.memory_space<semaphore_mem>>) src(%dma_wait3A_254 : memref<10000x128xf32, #tpu.memory_space<hbm>>) dst(%arg23 : memref<32x128xf32, #tpu.memory_space<vmem>>)
      %dma_start3A_255 = arith.constant 0 : i32
      %dma_start3A_256 = arith.constant 0 : i32
      %dma_start3A_257 = tpu.memref_slice %arg31[%dma_start3A_255, %dma_start3A_256] : memref<10240x128xf32, #tpu.memory_space<vmem_shared>> -> memref<10240x128xf32, #tpu.memory_space<vmem_shared>>
      tpu.enqueue_indirect_dma source(%arg23 : memref<32x128xf32, #tpu.memory_space<vmem>>) target(%dma_start3A_257 : memref<10240x128xf32, #tpu.memory_space<vmem_shared>>) offsets(%arg15 : memref<32xi32, #tpu.memory_space<vmem>>) semaphore(%arg48 : memref<!tpu.dma_semaphore, #tpu.memory_space<semaphore_mem>>) {add = true}
      %dma_wait3A_258 = arith.constant 0 : i32
      %dma_wait3A_259 = arith.constant 0 : i32
      %dma_wait3A_260 = tpu.memref_slice %arg2[%dma_wait3A_258, %dma_wait3A_259] : memref<10000x128xf32, #tpu.memory_space<hbm>> -> memref<10000x128xf32, #tpu.memory_space<hbm>>
      tpu.wait_indirect_dma semaphore(%arg41 : memref<!tpu.dma_semaphore, #tpu.memory_space<semaphore_mem>>) src(%dma_wait3A_260 : memref<10000x128xf32, #tpu.memory_space<hbm>>) dst(%arg24 : memref<32x128xf32, #tpu.memory_space<vmem>>)
      %dma_start3A_261 = arith.constant 0 : i32
      %dma_start3A_262 = arith.constant 0 : i32
      %dma_start3A_263 = tpu.memref_slice %arg31[%dma_start3A_261, %dma_start3A_262] : memref<10240x128xf32, #tpu.memory_space<vmem_shared>> -> memref<10240x128xf32, #tpu.memory_space<vmem_shared>>
      tpu.enqueue_indirect_dma source(%arg24 : memref<32x128xf32, #tpu.memory_space<vmem>>) target(%dma_start3A_263 : memref<10240x128xf32, #tpu.memory_space<vmem_shared>>) offsets(%arg16 : memref<32xi32, #tpu.memory_space<vmem>>) semaphore(%arg49 : memref<!tpu.dma_semaphore, #tpu.memory_space<semaphore_mem>>) {add = true}
      %dma_wait3A_264 = arith.constant 0 : i32
      %dma_wait3A_265 = arith.constant 0 : i32
      %dma_wait3A_266 = tpu.memref_slice %arg2[%dma_wait3A_264, %dma_wait3A_265] : memref<10000x128xf32, #tpu.memory_space<hbm>> -> memref<10000x128xf32, #tpu.memory_space<hbm>>
      tpu.wait_indirect_dma semaphore(%arg42 : memref<!tpu.dma_semaphore, #tpu.memory_space<semaphore_mem>>) src(%dma_wait3A_266 : memref<10000x128xf32, #tpu.memory_space<hbm>>) dst(%arg25 : memref<32x128xf32, #tpu.memory_space<vmem>>)
      %dma_start3A_267 = arith.constant 0 : i32
      %dma_start3A_268 = arith.constant 0 : i32
      %dma_start3A_269 = tpu.memref_slice %arg31[%dma_start3A_267, %dma_start3A_268] : memref<10240x128xf32, #tpu.memory_space<vmem_shared>> -> memref<10240x128xf32, #tpu.memory_space<vmem_shared>>
      tpu.enqueue_indirect_dma source(%arg25 : memref<32x128xf32, #tpu.memory_space<vmem>>) target(%dma_start3A_269 : memref<10240x128xf32, #tpu.memory_space<vmem_shared>>) offsets(%arg17 : memref<32xi32, #tpu.memory_space<vmem>>) semaphore(%arg50 : memref<!tpu.dma_semaphore, #tpu.memory_space<semaphore_mem>>) {add = true}
      %dma_wait3A_270 = arith.constant 0 : i32
      %dma_wait3A_271 = arith.constant 0 : i32
      %dma_wait3A_272 = tpu.memref_slice %arg2[%dma_wait3A_270, %dma_wait3A_271] : memref<10000x128xf32, #tpu.memory_space<hbm>> -> memref<10000x128xf32, #tpu.memory_space<hbm>>
      tpu.wait_indirect_dma semaphore(%arg43 : memref<!tpu.dma_semaphore, #tpu.memory_space<semaphore_mem>>) src(%dma_wait3A_272 : memref<10000x128xf32, #tpu.memory_space<hbm>>) dst(%arg26 : memref<32x128xf32, #tpu.memory_space<vmem>>)
      %dma_start3A_273 = arith.constant 0 : i32
      %dma_start3A_274 = arith.constant 0 : i32
      %dma_start3A_275 = tpu.memref_slice %arg31[%dma_start3A_273, %dma_start3A_274] : memref<10240x128xf32, #tpu.memory_space<vmem_shared>> -> memref<10240x128xf32, #tpu.memory_space<vmem_shared>>
      tpu.enqueue_indirect_dma source(%arg26 : memref<32x128xf32, #tpu.memory_space<vmem>>) target(%dma_start3A_275 : memref<10240x128xf32, #tpu.memory_space<vmem_shared>>) offsets(%arg18 : memref<32xi32, #tpu.memory_space<vmem>>) semaphore(%arg51 : memref<!tpu.dma_semaphore, #tpu.memory_space<semaphore_mem>>) {add = true}
      %dma_wait3A_276 = arith.constant 0 : i32
      %dma_wait3A_277 = arith.constant 0 : i32
      %dma_wait3A_278 = tpu.memref_slice %arg2[%dma_wait3A_276, %dma_wait3A_277] : memref<10000x128xf32, #tpu.memory_space<hbm>> -> memref<10000x128xf32, #tpu.memory_space<hbm>>
      tpu.wait_indirect_dma semaphore(%arg44 : memref<!tpu.dma_semaphore, #tpu.memory_space<semaphore_mem>>) src(%dma_wait3A_278 : memref<10000x128xf32, #tpu.memory_space<hbm>>) dst(%arg27 : memref<32x128xf32, #tpu.memory_space<vmem>>)
      %dma_start3A_279 = arith.constant 0 : i32
      %dma_start3A_280 = arith.constant 0 : i32
      %dma_start3A_281 = tpu.memref_slice %arg31[%dma_start3A_279, %dma_start3A_280] : memref<10240x128xf32, #tpu.memory_space<vmem_shared>> -> memref<10240x128xf32, #tpu.memory_space<vmem_shared>>
      tpu.enqueue_indirect_dma source(%arg27 : memref<32x128xf32, #tpu.memory_space<vmem>>) target(%dma_start3A_281 : memref<10240x128xf32, #tpu.memory_space<vmem_shared>>) offsets(%arg19 : memref<32xi32, #tpu.memory_space<vmem>>) semaphore(%arg52 : memref<!tpu.dma_semaphore, #tpu.memory_space<semaphore_mem>>) {add = true}
      %dma_wait3A_282 = arith.constant 0 : i32
      %dma_wait3A_283 = arith.constant 0 : i32
      %dma_wait3A_284 = tpu.memref_slice %arg2[%dma_wait3A_282, %dma_wait3A_283] : memref<10000x128xf32, #tpu.memory_space<hbm>> -> memref<10000x128xf32, #tpu.memory_space<hbm>>
      tpu.wait_indirect_dma semaphore(%arg45 : memref<!tpu.dma_semaphore, #tpu.memory_space<semaphore_mem>>) src(%dma_wait3A_284 : memref<10000x128xf32, #tpu.memory_space<hbm>>) dst(%arg28 : memref<32x128xf32, #tpu.memory_space<vmem>>)
      %dma_start3A_285 = arith.constant 0 : i32
      %dma_start3A_286 = arith.constant 0 : i32
      %dma_start3A_287 = tpu.memref_slice %arg31[%dma_start3A_285, %dma_start3A_286] : memref<10240x128xf32, #tpu.memory_space<vmem_shared>> -> memref<10240x128xf32, #tpu.memory_space<vmem_shared>>
      tpu.enqueue_indirect_dma source(%arg28 : memref<32x128xf32, #tpu.memory_space<vmem>>) target(%dma_start3A_287 : memref<10240x128xf32, #tpu.memory_space<vmem_shared>>) offsets(%arg20 : memref<32xi32, #tpu.memory_space<vmem>>) semaphore(%arg53 : memref<!tpu.dma_semaphore, #tpu.memory_space<semaphore_mem>>) {add = true}
      %dma_wait3A_288 = arith.constant 0 : i32
      %dma_wait3A_289 = arith.constant 0 : i32
      %dma_wait3A_290 = tpu.memref_slice %arg2[%dma_wait3A_288, %dma_wait3A_289] : memref<10000x128xf32, #tpu.memory_space<hbm>> -> memref<10000x128xf32, #tpu.memory_space<hbm>>
      tpu.wait_indirect_dma semaphore(%arg46 : memref<!tpu.dma_semaphore, #tpu.memory_space<semaphore_mem>>) src(%dma_wait3A_290 : memref<10000x128xf32, #tpu.memory_space<hbm>>) dst(%arg29 : memref<32x128xf32, #tpu.memory_space<vmem>>)
      %dma_start3A_291 = arith.constant 0 : i32
      %dma_start3A_292 = arith.constant 0 : i32
      %dma_start3A_293 = tpu.memref_slice %arg31[%dma_start3A_291, %dma_start3A_292] : memref<10240x128xf32, #tpu.memory_space<vmem_shared>> -> memref<10240x128xf32, #tpu.memory_space<vmem_shared>>
      tpu.enqueue_indirect_dma source(%arg29 : memref<32x128xf32, #tpu.memory_space<vmem>>) target(%dma_start3A_293 : memref<10240x128xf32, #tpu.memory_space<vmem_shared>>) offsets(%arg21 : memref<32xi32, #tpu.memory_space<vmem>>) semaphore(%arg54 : memref<!tpu.dma_semaphore, #tpu.memory_space<semaphore_mem>>) {add = true}
      %dma_wait3A_294 = arith.constant 0 : i32
      %dma_wait3A_295 = arith.constant 0 : i32
      %dma_wait3A_296 = tpu.memref_slice %arg2[%dma_wait3A_294, %dma_wait3A_295] : memref<10000x128xf32, #tpu.memory_space<hbm>> -> memref<10000x128xf32, #tpu.memory_space<hbm>>
      tpu.wait_indirect_dma semaphore(%arg47 : memref<!tpu.dma_semaphore, #tpu.memory_space<semaphore_mem>>) src(%dma_wait3A_296 : memref<10000x128xf32, #tpu.memory_space<hbm>>) dst(%arg30 : memref<32x128xf32, #tpu.memory_space<vmem>>)
      %dma_start3A_297 = arith.constant 0 : i32
      %dma_start3A_298 = arith.constant 0 : i32
      %dma_start3A_299 = tpu.memref_slice %arg31[%dma_start3A_297, %dma_start3A_298] : memref<10240x128xf32, #tpu.memory_space<vmem_shared>> -> memref<10240x128xf32, #tpu.memory_space<vmem_shared>>
      tpu.enqueue_indirect_dma source(%arg30 : memref<32x128xf32, #tpu.memory_space<vmem>>) target(%dma_start3A_299 : memref<10240x128xf32, #tpu.memory_space<vmem_shared>>) offsets(%arg22 : memref<32xi32, #tpu.memory_space<vmem>>) semaphore(%arg55 : memref<!tpu.dma_semaphore, #tpu.memory_space<semaphore_mem>>) {add = true}
      %dma_wait3A_300 = arith.constant 0 : i32
      %dma_wait3A_301 = arith.constant 0 : i32
      %dma_wait3A_302 = tpu.memref_slice %arg31[%dma_wait3A_300, %dma_wait3A_301] : memref<10240x128xf32, #tpu.memory_space<vmem_shared>> -> memref<10240x128xf32, #tpu.memory_space<vmem_shared>>
      tpu.wait_indirect_dma semaphore(%arg48 : memref<!tpu.dma_semaphore, #tpu.memory_space<semaphore_mem>>) src(%arg23 : memref<32x128xf32, #tpu.memory_space<vmem>>) dst(%dma_wait3A_302 : memref<10240x128xf32, #tpu.memory_space<vmem_shared>>)
      %add3A_303 = arith.constant 1 : i32
      %add3A_304 = arith.addi %while3A_251, %add3A_303 : i32
      %mul3A_305 = arith.constant 8 : i32
      %mul3A_306 = arith.muli %mul3A_305, %add3A_304 : i32
      %add3A_307 = arith.constant 0 : i32
      %add3A_308 = arith.addi %mul3A_306, %add3A_307 : i32
      %mul3A_309 = arith.constant 32 : i32
      %mul3A_310 = arith.muli %add3A_308, %mul3A_309 : i32
      %add3A_311 = arith.addi %add3A_13, %mul3A_310 : i32
      %dma_start3A_312 = tpu.memref_slice %arg3[%add3A_311] : memref<327680xi32, #tpu.memory_space<hbm>> -> memref<32xi32, #tpu.memory_space<hbm>>
      %dma_start3A_313 = tpu.memref_slice %arg3[%add3A_311] : memref<327680xi32, #tpu.memory_space<hbm>> -> memref<32xi32, #tpu.memory_space<hbm>>
      tpu.enqueue_dma source(%dma_start3A_313 : memref<32xi32, #tpu.memory_space<hbm>>) target(%arg7 : memref<32xi32, #tpu.memory_space<vmem>>) target_semaphore(%arg32 : memref<!tpu.dma_semaphore, #tpu.memory_space<semaphore_mem>>)
      %dma_start3A_314 = tpu.memref_slice %arg4[%add3A_311] : memref<327680xi32, #tpu.memory_space<hbm>> -> memref<32xi32, #tpu.memory_space<hbm>>
      %dma_start3A_315 = tpu.memref_slice %arg4[%add3A_311] : memref<327680xi32, #tpu.memory_space<hbm>> -> memref<32xi32, #tpu.memory_space<hbm>>
      tpu.enqueue_dma source(%dma_start3A_315 : memref<32xi32, #tpu.memory_space<hbm>>) target(%arg15 : memref<32xi32, #tpu.memory_space<vmem>>) target_semaphore(%arg32 : memref<!tpu.dma_semaphore, #tpu.memory_space<semaphore_mem>>)
      %dma_wait3A_316 = arith.constant 0 : i32
      %dma_wait3A_317 = arith.constant 0 : i32
      %dma_wait3A_318 = tpu.memref_slice %arg31[%dma_wait3A_316, %dma_wait3A_317] : memref<10240x128xf32, #tpu.memory_space<vmem_shared>> -> memref<10240x128xf32, #tpu.memory_space<vmem_shared>>
      tpu.wait_indirect_dma semaphore(%arg49 : memref<!tpu.dma_semaphore, #tpu.memory_space<semaphore_mem>>) src(%arg24 : memref<32x128xf32, #tpu.memory_space<vmem>>) dst(%dma_wait3A_318 : memref<10240x128xf32, #tpu.memory_space<vmem_shared>>)
      %add3A_319 = arith.constant 1 : i32
      %add3A_320 = arith.addi %while3A_251, %add3A_319 : i32
      %mul3A_321 = arith.constant 8 : i32
      %mul3A_322 = arith.muli %mul3A_321, %add3A_320 : i32
      %add3A_323 = arith.constant 1 : i32
      %add3A_324 = arith.addi %mul3A_322, %add3A_323 : i32
      %mul3A_325 = arith.constant 32 : i32
      %mul3A_326 = arith.muli %add3A_324, %mul3A_325 : i32
      %add3A_327 = arith.addi %add3A_13, %mul3A_326 : i32
      %dma_start3A_328 = tpu.memref_slice %arg3[%add3A_327] : memref<327680xi32, #tpu.memory_space<hbm>> -> memref<32xi32, #tpu.memory_space<hbm>>
      %dma_start3A_329 = tpu.memref_slice %arg3[%add3A_327] : memref<327680xi32, #tpu.memory_space<hbm>> -> memref<32xi32, #tpu.memory_space<hbm>>
      tpu.enqueue_dma source(%dma_start3A_329 : memref<32xi32, #tpu.memory_space<hbm>>) target(%arg8 : memref<32xi32, #tpu.memory_space<vmem>>) target_semaphore(%arg33 : memref<!tpu.dma_semaphore, #tpu.memory_space<semaphore_mem>>)
      %dma_start3A_330 = tpu.memref_slice %arg4[%add3A_327] : memref<327680xi32, #tpu.memory_space<hbm>> -> memref<32xi32, #tpu.memory_space<hbm>>
      %dma_start3A_331 = tpu.memref_slice %arg4[%add3A_327] : memref<327680xi32, #tpu.memory_space<hbm>> -> memref<32xi32, #tpu.memory_space<hbm>>
      tpu.enqueue_dma source(%dma_start3A_331 : memref<32xi32, #tpu.memory_space<hbm>>) target(%arg16 : memref<32xi32, #tpu.memory_space<vmem>>) target_semaphore(%arg33 : memref<!tpu.dma_semaphore, #tpu.memory_space<semaphore_mem>>)
      %dma_wait3A_332 = arith.constant 0 : i32
      %dma_wait3A_333 = arith.constant 0 : i32
      %dma_wait3A_334 = tpu.memref_slice %arg31[%dma_wait3A_332, %dma_wait3A_333] : memref<10240x128xf32, #tpu.memory_space<vmem_shared>> -> memref<10240x128xf32, #tpu.memory_space<vmem_shared>>
      tpu.wait_indirect_dma semaphore(%arg50 : memref<!tpu.dma_semaphore, #tpu.memory_space<semaphore_mem>>) src(%arg25 : memref<32x128xf32, #tpu.memory_space<vmem>>) dst(%dma_wait3A_334 : memref<10240x128xf32, #tpu.memory_space<vmem_shared>>)
      %add3A_335 = arith.constant 1 : i32
      %add3A_336 = arith.addi %while3A_251, %add3A_335 : i32
      %mul3A_337 = arith.constant 8 : i32
      %mul3A_338 = arith.muli %mul3A_337, %add3A_336 : i32
      %add3A_339 = arith.constant 2 : i32
      %add3A_340 = arith.addi %mul3A_338, %add3A_339 : i32
      %mul3A_341 = arith.constant 32 : i32
      %mul3A_342 = arith.muli %add3A_340, %mul3A_341 : i32
      %add3A_343 = arith.addi %add3A_13, %mul3A_342 : i32
      %dma_start3A_344 = tpu.memref_slice %arg3[%add3A_343] : memref<327680xi32, #tpu.memory_space<hbm>> -> memref<32xi32, #tpu.memory_space<hbm>>
      %dma_start3A_345 = tpu.memref_slice %arg3[%add3A_343] : memref<327680xi32, #tpu.memory_space<hbm>> -> memref<32xi32, #tpu.memory_space<hbm>>
      tpu.enqueue_dma source(%dma_start3A_345 : memref<32xi32, #tpu.memory_space<hbm>>) target(%arg9 : memref<32xi32, #tpu.memory_space<vmem>>) target_semaphore(%arg34 : memref<!tpu.dma_semaphore, #tpu.memory_space<semaphore_mem>>)
      %dma_start3A_346 = tpu.memref_slice %arg4[%add3A_343] : memref<327680xi32, #tpu.memory_space<hbm>> -> memref<32xi32, #tpu.memory_space<hbm>>
      %dma_start3A_347 = tpu.memref_slice %arg4[%add3A_343] : memref<327680xi32, #tpu.memory_space<hbm>> -> memref<32xi32, #tpu.memory_space<hbm>>
      tpu.enqueue_dma source(%dma_start3A_347 : memref<32xi32, #tpu.memory_space<hbm>>) target(%arg17 : memref<32xi32, #tpu.memory_space<vmem>>) target_semaphore(%arg34 : memref<!tpu.dma_semaphore, #tpu.memory_space<semaphore_mem>>)
      %dma_wait3A_348 = arith.constant 0 : i32
      %dma_wait3A_349 = arith.constant 0 : i32
      %dma_wait3A_350 = tpu.memref_slice %arg31[%dma_wait3A_348, %dma_wait3A_349] : memref<10240x128xf32, #tpu.memory_space<vmem_shared>> -> memref<10240x128xf32, #tpu.memory_space<vmem_shared>>
      tpu.wait_indirect_dma semaphore(%arg51 : memref<!tpu.dma_semaphore, #tpu.memory_space<semaphore_mem>>) src(%arg26 : memref<32x128xf32, #tpu.memory_space<vmem>>) dst(%dma_wait3A_350 : memref<10240x128xf32, #tpu.memory_space<vmem_shared>>)
      %add3A_351 = arith.constant 1 : i32
      %add3A_352 = arith.addi %while3A_251, %add3A_351 : i32
      %mul3A_353 = arith.constant 8 : i32
      %mul3A_354 = arith.muli %mul3A_353, %add3A_352 : i32
      %add3A_355 = arith.constant 3 : i32
      %add3A_356 = arith.addi %mul3A_354, %add3A_355 : i32
      %mul3A_357 = arith.constant 32 : i32
      %mul3A_358 = arith.muli %add3A_356, %mul3A_357 : i32
      %add3A_359 = arith.addi %add3A_13, %mul3A_358 : i32
      %dma_start3A_360 = tpu.memref_slice %arg3[%add3A_359] : memref<327680xi32, #tpu.memory_space<hbm>> -> memref<32xi32, #tpu.memory_space<hbm>>
      %dma_start3A_361 = tpu.memref_slice %arg3[%add3A_359] : memref<327680xi32, #tpu.memory_space<hbm>> -> memref<32xi32, #tpu.memory_space<hbm>>
      tpu.enqueue_dma source(%dma_start3A_361 : memref<32xi32, #tpu.memory_space<hbm>>) target(%arg10 : memref<32xi32, #tpu.memory_space<vmem>>) target_semaphore(%arg35 : memref<!tpu.dma_semaphore, #tpu.memory_space<semaphore_mem>>)
      %dma_start3A_362 = tpu.memref_slice %arg4[%add3A_359] : memref<327680xi32, #tpu.memory_space<hbm>> -> memref<32xi32, #tpu.memory_space<hbm>>
      %dma_start3A_363 = tpu.memref_slice %arg4[%add3A_359] : memref<327680xi32, #tpu.memory_space<hbm>> -> memref<32xi32, #tpu.memory_space<hbm>>
      tpu.enqueue_dma source(%dma_start3A_363 : memref<32xi32, #tpu.memory_space<hbm>>) target(%arg18 : memref<32xi32, #tpu.memory_space<vmem>>) target_semaphore(%arg35 : memref<!tpu.dma_semaphore, #tpu.memory_space<semaphore_mem>>)
      %dma_wait3A_364 = arith.constant 0 : i32
      %dma_wait3A_365 = arith.constant 0 : i32
      %dma_wait3A_366 = tpu.memref_slice %arg31[%dma_wait3A_364, %dma_wait3A_365] : memref<10240x128xf32, #tpu.memory_space<vmem_shared>> -> memref<10240x128xf32, #tpu.memory_space<vmem_shared>>
      tpu.wait_indirect_dma semaphore(%arg52 : memref<!tpu.dma_semaphore, #tpu.memory_space<semaphore_mem>>) src(%arg27 : memref<32x128xf32, #tpu.memory_space<vmem>>) dst(%dma_wait3A_366 : memref<10240x128xf32, #tpu.memory_space<vmem_shared>>)
      %add3A_367 = arith.constant 1 : i32
      %add3A_368 = arith.addi %while3A_251, %add3A_367 : i32
      %mul3A_369 = arith.constant 8 : i32
      %mul3A_370 = arith.muli %mul3A_369, %add3A_368 : i32
      %add3A_371 = arith.constant 4 : i32
      %add3A_372 = arith.addi %mul3A_370, %add3A_371 : i32
      %mul3A_373 = arith.constant 32 : i32
      %mul3A_374 = arith.muli %add3A_372, %mul3A_373 : i32
      %add3A_375 = arith.addi %add3A_13, %mul3A_374 : i32
      %dma_start3A_376 = tpu.memref_slice %arg3[%add3A_375] : memref<327680xi32, #tpu.memory_space<hbm>> -> memref<32xi32, #tpu.memory_space<hbm>>
      %dma_start3A_377 = tpu.memref_slice %arg3[%add3A_375] : memref<327680xi32, #tpu.memory_space<hbm>> -> memref<32xi32, #tpu.memory_space<hbm>>
      tpu.enqueue_dma source(%dma_start3A_377 : memref<32xi32, #tpu.memory_space<hbm>>) target(%arg11 : memref<32xi32, #tpu.memory_space<vmem>>) target_semaphore(%arg36 : memref<!tpu.dma_semaphore, #tpu.memory_space<semaphore_mem>>)
      %dma_start3A_378 = tpu.memref_slice %arg4[%add3A_375] : memref<327680xi32, #tpu.memory_space<hbm>> -> memref<32xi32, #tpu.memory_space<hbm>>
      %dma_start3A_379 = tpu.memref_slice %arg4[%add3A_375] : memref<327680xi32, #tpu.memory_space<hbm>> -> memref<32xi32, #tpu.memory_space<hbm>>
      tpu.enqueue_dma source(%dma_start3A_379 : memref<32xi32, #tpu.memory_space<hbm>>) target(%arg19 : memref<32xi32, #tpu.memory_space<vmem>>) target_semaphore(%arg36 : memref<!tpu.dma_semaphore, #tpu.memory_space<semaphore_mem>>)
      %dma_wait3A_380 = arith.constant 0 : i32
      %dma_wait3A_381 = arith.constant 0 : i32
      %dma_wait3A_382 = tpu.memref_slice %arg31[%dma_wait3A_380, %dma_wait3A_381] : memref<10240x128xf32, #tpu.memory_space<vmem_shared>> -> memref<10240x128xf32, #tpu.memory_space<vmem_shared>>
      tpu.wait_indirect_dma semaphore(%arg53 : memref<!tpu.dma_semaphore, #tpu.memory_space<semaphore_mem>>) src(%arg28 : memref<32x128xf32, #tpu.memory_space<vmem>>) dst(%dma_wait3A_382 : memref<10240x128xf32, #tpu.memory_space<vmem_shared>>)
      %add3A_383 = arith.constant 1 : i32
      %add3A_384 = arith.addi %while3A_251, %add3A_383 : i32
      %mul3A_385 = arith.constant 8 : i32
      %mul3A_386 = arith.muli %mul3A_385, %add3A_384 : i32
      %add3A_387 = arith.constant 5 : i32
      %add3A_388 = arith.addi %mul3A_386, %add3A_387 : i32
      %mul3A_389 = arith.constant 32 : i32
      %mul3A_390 = arith.muli %add3A_388, %mul3A_389 : i32
      %add3A_391 = arith.addi %add3A_13, %mul3A_390 : i32
      %dma_start3A_392 = tpu.memref_slice %arg3[%add3A_391] : memref<327680xi32, #tpu.memory_space<hbm>> -> memref<32xi32, #tpu.memory_space<hbm>>
      %dma_start3A_393 = tpu.memref_slice %arg3[%add3A_391] : memref<327680xi32, #tpu.memory_space<hbm>> -> memref<32xi32, #tpu.memory_space<hbm>>
      tpu.enqueue_dma source(%dma_start3A_393 : memref<32xi32, #tpu.memory_space<hbm>>) target(%arg12 : memref<32xi32, #tpu.memory_space<vmem>>) target_semaphore(%arg37 : memref<!tpu.dma_semaphore, #tpu.memory_space<semaphore_mem>>)
      %dma_start3A_394 = tpu.memref_slice %arg4[%add3A_391] : memref<327680xi32, #tpu.memory_space<hbm>> -> memref<32xi32, #tpu.memory_space<hbm>>
      %dma_start3A_395 = tpu.memref_slice %arg4[%add3A_391] : memref<327680xi32, #tpu.memory_space<hbm>> -> memref<32xi32, #tpu.memory_space<hbm>>
      tpu.enqueue_dma source(%dma_start3A_395 : memref<32xi32, #tpu.memory_space<hbm>>) target(%arg20 : memref<32xi32, #tpu.memory_space<vmem>>) target_semaphore(%arg37 : memref<!tpu.dma_semaphore, #tpu.memory_space<semaphore_mem>>)
      %dma_wait3A_396 = arith.constant 0 : i32
      %dma_wait3A_397 = arith.constant 0 : i32
      %dma_wait3A_398 = tpu.memref_slice %arg31[%dma_wait3A_396, %dma_wait3A_397] : memref<10240x128xf32, #tpu.memory_space<vmem_shared>> -> memref<10240x128xf32, #tpu.memory_space<vmem_shared>>
      tpu.wait_indirect_dma semaphore(%arg54 : memref<!tpu.dma_semaphore, #tpu.memory_space<semaphore_mem>>) src(%arg29 : memref<32x128xf32, #tpu.memory_space<vmem>>) dst(%dma_wait3A_398 : memref<10240x128xf32, #tpu.memory_space<vmem_shared>>)
      %add3A_399 = arith.constant 1 : i32
      %add3A_400 = arith.addi %while3A_251, %add3A_399 : i32
      %mul3A_401 = arith.constant 8 : i32
      %mul3A_402 = arith.muli %mul3A_401, %add3A_400 : i32
      %add3A_403 = arith.constant 6 : i32
      %add3A_404 = arith.addi %mul3A_402, %add3A_403 : i32
      %mul3A_405 = arith.constant 32 : i32
      %mul3A_406 = arith.muli %add3A_404, %mul3A_405 : i32
      %add3A_407 = arith.addi %add3A_13, %mul3A_406 : i32
      %dma_start3A_408 = tpu.memref_slice %arg3[%add3A_407] : memref<327680xi32, #tpu.memory_space<hbm>> -> memref<32xi32, #tpu.memory_space<hbm>>
      %dma_start3A_409 = tpu.memref_slice %arg3[%add3A_407] : memref<327680xi32, #tpu.memory_space<hbm>> -> memref<32xi32, #tpu.memory_space<hbm>>
      tpu.enqueue_dma source(%dma_start3A_409 : memref<32xi32, #tpu.memory_space<hbm>>) target(%arg13 : memref<32xi32, #tpu.memory_space<vmem>>) target_semaphore(%arg38 : memref<!tpu.dma_semaphore, #tpu.memory_space<semaphore_mem>>)
      %dma_start3A_410 = tpu.memref_slice %arg4[%add3A_407] : memref<327680xi32, #tpu.memory_space<hbm>> -> memref<32xi32, #tpu.memory_space<hbm>>
      %dma_start3A_411 = tpu.memref_slice %arg4[%add3A_407] : memref<327680xi32, #tpu.memory_space<hbm>> -> memref<32xi32, #tpu.memory_space<hbm>>
      tpu.enqueue_dma source(%dma_start3A_411 : memref<32xi32, #tpu.memory_space<hbm>>) target(%arg21 : memref<32xi32, #tpu.memory_space<vmem>>) target_semaphore(%arg38 : memref<!tpu.dma_semaphore, #tpu.memory_space<semaphore_mem>>)
      %dma_wait3A_412 = arith.constant 0 : i32
      %dma_wait3A_413 = arith.constant 0 : i32
      %dma_wait3A_414 = tpu.memref_slice %arg31[%dma_wait3A_412, %dma_wait3A_413] : memref<10240x128xf32, #tpu.memory_space<vmem_shared>> -> memref<10240x128xf32, #tpu.memory_space<vmem_shared>>
      tpu.wait_indirect_dma semaphore(%arg55 : memref<!tpu.dma_semaphore, #tpu.memory_space<semaphore_mem>>) src(%arg30 : memref<32x128xf32, #tpu.memory_space<vmem>>) dst(%dma_wait3A_414 : memref<10240x128xf32, #tpu.memory_space<vmem_shared>>)
      %add3A_415 = arith.constant 1 : i32
      %add3A_416 = arith.addi %while3A_251, %add3A_415 : i32
      %mul3A_417 = arith.constant 8 : i32
      %mul3A_418 = arith.muli %mul3A_417, %add3A_416 : i32
      %add3A_419 = arith.constant 7 : i32
      %add3A_420 = arith.addi %mul3A_418, %add3A_419 : i32
      %mul3A_421 = arith.constant 32 : i32
      %mul3A_422 = arith.muli %add3A_420, %mul3A_421 : i32
      %add3A_423 = arith.addi %add3A_13, %mul3A_422 : i32
      %dma_start3A_424 = tpu.memref_slice %arg3[%add3A_423] : memref<327680xi32, #tpu.memory_space<hbm>> -> memref<32xi32, #tpu.memory_space<hbm>>
      %dma_start3A_425 = tpu.memref_slice %arg3[%add3A_423] : memref<327680xi32, #tpu.memory_space<hbm>> -> memref<32xi32, #tpu.memory_space<hbm>>
      tpu.enqueue_dma source(%dma_start3A_425 : memref<32xi32, #tpu.memory_space<hbm>>) target(%arg14 : memref<32xi32, #tpu.memory_space<vmem>>) target_semaphore(%arg39 : memref<!tpu.dma_semaphore, #tpu.memory_space<semaphore_mem>>)
      %dma_start3A_426 = tpu.memref_slice %arg4[%add3A_423] : memref<327680xi32, #tpu.memory_space<hbm>> -> memref<32xi32, #tpu.memory_space<hbm>>
      %dma_start3A_427 = tpu.memref_slice %arg4[%add3A_423] : memref<327680xi32, #tpu.memory_space<hbm>> -> memref<32xi32, #tpu.memory_space<hbm>>
      tpu.enqueue_dma source(%dma_start3A_427 : memref<32xi32, #tpu.memory_space<hbm>>) target(%arg22 : memref<32xi32, #tpu.memory_space<vmem>>) target_semaphore(%arg39 : memref<!tpu.dma_semaphore, #tpu.memory_space<semaphore_mem>>)
      %dma_wait3A_428 = arith.constant 0 : i32
      %dma_wait3A_429 = tpu.memref_slice %arg3[%dma_wait3A_428] : memref<327680xi32, #tpu.memory_space<hbm>> -> memref<32xi32, #tpu.memory_space<hbm>>
      %dma_wait3A_430 = arith.constant 0 : i32
      %dma_wait3A_431 = tpu.memref_slice %arg3[%dma_wait3A_430] : memref<327680xi32, #tpu.memory_space<hbm>> -> memref<32xi32, #tpu.memory_space<hbm>>
      tpu.wait_dma2 semaphore(%arg32 : memref<!tpu.dma_semaphore, #tpu.memory_space<semaphore_mem>>) src(%dma_wait3A_431 : memref<32xi32, #tpu.memory_space<hbm>>) dst(%arg7 : memref<32xi32, #tpu.memory_space<vmem>>)
      %dma_wait3A_432 = arith.constant 0 : i32
      %dma_wait3A_433 = tpu.memref_slice %arg4[%dma_wait3A_432] : memref<327680xi32, #tpu.memory_space<hbm>> -> memref<32xi32, #tpu.memory_space<hbm>>
      %dma_wait3A_434 = arith.constant 0 : i32
      %dma_wait3A_435 = tpu.memref_slice %arg4[%dma_wait3A_434] : memref<327680xi32, #tpu.memory_space<hbm>> -> memref<32xi32, #tpu.memory_space<hbm>>
      tpu.wait_dma2 semaphore(%arg32 : memref<!tpu.dma_semaphore, #tpu.memory_space<semaphore_mem>>) src(%dma_wait3A_435 : memref<32xi32, #tpu.memory_space<hbm>>) dst(%arg15 : memref<32xi32, #tpu.memory_space<vmem>>)
      %dma_start3A_436 = arith.constant 0 : i32
      %dma_start3A_437 = arith.constant 0 : i32
      %dma_start3A_438 = tpu.memref_slice %arg2[%dma_start3A_436, %dma_start3A_437] : memref<10000x128xf32, #tpu.memory_space<hbm>> -> memref<10000x128xf32, #tpu.memory_space<hbm>>
      tpu.enqueue_indirect_dma source(%dma_start3A_438 : memref<10000x128xf32, #tpu.memory_space<hbm>>) target(%arg23 : memref<32x128xf32, #tpu.memory_space<vmem>>) offsets(%arg7 : memref<32xi32, #tpu.memory_space<vmem>>) semaphore(%arg40 : memref<!tpu.dma_semaphore, #tpu.memory_space<semaphore_mem>>)
      %dma_wait3A_439 = arith.constant 0 : i32
      %dma_wait3A_440 = tpu.memref_slice %arg3[%dma_wait3A_439] : memref<327680xi32, #tpu.memory_space<hbm>> -> memref<32xi32, #tpu.memory_space<hbm>>
      %dma_wait3A_441 = arith.constant 0 : i32
      %dma_wait3A_442 = tpu.memref_slice %arg3[%dma_wait3A_441] : memref<327680xi32, #tpu.memory_space<hbm>> -> memref<32xi32, #tpu.memory_space<hbm>>
      tpu.wait_dma2 semaphore(%arg33 : memref<!tpu.dma_semaphore, #tpu.memory_space<semaphore_mem>>) src(%dma_wait3A_442 : memref<32xi32, #tpu.memory_space<hbm>>) dst(%arg8 : memref<32xi32, #tpu.memory_space<vmem>>)
      %dma_wait3A_443 = arith.constant 0 : i32
      %dma_wait3A_444 = tpu.memref_slice %arg4[%dma_wait3A_443] : memref<327680xi32, #tpu.memory_space<hbm>> -> memref<32xi32, #tpu.memory_space<hbm>>
      %dma_wait3A_445 = arith.constant 0 : i32
      %dma_wait3A_446 = tpu.memref_slice %arg4[%dma_wait3A_445] : memref<327680xi32, #tpu.memory_space<hbm>> -> memref<32xi32, #tpu.memory_space<hbm>>
      tpu.wait_dma2 semaphore(%arg33 : memref<!tpu.dma_semaphore, #tpu.memory_space<semaphore_mem>>) src(%dma_wait3A_446 : memref<32xi32, #tpu.memory_space<hbm>>) dst(%arg16 : memref<32xi32, #tpu.memory_space<vmem>>)
      %dma_start3A_447 = arith.constant 0 : i32
      %dma_start3A_448 = arith.constant 0 : i32
      %dma_start3A_449 = tpu.memref_slice %arg2[%dma_start3A_447, %dma_start3A_448] : memref<10000x128xf32, #tpu.memory_space<hbm>> -> memref<10000x128xf32, #tpu.memory_space<hbm>>
      tpu.enqueue_indirect_dma source(%dma_start3A_449 : memref<10000x128xf32, #tpu.memory_space<hbm>>) target(%arg24 : memref<32x128xf32, #tpu.memory_space<vmem>>) offsets(%arg8 : memref<32xi32, #tpu.memory_space<vmem>>) semaphore(%arg41 : memref<!tpu.dma_semaphore, #tpu.memory_space<semaphore_mem>>)
      %dma_wait3A_450 = arith.constant 0 : i32
      %dma_wait3A_451 = tpu.memref_slice %arg3[%dma_wait3A_450] : memref<327680xi32, #tpu.memory_space<hbm>> -> memref<32xi32, #tpu.memory_space<hbm>>
      %dma_wait3A_452 = arith.constant 0 : i32
      %dma_wait3A_453 = tpu.memref_slice %arg3[%dma_wait3A_452] : memref<327680xi32, #tpu.memory_space<hbm>> -> memref<32xi32, #tpu.memory_space<hbm>>
      tpu.wait_dma2 semaphore(%arg34 : memref<!tpu.dma_semaphore, #tpu.memory_space<semaphore_mem>>) src(%dma_wait3A_453 : memref<32xi32, #tpu.memory_space<hbm>>) dst(%arg9 : memref<32xi32, #tpu.memory_space<vmem>>)
      %dma_wait3A_454 = arith.constant 0 : i32
      %dma_wait3A_455 = tpu.memref_slice %arg4[%dma_wait3A_454] : memref<327680xi32, #tpu.memory_space<hbm>> -> memref<32xi32, #tpu.memory_space<hbm>>
      %dma_wait3A_456 = arith.constant 0 : i32
      %dma_wait3A_457 = tpu.memref_slice %arg4[%dma_wait3A_456] : memref<327680xi32, #tpu.memory_space<hbm>> -> memref<32xi32, #tpu.memory_space<hbm>>
      tpu.wait_dma2 semaphore(%arg34 : memref<!tpu.dma_semaphore, #tpu.memory_space<semaphore_mem>>) src(%dma_wait3A_457 : memref<32xi32, #tpu.memory_space<hbm>>) dst(%arg17 : memref<32xi32, #tpu.memory_space<vmem>>)
      %dma_start3A_458 = arith.constant 0 : i32
      %dma_start3A_459 = arith.constant 0 : i32
      %dma_start3A_460 = tpu.memref_slice %arg2[%dma_start3A_458, %dma_start3A_459] : memref<10000x128xf32, #tpu.memory_space<hbm>> -> memref<10000x128xf32, #tpu.memory_space<hbm>>
      tpu.enqueue_indirect_dma source(%dma_start3A_460 : memref<10000x128xf32, #tpu.memory_space<hbm>>) target(%arg25 : memref<32x128xf32, #tpu.memory_space<vmem>>) offsets(%arg9 : memref<32xi32, #tpu.memory_space<vmem>>) semaphore(%arg42 : memref<!tpu.dma_semaphore, #tpu.memory_space<semaphore_mem>>)
      %dma_wait3A_461 = arith.constant 0 : i32
      %dma_wait3A_462 = tpu.memref_slice %arg3[%dma_wait3A_461] : memref<327680xi32, #tpu.memory_space<hbm>> -> memref<32xi32, #tpu.memory_space<hbm>>
      %dma_wait3A_463 = arith.constant 0 : i32
      %dma_wait3A_464 = tpu.memref_slice %arg3[%dma_wait3A_463] : memref<327680xi32, #tpu.memory_space<hbm>> -> memref<32xi32, #tpu.memory_space<hbm>>
      tpu.wait_dma2 semaphore(%arg35 : memref<!tpu.dma_semaphore, #tpu.memory_space<semaphore_mem>>) src(%dma_wait3A_464 : memref<32xi32, #tpu.memory_space<hbm>>) dst(%arg10 : memref<32xi32, #tpu.memory_space<vmem>>)
      %dma_wait3A_465 = arith.constant 0 : i32
      %dma_wait3A_466 = tpu.memref_slice %arg4[%dma_wait3A_465] : memref<327680xi32, #tpu.memory_space<hbm>> -> memref<32xi32, #tpu.memory_space<hbm>>
      %dma_wait3A_467 = arith.constant 0 : i32
      %dma_wait3A_468 = tpu.memref_slice %arg4[%dma_wait3A_467] : memref<327680xi32, #tpu.memory_space<hbm>> -> memref<32xi32, #tpu.memory_space<hbm>>
      tpu.wait_dma2 semaphore(%arg35 : memref<!tpu.dma_semaphore, #tpu.memory_space<semaphore_mem>>) src(%dma_wait3A_468 : memref<32xi32, #tpu.memory_space<hbm>>) dst(%arg18 : memref<32xi32, #tpu.memory_space<vmem>>)
      %dma_start3A_469 = arith.constant 0 : i32
      %dma_start3A_470 = arith.constant 0 : i32
      %dma_start3A_471 = tpu.memref_slice %arg2[%dma_start3A_469, %dma_start3A_470] : memref<10000x128xf32, #tpu.memory_space<hbm>> -> memref<10000x128xf32, #tpu.memory_space<hbm>>
      tpu.enqueue_indirect_dma source(%dma_start3A_471 : memref<10000x128xf32, #tpu.memory_space<hbm>>) target(%arg26 : memref<32x128xf32, #tpu.memory_space<vmem>>) offsets(%arg10 : memref<32xi32, #tpu.memory_space<vmem>>) semaphore(%arg43 : memref<!tpu.dma_semaphore, #tpu.memory_space<semaphore_mem>>)
      %dma_wait3A_472 = arith.constant 0 : i32
      %dma_wait3A_473 = tpu.memref_slice %arg3[%dma_wait3A_472] : memref<327680xi32, #tpu.memory_space<hbm>> -> memref<32xi32, #tpu.memory_space<hbm>>
      %dma_wait3A_474 = arith.constant 0 : i32
      %dma_wait3A_475 = tpu.memref_slice %arg3[%dma_wait3A_474] : memref<327680xi32, #tpu.memory_space<hbm>> -> memref<32xi32, #tpu.memory_space<hbm>>
      tpu.wait_dma2 semaphore(%arg36 : memref<!tpu.dma_semaphore, #tpu.memory_space<semaphore_mem>>) src(%dma_wait3A_475 : memref<32xi32, #tpu.memory_space<hbm>>) dst(%arg11 : memref<32xi32, #tpu.memory_space<vmem>>)
      %dma_wait3A_476 = arith.constant 0 : i32
      %dma_wait3A_477 = tpu.memref_slice %arg4[%dma_wait3A_476] : memref<327680xi32, #tpu.memory_space<hbm>> -> memref<32xi32, #tpu.memory_space<hbm>>
      %dma_wait3A_478 = arith.constant 0 : i32
      %dma_wait3A_479 = tpu.memref_slice %arg4[%dma_wait3A_478] : memref<327680xi32, #tpu.memory_space<hbm>> -> memref<32xi32, #tpu.memory_space<hbm>>
      tpu.wait_dma2 semaphore(%arg36 : memref<!tpu.dma_semaphore, #tpu.memory_space<semaphore_mem>>) src(%dma_wait3A_479 : memref<32xi32, #tpu.memory_space<hbm>>) dst(%arg19 : memref<32xi32, #tpu.memory_space<vmem>>)
      %dma_start3A_480 = arith.constant 0 : i32
      %dma_start3A_481 = arith.constant 0 : i32
      %dma_start3A_482 = tpu.memref_slice %arg2[%dma_start3A_480, %dma_start3A_481] : memref<10000x128xf32, #tpu.memory_space<hbm>> -> memref<10000x128xf32, #tpu.memory_space<hbm>>
      tpu.enqueue_indirect_dma source(%dma_start3A_482 : memref<10000x128xf32, #tpu.memory_space<hbm>>) target(%arg27 : memref<32x128xf32, #tpu.memory_space<vmem>>) offsets(%arg11 : memref<32xi32, #tpu.memory_space<vmem>>) semaphore(%arg44 : memref<!tpu.dma_semaphore, #tpu.memory_space<semaphore_mem>>)
      %dma_wait3A_483 = arith.constant 0 : i32
      %dma_wait3A_484 = tpu.memref_slice %arg3[%dma_wait3A_483] : memref<327680xi32, #tpu.memory_space<hbm>> -> memref<32xi32, #tpu.memory_space<hbm>>
      %dma_wait3A_485 = arith.constant 0 : i32
      %dma_wait3A_486 = tpu.memref_slice %arg3[%dma_wait3A_485] : memref<327680xi32, #tpu.memory_space<hbm>> -> memref<32xi32, #tpu.memory_space<hbm>>
      tpu.wait_dma2 semaphore(%arg37 : memref<!tpu.dma_semaphore, #tpu.memory_space<semaphore_mem>>) src(%dma_wait3A_486 : memref<32xi32, #tpu.memory_space<hbm>>) dst(%arg12 : memref<32xi32, #tpu.memory_space<vmem>>)
      %dma_wait3A_487 = arith.constant 0 : i32
      %dma_wait3A_488 = tpu.memref_slice %arg4[%dma_wait3A_487] : memref<327680xi32, #tpu.memory_space<hbm>> -> memref<32xi32, #tpu.memory_space<hbm>>
      %dma_wait3A_489 = arith.constant 0 : i32
      %dma_wait3A_490 = tpu.memref_slice %arg4[%dma_wait3A_489] : memref<327680xi32, #tpu.memory_space<hbm>> -> memref<32xi32, #tpu.memory_space<hbm>>
      tpu.wait_dma2 semaphore(%arg37 : memref<!tpu.dma_semaphore, #tpu.memory_space<semaphore_mem>>) src(%dma_wait3A_490 : memref<32xi32, #tpu.memory_space<hbm>>) dst(%arg20 : memref<32xi32, #tpu.memory_space<vmem>>)
      %dma_start3A_491 = arith.constant 0 : i32
      %dma_start3A_492 = arith.constant 0 : i32
      %dma_start3A_493 = tpu.memref_slice %arg2[%dma_start3A_491, %dma_start3A_492] : memref<10000x128xf32, #tpu.memory_space<hbm>> -> memref<10000x128xf32, #tpu.memory_space<hbm>>
      tpu.enqueue_indirect_dma source(%dma_start3A_493 : memref<10000x128xf32, #tpu.memory_space<hbm>>) target(%arg28 : memref<32x128xf32, #tpu.memory_space<vmem>>) offsets(%arg12 : memref<32xi32, #tpu.memory_space<vmem>>) semaphore(%arg45 : memref<!tpu.dma_semaphore, #tpu.memory_space<semaphore_mem>>)
      %dma_wait3A_494 = arith.constant 0 : i32
      %dma_wait3A_495 = tpu.memref_slice %arg3[%dma_wait3A_494] : memref<327680xi32, #tpu.memory_space<hbm>> -> memref<32xi32, #tpu.memory_space<hbm>>
      %dma_wait3A_496 = arith.constant 0 : i32
      %dma_wait3A_497 = tpu.memref_slice %arg3[%dma_wait3A_496] : memref<327680xi32, #tpu.memory_space<hbm>> -> memref<32xi32, #tpu.memory_space<hbm>>
      tpu.wait_dma2 semaphore(%arg38 : memref<!tpu.dma_semaphore, #tpu.memory_space<semaphore_mem>>) src(%dma_wait3A_497 : memref<32xi32, #tpu.memory_space<hbm>>) dst(%arg13 : memref<32xi32, #tpu.memory_space<vmem>>)
      %dma_wait3A_498 = arith.constant 0 : i32
      %dma_wait3A_499 = tpu.memref_slice %arg4[%dma_wait3A_498] : memref<327680xi32, #tpu.memory_space<hbm>> -> memref<32xi32, #tpu.memory_space<hbm>>
      %dma_wait3A_500 = arith.constant 0 : i32
      %dma_wait3A_501 = tpu.memref_slice %arg4[%dma_wait3A_500] : memref<327680xi32, #tpu.memory_space<hbm>> -> memref<32xi32, #tpu.memory_space<hbm>>
      tpu.wait_dma2 semaphore(%arg38 : memref<!tpu.dma_semaphore, #tpu.memory_space<semaphore_mem>>) src(%dma_wait3A_501 : memref<32xi32, #tpu.memory_space<hbm>>) dst(%arg21 : memref<32xi32, #tpu.memory_space<vmem>>)
      %dma_start3A_502 = arith.constant 0 : i32
      %dma_start3A_503 = arith.constant 0 : i32
      %dma_start3A_504 = tpu.memref_slice %arg2[%dma_start3A_502, %dma_start3A_503] : memref<10000x128xf32, #tpu.memory_space<hbm>> -> memref<10000x128xf32, #tpu.memory_space<hbm>>
      tpu.enqueue_indirect_dma source(%dma_start3A_504 : memref<10000x128xf32, #tpu.memory_space<hbm>>) target(%arg29 : memref<32x128xf32, #tpu.memory_space<vmem>>) offsets(%arg13 : memref<32xi32, #tpu.memory_space<vmem>>) semaphore(%arg46 : memref<!tpu.dma_semaphore, #tpu.memory_space<semaphore_mem>>)
      %dma_wait3A_505 = arith.constant 0 : i32
      %dma_wait3A_506 = tpu.memref_slice %arg3[%dma_wait3A_505] : memref<327680xi32, #tpu.memory_space<hbm>> -> memref<32xi32, #tpu.memory_space<hbm>>
      %dma_wait3A_507 = arith.constant 0 : i32
      %dma_wait3A_508 = tpu.memref_slice %arg3[%dma_wait3A_507] : memref<327680xi32, #tpu.memory_space<hbm>> -> memref<32xi32, #tpu.memory_space<hbm>>
      tpu.wait_dma2 semaphore(%arg39 : memref<!tpu.dma_semaphore, #tpu.memory_space<semaphore_mem>>) src(%dma_wait3A_508 : memref<32xi32, #tpu.memory_space<hbm>>) dst(%arg14 : memref<32xi32, #tpu.memory_space<vmem>>)
      %dma_wait3A_509 = arith.constant 0 : i32
      %dma_wait3A_510 = tpu.memref_slice %arg4[%dma_wait3A_509] : memref<327680xi32, #tpu.memory_space<hbm>> -> memref<32xi32, #tpu.memory_space<hbm>>
      %dma_wait3A_511 = arith.constant 0 : i32
      %dma_wait3A_512 = tpu.memref_slice %arg4[%dma_wait3A_511] : memref<327680xi32, #tpu.memory_space<hbm>> -> memref<32xi32, #tpu.memory_space<hbm>>
      tpu.wait_dma2 semaphore(%arg39 : memref<!tpu.dma_semaphore, #tpu.memory_space<semaphore_mem>>) src(%dma_wait3A_512 : memref<32xi32, #tpu.memory_space<hbm>>) dst(%arg22 : memref<32xi32, #tpu.memory_space<vmem>>)
      %dma_start3A_513 = arith.constant 0 : i32
      %dma_start3A_514 = arith.constant 0 : i32
      %dma_start3A_515 = tpu.memref_slice %arg2[%dma_start3A_513, %dma_start3A_514] : memref<10000x128xf32, #tpu.memory_space<hbm>> -> memref<10000x128xf32, #tpu.memory_space<hbm>>
      tpu.enqueue_indirect_dma source(%dma_start3A_515 : memref<10000x128xf32, #tpu.memory_space<hbm>>) target(%arg30 : memref<32x128xf32, #tpu.memory_space<vmem>>) offsets(%arg14 : memref<32xi32, #tpu.memory_space<vmem>>) semaphore(%arg47 : memref<!tpu.dma_semaphore, #tpu.memory_space<semaphore_mem>>)
    }
    %while3A_157 = arith.constant 1 : i32
    scf.for %while3A_251 = %while3A_155 to %while3A_151 step %while3A_157  : i32 {
      %dma_wait3A_252 = arith.constant 0 : i32
      %dma_wait3A_253 = arith.constant 0 : i32
      %dma_wait3A_254 = tpu.memref_slice %arg2[%dma_wait3A_252, %dma_wait3A_253] : memref<10000x128xf32, #tpu.memory_space<hbm>> -> memref<10000x128xf32, #tpu.memory_space<hbm>>
      tpu.wait_indirect_dma semaphore(%arg40 : memref<!tpu.dma_semaphore, #tpu.memory_space<semaphore_mem>>) src(%dma_wait3A_254 : memref<10000x128xf32, #tpu.memory_space<hbm>>) dst(%arg23 : memref<32x128xf32, #tpu.memory_space<vmem>>)
      %dma_start3A_255 = arith.constant 0 : i32
      %dma_start3A_256 = arith.constant 0 : i32
      %dma_start3A_257 = tpu.memref_slice %arg31[%dma_start3A_255, %dma_start3A_256] : memref<10240x128xf32, #tpu.memory_space<vmem_shared>> -> memref<10240x128xf32, #tpu.memory_space<vmem_shared>>
      tpu.enqueue_indirect_dma source(%arg23 : memref<32x128xf32, #tpu.memory_space<vmem>>) target(%dma_start3A_257 : memref<10240x128xf32, #tpu.memory_space<vmem_shared>>) offsets(%arg15 : memref<32xi32, #tpu.memory_space<vmem>>) semaphore(%arg48 : memref<!tpu.dma_semaphore, #tpu.memory_space<semaphore_mem>>) {add = true}
      %dma_wait3A_258 = arith.constant 0 : i32
      %dma_wait3A_259 = arith.constant 0 : i32
      %dma_wait3A_260 = tpu.memref_slice %arg2[%dma_wait3A_258, %dma_wait3A_259] : memref<10000x128xf32, #tpu.memory_space<hbm>> -> memref<10000x128xf32, #tpu.memory_space<hbm>>
      tpu.wait_indirect_dma semaphore(%arg41 : memref<!tpu.dma_semaphore, #tpu.memory_space<semaphore_mem>>) src(%dma_wait3A_260 : memref<10000x128xf32, #tpu.memory_space<hbm>>) dst(%arg24 : memref<32x128xf32, #tpu.memory_space<vmem>>)
      %dma_start3A_261 = arith.constant 0 : i32
      %dma_start3A_262 = arith.constant 0 : i32
      %dma_start3A_263 = tpu.memref_slice %arg31[%dma_start3A_261, %dma_start3A_262] : memref<10240x128xf32, #tpu.memory_space<vmem_shared>> -> memref<10240x128xf32, #tpu.memory_space<vmem_shared>>
      tpu.enqueue_indirect_dma source(%arg24 : memref<32x128xf32, #tpu.memory_space<vmem>>) target(%dma_start3A_263 : memref<10240x128xf32, #tpu.memory_space<vmem_shared>>) offsets(%arg16 : memref<32xi32, #tpu.memory_space<vmem>>) semaphore(%arg49 : memref<!tpu.dma_semaphore, #tpu.memory_space<semaphore_mem>>) {add = true}
      %dma_wait3A_264 = arith.constant 0 : i32
      %dma_wait3A_265 = arith.constant 0 : i32
      %dma_wait3A_266 = tpu.memref_slice %arg2[%dma_wait3A_264, %dma_wait3A_265] : memref<10000x128xf32, #tpu.memory_space<hbm>> -> memref<10000x128xf32, #tpu.memory_space<hbm>>
      tpu.wait_indirect_dma semaphore(%arg42 : memref<!tpu.dma_semaphore, #tpu.memory_space<semaphore_mem>>) src(%dma_wait3A_266 : memref<10000x128xf32, #tpu.memory_space<hbm>>) dst(%arg25 : memref<32x128xf32, #tpu.memory_space<vmem>>)
      %dma_start3A_267 = arith.constant 0 : i32
      %dma_start3A_268 = arith.constant 0 : i32
      %dma_start3A_269 = tpu.memref_slice %arg31[%dma_start3A_267, %dma_start3A_268] : memref<10240x128xf32, #tpu.memory_space<vmem_shared>> -> memref<10240x128xf32, #tpu.memory_space<vmem_shared>>
      tpu.enqueue_indirect_dma source(%arg25 : memref<32x128xf32, #tpu.memory_space<vmem>>) target(%dma_start3A_269 : memref<10240x128xf32, #tpu.memory_space<vmem_shared>>) offsets(%arg17 : memref<32xi32, #tpu.memory_space<vmem>>) semaphore(%arg50 : memref<!tpu.dma_semaphore, #tpu.memory_space<semaphore_mem>>) {add = true}
      %dma_wait3A_270 = arith.constant 0 : i32
      %dma_wait3A_271 = arith.constant 0 : i32
      %dma_wait3A_272 = tpu.memref_slice %arg2[%dma_wait3A_270, %dma_wait3A_271] : memref<10000x128xf32, #tpu.memory_space<hbm>> -> memref<10000x128xf32, #tpu.memory_space<hbm>>
      tpu.wait_indirect_dma semaphore(%arg43 : memref<!tpu.dma_semaphore, #tpu.memory_space<semaphore_mem>>) src(%dma_wait3A_272 : memref<10000x128xf32, #tpu.memory_space<hbm>>) dst(%arg26 : memref<32x128xf32, #tpu.memory_space<vmem>>)
      %dma_start3A_273 = arith.constant 0 : i32
      %dma_start3A_274 = arith.constant 0 : i32
      %dma_start3A_275 = tpu.memref_slice %arg31[%dma_start3A_273, %dma_start3A_274] : memref<10240x128xf32, #tpu.memory_space<vmem_shared>> -> memref<10240x128xf32, #tpu.memory_space<vmem_shared>>
      tpu.enqueue_indirect_dma source(%arg26 : memref<32x128xf32, #tpu.memory_space<vmem>>) target(%dma_start3A_275 : memref<10240x128xf32, #tpu.memory_space<vmem_shared>>) offsets(%arg18 : memref<32xi32, #tpu.memory_space<vmem>>) semaphore(%arg51 : memref<!tpu.dma_semaphore, #tpu.memory_space<semaphore_mem>>) {add = true}
      %dma_wait3A_276 = arith.constant 0 : i32
      %dma_wait3A_277 = arith.constant 0 : i32
      %dma_wait3A_278 = tpu.memref_slice %arg2[%dma_wait3A_276, %dma_wait3A_277] : memref<10000x128xf32, #tpu.memory_space<hbm>> -> memref<10000x128xf32, #tpu.memory_space<hbm>>
      tpu.wait_indirect_dma semaphore(%arg44 : memref<!tpu.dma_semaphore, #tpu.memory_space<semaphore_mem>>) src(%dma_wait3A_278 : memref<10000x128xf32, #tpu.memory_space<hbm>>) dst(%arg27 : memref<32x128xf32, #tpu.memory_space<vmem>>)
      %dma_start3A_279 = arith.constant 0 : i32
      %dma_start3A_280 = arith.constant 0 : i32
      %dma_start3A_281 = tpu.memref_slice %arg31[%dma_start3A_279, %dma_start3A_280] : memref<10240x128xf32, #tpu.memory_space<vmem_shared>> -> memref<10240x128xf32, #tpu.memory_space<vmem_shared>>
      tpu.enqueue_indirect_dma source(%arg27 : memref<32x128xf32, #tpu.memory_space<vmem>>) target(%dma_start3A_281 : memref<10240x128xf32, #tpu.memory_space<vmem_shared>>) offsets(%arg19 : memref<32xi32, #tpu.memory_space<vmem>>) semaphore(%arg52 : memref<!tpu.dma_semaphore, #tpu.memory_space<semaphore_mem>>) {add = true}
      %dma_wait3A_282 = arith.constant 0 : i32
      %dma_wait3A_283 = arith.constant 0 : i32
      %dma_wait3A_284 = tpu.memref_slice %arg2[%dma_wait3A_282, %dma_wait3A_283] : memref<10000x128xf32, #tpu.memory_space<hbm>> -> memref<10000x128xf32, #tpu.memory_space<hbm>>
      tpu.wait_indirect_dma semaphore(%arg45 : memref<!tpu.dma_semaphore, #tpu.memory_space<semaphore_mem>>) src(%dma_wait3A_284 : memref<10000x128xf32, #tpu.memory_space<hbm>>) dst(%arg28 : memref<32x128xf32, #tpu.memory_space<vmem>>)
      %dma_start3A_285 = arith.constant 0 : i32
      %dma_start3A_286 = arith.constant 0 : i32
      %dma_start3A_287 = tpu.memref_slice %arg31[%dma_start3A_285, %dma_start3A_286] : memref<10240x128xf32, #tpu.memory_space<vmem_shared>> -> memref<10240x128xf32, #tpu.memory_space<vmem_shared>>
      tpu.enqueue_indirect_dma source(%arg28 : memref<32x128xf32, #tpu.memory_space<vmem>>) target(%dma_start3A_287 : memref<10240x128xf32, #tpu.memory_space<vmem_shared>>) offsets(%arg20 : memref<32xi32, #tpu.memory_space<vmem>>) semaphore(%arg53 : memref<!tpu.dma_semaphore, #tpu.memory_space<semaphore_mem>>) {add = true}
      %dma_wait3A_288 = arith.constant 0 : i32
      %dma_wait3A_289 = arith.constant 0 : i32
      %dma_wait3A_290 = tpu.memref_slice %arg2[%dma_wait3A_288, %dma_wait3A_289] : memref<10000x128xf32, #tpu.memory_space<hbm>> -> memref<10000x128xf32, #tpu.memory_space<hbm>>
      tpu.wait_indirect_dma semaphore(%arg46 : memref<!tpu.dma_semaphore, #tpu.memory_space<semaphore_mem>>) src(%dma_wait3A_290 : memref<10000x128xf32, #tpu.memory_space<hbm>>) dst(%arg29 : memref<32x128xf32, #tpu.memory_space<vmem>>)
      %dma_start3A_291 = arith.constant 0 : i32
      %dma_start3A_292 = arith.constant 0 : i32
      %dma_start3A_293 = tpu.memref_slice %arg31[%dma_start3A_291, %dma_start3A_292] : memref<10240x128xf32, #tpu.memory_space<vmem_shared>> -> memref<10240x128xf32, #tpu.memory_space<vmem_shared>>
      tpu.enqueue_indirect_dma source(%arg29 : memref<32x128xf32, #tpu.memory_space<vmem>>) target(%dma_start3A_293 : memref<10240x128xf32, #tpu.memory_space<vmem_shared>>) offsets(%arg21 : memref<32xi32, #tpu.memory_space<vmem>>) semaphore(%arg54 : memref<!tpu.dma_semaphore, #tpu.memory_space<semaphore_mem>>) {add = true}
      %dma_wait3A_294 = arith.constant 0 : i32
      %dma_wait3A_295 = arith.constant 0 : i32
      %dma_wait3A_296 = tpu.memref_slice %arg2[%dma_wait3A_294, %dma_wait3A_295] : memref<10000x128xf32, #tpu.memory_space<hbm>> -> memref<10000x128xf32, #tpu.memory_space<hbm>>
      tpu.wait_indirect_dma semaphore(%arg47 : memref<!tpu.dma_semaphore, #tpu.memory_space<semaphore_mem>>) src(%dma_wait3A_296 : memref<10000x128xf32, #tpu.memory_space<hbm>>) dst(%arg30 : memref<32x128xf32, #tpu.memory_space<vmem>>)
      %dma_start3A_297 = arith.constant 0 : i32
      %dma_start3A_298 = arith.constant 0 : i32
      %dma_start3A_299 = tpu.memref_slice %arg31[%dma_start3A_297, %dma_start3A_298] : memref<10240x128xf32, #tpu.memory_space<vmem_shared>> -> memref<10240x128xf32, #tpu.memory_space<vmem_shared>>
      tpu.enqueue_indirect_dma source(%arg30 : memref<32x128xf32, #tpu.memory_space<vmem>>) target(%dma_start3A_299 : memref<10240x128xf32, #tpu.memory_space<vmem_shared>>) offsets(%arg22 : memref<32xi32, #tpu.memory_space<vmem>>) semaphore(%arg55 : memref<!tpu.dma_semaphore, #tpu.memory_space<semaphore_mem>>) {add = true}
      %dma_wait3A_300 = arith.constant 0 : i32
      %dma_wait3A_301 = arith.constant 0 : i32
      %dma_wait3A_302 = tpu.memref_slice %arg31[%dma_wait3A_300, %dma_wait3A_301] : memref<10240x128xf32, #tpu.memory_space<vmem_shared>> -> memref<10240x128xf32, #tpu.memory_space<vmem_shared>>
      tpu.wait_indirect_dma semaphore(%arg48 : memref<!tpu.dma_semaphore, #tpu.memory_space<semaphore_mem>>) src(%arg23 : memref<32x128xf32, #tpu.memory_space<vmem>>) dst(%dma_wait3A_302 : memref<10240x128xf32, #tpu.memory_space<vmem_shared>>)
      %add3A_303 = arith.constant 1 : i32
      %add3A_304 = arith.addi %while3A_251, %add3A_303 : i32
      %mul3A_305 = arith.constant 8 : i32
      %mul3A_306 = arith.muli %mul3A_305, %add3A_304 : i32
      %add3A_307 = arith.constant 0 : i32
      %add3A_308 = arith.addi %mul3A_306, %add3A_307 : i32
      %mul3A_309 = arith.constant 32 : i32
      %mul3A_310 = arith.muli %add3A_308, %mul3A_309 : i32
      %add3A_311 = arith.addi %add3A_13, %mul3A_310 : i32
      %dma_start3A_312 = tpu.memref_slice %arg3[%add3A_311] : memref<327680xi32, #tpu.memory_space<hbm>> -> memref<32xi32, #tpu.memory_space<hbm>>
      %dma_start3A_313 = tpu.memref_slice %arg3[%add3A_311] : memref<327680xi32, #tpu.memory_space<hbm>> -> memref<32xi32, #tpu.memory_space<hbm>>
      tpu.enqueue_dma source(%dma_start3A_313 : memref<32xi32, #tpu.memory_space<hbm>>) target(%arg7 : memref<32xi32, #tpu.memory_space<vmem>>) target_semaphore(%arg32 : memref<!tpu.dma_semaphore, #tpu.memory_space<semaphore_mem>>)
      %dma_start3A_314 = tpu.memref_slice %arg4[%add3A_311] : memref<327680xi32, #tpu.memory_space<hbm>> -> memref<32xi32, #tpu.memory_space<hbm>>
      %dma_start3A_315 = tpu.memref_slice %arg4[%add3A_311] : memref<327680xi32, #tpu.memory_space<hbm>> -> memref<32xi32, #tpu.memory_space<hbm>>
      tpu.enqueue_dma source(%dma_start3A_315 : memref<32xi32, #tpu.memory_space<hbm>>) target(%arg15 : memref<32xi32, #tpu.memory_space<vmem>>) target_semaphore(%arg32 : memref<!tpu.dma_semaphore, #tpu.memory_space<semaphore_mem>>)
      %dma_wait3A_316 = arith.constant 0 : i32
      %dma_wait3A_317 = arith.constant 0 : i32
      %dma_wait3A_318 = tpu.memref_slice %arg31[%dma_wait3A_316, %dma_wait3A_317] : memref<10240x128xf32, #tpu.memory_space<vmem_shared>> -> memref<10240x128xf32, #tpu.memory_space<vmem_shared>>
      tpu.wait_indirect_dma semaphore(%arg49 : memref<!tpu.dma_semaphore, #tpu.memory_space<semaphore_mem>>) src(%arg24 : memref<32x128xf32, #tpu.memory_space<vmem>>) dst(%dma_wait3A_318 : memref<10240x128xf32, #tpu.memory_space<vmem_shared>>)
      %add3A_319 = arith.constant 1 : i32
      %add3A_320 = arith.addi %while3A_251, %add3A_319 : i32
      %mul3A_321 = arith.constant 8 : i32
      %mul3A_322 = arith.muli %mul3A_321, %add3A_320 : i32
      %add3A_323 = arith.constant 1 : i32
      %add3A_324 = arith.addi %mul3A_322, %add3A_323 : i32
      %mul3A_325 = arith.constant 32 : i32
      %mul3A_326 = arith.muli %add3A_324, %mul3A_325 : i32
      %add3A_327 = arith.addi %add3A_13, %mul3A_326 : i32
      %dma_start3A_328 = tpu.memref_slice %arg3[%add3A_327] : memref<327680xi32, #tpu.memory_space<hbm>> -> memref<32xi32, #tpu.memory_space<hbm>>
      %dma_start3A_329 = tpu.memref_slice %arg3[%add3A_327] : memref<327680xi32, #tpu.memory_space<hbm>> -> memref<32xi32, #tpu.memory_space<hbm>>
      tpu.enqueue_dma source(%dma_start3A_329 : memref<32xi32, #tpu.memory_space<hbm>>) target(%arg8 : memref<32xi32, #tpu.memory_space<vmem>>) target_semaphore(%arg33 : memref<!tpu.dma_semaphore, #tpu.memory_space<semaphore_mem>>)
      %dma_start3A_330 = tpu.memref_slice %arg4[%add3A_327] : memref<327680xi32, #tpu.memory_space<hbm>> -> memref<32xi32, #tpu.memory_space<hbm>>
      %dma_start3A_331 = tpu.memref_slice %arg4[%add3A_327] : memref<327680xi32, #tpu.memory_space<hbm>> -> memref<32xi32, #tpu.memory_space<hbm>>
      tpu.enqueue_dma source(%dma_start3A_331 : memref<32xi32, #tpu.memory_space<hbm>>) target(%arg16 : memref<32xi32, #tpu.memory_space<vmem>>) target_semaphore(%arg33 : memref<!tpu.dma_semaphore, #tpu.memory_space<semaphore_mem>>)
      %dma_wait3A_332 = arith.constant 0 : i32
      %dma_wait3A_333 = arith.constant 0 : i32
      %dma_wait3A_334 = tpu.memref_slice %arg31[%dma_wait3A_332, %dma_wait3A_333] : memref<10240x128xf32, #tpu.memory_space<vmem_shared>> -> memref<10240x128xf32, #tpu.memory_space<vmem_shared>>
      tpu.wait_indirect_dma semaphore(%arg50 : memref<!tpu.dma_semaphore, #tpu.memory_space<semaphore_mem>>) src(%arg25 : memref<32x128xf32, #tpu.memory_space<vmem>>) dst(%dma_wait3A_334 : memref<10240x128xf32, #tpu.memory_space<vmem_shared>>)
      %add3A_335 = arith.constant 1 : i32
      %add3A_336 = arith.addi %while3A_251, %add3A_335 : i32
      %mul3A_337 = arith.constant 8 : i32
      %mul3A_338 = arith.muli %mul3A_337, %add3A_336 : i32
      %add3A_339 = arith.constant 2 : i32
      %add3A_340 = arith.addi %mul3A_338, %add3A_339 : i32
      %mul3A_341 = arith.constant 32 : i32
      %mul3A_342 = arith.muli %add3A_340, %mul3A_341 : i32
      %add3A_343 = arith.addi %add3A_13, %mul3A_342 : i32
      %dma_start3A_344 = tpu.memref_slice %arg3[%add3A_343] : memref<327680xi32, #tpu.memory_space<hbm>> -> memref<32xi32, #tpu.memory_space<hbm>>
      %dma_start3A_345 = tpu.memref_slice %arg3[%add3A_343] : memref<327680xi32, #tpu.memory_space<hbm>> -> memref<32xi32, #tpu.memory_space<hbm>>
      tpu.enqueue_dma source(%dma_start3A_345 : memref<32xi32, #tpu.memory_space<hbm>>) target(%arg9 : memref<32xi32, #tpu.memory_space<vmem>>) target_semaphore(%arg34 : memref<!tpu.dma_semaphore, #tpu.memory_space<semaphore_mem>>)
      %dma_start3A_346 = tpu.memref_slice %arg4[%add3A_343] : memref<327680xi32, #tpu.memory_space<hbm>> -> memref<32xi32, #tpu.memory_space<hbm>>
      %dma_start3A_347 = tpu.memref_slice %arg4[%add3A_343] : memref<327680xi32, #tpu.memory_space<hbm>> -> memref<32xi32, #tpu.memory_space<hbm>>
      tpu.enqueue_dma source(%dma_start3A_347 : memref<32xi32, #tpu.memory_space<hbm>>) target(%arg17 : memref<32xi32, #tpu.memory_space<vmem>>) target_semaphore(%arg34 : memref<!tpu.dma_semaphore, #tpu.memory_space<semaphore_mem>>)
      %dma_wait3A_348 = arith.constant 0 : i32
      %dma_wait3A_349 = arith.constant 0 : i32
      %dma_wait3A_350 = tpu.memref_slice %arg31[%dma_wait3A_348, %dma_wait3A_349] : memref<10240x128xf32, #tpu.memory_space<vmem_shared>> -> memref<10240x128xf32, #tpu.memory_space<vmem_shared>>
      tpu.wait_indirect_dma semaphore(%arg51 : memref<!tpu.dma_semaphore, #tpu.memory_space<semaphore_mem>>) src(%arg26 : memref<32x128xf32, #tpu.memory_space<vmem>>) dst(%dma_wait3A_350 : memref<10240x128xf32, #tpu.memory_space<vmem_shared>>)
      %add3A_351 = arith.constant 1 : i32
      %add3A_352 = arith.addi %while3A_251, %add3A_351 : i32
      %mul3A_353 = arith.constant 8 : i32
      %mul3A_354 = arith.muli %mul3A_353, %add3A_352 : i32
      %add3A_355 = arith.constant 3 : i32
      %add3A_356 = arith.addi %mul3A_354, %add3A_355 : i32
      %mul3A_357 = arith.constant 32 : i32
      %mul3A_358 = arith.muli %add3A_356, %mul3A_357 : i32
      %add3A_359 = arith.addi %add3A_13, %mul3A_358 : i32
      %dma_start3A_360 = tpu.memref_slice %arg3[%add3A_359] : memref<327680xi32, #tpu.memory_space<hbm>> -> memref<32xi32, #tpu.memory_space<hbm>>
      %dma_start3A_361 = tpu.memref_slice %arg3[%add3A_359] : memref<327680xi32, #tpu.memory_space<hbm>> -> memref<32xi32, #tpu.memory_space<hbm>>
      tpu.enqueue_dma source(%dma_start3A_361 : memref<32xi32, #tpu.memory_space<hbm>>) target(%arg10 : memref<32xi32, #tpu.memory_space<vmem>>) target_semaphore(%arg35 : memref<!tpu.dma_semaphore, #tpu.memory_space<semaphore_mem>>)
      %dma_start3A_362 = tpu.memref_slice %arg4[%add3A_359] : memref<327680xi32, #tpu.memory_space<hbm>> -> memref<32xi32, #tpu.memory_space<hbm>>
      %dma_start3A_363 = tpu.memref_slice %arg4[%add3A_359] : memref<327680xi32, #tpu.memory_space<hbm>> -> memref<32xi32, #tpu.memory_space<hbm>>
      tpu.enqueue_dma source(%dma_start3A_363 : memref<32xi32, #tpu.memory_space<hbm>>) target(%arg18 : memref<32xi32, #tpu.memory_space<vmem>>) target_semaphore(%arg35 : memref<!tpu.dma_semaphore, #tpu.memory_space<semaphore_mem>>)
      %dma_wait3A_364 = arith.constant 0 : i32
      %dma_wait3A_365 = arith.constant 0 : i32
      %dma_wait3A_366 = tpu.memref_slice %arg31[%dma_wait3A_364, %dma_wait3A_365] : memref<10240x128xf32, #tpu.memory_space<vmem_shared>> -> memref<10240x128xf32, #tpu.memory_space<vmem_shared>>
      tpu.wait_indirect_dma semaphore(%arg52 : memref<!tpu.dma_semaphore, #tpu.memory_space<semaphore_mem>>) src(%arg27 : memref<32x128xf32, #tpu.memory_space<vmem>>) dst(%dma_wait3A_366 : memref<10240x128xf32, #tpu.memory_space<vmem_shared>>)
      %add3A_367 = arith.constant 1 : i32
      %add3A_368 = arith.addi %while3A_251, %add3A_367 : i32
      %mul3A_369 = arith.constant 8 : i32
      %mul3A_370 = arith.muli %mul3A_369, %add3A_368 : i32
      %add3A_371 = arith.constant 4 : i32
      %add3A_372 = arith.addi %mul3A_370, %add3A_371 : i32
      %mul3A_373 = arith.constant 32 : i32
      %mul3A_374 = arith.muli %add3A_372, %mul3A_373 : i32
      %add3A_375 = arith.addi %add3A_13, %mul3A_374 : i32
      %dma_start3A_376 = tpu.memref_slice %arg3[%add3A_375] : memref<327680xi32, #tpu.memory_space<hbm>> -> memref<32xi32, #tpu.memory_space<hbm>>
      %dma_start3A_377 = tpu.memref_slice %arg3[%add3A_375] : memref<327680xi32, #tpu.memory_space<hbm>> -> memref<32xi32, #tpu.memory_space<hbm>>
      tpu.enqueue_dma source(%dma_start3A_377 : memref<32xi32, #tpu.memory_space<hbm>>) target(%arg11 : memref<32xi32, #tpu.memory_space<vmem>>) target_semaphore(%arg36 : memref<!tpu.dma_semaphore, #tpu.memory_space<semaphore_mem>>)
      %dma_start3A_378 = tpu.memref_slice %arg4[%add3A_375] : memref<327680xi32, #tpu.memory_space<hbm>> -> memref<32xi32, #tpu.memory_space<hbm>>
      %dma_start3A_379 = tpu.memref_slice %arg4[%add3A_375] : memref<327680xi32, #tpu.memory_space<hbm>> -> memref<32xi32, #tpu.memory_space<hbm>>
      tpu.enqueue_dma source(%dma_start3A_379 : memref<32xi32, #tpu.memory_space<hbm>>) target(%arg19 : memref<32xi32, #tpu.memory_space<vmem>>) target_semaphore(%arg36 : memref<!tpu.dma_semaphore, #tpu.memory_space<semaphore_mem>>)
      %dma_wait3A_380 = arith.constant 0 : i32
      %dma_wait3A_381 = arith.constant 0 : i32
      %dma_wait3A_382 = tpu.memref_slice %arg31[%dma_wait3A_380, %dma_wait3A_381] : memref<10240x128xf32, #tpu.memory_space<vmem_shared>> -> memref<10240x128xf32, #tpu.memory_space<vmem_shared>>
      tpu.wait_indirect_dma semaphore(%arg53 : memref<!tpu.dma_semaphore, #tpu.memory_space<semaphore_mem>>) src(%arg28 : memref<32x128xf32, #tpu.memory_space<vmem>>) dst(%dma_wait3A_382 : memref<10240x128xf32, #tpu.memory_space<vmem_shared>>)
      %add3A_383 = arith.constant 1 : i32
      %add3A_384 = arith.addi %while3A_251, %add3A_383 : i32
      %mul3A_385 = arith.constant 8 : i32
      %mul3A_386 = arith.muli %mul3A_385, %add3A_384 : i32
      %add3A_387 = arith.constant 5 : i32
      %add3A_388 = arith.addi %mul3A_386, %add3A_387 : i32
      %mul3A_389 = arith.constant 32 : i32
      %mul3A_390 = arith.muli %add3A_388, %mul3A_389 : i32
      %add3A_391 = arith.addi %add3A_13, %mul3A_390 : i32
      %dma_start3A_392 = tpu.memref_slice %arg3[%add3A_391] : memref<327680xi32, #tpu.memory_space<hbm>> -> memref<32xi32, #tpu.memory_space<hbm>>
      %dma_start3A_393 = tpu.memref_slice %arg3[%add3A_391] : memref<327680xi32, #tpu.memory_space<hbm>> -> memref<32xi32, #tpu.memory_space<hbm>>
      tpu.enqueue_dma source(%dma_start3A_393 : memref<32xi32, #tpu.memory_space<hbm>>) target(%arg12 : memref<32xi32, #tpu.memory_space<vmem>>) target_semaphore(%arg37 : memref<!tpu.dma_semaphore, #tpu.memory_space<semaphore_mem>>)
      %dma_start3A_394 = tpu.memref_slice %arg4[%add3A_391] : memref<327680xi32, #tpu.memory_space<hbm>> -> memref<32xi32, #tpu.memory_space<hbm>>
      %dma_start3A_395 = tpu.memref_slice %arg4[%add3A_391] : memref<327680xi32, #tpu.memory_space<hbm>> -> memref<32xi32, #tpu.memory_space<hbm>>
      tpu.enqueue_dma source(%dma_start3A_395 : memref<32xi32, #tpu.memory_space<hbm>>) target(%arg20 : memref<32xi32, #tpu.memory_space<vmem>>) target_semaphore(%arg37 : memref<!tpu.dma_semaphore, #tpu.memory_space<semaphore_mem>>)
      %dma_wait3A_396 = arith.constant 0 : i32
      %dma_wait3A_397 = arith.constant 0 : i32
      %dma_wait3A_398 = tpu.memref_slice %arg31[%dma_wait3A_396, %dma_wait3A_397] : memref<10240x128xf32, #tpu.memory_space<vmem_shared>> -> memref<10240x128xf32, #tpu.memory_space<vmem_shared>>
      tpu.wait_indirect_dma semaphore(%arg54 : memref<!tpu.dma_semaphore, #tpu.memory_space<semaphore_mem>>) src(%arg29 : memref<32x128xf32, #tpu.memory_space<vmem>>) dst(%dma_wait3A_398 : memref<10240x128xf32, #tpu.memory_space<vmem_shared>>)
      %add3A_399 = arith.constant 1 : i32
      %add3A_400 = arith.addi %while3A_251, %add3A_399 : i32
      %mul3A_401 = arith.constant 8 : i32
      %mul3A_402 = arith.muli %mul3A_401, %add3A_400 : i32
      %add3A_403 = arith.constant 6 : i32
      %add3A_404 = arith.addi %mul3A_402, %add3A_403 : i32
      %mul3A_405 = arith.constant 32 : i32
      %mul3A_406 = arith.muli %add3A_404, %mul3A_405 : i32
      %add3A_407 = arith.addi %add3A_13, %mul3A_406 : i32
      %dma_start3A_408 = tpu.memref_slice %arg3[%add3A_407] : memref<327680xi32, #tpu.memory_space<hbm>> -> memref<32xi32, #tpu.memory_space<hbm>>
      %dma_start3A_409 = tpu.memref_slice %arg3[%add3A_407] : memref<327680xi32, #tpu.memory_space<hbm>> -> memref<32xi32, #tpu.memory_space<hbm>>
      tpu.enqueue_dma source(%dma_start3A_409 : memref<32xi32, #tpu.memory_space<hbm>>) target(%arg13 : memref<32xi32, #tpu.memory_space<vmem>>) target_semaphore(%arg38 : memref<!tpu.dma_semaphore, #tpu.memory_space<semaphore_mem>>)
      %dma_start3A_410 = tpu.memref_slice %arg4[%add3A_407] : memref<327680xi32, #tpu.memory_space<hbm>> -> memref<32xi32, #tpu.memory_space<hbm>>
      %dma_start3A_411 = tpu.memref_slice %arg4[%add3A_407] : memref<327680xi32, #tpu.memory_space<hbm>> -> memref<32xi32, #tpu.memory_space<hbm>>
      tpu.enqueue_dma source(%dma_start3A_411 : memref<32xi32, #tpu.memory_space<hbm>>) target(%arg21 : memref<32xi32, #tpu.memory_space<vmem>>) target_semaphore(%arg38 : memref<!tpu.dma_semaphore, #tpu.memory_space<semaphore_mem>>)
      %dma_wait3A_412 = arith.constant 0 : i32
      %dma_wait3A_413 = arith.constant 0 : i32
      %dma_wait3A_414 = tpu.memref_slice %arg31[%dma_wait3A_412, %dma_wait3A_413] : memref<10240x128xf32, #tpu.memory_space<vmem_shared>> -> memref<10240x128xf32, #tpu.memory_space<vmem_shared>>
      tpu.wait_indirect_dma semaphore(%arg55 : memref<!tpu.dma_semaphore, #tpu.memory_space<semaphore_mem>>) src(%arg30 : memref<32x128xf32, #tpu.memory_space<vmem>>) dst(%dma_wait3A_414 : memref<10240x128xf32, #tpu.memory_space<vmem_shared>>)
      %add3A_415 = arith.constant 1 : i32
      %add3A_416 = arith.addi %while3A_251, %add3A_415 : i32
      %mul3A_417 = arith.constant 8 : i32
      %mul3A_418 = arith.muli %mul3A_417, %add3A_416 : i32
      %add3A_419 = arith.constant 7 : i32
      %add3A_420 = arith.addi %mul3A_418, %add3A_419 : i32
      %mul3A_421 = arith.constant 32 : i32
      %mul3A_422 = arith.muli %add3A_420, %mul3A_421 : i32
      %add3A_423 = arith.addi %add3A_13, %mul3A_422 : i32
      %dma_start3A_424 = tpu.memref_slice %arg3[%add3A_423] : memref<327680xi32, #tpu.memory_space<hbm>> -> memref<32xi32, #tpu.memory_space<hbm>>
      %dma_start3A_425 = tpu.memref_slice %arg3[%add3A_423] : memref<327680xi32, #tpu.memory_space<hbm>> -> memref<32xi32, #tpu.memory_space<hbm>>
      tpu.enqueue_dma source(%dma_start3A_425 : memref<32xi32, #tpu.memory_space<hbm>>) target(%arg14 : memref<32xi32, #tpu.memory_space<vmem>>) target_semaphore(%arg39 : memref<!tpu.dma_semaphore, #tpu.memory_space<semaphore_mem>>)
      %dma_start3A_426 = tpu.memref_slice %arg4[%add3A_423] : memref<327680xi32, #tpu.memory_space<hbm>> -> memref<32xi32, #tpu.memory_space<hbm>>
      %dma_start3A_427 = tpu.memref_slice %arg4[%add3A_423] : memref<327680xi32, #tpu.memory_space<hbm>> -> memref<32xi32, #tpu.memory_space<hbm>>
      tpu.enqueue_dma source(%dma_start3A_427 : memref<32xi32, #tpu.memory_space<hbm>>) target(%arg22 : memref<32xi32, #tpu.memory_space<vmem>>) target_semaphore(%arg39 : memref<!tpu.dma_semaphore, #tpu.memory_space<semaphore_mem>>)
      %dma_wait3A_428 = arith.constant 0 : i32
      %dma_wait3A_429 = tpu.memref_slice %arg3[%dma_wait3A_428] : memref<327680xi32, #tpu.memory_space<hbm>> -> memref<32xi32, #tpu.memory_space<hbm>>
      %dma_wait3A_430 = arith.constant 0 : i32
      %dma_wait3A_431 = tpu.memref_slice %arg3[%dma_wait3A_430] : memref<327680xi32, #tpu.memory_space<hbm>> -> memref<32xi32, #tpu.memory_space<hbm>>
      tpu.wait_dma2 semaphore(%arg32 : memref<!tpu.dma_semaphore, #tpu.memory_space<semaphore_mem>>) src(%dma_wait3A_431 : memref<32xi32, #tpu.memory_space<hbm>>) dst(%arg7 : memref<32xi32, #tpu.memory_space<vmem>>)
      %dma_wait3A_432 = arith.constant 0 : i32
      %dma_wait3A_433 = tpu.memref_slice %arg4[%dma_wait3A_432] : memref<327680xi32, #tpu.memory_space<hbm>> -> memref<32xi32, #tpu.memory_space<hbm>>
      %dma_wait3A_434 = arith.constant 0 : i32
      %dma_wait3A_435 = tpu.memref_slice %arg4[%dma_wait3A_434] : memref<327680xi32, #tpu.memory_space<hbm>> -> memref<32xi32, #tpu.memory_space<hbm>>
      tpu.wait_dma2 semaphore(%arg32 : memref<!tpu.dma_semaphore, #tpu.memory_space<semaphore_mem>>) src(%dma_wait3A_435 : memref<32xi32, #tpu.memory_space<hbm>>) dst(%arg15 : memref<32xi32, #tpu.memory_space<vmem>>)
      %dma_start3A_436 = arith.constant 0 : i32
      %dma_start3A_437 = arith.constant 0 : i32
      %dma_start3A_438 = tpu.memref_slice %arg2[%dma_start3A_436, %dma_start3A_437] : memref<10000x128xf32, #tpu.memory_space<hbm>> -> memref<10000x128xf32, #tpu.memory_space<hbm>>
      tpu.enqueue_indirect_dma source(%dma_start3A_438 : memref<10000x128xf32, #tpu.memory_space<hbm>>) target(%arg23 : memref<32x128xf32, #tpu.memory_space<vmem>>) offsets(%arg7 : memref<32xi32, #tpu.memory_space<vmem>>) semaphore(%arg40 : memref<!tpu.dma_semaphore, #tpu.memory_space<semaphore_mem>>)
      %dma_wait3A_439 = arith.constant 0 : i32
      %dma_wait3A_440 = tpu.memref_slice %arg3[%dma_wait3A_439] : memref<327680xi32, #tpu.memory_space<hbm>> -> memref<32xi32, #tpu.memory_space<hbm>>
      %dma_wait3A_441 = arith.constant 0 : i32
      %dma_wait3A_442 = tpu.memref_slice %arg3[%dma_wait3A_441] : memref<327680xi32, #tpu.memory_space<hbm>> -> memref<32xi32, #tpu.memory_space<hbm>>
      tpu.wait_dma2 semaphore(%arg33 : memref<!tpu.dma_semaphore, #tpu.memory_space<semaphore_mem>>) src(%dma_wait3A_442 : memref<32xi32, #tpu.memory_space<hbm>>) dst(%arg8 : memref<32xi32, #tpu.memory_space<vmem>>)
      %dma_wait3A_443 = arith.constant 0 : i32
      %dma_wait3A_444 = tpu.memref_slice %arg4[%dma_wait3A_443] : memref<327680xi32, #tpu.memory_space<hbm>> -> memref<32xi32, #tpu.memory_space<hbm>>
      %dma_wait3A_445 = arith.constant 0 : i32
      %dma_wait3A_446 = tpu.memref_slice %arg4[%dma_wait3A_445] : memref<327680xi32, #tpu.memory_space<hbm>> -> memref<32xi32, #tpu.memory_space<hbm>>
      tpu.wait_dma2 semaphore(%arg33 : memref<!tpu.dma_semaphore, #tpu.memory_space<semaphore_mem>>) src(%dma_wait3A_446 : memref<32xi32, #tpu.memory_space<hbm>>) dst(%arg16 : memref<32xi32, #tpu.memory_space<vmem>>)
      %dma_start3A_447 = arith.constant 0 : i32
      %dma_start3A_448 = arith.constant 0 : i32
      %dma_start3A_449 = tpu.memref_slice %arg2[%dma_start3A_447, %dma_start3A_448] : memref<10000x128xf32, #tpu.memory_space<hbm>> -> memref<10000x128xf32, #tpu.memory_space<hbm>>
      tpu.enqueue_indirect_dma source(%dma_start3A_449 : memref<10000x128xf32, #tpu.memory_space<hbm>>) target(%arg24 : memref<32x128xf32, #tpu.memory_space<vmem>>) offsets(%arg8 : memref<32xi32, #tpu.memory_space<vmem>>) semaphore(%arg41 : memref<!tpu.dma_semaphore, #tpu.memory_space<semaphore_mem>>)
      %dma_wait3A_450 = arith.constant 0 : i32
      %dma_wait3A_451 = tpu.memref_slice %arg3[%dma_wait3A_450] : memref<327680xi32, #tpu.memory_space<hbm>> -> memref<32xi32, #tpu.memory_space<hbm>>
      %dma_wait3A_452 = arith.constant 0 : i32
      %dma_wait3A_453 = tpu.memref_slice %arg3[%dma_wait3A_452] : memref<327680xi32, #tpu.memory_space<hbm>> -> memref<32xi32, #tpu.memory_space<hbm>>
      tpu.wait_dma2 semaphore(%arg34 : memref<!tpu.dma_semaphore, #tpu.memory_space<semaphore_mem>>) src(%dma_wait3A_453 : memref<32xi32, #tpu.memory_space<hbm>>) dst(%arg9 : memref<32xi32, #tpu.memory_space<vmem>>)
      %dma_wait3A_454 = arith.constant 0 : i32
      %dma_wait3A_455 = tpu.memref_slice %arg4[%dma_wait3A_454] : memref<327680xi32, #tpu.memory_space<hbm>> -> memref<32xi32, #tpu.memory_space<hbm>>
      %dma_wait3A_456 = arith.constant 0 : i32
      %dma_wait3A_457 = tpu.memref_slice %arg4[%dma_wait3A_456] : memref<327680xi32, #tpu.memory_space<hbm>> -> memref<32xi32, #tpu.memory_space<hbm>>
      tpu.wait_dma2 semaphore(%arg34 : memref<!tpu.dma_semaphore, #tpu.memory_space<semaphore_mem>>) src(%dma_wait3A_457 : memref<32xi32, #tpu.memory_space<hbm>>) dst(%arg17 : memref<32xi32, #tpu.memory_space<vmem>>)
      %dma_start3A_458 = arith.constant 0 : i32
      %dma_start3A_459 = arith.constant 0 : i32
      %dma_start3A_460 = tpu.memref_slice %arg2[%dma_start3A_458, %dma_start3A_459] : memref<10000x128xf32, #tpu.memory_space<hbm>> -> memref<10000x128xf32, #tpu.memory_space<hbm>>
      tpu.enqueue_indirect_dma source(%dma_start3A_460 : memref<10000x128xf32, #tpu.memory_space<hbm>>) target(%arg25 : memref<32x128xf32, #tpu.memory_space<vmem>>) offsets(%arg9 : memref<32xi32, #tpu.memory_space<vmem>>) semaphore(%arg42 : memref<!tpu.dma_semaphore, #tpu.memory_space<semaphore_mem>>)
      %dma_wait3A_461 = arith.constant 0 : i32
      %dma_wait3A_462 = tpu.memref_slice %arg3[%dma_wait3A_461] : memref<327680xi32, #tpu.memory_space<hbm>> -> memref<32xi32, #tpu.memory_space<hbm>>
      %dma_wait3A_463 = arith.constant 0 : i32
      %dma_wait3A_464 = tpu.memref_slice %arg3[%dma_wait3A_463] : memref<327680xi32, #tpu.memory_space<hbm>> -> memref<32xi32, #tpu.memory_space<hbm>>
      tpu.wait_dma2 semaphore(%arg35 : memref<!tpu.dma_semaphore, #tpu.memory_space<semaphore_mem>>) src(%dma_wait3A_464 : memref<32xi32, #tpu.memory_space<hbm>>) dst(%arg10 : memref<32xi32, #tpu.memory_space<vmem>>)
      %dma_wait3A_465 = arith.constant 0 : i32
      %dma_wait3A_466 = tpu.memref_slice %arg4[%dma_wait3A_465] : memref<327680xi32, #tpu.memory_space<hbm>> -> memref<32xi32, #tpu.memory_space<hbm>>
      %dma_wait3A_467 = arith.constant 0 : i32
      %dma_wait3A_468 = tpu.memref_slice %arg4[%dma_wait3A_467] : memref<327680xi32, #tpu.memory_space<hbm>> -> memref<32xi32, #tpu.memory_space<hbm>>
      tpu.wait_dma2 semaphore(%arg35 : memref<!tpu.dma_semaphore, #tpu.memory_space<semaphore_mem>>) src(%dma_wait3A_468 : memref<32xi32, #tpu.memory_space<hbm>>) dst(%arg18 : memref<32xi32, #tpu.memory_space<vmem>>)
      %dma_start3A_469 = arith.constant 0 : i32
      %dma_start3A_470 = arith.constant 0 : i32
      %dma_start3A_471 = tpu.memref_slice %arg2[%dma_start3A_469, %dma_start3A_470] : memref<10000x128xf32, #tpu.memory_space<hbm>> -> memref<10000x128xf32, #tpu.memory_space<hbm>>
      tpu.enqueue_indirect_dma source(%dma_start3A_471 : memref<10000x128xf32, #tpu.memory_space<hbm>>) target(%arg26 : memref<32x128xf32, #tpu.memory_space<vmem>>) offsets(%arg10 : memref<32xi32, #tpu.memory_space<vmem>>) semaphore(%arg43 : memref<!tpu.dma_semaphore, #tpu.memory_space<semaphore_mem>>)
      %dma_wait3A_472 = arith.constant 0 : i32
      %dma_wait3A_473 = tpu.memref_slice %arg3[%dma_wait3A_472] : memref<327680xi32, #tpu.memory_space<hbm>> -> memref<32xi32, #tpu.memory_space<hbm>>
      %dma_wait3A_474 = arith.constant 0 : i32
      %dma_wait3A_475 = tpu.memref_slice %arg3[%dma_wait3A_474] : memref<327680xi32, #tpu.memory_space<hbm>> -> memref<32xi32, #tpu.memory_space<hbm>>
      tpu.wait_dma2 semaphore(%arg36 : memref<!tpu.dma_semaphore, #tpu.memory_space<semaphore_mem>>) src(%dma_wait3A_475 : memref<32xi32, #tpu.memory_space<hbm>>) dst(%arg11 : memref<32xi32, #tpu.memory_space<vmem>>)
      %dma_wait3A_476 = arith.constant 0 : i32
      %dma_wait3A_477 = tpu.memref_slice %arg4[%dma_wait3A_476] : memref<327680xi32, #tpu.memory_space<hbm>> -> memref<32xi32, #tpu.memory_space<hbm>>
      %dma_wait3A_478 = arith.constant 0 : i32
      %dma_wait3A_479 = tpu.memref_slice %arg4[%dma_wait3A_478] : memref<327680xi32, #tpu.memory_space<hbm>> -> memref<32xi32, #tpu.memory_space<hbm>>
      tpu.wait_dma2 semaphore(%arg36 : memref<!tpu.dma_semaphore, #tpu.memory_space<semaphore_mem>>) src(%dma_wait3A_479 : memref<32xi32, #tpu.memory_space<hbm>>) dst(%arg19 : memref<32xi32, #tpu.memory_space<vmem>>)
      %dma_start3A_480 = arith.constant 0 : i32
      %dma_start3A_481 = arith.constant 0 : i32
      %dma_start3A_482 = tpu.memref_slice %arg2[%dma_start3A_480, %dma_start3A_481] : memref<10000x128xf32, #tpu.memory_space<hbm>> -> memref<10000x128xf32, #tpu.memory_space<hbm>>
      tpu.enqueue_indirect_dma source(%dma_start3A_482 : memref<10000x128xf32, #tpu.memory_space<hbm>>) target(%arg27 : memref<32x128xf32, #tpu.memory_space<vmem>>) offsets(%arg11 : memref<32xi32, #tpu.memory_space<vmem>>) semaphore(%arg44 : memref<!tpu.dma_semaphore, #tpu.memory_space<semaphore_mem>>)
      %dma_wait3A_483 = arith.constant 0 : i32
      %dma_wait3A_484 = tpu.memref_slice %arg3[%dma_wait3A_483] : memref<327680xi32, #tpu.memory_space<hbm>> -> memref<32xi32, #tpu.memory_space<hbm>>
      %dma_wait3A_485 = arith.constant 0 : i32
      %dma_wait3A_486 = tpu.memref_slice %arg3[%dma_wait3A_485] : memref<327680xi32, #tpu.memory_space<hbm>> -> memref<32xi32, #tpu.memory_space<hbm>>
      tpu.wait_dma2 semaphore(%arg37 : memref<!tpu.dma_semaphore, #tpu.memory_space<semaphore_mem>>) src(%dma_wait3A_486 : memref<32xi32, #tpu.memory_space<hbm>>) dst(%arg12 : memref<32xi32, #tpu.memory_space<vmem>>)
      %dma_wait3A_487 = arith.constant 0 : i32
      %dma_wait3A_488 = tpu.memref_slice %arg4[%dma_wait3A_487] : memref<327680xi32, #tpu.memory_space<hbm>> -> memref<32xi32, #tpu.memory_space<hbm>>
      %dma_wait3A_489 = arith.constant 0 : i32
      %dma_wait3A_490 = tpu.memref_slice %arg4[%dma_wait3A_489] : memref<327680xi32, #tpu.memory_space<hbm>> -> memref<32xi32, #tpu.memory_space<hbm>>
      tpu.wait_dma2 semaphore(%arg37 : memref<!tpu.dma_semaphore, #tpu.memory_space<semaphore_mem>>) src(%dma_wait3A_490 : memref<32xi32, #tpu.memory_space<hbm>>) dst(%arg20 : memref<32xi32, #tpu.memory_space<vmem>>)
      %dma_start3A_491 = arith.constant 0 : i32
      %dma_start3A_492 = arith.constant 0 : i32
      %dma_start3A_493 = tpu.memref_slice %arg2[%dma_start3A_491, %dma_start3A_492] : memref<10000x128xf32, #tpu.memory_space<hbm>> -> memref<10000x128xf32, #tpu.memory_space<hbm>>
      tpu.enqueue_indirect_dma source(%dma_start3A_493 : memref<10000x128xf32, #tpu.memory_space<hbm>>) target(%arg28 : memref<32x128xf32, #tpu.memory_space<vmem>>) offsets(%arg12 : memref<32xi32, #tpu.memory_space<vmem>>) semaphore(%arg45 : memref<!tpu.dma_semaphore, #tpu.memory_space<semaphore_mem>>)
      %dma_wait3A_494 = arith.constant 0 : i32
      %dma_wait3A_495 = tpu.memref_slice %arg3[%dma_wait3A_494] : memref<327680xi32, #tpu.memory_space<hbm>> -> memref<32xi32, #tpu.memory_space<hbm>>
      %dma_wait3A_496 = arith.constant 0 : i32
      %dma_wait3A_497 = tpu.memref_slice %arg3[%dma_wait3A_496] : memref<327680xi32, #tpu.memory_space<hbm>> -> memref<32xi32, #tpu.memory_space<hbm>>
      tpu.wait_dma2 semaphore(%arg38 : memref<!tpu.dma_semaphore, #tpu.memory_space<semaphore_mem>>) src(%dma_wait3A_497 : memref<32xi32, #tpu.memory_space<hbm>>) dst(%arg13 : memref<32xi32, #tpu.memory_space<vmem>>)
      %dma_wait3A_498 = arith.constant 0 : i32
      %dma_wait3A_499 = tpu.memref_slice %arg4[%dma_wait3A_498] : memref<327680xi32, #tpu.memory_space<hbm>> -> memref<32xi32, #tpu.memory_space<hbm>>
      %dma_wait3A_500 = arith.constant 0 : i32
      %dma_wait3A_501 = tpu.memref_slice %arg4[%dma_wait3A_500] : memref<327680xi32, #tpu.memory_space<hbm>> -> memref<32xi32, #tpu.memory_space<hbm>>
      tpu.wait_dma2 semaphore(%arg38 : memref<!tpu.dma_semaphore, #tpu.memory_space<semaphore_mem>>) src(%dma_wait3A_501 : memref<32xi32, #tpu.memory_space<hbm>>) dst(%arg21 : memref<32xi32, #tpu.memory_space<vmem>>)
      %dma_start3A_502 = arith.constant 0 : i32
      %dma_start3A_503 = arith.constant 0 : i32
      %dma_start3A_504 = tpu.memref_slice %arg2[%dma_start3A_502, %dma_start3A_503] : memref<10000x128xf32, #tpu.memory_space<hbm>> -> memref<10000x128xf32, #tpu.memory_space<hbm>>
      tpu.enqueue_indirect_dma source(%dma_start3A_504 : memref<10000x128xf32, #tpu.memory_space<hbm>>) target(%arg29 : memref<32x128xf32, #tpu.memory_space<vmem>>) offsets(%arg13 : memref<32xi32, #tpu.memory_space<vmem>>) semaphore(%arg46 : memref<!tpu.dma_semaphore, #tpu.memory_space<semaphore_mem>>)
      %dma_wait3A_505 = arith.constant 0 : i32
      %dma_wait3A_506 = tpu.memref_slice %arg3[%dma_wait3A_505] : memref<327680xi32, #tpu.memory_space<hbm>> -> memref<32xi32, #tpu.memory_space<hbm>>
      %dma_wait3A_507 = arith.constant 0 : i32
      %dma_wait3A_508 = tpu.memref_slice %arg3[%dma_wait3A_507] : memref<327680xi32, #tpu.memory_space<hbm>> -> memref<32xi32, #tpu.memory_space<hbm>>
      tpu.wait_dma2 semaphore(%arg39 : memref<!tpu.dma_semaphore, #tpu.memory_space<semaphore_mem>>) src(%dma_wait3A_508 : memref<32xi32, #tpu.memory_space<hbm>>) dst(%arg14 : memref<32xi32, #tpu.memory_space<vmem>>)
      %dma_wait3A_509 = arith.constant 0 : i32
      %dma_wait3A_510 = tpu.memref_slice %arg4[%dma_wait3A_509] : memref<327680xi32, #tpu.memory_space<hbm>> -> memref<32xi32, #tpu.memory_space<hbm>>
      %dma_wait3A_511 = arith.constant 0 : i32
      %dma_wait3A_512 = tpu.memref_slice %arg4[%dma_wait3A_511] : memref<327680xi32, #tpu.memory_space<hbm>> -> memref<32xi32, #tpu.memory_space<hbm>>
      tpu.wait_dma2 semaphore(%arg39 : memref<!tpu.dma_semaphore, #tpu.memory_space<semaphore_mem>>) src(%dma_wait3A_512 : memref<32xi32, #tpu.memory_space<hbm>>) dst(%arg22 : memref<32xi32, #tpu.memory_space<vmem>>)
      %dma_start3A_513 = arith.constant 0 : i32
      %dma_start3A_514 = arith.constant 0 : i32
      %dma_start3A_515 = tpu.memref_slice %arg2[%dma_start3A_513, %dma_start3A_514] : memref<10000x128xf32, #tpu.memory_space<hbm>> -> memref<10000x128xf32, #tpu.memory_space<hbm>>
      tpu.enqueue_indirect_dma source(%dma_start3A_515 : memref<10000x128xf32, #tpu.memory_space<hbm>>) target(%arg30 : memref<32x128xf32, #tpu.memory_space<vmem>>) offsets(%arg14 : memref<32xi32, #tpu.memory_space<vmem>>) semaphore(%arg47 : memref<!tpu.dma_semaphore, #tpu.memory_space<semaphore_mem>>)
    }
    %dma_wait3A_158 = arith.constant 0 : i32
    %dma_wait3A_159 = arith.constant 0 : i32
    %dma_wait3A_160 = tpu.memref_slice %arg2[%dma_wait3A_158, %dma_wait3A_159] : memref<10000x128xf32, #tpu.memory_space<hbm>> -> memref<10000x128xf32, #tpu.memory_space<hbm>>
    tpu.wait_indirect_dma semaphore(%arg40 : memref<!tpu.dma_semaphore, #tpu.memory_space<semaphore_mem>>) src(%dma_wait3A_160 : memref<10000x128xf32, #tpu.memory_space<hbm>>) dst(%arg23 : memref<32x128xf32, #tpu.memory_space<vmem>>)
    %dma_start3A_161 = arith.constant 0 : i32
    %dma_start3A_162 = arith.constant 0 : i32
    %dma_start3A_163 = tpu.memref_slice %arg31[%dma_start3A_161, %dma_start3A_162] : memref<10240x128xf32, #tpu.memory_space<vmem_shared>> -> memref<10240x128xf32, #tpu.memory_space<vmem_shared>>
    tpu.enqueue_indirect_dma source(%arg23 : memref<32x128xf32, #tpu.memory_space<vmem>>) target(%dma_start3A_163 : memref<10240x128xf32, #tpu.memory_space<vmem_shared>>) offsets(%arg15 : memref<32xi32, #tpu.memory_space<vmem>>) semaphore(%arg48 : memref<!tpu.dma_semaphore, #tpu.memory_space<semaphore_mem>>) {add = true}
    %dma_wait3A_164 = arith.constant 0 : i32
    %dma_wait3A_165 = arith.constant 0 : i32
    %dma_wait3A_166 = tpu.memref_slice %arg2[%dma_wait3A_164, %dma_wait3A_165] : memref<10000x128xf32, #tpu.memory_space<hbm>> -> memref<10000x128xf32, #tpu.memory_space<hbm>>
    tpu.wait_indirect_dma semaphore(%arg41 : memref<!tpu.dma_semaphore, #tpu.memory_space<semaphore_mem>>) src(%dma_wait3A_166 : memref<10000x128xf32, #tpu.memory_space<hbm>>) dst(%arg24 : memref<32x128xf32, #tpu.memory_space<vmem>>)
    %dma_start3A_167 = arith.constant 0 : i32
    %dma_start3A_168 = arith.constant 0 : i32
    %dma_start3A_169 = tpu.memref_slice %arg31[%dma_start3A_167, %dma_start3A_168] : memref<10240x128xf32, #tpu.memory_space<vmem_shared>> -> memref<10240x128xf32, #tpu.memory_space<vmem_shared>>
    tpu.enqueue_indirect_dma source(%arg24 : memref<32x128xf32, #tpu.memory_space<vmem>>) target(%dma_start3A_169 : memref<10240x128xf32, #tpu.memory_space<vmem_shared>>) offsets(%arg16 : memref<32xi32, #tpu.memory_space<vmem>>) semaphore(%arg49 : memref<!tpu.dma_semaphore, #tpu.memory_space<semaphore_mem>>) {add = true}
    %dma_wait3A_170 = arith.constant 0 : i32
    %dma_wait3A_171 = arith.constant 0 : i32
    %dma_wait3A_172 = tpu.memref_slice %arg2[%dma_wait3A_170, %dma_wait3A_171] : memref<10000x128xf32, #tpu.memory_space<hbm>> -> memref<10000x128xf32, #tpu.memory_space<hbm>>
    tpu.wait_indirect_dma semaphore(%arg42 : memref<!tpu.dma_semaphore, #tpu.memory_space<semaphore_mem>>) src(%dma_wait3A_172 : memref<10000x128xf32, #tpu.memory_space<hbm>>) dst(%arg25 : memref<32x128xf32, #tpu.memory_space<vmem>>)
    %dma_start3A_173 = arith.constant 0 : i32
    %dma_start3A_174 = arith.constant 0 : i32
    %dma_start3A_175 = tpu.memref_slice %arg31[%dma_start3A_173, %dma_start3A_174] : memref<10240x128xf32, #tpu.memory_space<vmem_shared>> -> memref<10240x128xf32, #tpu.memory_space<vmem_shared>>
    tpu.enqueue_indirect_dma source(%arg25 : memref<32x128xf32, #tpu.memory_space<vmem>>) target(%dma_start3A_175 : memref<10240x128xf32, #tpu.memory_space<vmem_shared>>) offsets(%arg17 : memref<32xi32, #tpu.memory_space<vmem>>) semaphore(%arg50 : memref<!tpu.dma_semaphore, #tpu.memory_space<semaphore_mem>>) {add = true}
    %dma_wait3A_176 = arith.constant 0 : i32
    %dma_wait3A_177 = arith.constant 0 : i32
    %dma_wait3A_178 = tpu.memref_slice %arg2[%dma_wait3A_176, %dma_wait3A_177] : memref<10000x128xf32, #tpu.memory_space<hbm>> -> memref<10000x128xf32, #tpu.memory_space<hbm>>
    tpu.wait_indirect_dma semaphore(%arg43 : memref<!tpu.dma_semaphore, #tpu.memory_space<semaphore_mem>>) src(%dma_wait3A_178 : memref<10000x128xf32, #tpu.memory_space<hbm>>) dst(%arg26 : memref<32x128xf32, #tpu.memory_space<vmem>>)
    %dma_start3A_179 = arith.constant 0 : i32
    %dma_start3A_180 = arith.constant 0 : i32
    %dma_start3A_181 = tpu.memref_slice %arg31[%dma_start3A_179, %dma_start3A_180] : memref<10240x128xf32, #tpu.memory_space<vmem_shared>> -> memref<10240x128xf32, #tpu.memory_space<vmem_shared>>
    tpu.enqueue_indirect_dma source(%arg26 : memref<32x128xf32, #tpu.memory_space<vmem>>) target(%dma_start3A_181 : memref<10240x128xf32, #tpu.memory_space<vmem_shared>>) offsets(%arg18 : memref<32xi32, #tpu.memory_space<vmem>>) semaphore(%arg51 : memref<!tpu.dma_semaphore, #tpu.memory_space<semaphore_mem>>) {add = true}
    %dma_wait3A_182 = arith.constant 0 : i32
    %dma_wait3A_183 = arith.constant 0 : i32
    %dma_wait3A_184 = tpu.memref_slice %arg2[%dma_wait3A_182, %dma_wait3A_183] : memref<10000x128xf32, #tpu.memory_space<hbm>> -> memref<10000x128xf32, #tpu.memory_space<hbm>>
    tpu.wait_indirect_dma semaphore(%arg44 : memref<!tpu.dma_semaphore, #tpu.memory_space<semaphore_mem>>) src(%dma_wait3A_184 : memref<10000x128xf32, #tpu.memory_space<hbm>>) dst(%arg27 : memref<32x128xf32, #tpu.memory_space<vmem>>)
    %dma_start3A_185 = arith.constant 0 : i32
    %dma_start3A_186 = arith.constant 0 : i32
    %dma_start3A_187 = tpu.memref_slice %arg31[%dma_start3A_185, %dma_start3A_186] : memref<10240x128xf32, #tpu.memory_space<vmem_shared>> -> memref<10240x128xf32, #tpu.memory_space<vmem_shared>>
    tpu.enqueue_indirect_dma source(%arg27 : memref<32x128xf32, #tpu.memory_space<vmem>>) target(%dma_start3A_187 : memref<10240x128xf32, #tpu.memory_space<vmem_shared>>) offsets(%arg19 : memref<32xi32, #tpu.memory_space<vmem>>) semaphore(%arg52 : memref<!tpu.dma_semaphore, #tpu.memory_space<semaphore_mem>>) {add = true}
    %dma_wait3A_188 = arith.constant 0 : i32
    %dma_wait3A_189 = arith.constant 0 : i32
    %dma_wait3A_190 = tpu.memref_slice %arg2[%dma_wait3A_188, %dma_wait3A_189] : memref<10000x128xf32, #tpu.memory_space<hbm>> -> memref<10000x128xf32, #tpu.memory_space<hbm>>
    tpu.wait_indirect_dma semaphore(%arg45 : memref<!tpu.dma_semaphore, #tpu.memory_space<semaphore_mem>>) src(%dma_wait3A_190 : memref<10000x128xf32, #tpu.memory_space<hbm>>) dst(%arg28 : memref<32x128xf32, #tpu.memory_space<vmem>>)
    %dma_start3A_191 = arith.constant 0 : i32
    %dma_start3A_192 = arith.constant 0 : i32
    %dma_start3A_193 = tpu.memref_slice %arg31[%dma_start3A_191, %dma_start3A_192] : memref<10240x128xf32, #tpu.memory_space<vmem_shared>> -> memref<10240x128xf32, #tpu.memory_space<vmem_shared>>
    tpu.enqueue_indirect_dma source(%arg28 : memref<32x128xf32, #tpu.memory_space<vmem>>) target(%dma_start3A_193 : memref<10240x128xf32, #tpu.memory_space<vmem_shared>>) offsets(%arg20 : memref<32xi32, #tpu.memory_space<vmem>>) semaphore(%arg53 : memref<!tpu.dma_semaphore, #tpu.memory_space<semaphore_mem>>) {add = true}
    %dma_wait3A_194 = arith.constant 0 : i32
    %dma_wait3A_195 = arith.constant 0 : i32
    %dma_wait3A_196 = tpu.memref_slice %arg2[%dma_wait3A_194, %dma_wait3A_195] : memref<10000x128xf32, #tpu.memory_space<hbm>> -> memref<10000x128xf32, #tpu.memory_space<hbm>>
    tpu.wait_indirect_dma semaphore(%arg46 : memref<!tpu.dma_semaphore, #tpu.memory_space<semaphore_mem>>) src(%dma_wait3A_196 : memref<10000x128xf32, #tpu.memory_space<hbm>>) dst(%arg29 : memref<32x128xf32, #tpu.memory_space<vmem>>)
    %dma_start3A_197 = arith.constant 0 : i32
    %dma_start3A_198 = arith.constant 0 : i32
    %dma_start3A_199 = tpu.memref_slice %arg31[%dma_start3A_197, %dma_start3A_198] : memref<10240x128xf32, #tpu.memory_space<vmem_shared>> -> memref<10240x128xf32, #tpu.memory_space<vmem_shared>>
    tpu.enqueue_indirect_dma source(%arg29 : memref<32x128xf32, #tpu.memory_space<vmem>>) target(%dma_start3A_199 : memref<10240x128xf32, #tpu.memory_space<vmem_shared>>) offsets(%arg21 : memref<32xi32, #tpu.memory_space<vmem>>) semaphore(%arg54 : memref<!tpu.dma_semaphore, #tpu.memory_space<semaphore_mem>>) {add = true}
    %dma_wait3A_200 = arith.constant 0 : i32
    %dma_wait3A_201 = arith.constant 0 : i32
    %dma_wait3A_202 = tpu.memref_slice %arg2[%dma_wait3A_200, %dma_wait3A_201] : memref<10000x128xf32, #tpu.memory_space<hbm>> -> memref<10000x128xf32, #tpu.memory_space<hbm>>
    tpu.wait_indirect_dma semaphore(%arg47 : memref<!tpu.dma_semaphore, #tpu.memory_space<semaphore_mem>>) src(%dma_wait3A_202 : memref<10000x128xf32, #tpu.memory_space<hbm>>) dst(%arg30 : memref<32x128xf32, #tpu.memory_space<vmem>>)
    %dma_start3A_203 = arith.constant 0 : i32
    %dma_start3A_204 = arith.constant 0 : i32
    %dma_start3A_205 = tpu.memref_slice %arg31[%dma_start3A_203, %dma_start3A_204] : memref<10240x128xf32, #tpu.memory_space<vmem_shared>> -> memref<10240x128xf32, #tpu.memory_space<vmem_shared>>
    tpu.enqueue_indirect_dma source(%arg30 : memref<32x128xf32, #tpu.memory_space<vmem>>) target(%dma_start3A_205 : memref<10240x128xf32, #tpu.memory_space<vmem_shared>>) offsets(%arg22 : memref<32xi32, #tpu.memory_space<vmem>>) semaphore(%arg55 : memref<!tpu.dma_semaphore, #tpu.memory_space<semaphore_mem>>) {add = true}
    %dma_wait3A_206 = arith.constant 0 : i32
    %dma_wait3A_207 = arith.constant 0 : i32
    %dma_wait3A_208 = tpu.memref_slice %arg31[%dma_wait3A_206, %dma_wait3A_207] : memref<10240x128xf32, #tpu.memory_space<vmem_shared>> -> memref<10240x128xf32, #tpu.memory_space<vmem_shared>>
    tpu.wait_indirect_dma semaphore(%arg48 : memref<!tpu.dma_semaphore, #tpu.memory_space<semaphore_mem>>) src(%arg23 : memref<32x128xf32, #tpu.memory_space<vmem>>) dst(%dma_wait3A_208 : memref<10240x128xf32, #tpu.memory_space<vmem_shared>>)
    %dma_wait3A_209 = arith.constant 0 : i32
    %dma_wait3A_210 = arith.constant 0 : i32
    %dma_wait3A_211 = tpu.memref_slice %arg31[%dma_wait3A_209, %dma_wait3A_210] : memref<10240x128xf32, #tpu.memory_space<vmem_shared>> -> memref<10240x128xf32, #tpu.memory_space<vmem_shared>>
    tpu.wait_indirect_dma semaphore(%arg49 : memref<!tpu.dma_semaphore, #tpu.memory_space<semaphore_mem>>) src(%arg24 : memref<32x128xf32, #tpu.memory_space<vmem>>) dst(%dma_wait3A_211 : memref<10240x128xf32, #tpu.memory_space<vmem_shared>>)
    %dma_wait3A_212 = arith.constant 0 : i32
    %dma_wait3A_213 = arith.constant 0 : i32
    %dma_wait3A_214 = tpu.memref_slice %arg31[%dma_wait3A_212, %dma_wait3A_213] : memref<10240x128xf32, #tpu.memory_space<vmem_shared>> -> memref<10240x128xf32, #tpu.memory_space<vmem_shared>>
    tpu.wait_indirect_dma semaphore(%arg50 : memref<!tpu.dma_semaphore, #tpu.memory_space<semaphore_mem>>) src(%arg25 : memref<32x128xf32, #tpu.memory_space<vmem>>) dst(%dma_wait3A_214 : memref<10240x128xf32, #tpu.memory_space<vmem_shared>>)
    %dma_wait3A_215 = arith.constant 0 : i32
    %dma_wait3A_216 = arith.constant 0 : i32
    %dma_wait3A_217 = tpu.memref_slice %arg31[%dma_wait3A_215, %dma_wait3A_216] : memref<10240x128xf32, #tpu.memory_space<vmem_shared>> -> memref<10240x128xf32, #tpu.memory_space<vmem_shared>>
    tpu.wait_indirect_dma semaphore(%arg51 : memref<!tpu.dma_semaphore, #tpu.memory_space<semaphore_mem>>) src(%arg26 : memref<32x128xf32, #tpu.memory_space<vmem>>) dst(%dma_wait3A_217 : memref<10240x128xf32, #tpu.memory_space<vmem_shared>>)
    %dma_wait3A_218 = arith.constant 0 : i32
    %dma_wait3A_219 = arith.constant 0 : i32
    %dma_wait3A_220 = tpu.memref_slice %arg31[%dma_wait3A_218, %dma_wait3A_219] : memref<10240x128xf32, #tpu.memory_space<vmem_shared>> -> memref<10240x128xf32, #tpu.memory_space<vmem_shared>>
    tpu.wait_indirect_dma semaphore(%arg52 : memref<!tpu.dma_semaphore, #tpu.memory_space<semaphore_mem>>) src(%arg27 : memref<32x128xf32, #tpu.memory_space<vmem>>) dst(%dma_wait3A_220 : memref<10240x128xf32, #tpu.memory_space<vmem_shared>>)
    %dma_wait3A_221 = arith.constant 0 : i32
    %dma_wait3A_222 = arith.constant 0 : i32
    %dma_wait3A_223 = tpu.memref_slice %arg31[%dma_wait3A_221, %dma_wait3A_222] : memref<10240x128xf32, #tpu.memory_space<vmem_shared>> -> memref<10240x128xf32, #tpu.memory_space<vmem_shared>>
    tpu.wait_indirect_dma semaphore(%arg53 : memref<!tpu.dma_semaphore, #tpu.memory_space<semaphore_mem>>) src(%arg28 : memref<32x128xf32, #tpu.memory_space<vmem>>) dst(%dma_wait3A_223 : memref<10240x128xf32, #tpu.memory_space<vmem_shared>>)
    %dma_wait3A_224 = arith.constant 0 : i32
    %dma_wait3A_225 = arith.constant 0 : i32
    %dma_wait3A_226 = tpu.memref_slice %arg31[%dma_wait3A_224, %dma_wait3A_225] : memref<10240x128xf32, #tpu.memory_space<vmem_shared>> -> memref<10240x128xf32, #tpu.memory_space<vmem_shared>>
    tpu.wait_indirect_dma semaphore(%arg54 : memref<!tpu.dma_semaphore, #tpu.memory_space<semaphore_mem>>) src(%arg29 : memref<32x128xf32, #tpu.memory_space<vmem>>) dst(%dma_wait3A_226 : memref<10240x128xf32, #tpu.memory_space<vmem_shared>>)
    %dma_wait3A_227 = arith.constant 0 : i32
    %dma_wait3A_228 = arith.constant 0 : i32
    %dma_wait3A_229 = tpu.memref_slice %arg31[%dma_wait3A_227, %dma_wait3A_228] : memref<10240x128xf32, #tpu.memory_space<vmem_shared>> -> memref<10240x128xf32, #tpu.memory_space<vmem_shared>>
    tpu.wait_indirect_dma semaphore(%arg55 : memref<!tpu.dma_semaphore, #tpu.memory_space<semaphore_mem>>) src(%arg30 : memref<32x128xf32, #tpu.memory_space<vmem>>) dst(%dma_wait3A_229 : memref<10240x128xf32, #tpu.memory_space<vmem_shared>>)
    %barrier3A_230 = arith.constant 0 : index
    tpu.barrier barrier_id(%barrier3A_230)
    "tpu.trace_stop"() : () -> ()
    "tpu.trace_start"() <{level = 10 : i32, message = "agg_out"}> : () -> ()
    %mul3A_231 = arith.constant 640 : i32
    %mul3A_232 = arith.muli %arg1, %mul3A_231 : i32
    %add3A_233 = arith.constant 0 : i32
    %add3A_234 = arith.addi %mul3A_232, %add3A_233 : i32
    "tpu.region"() ({
      %run_scoped3A = tpu.sem_alloc : memref<!tpu.dma_semaphore, #tpu.memory_space<semaphore_mem>>
      %dma_start3A_251 = arith.constant 0 : i32
      %dma_start3A_252 = tpu.memref_slice %arg6[%arg0, %add3A_234, %dma_start3A_251] : memref<2x10240x128xf32, #tpu.memory_space<hbm>> -> memref<1x128x128xf32, #tpu.memory_space<hbm>>
      %dma_start3A_253 = tpu.memref_squeeze %dma_start3A_252 : memref<1x128x128xf32, #tpu.memory_space<hbm>> -> memref<128x128xf32, #tpu.memory_space<hbm>>
      %dma_start3A_254 = arith.constant 0 : i32
      %dma_start3A_255 = tpu.memref_slice %arg31[%add3A_234, %dma_start3A_254] : memref<10240x128xf32, #tpu.memory_space<vmem_shared>> -> memref<128x128xf32, #tpu.memory_space<vmem_shared>>
      tpu.enqueue_dma source(%dma_start3A_255 : memref<128x128xf32, #tpu.memory_space<vmem_shared>>) target(%dma_start3A_253 : memref<128x128xf32, #tpu.memory_space<hbm>>) target_semaphore(%run_scoped3A : memref<!tpu.dma_semaphore, #tpu.memory_space<semaphore_mem>>)
      %dma_wait3A_256 = arith.constant 0 : i32
      %dma_wait3A_257 = tpu.memref_slice %arg6[%arg0, %add3A_234, %dma_wait3A_256] : memref<2x10240x128xf32, #tpu.memory_space<hbm>> -> memref<1x128x128xf32, #tpu.memory_space<hbm>>
      %dma_wait3A_258 = tpu.memref_squeeze %dma_wait3A_257 : memref<1x128x128xf32, #tpu.memory_space<hbm>> -> memref<128x128xf32, #tpu.memory_space<hbm>>
      %dma_wait3A_259 = arith.constant 0 : i32
      %dma_wait3A_260 = tpu.memref_slice %arg31[%add3A_234, %dma_wait3A_259] : memref<10240x128xf32, #tpu.memory_space<vmem_shared>> -> memref<128x128xf32, #tpu.memory_space<vmem_shared>>
      tpu.wait_dma2 semaphore(%run_scoped3A : memref<!tpu.dma_semaphore, #tpu.memory_space<semaphore_mem>>) src(%dma_wait3A_260 : memref<128x128xf32, #tpu.memory_space<vmem_shared>>) dst(%dma_wait3A_258 : memref<128x128xf32, #tpu.memory_space<hbm>>)
      tpu.yield
    }) : () -> ()
    %mul3A_235 = arith.constant 640 : i32
    %mul3A_236 = arith.muli %arg1, %mul3A_235 : i32
    %add3A_237 = arith.constant 128 : i32
    %add3A_238 = arith.addi %mul3A_236, %add3A_237 : i32
    "tpu.region"() ({
      %run_scoped3A = tpu.sem_alloc : memref<!tpu.dma_semaphore, #tpu.memory_space<semaphore_mem>>
      %dma_start3A_251 = arith.constant 0 : i32
      %dma_start3A_252 = tpu.memref_slice %arg6[%arg0, %add3A_238, %dma_start3A_251] : memref<2x10240x128xf32, #tpu.memory_space<hbm>> -> memref<1x128x128xf32, #tpu.memory_space<hbm>>
      %dma_start3A_253 = tpu.memref_squeeze %dma_start3A_252 : memref<1x128x128xf32, #tpu.memory_space<hbm>> -> memref<128x128xf32, #tpu.memory_space<hbm>>
      %dma_start3A_254 = arith.constant 0 : i32
      %dma_start3A_255 = tpu.memref_slice %arg31[%add3A_238, %dma_start3A_254] : memref<10240x128xf32, #tpu.memory_space<vmem_shared>> -> memref<128x128xf32, #tpu.memory_space<vmem_shared>>
      tpu.enqueue_dma source(%dma_start3A_255 : memref<128x128xf32, #tpu.memory_space<vmem_shared>>) target(%dma_start3A_253 : memref<128x128xf32, #tpu.memory_space<hbm>>) target_semaphore(%run_scoped3A : memref<!tpu.dma_semaphore, #tpu.memory_space<semaphore_mem>>)
      %dma_wait3A_256 = arith.constant 0 : i32
      %dma_wait3A_257 = tpu.memref_slice %arg6[%arg0, %add3A_238, %dma_wait3A_256] : memref<2x10240x128xf32, #tpu.memory_space<hbm>> -> memref<1x128x128xf32, #tpu.memory_space<hbm>>
      %dma_wait3A_258 = tpu.memref_squeeze %dma_wait3A_257 : memref<1x128x128xf32, #tpu.memory_space<hbm>> -> memref<128x128xf32, #tpu.memory_space<hbm>>
      %dma_wait3A_259 = arith.constant 0 : i32
      %dma_wait3A_260 = tpu.memref_slice %arg31[%add3A_238, %dma_wait3A_259] : memref<10240x128xf32, #tpu.memory_space<vmem_shared>> -> memref<128x128xf32, #tpu.memory_space<vmem_shared>>
      tpu.wait_dma2 semaphore(%run_scoped3A : memref<!tpu.dma_semaphore, #tpu.memory_space<semaphore_mem>>) src(%dma_wait3A_260 : memref<128x128xf32, #tpu.memory_space<vmem_shared>>) dst(%dma_wait3A_258 : memref<128x128xf32, #tpu.memory_space<hbm>>)
      tpu.yield
    }) : () -> ()
    %mul3A_239 = arith.constant 640 : i32
    %mul3A_240 = arith.muli %arg1, %mul3A_239 : i32
    %add3A_241 = arith.constant 256 : i32
    %add3A_242 = arith.addi %mul3A_240, %add3A_241 : i32
    "tpu.region"() ({
      %run_scoped3A = tpu.sem_alloc : memref<!tpu.dma_semaphore, #tpu.memory_space<semaphore_mem>>
      %dma_start3A_251 = arith.constant 0 : i32
      %dma_start3A_252 = tpu.memref_slice %arg6[%arg0, %add3A_242, %dma_start3A_251] : memref<2x10240x128xf32, #tpu.memory_space<hbm>> -> memref<1x128x128xf32, #tpu.memory_space<hbm>>
      %dma_start3A_253 = tpu.memref_squeeze %dma_start3A_252 : memref<1x128x128xf32, #tpu.memory_space<hbm>> -> memref<128x128xf32, #tpu.memory_space<hbm>>
      %dma_start3A_254 = arith.constant 0 : i32
      %dma_start3A_255 = tpu.memref_slice %arg31[%add3A_242, %dma_start3A_254] : memref<10240x128xf32, #tpu.memory_space<vmem_shared>> -> memref<128x128xf32, #tpu.memory_space<vmem_shared>>
      tpu.enqueue_dma source(%dma_start3A_255 : memref<128x128xf32, #tpu.memory_space<vmem_shared>>) target(%dma_start3A_253 : memref<128x128xf32, #tpu.memory_space<hbm>>) target_semaphore(%run_scoped3A : memref<!tpu.dma_semaphore, #tpu.memory_space<semaphore_mem>>)
      %dma_wait3A_256 = arith.constant 0 : i32
      %dma_wait3A_257 = tpu.memref_slice %arg6[%arg0, %add3A_242, %dma_wait3A_256] : memref<2x10240x128xf32, #tpu.memory_space<hbm>> -> memref<1x128x128xf32, #tpu.memory_space<hbm>>
      %dma_wait3A_258 = tpu.memref_squeeze %dma_wait3A_257 : memref<1x128x128xf32, #tpu.memory_space<hbm>> -> memref<128x128xf32, #tpu.memory_space<hbm>>
      %dma_wait3A_259 = arith.constant 0 : i32
      %dma_wait3A_260 = tpu.memref_slice %arg31[%add3A_242, %dma_wait3A_259] : memref<10240x128xf32, #tpu.memory_space<vmem_shared>> -> memref<128x128xf32, #tpu.memory_space<vmem_shared>>
      tpu.wait_dma2 semaphore(%run_scoped3A : memref<!tpu.dma_semaphore, #tpu.memory_space<semaphore_mem>>) src(%dma_wait3A_260 : memref<128x128xf32, #tpu.memory_space<vmem_shared>>) dst(%dma_wait3A_258 : memref<128x128xf32, #tpu.memory_space<hbm>>)
      tpu.yield
    }) : () -> ()
    %mul3A_243 = arith.constant 640 : i32
    %mul3A_244 = arith.muli %arg1, %mul3A_243 : i32
    %add3A_245 = arith.constant 384 : i32
    %add3A_246 = arith.addi %mul3A_244, %add3A_245 : i32
    "tpu.region"() ({
      %run_scoped3A = tpu.sem_alloc : memref<!tpu.dma_semaphore, #tpu.memory_space<semaphore_mem>>
      %dma_start3A_251 = arith.constant 0 : i32
      %dma_start3A_252 = tpu.memref_slice %arg6[%arg0, %add3A_246, %dma_start3A_251] : memref<2x10240x128xf32, #tpu.memory_space<hbm>> -> memref<1x128x128xf32, #tpu.memory_space<hbm>>
      %dma_start3A_253 = tpu.memref_squeeze %dma_start3A_252 : memref<1x128x128xf32, #tpu.memory_space<hbm>> -> memref<128x128xf32, #tpu.memory_space<hbm>>
      %dma_start3A_254 = arith.constant 0 : i32
      %dma_start3A_255 = tpu.memref_slice %arg31[%add3A_246, %dma_start3A_254] : memref<10240x128xf32, #tpu.memory_space<vmem_shared>> -> memref<128x128xf32, #tpu.memory_space<vmem_shared>>
      tpu.enqueue_dma source(%dma_start3A_255 : memref<128x128xf32, #tpu.memory_space<vmem_shared>>) target(%dma_start3A_253 : memref<128x128xf32, #tpu.memory_space<hbm>>) target_semaphore(%run_scoped3A : memref<!tpu.dma_semaphore, #tpu.memory_space<semaphore_mem>>)
      %dma_wait3A_256 = arith.constant 0 : i32
      %dma_wait3A_257 = tpu.memref_slice %arg6[%arg0, %add3A_246, %dma_wait3A_256] : memref<2x10240x128xf32, #tpu.memory_space<hbm>> -> memref<1x128x128xf32, #tpu.memory_space<hbm>>
      %dma_wait3A_258 = tpu.memref_squeeze %dma_wait3A_257 : memref<1x128x128xf32, #tpu.memory_space<hbm>> -> memref<128x128xf32, #tpu.memory_space<hbm>>
      %dma_wait3A_259 = arith.constant 0 : i32
      %dma_wait3A_260 = tpu.memref_slice %arg31[%add3A_246, %dma_wait3A_259] : memref<10240x128xf32, #tpu.memory_space<vmem_shared>> -> memref<128x128xf32, #tpu.memory_space<vmem_shared>>
      tpu.wait_dma2 semaphore(%run_scoped3A : memref<!tpu.dma_semaphore, #tpu.memory_space<semaphore_mem>>) src(%dma_wait3A_260 : memref<128x128xf32, #tpu.memory_space<vmem_shared>>) dst(%dma_wait3A_258 : memref<128x128xf32, #tpu.memory_space<hbm>>)
      tpu.yield
    }) : () -> ()
    %mul3A_247 = arith.constant 640 : i32
    %mul3A_248 = arith.muli %arg1, %mul3A_247 : i32
    %add3A_249 = arith.constant 512 : i32
    %add3A_250 = arith.addi %mul3A_248, %add3A_249 : i32
    "tpu.region"() ({
      %run_scoped3A = tpu.sem_alloc : memref<!tpu.dma_semaphore, #tpu.memory_space<semaphore_mem>>
      %dma_start3A_251 = arith.constant 0 : i32
      %dma_start3A_252 = tpu.memref_slice %arg6[%arg0, %add3A_250, %dma_start3A_251] : memref<2x10240x128xf32, #tpu.memory_space<hbm>> -> memref<1x128x128xf32, #tpu.memory_space<hbm>>
      %dma_start3A_253 = tpu.memref_squeeze %dma_start3A_252 : memref<1x128x128xf32, #tpu.memory_space<hbm>> -> memref<128x128xf32, #tpu.memory_space<hbm>>
      %dma_start3A_254 = arith.constant 0 : i32
      %dma_start3A_255 = tpu.memref_slice %arg31[%add3A_250, %dma_start3A_254] : memref<10240x128xf32, #tpu.memory_space<vmem_shared>> -> memref<128x128xf32, #tpu.memory_space<vmem_shared>>
      tpu.enqueue_dma source(%dma_start3A_255 : memref<128x128xf32, #tpu.memory_space<vmem_shared>>) target(%dma_start3A_253 : memref<128x128xf32, #tpu.memory_space<hbm>>) target_semaphore(%run_scoped3A : memref<!tpu.dma_semaphore, #tpu.memory_space<semaphore_mem>>)
      %dma_wait3A_256 = arith.constant 0 : i32
      %dma_wait3A_257 = tpu.memref_slice %arg6[%arg0, %add3A_250, %dma_wait3A_256] : memref<2x10240x128xf32, #tpu.memory_space<hbm>> -> memref<1x128x128xf32, #tpu.memory_space<hbm>>
      %dma_wait3A_258 = tpu.memref_squeeze %dma_wait3A_257 : memref<1x128x128xf32, #tpu.memory_space<hbm>> -> memref<128x128xf32, #tpu.memory_space<hbm>>
      %dma_wait3A_259 = arith.constant 0 : i32
      %dma_wait3A_260 = tpu.memref_slice %arg31[%add3A_250, %dma_wait3A_259] : memref<10240x128xf32, #tpu.memory_space<vmem_shared>> -> memref<128x128xf32, #tpu.memory_space<vmem_shared>>
      tpu.wait_dma2 semaphore(%run_scoped3A : memref<!tpu.dma_semaphore, #tpu.memory_space<semaphore_mem>>) src(%dma_wait3A_260 : memref<128x128xf32, #tpu.memory_space<vmem_shared>>) dst(%dma_wait3A_258 : memref<128x128xf32, #tpu.memory_space<hbm>>)
      tpu.yield
    }) : () -> ()
    "tpu.trace_stop"() : () -> ()
    return
  }
}

#map = affine_map<(d0, d1) -> (0, 0)>
#map1 = affine_map<(d0, d1) -> (0)>
#map2 = affine_map<(d0, d1) -> (0, 0, 0)>
module attributes {stable_mosaic.version = 14 : i64} {
  func.func @_sc_agg_body(%arg0: i32, %arg1: i32, %arg2: memref<10000x128xf32, #tpu.memory_space<hbm>>, %arg3: memref<327680xi32, #tpu.memory_space<hbm>>, %arg4: memref<327680xi32, #tpu.memory_space<hbm>>, %arg5: memref<10240x128xf32, #tpu.memory_space<hbm>>, %arg6: memref<2x10240x128xf32, #tpu.memory_space<hbm>>, %arg7: memref<32xi32, #tpu.memory_space<vmem>>, %arg8: memref<32xi32, #tpu.memory_space<vmem>>, %arg9: memref<32xi32, #tpu.memory_space<vmem>>, %arg10: memref<32xi32, #tpu.memory_space<vmem>>, %arg11: memref<32xi32, #tpu.memory_space<vmem>>, %arg12: memref<32xi32, #tpu.memory_space<vmem>>, %arg13: memref<32xi32, #tpu.memory_space<vmem>>, %arg14: memref<32xi32, #tpu.memory_space<vmem>>, %arg15: memref<32xi32, #tpu.memory_space<vmem>>, %arg16: memref<32xi32, #tpu.memory_space<vmem>>, %arg17: memref<32xi32, #tpu.memory_space<vmem>>, %arg18: memref<32xi32, #tpu.memory_space<vmem>>, %arg19: memref<32xi32, #tpu.memory_space<vmem>>, %arg20: memref<32xi32, #tpu.memory_space<vmem>>, %arg21: memref<32xi32, #tpu.memory_space<vmem>>, %arg22: memref<32xi32, #tpu.memory_space<vmem>>, %arg23: memref<32x128xf32, #tpu.memory_space<vmem>>, %arg24: memref<32x128xf32, #tpu.memory_space<vmem>>, %arg25: memref<32x128xf32, #tpu.memory_space<vmem>>, %arg26: memref<32x128xf32, #tpu.memory_space<vmem>>, %arg27: memref<32x128xf32, #tpu.memory_space<vmem>>, %arg28: memref<32x128xf32, #tpu.memory_space<vmem>>, %arg29: memref<32x128xf32, #tpu.memory_space<vmem>>, %arg30: memref<32x128xf32, #tpu.memory_space<vmem>>, %arg31: memref<10240x128xf32, #tpu.memory_space<vmem_shared>>, %arg32: memref<!tpu.dma_semaphore, #tpu.memory_space<semaphore_mem>>, %arg33: memref<!tpu.dma_semaphore, #tpu.memory_space<semaphore_mem>>, %arg34: memref<!tpu.dma_semaphore, #tpu.memory_space<semaphore_mem>>, %arg35: memref<!tpu.dma_semaphore, #tpu.memory_space<semaphore_mem>>, %arg36: memref<!tpu.dma_semaphore, #tpu.memory_space<semaphore_mem>>, %arg37: memref<!tpu.dma_semaphore, #tpu.memory_space<semaphore_mem>>, %arg38: memref<!tpu.dma_semaphore, #tpu.memory_space<semaphore_mem>>, %arg39: memref<!tpu.dma_semaphore, #tpu.memory_space<semaphore_mem>>, %arg40: memref<!tpu.dma_semaphore, #tpu.memory_space<semaphore_mem>>, %arg41: memref<!tpu.dma_semaphore, #tpu.memory_space<semaphore_mem>>, %arg42: memref<!tpu.dma_semaphore, #tpu.memory_space<semaphore_mem>>, %arg43: memref<!tpu.dma_semaphore, #tpu.memory_space<semaphore_mem>>, %arg44: memref<!tpu.dma_semaphore, #tpu.memory_space<semaphore_mem>>, %arg45: memref<!tpu.dma_semaphore, #tpu.memory_space<semaphore_mem>>, %arg46: memref<!tpu.dma_semaphore, #tpu.memory_space<semaphore_mem>>, %arg47: memref<!tpu.dma_semaphore, #tpu.memory_space<semaphore_mem>>, %arg48: memref<!tpu.dma_semaphore, #tpu.memory_space<semaphore_mem>>, %arg49: memref<!tpu.dma_semaphore, #tpu.memory_space<semaphore_mem>>, %arg50: memref<!tpu.dma_semaphore, #tpu.memory_space<semaphore_mem>>, %arg51: memref<!tpu.dma_semaphore, #tpu.memory_space<semaphore_mem>>, %arg52: memref<!tpu.dma_semaphore, #tpu.memory_space<semaphore_mem>>, %arg53: memref<!tpu.dma_semaphore, #tpu.memory_space<semaphore_mem>>, %arg54: memref<!tpu.dma_semaphore, #tpu.memory_space<semaphore_mem>>, %arg55: memref<!tpu.dma_semaphore, #tpu.memory_space<semaphore_mem>>) attributes {dimension_semantics = [#tpu.dimension_semantics<core_parallel>, #tpu.dimension_semantics<subcore_parallel>], iteration_bounds = array<i64: 2, 16>, scalar_prefetch = 0 : i64, scratch_operands = 49 : i64, tpu.core_type = #tpu.core_type<sc_vector_subcore>, window_params = [{transform_indices = #map}, {transform_indices = #map1}, {transform_indices = #map1}, {transform_indices = #map}, {transform_indices = #map2}]} {
    %mul3A = arith.constant 16 : i32
    %mul3A_0 = arith.muli %arg0, %mul3A : i32
    %add3A = arith.addi %mul3A_0, %arg1 : i32
    "tpu.trace_start"() <{level = 10 : i32, message = "agg_zero"}> : () -> ()
    %mul3A_1 = arith.constant 640 : i32
    %mul3A_2 = arith.muli %arg1, %mul3A_1 : i32
    %mul3A_3 = arith.constant 640 : i32
    %mul3A_4 = arith.muli %arg1, %mul3A_3 : i32
    "tpu.region"() ({
      %run_scoped3A = tpu.sem_alloc : memref<!tpu.dma_semaphore, #tpu.memory_space<semaphore_mem>>
      %dma_start3A_251 = arith.constant 0 : i32
      %dma_start3A_252 = tpu.memref_slice %arg31[%mul3A_4, %dma_start3A_251] : memref<10240x128xf32, #tpu.memory_space<vmem_shared>> -> memref<640x128xf32, #tpu.memory_space<vmem_shared>>
      %dma_start3A_253 = arith.constant 0 : i32
      %dma_start3A_254 = tpu.memref_slice %arg5[%mul3A_2, %dma_start3A_253] : memref<10240x128xf32, #tpu.memory_space<hbm>> -> memref<640x128xf32, #tpu.memory_space<hbm>>
      tpu.enqueue_dma source(%dma_start3A_254 : memref<640x128xf32, #tpu.memory_space<hbm>>) target(%dma_start3A_252 : memref<640x128xf32, #tpu.memory_space<vmem_shared>>) target_semaphore(%run_scoped3A : memref<!tpu.dma_semaphore, #tpu.memory_space<semaphore_mem>>)
      %dma_wait3A_255 = arith.constant 0 : i32
      %dma_wait3A_256 = tpu.memref_slice %arg31[%mul3A_4, %dma_wait3A_255] : memref<10240x128xf32, #tpu.memory_space<vmem_shared>> -> memref<640x128xf32, #tpu.memory_space<vmem_shared>>
      %dma_wait3A_257 = arith.constant 0 : i32
      %dma_wait3A_258 = tpu.memref_slice %arg5[%mul3A_2, %dma_wait3A_257] : memref<10240x128xf32, #tpu.memory_space<hbm>> -> memref<640x128xf32, #tpu.memory_space<hbm>>
      tpu.wait_dma2 semaphore(%run_scoped3A : memref<!tpu.dma_semaphore, #tpu.memory_space<semaphore_mem>>) src(%dma_wait3A_258 : memref<640x128xf32, #tpu.memory_space<hbm>>) dst(%dma_wait3A_256 : memref<640x128xf32, #tpu.memory_space<vmem_shared>>)
      tpu.yield
    }) : () -> ()
    %barrier3A = arith.constant 0 : index
    tpu.barrier barrier_id(%barrier3A)
    %eq3A = arith.constant 0 : i32
    "tpu.trace_stop"() : () -> ()
    %eq3A_5 = arith.cmpi eq, %arg0, %eq3A : i32
    %jit3A = arith.constant 10240 : i32
    %jit3A_6 = arith.constant 10240 : i32
    %select_n3A = arith.select %eq3A_5, %jit3A, %jit3A_6 : i32
    %jit3A_7 = arith.constant 40 : i32
    %jit3A_8 = arith.constant 40 : i32
    %select_n3A_9 = arith.select %eq3A_5, %jit3A_7, %jit3A_8 : i32
    %mul3A_10 = arith.constant 163840 : i32
    %mul3A_11 = arith.muli %arg0, %mul3A_10 : i32
    %mul3A_12 = arith.muli %arg1, %select_n3A : i32
    %add3A_13 = arith.addi %mul3A_11, %mul3A_12 : i32
    "tpu.trace_start"() <{level = 10 : i32, message = "agg_edges"}> : () -> ()
    %add3A_14 = arith.constant 0 : i32
    %add3A_15 = arith.addi %add3A_13, %add3A_14 : i32
    %dma_start3A = tpu.memref_slice %arg3[%add3A_15] : memref<327680xi32, #tpu.memory_space<hbm>> -> memref<32xi32, #tpu.memory_space<hbm>>
    %dma_start3A_16 = tpu.memref_slice %arg3[%add3A_15] : memref<327680xi32, #tpu.memory_space<hbm>> -> memref<32xi32, #tpu.memory_space<hbm>>
    tpu.enqueue_dma source(%dma_start3A_16 : memref<32xi32, #tpu.memory_space<hbm>>) target(%arg7 : memref<32xi32, #tpu.memory_space<vmem>>) target_semaphore(%arg32 : memref<!tpu.dma_semaphore, #tpu.memory_space<semaphore_mem>>)
    %dma_start3A_17 = tpu.memref_slice %arg4[%add3A_15] : memref<327680xi32, #tpu.memory_space<hbm>> -> memref<32xi32, #tpu.memory_space<hbm>>
    %dma_start3A_18 = tpu.memref_slice %arg4[%add3A_15] : memref<327680xi32, #tpu.memory_space<hbm>> -> memref<32xi32, #tpu.memory_space<hbm>>
    tpu.enqueue_dma source(%dma_start3A_18 : memref<32xi32, #tpu.memory_space<hbm>>) target(%arg15 : memref<32xi32, #tpu.memory_space<vmem>>) target_semaphore(%arg32 : memref<!tpu.dma_semaphore, #tpu.memory_space<semaphore_mem>>)
    %add3A_19 = arith.constant 32 : i32
    %add3A_20 = arith.addi %add3A_13, %add3A_19 : i32
    %dma_start3A_21 = tpu.memref_slice %arg3[%add3A_20] : memref<327680xi32, #tpu.memory_space<hbm>> -> memref<32xi32, #tpu.memory_space<hbm>>
    %dma_start3A_22 = tpu.memref_slice %arg3[%add3A_20] : memref<327680xi32, #tpu.memory_space<hbm>> -> memref<32xi32, #tpu.memory_space<hbm>>
    tpu.enqueue_dma source(%dma_start3A_22 : memref<32xi32, #tpu.memory_space<hbm>>) target(%arg8 : memref<32xi32, #tpu.memory_space<vmem>>) target_semaphore(%arg33 : memref<!tpu.dma_semaphore, #tpu.memory_space<semaphore_mem>>)
    %dma_start3A_23 = tpu.memref_slice %arg4[%add3A_20] : memref<327680xi32, #tpu.memory_space<hbm>> -> memref<32xi32, #tpu.memory_space<hbm>>
    %dma_start3A_24 = tpu.memref_slice %arg4[%add3A_20] : memref<327680xi32, #tpu.memory_space<hbm>> -> memref<32xi32, #tpu.memory_space<hbm>>
    tpu.enqueue_dma source(%dma_start3A_24 : memref<32xi32, #tpu.memory_space<hbm>>) target(%arg16 : memref<32xi32, #tpu.memory_space<vmem>>) target_semaphore(%arg33 : memref<!tpu.dma_semaphore, #tpu.memory_space<semaphore_mem>>)
    %add3A_25 = arith.constant 64 : i32
    %add3A_26 = arith.addi %add3A_13, %add3A_25 : i32
    %dma_start3A_27 = tpu.memref_slice %arg3[%add3A_26] : memref<327680xi32, #tpu.memory_space<hbm>> -> memref<32xi32, #tpu.memory_space<hbm>>
    %dma_start3A_28 = tpu.memref_slice %arg3[%add3A_26] : memref<327680xi32, #tpu.memory_space<hbm>> -> memref<32xi32, #tpu.memory_space<hbm>>
    tpu.enqueue_dma source(%dma_start3A_28 : memref<32xi32, #tpu.memory_space<hbm>>) target(%arg9 : memref<32xi32, #tpu.memory_space<vmem>>) target_semaphore(%arg34 : memref<!tpu.dma_semaphore, #tpu.memory_space<semaphore_mem>>)
    %dma_start3A_29 = tpu.memref_slice %arg4[%add3A_26] : memref<327680xi32, #tpu.memory_space<hbm>> -> memref<32xi32, #tpu.memory_space<hbm>>
    %dma_start3A_30 = tpu.memref_slice %arg4[%add3A_26] : memref<327680xi32, #tpu.memory_space<hbm>> -> memref<32xi32, #tpu.memory_space<hbm>>
    tpu.enqueue_dma source(%dma_start3A_30 : memref<32xi32, #tpu.memory_space<hbm>>) target(%arg17 : memref<32xi32, #tpu.memory_space<vmem>>) target_semaphore(%arg34 : memref<!tpu.dma_semaphore, #tpu.memory_space<semaphore_mem>>)
    %add3A_31 = arith.constant 96 : i32
    %add3A_32 = arith.addi %add3A_13, %add3A_31 : i32
    %dma_start3A_33 = tpu.memref_slice %arg3[%add3A_32] : memref<327680xi32, #tpu.memory_space<hbm>> -> memref<32xi32, #tpu.memory_space<hbm>>
    %dma_start3A_34 = tpu.memref_slice %arg3[%add3A_32] : memref<327680xi32, #tpu.memory_space<hbm>> -> memref<32xi32, #tpu.memory_space<hbm>>
    tpu.enqueue_dma source(%dma_start3A_34 : memref<32xi32, #tpu.memory_space<hbm>>) target(%arg10 : memref<32xi32, #tpu.memory_space<vmem>>) target_semaphore(%arg35 : memref<!tpu.dma_semaphore, #tpu.memory_space<semaphore_mem>>)
    %dma_start3A_35 = tpu.memref_slice %arg4[%add3A_32] : memref<327680xi32, #tpu.memory_space<hbm>> -> memref<32xi32, #tpu.memory_space<hbm>>
    %dma_start3A_36 = tpu.memref_slice %arg4[%add3A_32] : memref<327680xi32, #tpu.memory_space<hbm>> -> memref<32xi32, #tpu.memory_space<hbm>>
    tpu.enqueue_dma source(%dma_start3A_36 : memref<32xi32, #tpu.memory_space<hbm>>) target(%arg18 : memref<32xi32, #tpu.memory_space<vmem>>) target_semaphore(%arg35 : memref<!tpu.dma_semaphore, #tpu.memory_space<semaphore_mem>>)
    %add3A_37 = arith.constant 128 : i32
    %add3A_38 = arith.addi %add3A_13, %add3A_37 : i32
    %dma_start3A_39 = tpu.memref_slice %arg3[%add3A_38] : memref<327680xi32, #tpu.memory_space<hbm>> -> memref<32xi32, #tpu.memory_space<hbm>>
    %dma_start3A_40 = tpu.memref_slice %arg3[%add3A_38] : memref<327680xi32, #tpu.memory_space<hbm>> -> memref<32xi32, #tpu.memory_space<hbm>>
    tpu.enqueue_dma source(%dma_start3A_40 : memref<32xi32, #tpu.memory_space<hbm>>) target(%arg11 : memref<32xi32, #tpu.memory_space<vmem>>) target_semaphore(%arg36 : memref<!tpu.dma_semaphore, #tpu.memory_space<semaphore_mem>>)
    %dma_start3A_41 = tpu.memref_slice %arg4[%add3A_38] : memref<327680xi32, #tpu.memory_space<hbm>> -> memref<32xi32, #tpu.memory_space<hbm>>
    %dma_start3A_42 = tpu.memref_slice %arg4[%add3A_38] : memref<327680xi32, #tpu.memory_space<hbm>> -> memref<32xi32, #tpu.memory_space<hbm>>
    tpu.enqueue_dma source(%dma_start3A_42 : memref<32xi32, #tpu.memory_space<hbm>>) target(%arg19 : memref<32xi32, #tpu.memory_space<vmem>>) target_semaphore(%arg36 : memref<!tpu.dma_semaphore, #tpu.memory_space<semaphore_mem>>)
    %add3A_43 = arith.constant 160 : i32
    %add3A_44 = arith.addi %add3A_13, %add3A_43 : i32
    %dma_start3A_45 = tpu.memref_slice %arg3[%add3A_44] : memref<327680xi32, #tpu.memory_space<hbm>> -> memref<32xi32, #tpu.memory_space<hbm>>
    %dma_start3A_46 = tpu.memref_slice %arg3[%add3A_44] : memref<327680xi32, #tpu.memory_space<hbm>> -> memref<32xi32, #tpu.memory_space<hbm>>
    tpu.enqueue_dma source(%dma_start3A_46 : memref<32xi32, #tpu.memory_space<hbm>>) target(%arg12 : memref<32xi32, #tpu.memory_space<vmem>>) target_semaphore(%arg37 : memref<!tpu.dma_semaphore, #tpu.memory_space<semaphore_mem>>)
    %dma_start3A_47 = tpu.memref_slice %arg4[%add3A_44] : memref<327680xi32, #tpu.memory_space<hbm>> -> memref<32xi32, #tpu.memory_space<hbm>>
    %dma_start3A_48 = tpu.memref_slice %arg4[%add3A_44] : memref<327680xi32, #tpu.memory_space<hbm>> -> memref<32xi32, #tpu.memory_space<hbm>>
    tpu.enqueue_dma source(%dma_start3A_48 : memref<32xi32, #tpu.memory_space<hbm>>) target(%arg20 : memref<32xi32, #tpu.memory_space<vmem>>) target_semaphore(%arg37 : memref<!tpu.dma_semaphore, #tpu.memory_space<semaphore_mem>>)
    %add3A_49 = arith.constant 192 : i32
    %add3A_50 = arith.addi %add3A_13, %add3A_49 : i32
    %dma_start3A_51 = tpu.memref_slice %arg3[%add3A_50] : memref<327680xi32, #tpu.memory_space<hbm>> -> memref<32xi32, #tpu.memory_space<hbm>>
    %dma_start3A_52 = tpu.memref_slice %arg3[%add3A_50] : memref<327680xi32, #tpu.memory_space<hbm>> -> memref<32xi32, #tpu.memory_space<hbm>>
    tpu.enqueue_dma source(%dma_start3A_52 : memref<32xi32, #tpu.memory_space<hbm>>) target(%arg13 : memref<32xi32, #tpu.memory_space<vmem>>) target_semaphore(%arg38 : memref<!tpu.dma_semaphore, #tpu.memory_space<semaphore_mem>>)
    %dma_start3A_53 = tpu.memref_slice %arg4[%add3A_50] : memref<327680xi32, #tpu.memory_space<hbm>> -> memref<32xi32, #tpu.memory_space<hbm>>
    %dma_start3A_54 = tpu.memref_slice %arg4[%add3A_50] : memref<327680xi32, #tpu.memory_space<hbm>> -> memref<32xi32, #tpu.memory_space<hbm>>
    tpu.enqueue_dma source(%dma_start3A_54 : memref<32xi32, #tpu.memory_space<hbm>>) target(%arg21 : memref<32xi32, #tpu.memory_space<vmem>>) target_semaphore(%arg38 : memref<!tpu.dma_semaphore, #tpu.memory_space<semaphore_mem>>)
    %add3A_55 = arith.constant 224 : i32
    %add3A_56 = arith.addi %add3A_13, %add3A_55 : i32
    %dma_start3A_57 = tpu.memref_slice %arg3[%add3A_56] : memref<327680xi32, #tpu.memory_space<hbm>> -> memref<32xi32, #tpu.memory_space<hbm>>
    %dma_start3A_58 = tpu.memref_slice %arg3[%add3A_56] : memref<327680xi32, #tpu.memory_space<hbm>> -> memref<32xi32, #tpu.memory_space<hbm>>
    tpu.enqueue_dma source(%dma_start3A_58 : memref<32xi32, #tpu.memory_space<hbm>>) target(%arg14 : memref<32xi32, #tpu.memory_space<vmem>>) target_semaphore(%arg39 : memref<!tpu.dma_semaphore, #tpu.memory_space<semaphore_mem>>)
    %dma_start3A_59 = tpu.memref_slice %arg4[%add3A_56] : memref<327680xi32, #tpu.memory_space<hbm>> -> memref<32xi32, #tpu.memory_space<hbm>>
    %dma_start3A_60 = tpu.memref_slice %arg4[%add3A_56] : memref<327680xi32, #tpu.memory_space<hbm>> -> memref<32xi32, #tpu.memory_space<hbm>>
    tpu.enqueue_dma source(%dma_start3A_60 : memref<32xi32, #tpu.memory_space<hbm>>) target(%arg22 : memref<32xi32, #tpu.memory_space<vmem>>) target_semaphore(%arg39 : memref<!tpu.dma_semaphore, #tpu.memory_space<semaphore_mem>>)
    %dma_wait3A = arith.constant 0 : i32
    %dma_wait3A_61 = tpu.memref_slice %arg3[%dma_wait3A] : memref<327680xi32, #tpu.memory_space<hbm>> -> memref<32xi32, #tpu.memory_space<hbm>>
    %dma_wait3A_62 = arith.constant 0 : i32
    %dma_wait3A_63 = tpu.memref_slice %arg3[%dma_wait3A_62] : memref<327680xi32, #tpu.memory_space<hbm>> -> memref<32xi32, #tpu.memory_space<hbm>>
    tpu.wait_dma2 semaphore(%arg32 : memref<!tpu.dma_semaphore, #tpu.memory_space<semaphore_mem>>) src(%dma_wait3A_63 : memref<32xi32, #tpu.memory_space<hbm>>) dst(%arg7 : memref<32xi32, #tpu.memory_space<vmem>>)
    %dma_wait3A_64 = arith.constant 0 : i32
    %dma_wait3A_65 = tpu.memref_slice %arg4[%dma_wait3A_64] : memref<327680xi32, #tpu.memory_space<hbm>> -> memref<32xi32, #tpu.memory_space<hbm>>
    %dma_wait3A_66 = arith.constant 0 : i32
    %dma_wait3A_67 = tpu.memref_slice %arg4[%dma_wait3A_66] : memref<327680xi32, #tpu.memory_space<hbm>> -> memref<32xi32, #tpu.memory_space<hbm>>
    tpu.wait_dma2 semaphore(%arg32 : memref<!tpu.dma_semaphore, #tpu.memory_space<semaphore_mem>>) src(%dma_wait3A_67 : memref<32xi32, #tpu.memory_space<hbm>>) dst(%arg15 : memref<32xi32, #tpu.memory_space<vmem>>)
    %dma_start3A_68 = arith.constant 0 : i32
    %dma_start3A_69 = arith.constant 0 : i32
    %dma_start3A_70 = tpu.memref_slice %arg2[%dma_start3A_68, %dma_start3A_69] : memref<10000x128xf32, #tpu.memory_space<hbm>> -> memref<10000x128xf32, #tpu.memory_space<hbm>>
    tpu.enqueue_indirect_dma source(%dma_start3A_70 : memref<10000x128xf32, #tpu.memory_space<hbm>>) target(%arg23 : memref<32x128xf32, #tpu.memory_space<vmem>>) offsets(%arg7 : memref<32xi32, #tpu.memory_space<vmem>>) semaphore(%arg40 : memref<!tpu.dma_semaphore, #tpu.memory_space<semaphore_mem>>)
    %dma_wait3A_71 = arith.constant 0 : i32
    %dma_wait3A_72 = tpu.memref_slice %arg3[%dma_wait3A_71] : memref<327680xi32, #tpu.memory_space<hbm>> -> memref<32xi32, #tpu.memory_space<hbm>>
    %dma_wait3A_73 = arith.constant 0 : i32
    %dma_wait3A_74 = tpu.memref_slice %arg3[%dma_wait3A_73] : memref<327680xi32, #tpu.memory_space<hbm>> -> memref<32xi32, #tpu.memory_space<hbm>>
    tpu.wait_dma2 semaphore(%arg33 : memref<!tpu.dma_semaphore, #tpu.memory_space<semaphore_mem>>) src(%dma_wait3A_74 : memref<32xi32, #tpu.memory_space<hbm>>) dst(%arg8 : memref<32xi32, #tpu.memory_space<vmem>>)
    %dma_wait3A_75 = arith.constant 0 : i32
    %dma_wait3A_76 = tpu.memref_slice %arg4[%dma_wait3A_75] : memref<327680xi32, #tpu.memory_space<hbm>> -> memref<32xi32, #tpu.memory_space<hbm>>
    %dma_wait3A_77 = arith.constant 0 : i32
    %dma_wait3A_78 = tpu.memref_slice %arg4[%dma_wait3A_77] : memref<327680xi32, #tpu.memory_space<hbm>> -> memref<32xi32, #tpu.memory_space<hbm>>
    tpu.wait_dma2 semaphore(%arg33 : memref<!tpu.dma_semaphore, #tpu.memory_space<semaphore_mem>>) src(%dma_wait3A_78 : memref<32xi32, #tpu.memory_space<hbm>>) dst(%arg16 : memref<32xi32, #tpu.memory_space<vmem>>)
    %dma_start3A_79 = arith.constant 0 : i32
    %dma_start3A_80 = arith.constant 0 : i32
    %dma_start3A_81 = tpu.memref_slice %arg2[%dma_start3A_79, %dma_start3A_80] : memref<10000x128xf32, #tpu.memory_space<hbm>> -> memref<10000x128xf32, #tpu.memory_space<hbm>>
    tpu.enqueue_indirect_dma source(%dma_start3A_81 : memref<10000x128xf32, #tpu.memory_space<hbm>>) target(%arg24 : memref<32x128xf32, #tpu.memory_space<vmem>>) offsets(%arg8 : memref<32xi32, #tpu.memory_space<vmem>>) semaphore(%arg41 : memref<!tpu.dma_semaphore, #tpu.memory_space<semaphore_mem>>)
    %dma_wait3A_82 = arith.constant 0 : i32
    %dma_wait3A_83 = tpu.memref_slice %arg3[%dma_wait3A_82] : memref<327680xi32, #tpu.memory_space<hbm>> -> memref<32xi32, #tpu.memory_space<hbm>>
    %dma_wait3A_84 = arith.constant 0 : i32
    %dma_wait3A_85 = tpu.memref_slice %arg3[%dma_wait3A_84] : memref<327680xi32, #tpu.memory_space<hbm>> -> memref<32xi32, #tpu.memory_space<hbm>>
    tpu.wait_dma2 semaphore(%arg34 : memref<!tpu.dma_semaphore, #tpu.memory_space<semaphore_mem>>) src(%dma_wait3A_85 : memref<32xi32, #tpu.memory_space<hbm>>) dst(%arg9 : memref<32xi32, #tpu.memory_space<vmem>>)
    %dma_wait3A_86 = arith.constant 0 : i32
    %dma_wait3A_87 = tpu.memref_slice %arg4[%dma_wait3A_86] : memref<327680xi32, #tpu.memory_space<hbm>> -> memref<32xi32, #tpu.memory_space<hbm>>
    %dma_wait3A_88 = arith.constant 0 : i32
    %dma_wait3A_89 = tpu.memref_slice %arg4[%dma_wait3A_88] : memref<327680xi32, #tpu.memory_space<hbm>> -> memref<32xi32, #tpu.memory_space<hbm>>
    tpu.wait_dma2 semaphore(%arg34 : memref<!tpu.dma_semaphore, #tpu.memory_space<semaphore_mem>>) src(%dma_wait3A_89 : memref<32xi32, #tpu.memory_space<hbm>>) dst(%arg17 : memref<32xi32, #tpu.memory_space<vmem>>)
    %dma_start3A_90 = arith.constant 0 : i32
    %dma_start3A_91 = arith.constant 0 : i32
    %dma_start3A_92 = tpu.memref_slice %arg2[%dma_start3A_90, %dma_start3A_91] : memref<10000x128xf32, #tpu.memory_space<hbm>> -> memref<10000x128xf32, #tpu.memory_space<hbm>>
    tpu.enqueue_indirect_dma source(%dma_start3A_92 : memref<10000x128xf32, #tpu.memory_space<hbm>>) target(%arg25 : memref<32x128xf32, #tpu.memory_space<vmem>>) offsets(%arg9 : memref<32xi32, #tpu.memory_space<vmem>>) semaphore(%arg42 : memref<!tpu.dma_semaphore, #tpu.memory_space<semaphore_mem>>)
    %dma_wait3A_93 = arith.constant 0 : i32
    %dma_wait3A_94 = tpu.memref_slice %arg3[%dma_wait3A_93] : memref<327680xi32, #tpu.memory_space<hbm>> -> memref<32xi32, #tpu.memory_space<hbm>>
    %dma_wait3A_95 = arith.constant 0 : i32
    %dma_wait3A_96 = tpu.memref_slice %arg3[%dma_wait3A_95] : memref<327680xi32, #tpu.memory_space<hbm>> -> memref<32xi32, #tpu.memory_space<hbm>>
    tpu.wait_dma2 semaphore(%arg35 : memref<!tpu.dma_semaphore, #tpu.memory_space<semaphore_mem>>) src(%dma_wait3A_96 : memref<32xi32, #tpu.memory_space<hbm>>) dst(%arg10 : memref<32xi32, #tpu.memory_space<vmem>>)
    %dma_wait3A_97 = arith.constant 0 : i32
    %dma_wait3A_98 = tpu.memref_slice %arg4[%dma_wait3A_97] : memref<327680xi32, #tpu.memory_space<hbm>> -> memref<32xi32, #tpu.memory_space<hbm>>
    %dma_wait3A_99 = arith.constant 0 : i32
    %dma_wait3A_100 = tpu.memref_slice %arg4[%dma_wait3A_99] : memref<327680xi32, #tpu.memory_space<hbm>> -> memref<32xi32, #tpu.memory_space<hbm>>
    tpu.wait_dma2 semaphore(%arg35 : memref<!tpu.dma_semaphore, #tpu.memory_space<semaphore_mem>>) src(%dma_wait3A_100 : memref<32xi32, #tpu.memory_space<hbm>>) dst(%arg18 : memref<32xi32, #tpu.memory_space<vmem>>)
    %dma_start3A_101 = arith.constant 0 : i32
    %dma_start3A_102 = arith.constant 0 : i32
    %dma_start3A_103 = tpu.memref_slice %arg2[%dma_start3A_101, %dma_start3A_102] : memref<10000x128xf32, #tpu.memory_space<hbm>> -> memref<10000x128xf32, #tpu.memory_space<hbm>>
    tpu.enqueue_indirect_dma source(%dma_start3A_103 : memref<10000x128xf32, #tpu.memory_space<hbm>>) target(%arg26 : memref<32x128xf32, #tpu.memory_space<vmem>>) offsets(%arg10 : memref<32xi32, #tpu.memory_space<vmem>>) semaphore(%arg43 : memref<!tpu.dma_semaphore, #tpu.memory_space<semaphore_mem>>)
    %dma_wait3A_104 = arith.constant 0 : i32
    %dma_wait3A_105 = tpu.memref_slice %arg3[%dma_wait3A_104] : memref<327680xi32, #tpu.memory_space<hbm>> -> memref<32xi32, #tpu.memory_space<hbm>>
    %dma_wait3A_106 = arith.constant 0 : i32
    %dma_wait3A_107 = tpu.memref_slice %arg3[%dma_wait3A_106] : memref<327680xi32, #tpu.memory_space<hbm>> -> memref<32xi32, #tpu.memory_space<hbm>>
    tpu.wait_dma2 semaphore(%arg36 : memref<!tpu.dma_semaphore, #tpu.memory_space<semaphore_mem>>) src(%dma_wait3A_107 : memref<32xi32, #tpu.memory_space<hbm>>) dst(%arg11 : memref<32xi32, #tpu.memory_space<vmem>>)
    %dma_wait3A_108 = arith.constant 0 : i32
    %dma_wait3A_109 = tpu.memref_slice %arg4[%dma_wait3A_108] : memref<327680xi32, #tpu.memory_space<hbm>> -> memref<32xi32, #tpu.memory_space<hbm>>
    %dma_wait3A_110 = arith.constant 0 : i32
    %dma_wait3A_111 = tpu.memref_slice %arg4[%dma_wait3A_110] : memref<327680xi32, #tpu.memory_space<hbm>> -> memref<32xi32, #tpu.memory_space<hbm>>
    tpu.wait_dma2 semaphore(%arg36 : memref<!tpu.dma_semaphore, #tpu.memory_space<semaphore_mem>>) src(%dma_wait3A_111 : memref<32xi32, #tpu.memory_space<hbm>>) dst(%arg19 : memref<32xi32, #tpu.memory_space<vmem>>)
    %dma_start3A_112 = arith.constant 0 : i32
    %dma_start3A_113 = arith.constant 0 : i32
    %dma_start3A_114 = tpu.memref_slice %arg2[%dma_start3A_112, %dma_start3A_113] : memref<10000x128xf32, #tpu.memory_space<hbm>> -> memref<10000x128xf32, #tpu.memory_space<hbm>>
    tpu.enqueue_indirect_dma source(%dma_start3A_114 : memref<10000x128xf32, #tpu.memory_space<hbm>>) target(%arg27 : memref<32x128xf32, #tpu.memory_space<vmem>>) offsets(%arg11 : memref<32xi32, #tpu.memory_space<vmem>>) semaphore(%arg44 : memref<!tpu.dma_semaphore, #tpu.memory_space<semaphore_mem>>)
    %dma_wait3A_115 = arith.constant 0 : i32
    %dma_wait3A_116 = tpu.memref_slice %arg3[%dma_wait3A_115] : memref<327680xi32, #tpu.memory_space<hbm>> -> memref<32xi32, #tpu.memory_space<hbm>>
    %dma_wait3A_117 = arith.constant 0 : i32
    %dma_wait3A_118 = tpu.memref_slice %arg3[%dma_wait3A_117] : memref<327680xi32, #tpu.memory_space<hbm>> -> memref<32xi32, #tpu.memory_space<hbm>>
    tpu.wait_dma2 semaphore(%arg37 : memref<!tpu.dma_semaphore, #tpu.memory_space<semaphore_mem>>) src(%dma_wait3A_118 : memref<32xi32, #tpu.memory_space<hbm>>) dst(%arg12 : memref<32xi32, #tpu.memory_space<vmem>>)
    %dma_wait3A_119 = arith.constant 0 : i32
    %dma_wait3A_120 = tpu.memref_slice %arg4[%dma_wait3A_119] : memref<327680xi32, #tpu.memory_space<hbm>> -> memref<32xi32, #tpu.memory_space<hbm>>
    %dma_wait3A_121 = arith.constant 0 : i32
    %dma_wait3A_122 = tpu.memref_slice %arg4[%dma_wait3A_121] : memref<327680xi32, #tpu.memory_space<hbm>> -> memref<32xi32, #tpu.memory_space<hbm>>
    tpu.wait_dma2 semaphore(%arg37 : memref<!tpu.dma_semaphore, #tpu.memory_space<semaphore_mem>>) src(%dma_wait3A_122 : memref<32xi32, #tpu.memory_space<hbm>>) dst(%arg20 : memref<32xi32, #tpu.memory_space<vmem>>)
    %dma_start3A_123 = arith.constant 0 : i32
    %dma_start3A_124 = arith.constant 0 : i32
    %dma_start3A_125 = tpu.memref_slice %arg2[%dma_start3A_123, %dma_start3A_124] : memref<10000x128xf32, #tpu.memory_space<hbm>> -> memref<10000x128xf32, #tpu.memory_space<hbm>>
    tpu.enqueue_indirect_dma source(%dma_start3A_125 : memref<10000x128xf32, #tpu.memory_space<hbm>>) target(%arg28 : memref<32x128xf32, #tpu.memory_space<vmem>>) offsets(%arg12 : memref<32xi32, #tpu.memory_space<vmem>>) semaphore(%arg45 : memref<!tpu.dma_semaphore, #tpu.memory_space<semaphore_mem>>)
    %dma_wait3A_126 = arith.constant 0 : i32
    %dma_wait3A_127 = tpu.memref_slice %arg3[%dma_wait3A_126] : memref<327680xi32, #tpu.memory_space<hbm>> -> memref<32xi32, #tpu.memory_space<hbm>>
    %dma_wait3A_128 = arith.constant 0 : i32
    %dma_wait3A_129 = tpu.memref_slice %arg3[%dma_wait3A_128] : memref<327680xi32, #tpu.memory_space<hbm>> -> memref<32xi32, #tpu.memory_space<hbm>>
    tpu.wait_dma2 semaphore(%arg38 : memref<!tpu.dma_semaphore, #tpu.memory_space<semaphore_mem>>) src(%dma_wait3A_129 : memref<32xi32, #tpu.memory_space<hbm>>) dst(%arg13 : memref<32xi32, #tpu.memory_space<vmem>>)
    %dma_wait3A_130 = arith.constant 0 : i32
    %dma_wait3A_131 = tpu.memref_slice %arg4[%dma_wait3A_130] : memref<327680xi32, #tpu.memory_space<hbm>> -> memref<32xi32, #tpu.memory_space<hbm>>
    %dma_wait3A_132 = arith.constant 0 : i32
    %dma_wait3A_133 = tpu.memref_slice %arg4[%dma_wait3A_132] : memref<327680xi32, #tpu.memory_space<hbm>> -> memref<32xi32, #tpu.memory_space<hbm>>
    tpu.wait_dma2 semaphore(%arg38 : memref<!tpu.dma_semaphore, #tpu.memory_space<semaphore_mem>>) src(%dma_wait3A_133 : memref<32xi32, #tpu.memory_space<hbm>>) dst(%arg21 : memref<32xi32, #tpu.memory_space<vmem>>)
    %dma_start3A_134 = arith.constant 0 : i32
    %dma_start3A_135 = arith.constant 0 : i32
    %dma_start3A_136 = tpu.memref_slice %arg2[%dma_start3A_134, %dma_start3A_135] : memref<10000x128xf32, #tpu.memory_space<hbm>> -> memref<10000x128xf32, #tpu.memory_space<hbm>>
    tpu.enqueue_indirect_dma source(%dma_start3A_136 : memref<10000x128xf32, #tpu.memory_space<hbm>>) target(%arg29 : memref<32x128xf32, #tpu.memory_space<vmem>>) offsets(%arg13 : memref<32xi32, #tpu.memory_space<vmem>>) semaphore(%arg46 : memref<!tpu.dma_semaphore, #tpu.memory_space<semaphore_mem>>)
    %dma_wait3A_137 = arith.constant 0 : i32
    %dma_wait3A_138 = tpu.memref_slice %arg3[%dma_wait3A_137] : memref<327680xi32, #tpu.memory_space<hbm>> -> memref<32xi32, #tpu.memory_space<hbm>>
    %dma_wait3A_139 = arith.constant 0 : i32
    %dma_wait3A_140 = tpu.memref_slice %arg3[%dma_wait3A_139] : memref<327680xi32, #tpu.memory_space<hbm>> -> memref<32xi32, #tpu.memory_space<hbm>>
    tpu.wait_dma2 semaphore(%arg39 : memref<!tpu.dma_semaphore, #tpu.memory_space<semaphore_mem>>) src(%dma_wait3A_140 : memref<32xi32, #tpu.memory_space<hbm>>) dst(%arg14 : memref<32xi32, #tpu.memory_space<vmem>>)
    %dma_wait3A_141 = arith.constant 0 : i32
    %dma_wait3A_142 = tpu.memref_slice %arg4[%dma_wait3A_141] : memref<327680xi32, #tpu.memory_space<hbm>> -> memref<32xi32, #tpu.memory_space<hbm>>
    %dma_wait3A_143 = arith.constant 0 : i32
    %dma_wait3A_144 = tpu.memref_slice %arg4[%dma_wait3A_143] : memref<327680xi32, #tpu.memory_space<hbm>> -> memref<32xi32, #tpu.memory_space<hbm>>
    tpu.wait_dma2 semaphore(%arg39 : memref<!tpu.dma_semaphore, #tpu.memory_space<semaphore_mem>>) src(%dma_wait3A_144 : memref<32xi32, #tpu.memory_space<hbm>>) dst(%arg22 : memref<32xi32, #tpu.memory_space<vmem>>)
    %dma_start3A_145 = arith.constant 0 : i32
    %dma_start3A_146 = arith.constant 0 : i32
    %dma_start3A_147 = tpu.memref_slice %arg2[%dma_start3A_145, %dma_start3A_146] : memref<10000x128xf32, #tpu.memory_space<hbm>> -> memref<10000x128xf32, #tpu.memory_space<hbm>>
    tpu.enqueue_indirect_dma source(%dma_start3A_147 : memref<10000x128xf32, #tpu.memory_space<hbm>>) target(%arg30 : memref<32x128xf32, #tpu.memory_space<vmem>>) offsets(%arg14 : memref<32xi32, #tpu.memory_space<vmem>>) semaphore(%arg47 : memref<!tpu.dma_semaphore, #tpu.memory_space<semaphore_mem>>)
    %sub3A = arith.constant 1 : i32
    %sub3A_148 = arith.subi %select_n3A_9, %sub3A : i32
    %while3A = arith.constant 0 : i32
    %while3A_149 = arith.constant 0 : i32
    %while3A_150 = arith.subi %sub3A_148, %while3A_149 : i32
    %while3A_151 = arith.addi %while3A_149, %while3A_150 : i32
    %while3A_152 = arith.constant 1 : i32
    %while3A_153 = arith.divsi %while3A_150, %while3A_152 : i32
    %while3A_154 = arith.muli %while3A_153, %while3A_152 : i32
    %while3A_155 = arith.addi %while3A_149, %while3A_154 : i32
    %while3A_156 = arith.constant 1 : i32
    scf.for %while3A_251 = %while3A_149 to %while3A_155 step %while3A_156  : i32 {
      %dma_wait3A_252 = arith.constant 0 : i32
      %dma_wait3A_253 = arith.constant 0 : i32
      %dma_wait3A_254 = tpu.memref_slice %arg2[%dma_wait3A_252, %dma_wait3A_253] : memref<10000x128xf32, #tpu.memory_space<hbm>> -> memref<10000x128xf32, #tpu.memory_space<hbm>>
      tpu.wait_indirect_dma semaphore(%arg40 : memref<!tpu.dma_semaphore, #tpu.memory_space<semaphore_mem>>) src(%dma_wait3A_254 : memref<10000x128xf32, #tpu.memory_space<hbm>>) dst(%arg23 : memref<32x128xf32, #tpu.memory_space<vmem>>)
      %dma_start3A_255 = arith.constant 0 : i32
      %dma_start3A_256 = arith.constant 0 : i32
      %dma_start3A_257 = tpu.memref_slice %arg31[%dma_start3A_255, %dma_start3A_256] : memref<10240x128xf32, #tpu.memory_space<vmem_shared>> -> memref<10240x128xf32, #tpu.memory_space<vmem_shared>>
      tpu.enqueue_indirect_dma source(%arg23 : memref<32x128xf32, #tpu.memory_space<vmem>>) target(%dma_start3A_257 : memref<10240x128xf32, #tpu.memory_space<vmem_shared>>) offsets(%arg15 : memref<32xi32, #tpu.memory_space<vmem>>) semaphore(%arg48 : memref<!tpu.dma_semaphore, #tpu.memory_space<semaphore_mem>>) {add = true}
      %dma_wait3A_258 = arith.constant 0 : i32
      %dma_wait3A_259 = arith.constant 0 : i32
      %dma_wait3A_260 = tpu.memref_slice %arg2[%dma_wait3A_258, %dma_wait3A_259] : memref<10000x128xf32, #tpu.memory_space<hbm>> -> memref<10000x128xf32, #tpu.memory_space<hbm>>
      tpu.wait_indirect_dma semaphore(%arg41 : memref<!tpu.dma_semaphore, #tpu.memory_space<semaphore_mem>>) src(%dma_wait3A_260 : memref<10000x128xf32, #tpu.memory_space<hbm>>) dst(%arg24 : memref<32x128xf32, #tpu.memory_space<vmem>>)
      %dma_start3A_261 = arith.constant 0 : i32
      %dma_start3A_262 = arith.constant 0 : i32
      %dma_start3A_263 = tpu.memref_slice %arg31[%dma_start3A_261, %dma_start3A_262] : memref<10240x128xf32, #tpu.memory_space<vmem_shared>> -> memref<10240x128xf32, #tpu.memory_space<vmem_shared>>
      tpu.enqueue_indirect_dma source(%arg24 : memref<32x128xf32, #tpu.memory_space<vmem>>) target(%dma_start3A_263 : memref<10240x128xf32, #tpu.memory_space<vmem_shared>>) offsets(%arg16 : memref<32xi32, #tpu.memory_space<vmem>>) semaphore(%arg49 : memref<!tpu.dma_semaphore, #tpu.memory_space<semaphore_mem>>) {add = true}
      %dma_wait3A_264 = arith.constant 0 : i32
      %dma_wait3A_265 = arith.constant 0 : i32
      %dma_wait3A_266 = tpu.memref_slice %arg2[%dma_wait3A_264, %dma_wait3A_265] : memref<10000x128xf32, #tpu.memory_space<hbm>> -> memref<10000x128xf32, #tpu.memory_space<hbm>>
      tpu.wait_indirect_dma semaphore(%arg42 : memref<!tpu.dma_semaphore, #tpu.memory_space<semaphore_mem>>) src(%dma_wait3A_266 : memref<10000x128xf32, #tpu.memory_space<hbm>>) dst(%arg25 : memref<32x128xf32, #tpu.memory_space<vmem>>)
      %dma_start3A_267 = arith.constant 0 : i32
      %dma_start3A_268 = arith.constant 0 : i32
      %dma_start3A_269 = tpu.memref_slice %arg31[%dma_start3A_267, %dma_start3A_268] : memref<10240x128xf32, #tpu.memory_space<vmem_shared>> -> memref<10240x128xf32, #tpu.memory_space<vmem_shared>>
      tpu.enqueue_indirect_dma source(%arg25 : memref<32x128xf32, #tpu.memory_space<vmem>>) target(%dma_start3A_269 : memref<10240x128xf32, #tpu.memory_space<vmem_shared>>) offsets(%arg17 : memref<32xi32, #tpu.memory_space<vmem>>) semaphore(%arg50 : memref<!tpu.dma_semaphore, #tpu.memory_space<semaphore_mem>>) {add = true}
      %dma_wait3A_270 = arith.constant 0 : i32
      %dma_wait3A_271 = arith.constant 0 : i32
      %dma_wait3A_272 = tpu.memref_slice %arg2[%dma_wait3A_270, %dma_wait3A_271] : memref<10000x128xf32, #tpu.memory_space<hbm>> -> memref<10000x128xf32, #tpu.memory_space<hbm>>
      tpu.wait_indirect_dma semaphore(%arg43 : memref<!tpu.dma_semaphore, #tpu.memory_space<semaphore_mem>>) src(%dma_wait3A_272 : memref<10000x128xf32, #tpu.memory_space<hbm>>) dst(%arg26 : memref<32x128xf32, #tpu.memory_space<vmem>>)
      %dma_start3A_273 = arith.constant 0 : i32
      %dma_start3A_274 = arith.constant 0 : i32
      %dma_start3A_275 = tpu.memref_slice %arg31[%dma_start3A_273, %dma_start3A_274] : memref<10240x128xf32, #tpu.memory_space<vmem_shared>> -> memref<10240x128xf32, #tpu.memory_space<vmem_shared>>
      tpu.enqueue_indirect_dma source(%arg26 : memref<32x128xf32, #tpu.memory_space<vmem>>) target(%dma_start3A_275 : memref<10240x128xf32, #tpu.memory_space<vmem_shared>>) offsets(%arg18 : memref<32xi32, #tpu.memory_space<vmem>>) semaphore(%arg51 : memref<!tpu.dma_semaphore, #tpu.memory_space<semaphore_mem>>) {add = true}
      %dma_wait3A_276 = arith.constant 0 : i32
      %dma_wait3A_277 = arith.constant 0 : i32
      %dma_wait3A_278 = tpu.memref_slice %arg2[%dma_wait3A_276, %dma_wait3A_277] : memref<10000x128xf32, #tpu.memory_space<hbm>> -> memref<10000x128xf32, #tpu.memory_space<hbm>>
      tpu.wait_indirect_dma semaphore(%arg44 : memref<!tpu.dma_semaphore, #tpu.memory_space<semaphore_mem>>) src(%dma_wait3A_278 : memref<10000x128xf32, #tpu.memory_space<hbm>>) dst(%arg27 : memref<32x128xf32, #tpu.memory_space<vmem>>)
      %dma_start3A_279 = arith.constant 0 : i32
      %dma_start3A_280 = arith.constant 0 : i32
      %dma_start3A_281 = tpu.memref_slice %arg31[%dma_start3A_279, %dma_start3A_280] : memref<10240x128xf32, #tpu.memory_space<vmem_shared>> -> memref<10240x128xf32, #tpu.memory_space<vmem_shared>>
      tpu.enqueue_indirect_dma source(%arg27 : memref<32x128xf32, #tpu.memory_space<vmem>>) target(%dma_start3A_281 : memref<10240x128xf32, #tpu.memory_space<vmem_shared>>) offsets(%arg19 : memref<32xi32, #tpu.memory_space<vmem>>) semaphore(%arg52 : memref<!tpu.dma_semaphore, #tpu.memory_space<semaphore_mem>>) {add = true}
      %dma_wait3A_282 = arith.constant 0 : i32
      %dma_wait3A_283 = arith.constant 0 : i32
      %dma_wait3A_284 = tpu.memref_slice %arg2[%dma_wait3A_282, %dma_wait3A_283] : memref<10000x128xf32, #tpu.memory_space<hbm>> -> memref<10000x128xf32, #tpu.memory_space<hbm>>
      tpu.wait_indirect_dma semaphore(%arg45 : memref<!tpu.dma_semaphore, #tpu.memory_space<semaphore_mem>>) src(%dma_wait3A_284 : memref<10000x128xf32, #tpu.memory_space<hbm>>) dst(%arg28 : memref<32x128xf32, #tpu.memory_space<vmem>>)
      %dma_start3A_285 = arith.constant 0 : i32
      %dma_start3A_286 = arith.constant 0 : i32
      %dma_start3A_287 = tpu.memref_slice %arg31[%dma_start3A_285, %dma_start3A_286] : memref<10240x128xf32, #tpu.memory_space<vmem_shared>> -> memref<10240x128xf32, #tpu.memory_space<vmem_shared>>
      tpu.enqueue_indirect_dma source(%arg28 : memref<32x128xf32, #tpu.memory_space<vmem>>) target(%dma_start3A_287 : memref<10240x128xf32, #tpu.memory_space<vmem_shared>>) offsets(%arg20 : memref<32xi32, #tpu.memory_space<vmem>>) semaphore(%arg53 : memref<!tpu.dma_semaphore, #tpu.memory_space<semaphore_mem>>) {add = true}
      %dma_wait3A_288 = arith.constant 0 : i32
      %dma_wait3A_289 = arith.constant 0 : i32
      %dma_wait3A_290 = tpu.memref_slice %arg2[%dma_wait3A_288, %dma_wait3A_289] : memref<10000x128xf32, #tpu.memory_space<hbm>> -> memref<10000x128xf32, #tpu.memory_space<hbm>>
      tpu.wait_indirect_dma semaphore(%arg46 : memref<!tpu.dma_semaphore, #tpu.memory_space<semaphore_mem>>) src(%dma_wait3A_290 : memref<10000x128xf32, #tpu.memory_space<hbm>>) dst(%arg29 : memref<32x128xf32, #tpu.memory_space<vmem>>)
      %dma_start3A_291 = arith.constant 0 : i32
      %dma_start3A_292 = arith.constant 0 : i32
      %dma_start3A_293 = tpu.memref_slice %arg31[%dma_start3A_291, %dma_start3A_292] : memref<10240x128xf32, #tpu.memory_space<vmem_shared>> -> memref<10240x128xf32, #tpu.memory_space<vmem_shared>>
      tpu.enqueue_indirect_dma source(%arg29 : memref<32x128xf32, #tpu.memory_space<vmem>>) target(%dma_start3A_293 : memref<10240x128xf32, #tpu.memory_space<vmem_shared>>) offsets(%arg21 : memref<32xi32, #tpu.memory_space<vmem>>) semaphore(%arg54 : memref<!tpu.dma_semaphore, #tpu.memory_space<semaphore_mem>>) {add = true}
      %dma_wait3A_294 = arith.constant 0 : i32
      %dma_wait3A_295 = arith.constant 0 : i32
      %dma_wait3A_296 = tpu.memref_slice %arg2[%dma_wait3A_294, %dma_wait3A_295] : memref<10000x128xf32, #tpu.memory_space<hbm>> -> memref<10000x128xf32, #tpu.memory_space<hbm>>
      tpu.wait_indirect_dma semaphore(%arg47 : memref<!tpu.dma_semaphore, #tpu.memory_space<semaphore_mem>>) src(%dma_wait3A_296 : memref<10000x128xf32, #tpu.memory_space<hbm>>) dst(%arg30 : memref<32x128xf32, #tpu.memory_space<vmem>>)
      %dma_start3A_297 = arith.constant 0 : i32
      %dma_start3A_298 = arith.constant 0 : i32
      %dma_start3A_299 = tpu.memref_slice %arg31[%dma_start3A_297, %dma_start3A_298] : memref<10240x128xf32, #tpu.memory_space<vmem_shared>> -> memref<10240x128xf32, #tpu.memory_space<vmem_shared>>
      tpu.enqueue_indirect_dma source(%arg30 : memref<32x128xf32, #tpu.memory_space<vmem>>) target(%dma_start3A_299 : memref<10240x128xf32, #tpu.memory_space<vmem_shared>>) offsets(%arg22 : memref<32xi32, #tpu.memory_space<vmem>>) semaphore(%arg55 : memref<!tpu.dma_semaphore, #tpu.memory_space<semaphore_mem>>) {add = true}
      %dma_wait3A_300 = arith.constant 0 : i32
      %dma_wait3A_301 = arith.constant 0 : i32
      %dma_wait3A_302 = tpu.memref_slice %arg31[%dma_wait3A_300, %dma_wait3A_301] : memref<10240x128xf32, #tpu.memory_space<vmem_shared>> -> memref<10240x128xf32, #tpu.memory_space<vmem_shared>>
      tpu.wait_indirect_dma semaphore(%arg48 : memref<!tpu.dma_semaphore, #tpu.memory_space<semaphore_mem>>) src(%arg23 : memref<32x128xf32, #tpu.memory_space<vmem>>) dst(%dma_wait3A_302 : memref<10240x128xf32, #tpu.memory_space<vmem_shared>>)
      %add3A_303 = arith.constant 1 : i32
      %add3A_304 = arith.addi %while3A_251, %add3A_303 : i32
      %mul3A_305 = arith.constant 8 : i32
      %mul3A_306 = arith.muli %mul3A_305, %add3A_304 : i32
      %add3A_307 = arith.constant 0 : i32
      %add3A_308 = arith.addi %mul3A_306, %add3A_307 : i32
      %mul3A_309 = arith.constant 32 : i32
      %mul3A_310 = arith.muli %add3A_308, %mul3A_309 : i32
      %add3A_311 = arith.addi %add3A_13, %mul3A_310 : i32
      %dma_start3A_312 = tpu.memref_slice %arg3[%add3A_311] : memref<327680xi32, #tpu.memory_space<hbm>> -> memref<32xi32, #tpu.memory_space<hbm>>
      %dma_start3A_313 = tpu.memref_slice %arg3[%add3A_311] : memref<327680xi32, #tpu.memory_space<hbm>> -> memref<32xi32, #tpu.memory_space<hbm>>
      tpu.enqueue_dma source(%dma_start3A_313 : memref<32xi32, #tpu.memory_space<hbm>>) target(%arg7 : memref<32xi32, #tpu.memory_space<vmem>>) target_semaphore(%arg32 : memref<!tpu.dma_semaphore, #tpu.memory_space<semaphore_mem>>)
      %dma_start3A_314 = tpu.memref_slice %arg4[%add3A_311] : memref<327680xi32, #tpu.memory_space<hbm>> -> memref<32xi32, #tpu.memory_space<hbm>>
      %dma_start3A_315 = tpu.memref_slice %arg4[%add3A_311] : memref<327680xi32, #tpu.memory_space<hbm>> -> memref<32xi32, #tpu.memory_space<hbm>>
      tpu.enqueue_dma source(%dma_start3A_315 : memref<32xi32, #tpu.memory_space<hbm>>) target(%arg15 : memref<32xi32, #tpu.memory_space<vmem>>) target_semaphore(%arg32 : memref<!tpu.dma_semaphore, #tpu.memory_space<semaphore_mem>>)
      %dma_wait3A_316 = arith.constant 0 : i32
      %dma_wait3A_317 = arith.constant 0 : i32
      %dma_wait3A_318 = tpu.memref_slice %arg31[%dma_wait3A_316, %dma_wait3A_317] : memref<10240x128xf32, #tpu.memory_space<vmem_shared>> -> memref<10240x128xf32, #tpu.memory_space<vmem_shared>>
      tpu.wait_indirect_dma semaphore(%arg49 : memref<!tpu.dma_semaphore, #tpu.memory_space<semaphore_mem>>) src(%arg24 : memref<32x128xf32, #tpu.memory_space<vmem>>) dst(%dma_wait3A_318 : memref<10240x128xf32, #tpu.memory_space<vmem_shared>>)
      %add3A_319 = arith.constant 1 : i32
      %add3A_320 = arith.addi %while3A_251, %add3A_319 : i32
      %mul3A_321 = arith.constant 8 : i32
      %mul3A_322 = arith.muli %mul3A_321, %add3A_320 : i32
      %add3A_323 = arith.constant 1 : i32
      %add3A_324 = arith.addi %mul3A_322, %add3A_323 : i32
      %mul3A_325 = arith.constant 32 : i32
      %mul3A_326 = arith.muli %add3A_324, %mul3A_325 : i32
      %add3A_327 = arith.addi %add3A_13, %mul3A_326 : i32
      %dma_start3A_328 = tpu.memref_slice %arg3[%add3A_327] : memref<327680xi32, #tpu.memory_space<hbm>> -> memref<32xi32, #tpu.memory_space<hbm>>
      %dma_start3A_329 = tpu.memref_slice %arg3[%add3A_327] : memref<327680xi32, #tpu.memory_space<hbm>> -> memref<32xi32, #tpu.memory_space<hbm>>
      tpu.enqueue_dma source(%dma_start3A_329 : memref<32xi32, #tpu.memory_space<hbm>>) target(%arg8 : memref<32xi32, #tpu.memory_space<vmem>>) target_semaphore(%arg33 : memref<!tpu.dma_semaphore, #tpu.memory_space<semaphore_mem>>)
      %dma_start3A_330 = tpu.memref_slice %arg4[%add3A_327] : memref<327680xi32, #tpu.memory_space<hbm>> -> memref<32xi32, #tpu.memory_space<hbm>>
      %dma_start3A_331 = tpu.memref_slice %arg4[%add3A_327] : memref<327680xi32, #tpu.memory_space<hbm>> -> memref<32xi32, #tpu.memory_space<hbm>>
      tpu.enqueue_dma source(%dma_start3A_331 : memref<32xi32, #tpu.memory_space<hbm>>) target(%arg16 : memref<32xi32, #tpu.memory_space<vmem>>) target_semaphore(%arg33 : memref<!tpu.dma_semaphore, #tpu.memory_space<semaphore_mem>>)
      %dma_wait3A_332 = arith.constant 0 : i32
      %dma_wait3A_333 = arith.constant 0 : i32
      %dma_wait3A_334 = tpu.memref_slice %arg31[%dma_wait3A_332, %dma_wait3A_333] : memref<10240x128xf32, #tpu.memory_space<vmem_shared>> -> memref<10240x128xf32, #tpu.memory_space<vmem_shared>>
      tpu.wait_indirect_dma semaphore(%arg50 : memref<!tpu.dma_semaphore, #tpu.memory_space<semaphore_mem>>) src(%arg25 : memref<32x128xf32, #tpu.memory_space<vmem>>) dst(%dma_wait3A_334 : memref<10240x128xf32, #tpu.memory_space<vmem_shared>>)
      %add3A_335 = arith.constant 1 : i32
      %add3A_336 = arith.addi %while3A_251, %add3A_335 : i32
      %mul3A_337 = arith.constant 8 : i32
      %mul3A_338 = arith.muli %mul3A_337, %add3A_336 : i32
      %add3A_339 = arith.constant 2 : i32
      %add3A_340 = arith.addi %mul3A_338, %add3A_339 : i32
      %mul3A_341 = arith.constant 32 : i32
      %mul3A_342 = arith.muli %add3A_340, %mul3A_341 : i32
      %add3A_343 = arith.addi %add3A_13, %mul3A_342 : i32
      %dma_start3A_344 = tpu.memref_slice %arg3[%add3A_343] : memref<327680xi32, #tpu.memory_space<hbm>> -> memref<32xi32, #tpu.memory_space<hbm>>
      %dma_start3A_345 = tpu.memref_slice %arg3[%add3A_343] : memref<327680xi32, #tpu.memory_space<hbm>> -> memref<32xi32, #tpu.memory_space<hbm>>
      tpu.enqueue_dma source(%dma_start3A_345 : memref<32xi32, #tpu.memory_space<hbm>>) target(%arg9 : memref<32xi32, #tpu.memory_space<vmem>>) target_semaphore(%arg34 : memref<!tpu.dma_semaphore, #tpu.memory_space<semaphore_mem>>)
      %dma_start3A_346 = tpu.memref_slice %arg4[%add3A_343] : memref<327680xi32, #tpu.memory_space<hbm>> -> memref<32xi32, #tpu.memory_space<hbm>>
      %dma_start3A_347 = tpu.memref_slice %arg4[%add3A_343] : memref<327680xi32, #tpu.memory_space<hbm>> -> memref<32xi32, #tpu.memory_space<hbm>>
      tpu.enqueue_dma source(%dma_start3A_347 : memref<32xi32, #tpu.memory_space<hbm>>) target(%arg17 : memref<32xi32, #tpu.memory_space<vmem>>) target_semaphore(%arg34 : memref<!tpu.dma_semaphore, #tpu.memory_space<semaphore_mem>>)
      %dma_wait3A_348 = arith.constant 0 : i32
      %dma_wait3A_349 = arith.constant 0 : i32
      %dma_wait3A_350 = tpu.memref_slice %arg31[%dma_wait3A_348, %dma_wait3A_349] : memref<10240x128xf32, #tpu.memory_space<vmem_shared>> -> memref<10240x128xf32, #tpu.memory_space<vmem_shared>>
      tpu.wait_indirect_dma semaphore(%arg51 : memref<!tpu.dma_semaphore, #tpu.memory_space<semaphore_mem>>) src(%arg26 : memref<32x128xf32, #tpu.memory_space<vmem>>) dst(%dma_wait3A_350 : memref<10240x128xf32, #tpu.memory_space<vmem_shared>>)
      %add3A_351 = arith.constant 1 : i32
      %add3A_352 = arith.addi %while3A_251, %add3A_351 : i32
      %mul3A_353 = arith.constant 8 : i32
      %mul3A_354 = arith.muli %mul3A_353, %add3A_352 : i32
      %add3A_355 = arith.constant 3 : i32
      %add3A_356 = arith.addi %mul3A_354, %add3A_355 : i32
      %mul3A_357 = arith.constant 32 : i32
      %mul3A_358 = arith.muli %add3A_356, %mul3A_357 : i32
      %add3A_359 = arith.addi %add3A_13, %mul3A_358 : i32
      %dma_start3A_360 = tpu.memref_slice %arg3[%add3A_359] : memref<327680xi32, #tpu.memory_space<hbm>> -> memref<32xi32, #tpu.memory_space<hbm>>
      %dma_start3A_361 = tpu.memref_slice %arg3[%add3A_359] : memref<327680xi32, #tpu.memory_space<hbm>> -> memref<32xi32, #tpu.memory_space<hbm>>
      tpu.enqueue_dma source(%dma_start3A_361 : memref<32xi32, #tpu.memory_space<hbm>>) target(%arg10 : memref<32xi32, #tpu.memory_space<vmem>>) target_semaphore(%arg35 : memref<!tpu.dma_semaphore, #tpu.memory_space<semaphore_mem>>)
      %dma_start3A_362 = tpu.memref_slice %arg4[%add3A_359] : memref<327680xi32, #tpu.memory_space<hbm>> -> memref<32xi32, #tpu.memory_space<hbm>>
      %dma_start3A_363 = tpu.memref_slice %arg4[%add3A_359] : memref<327680xi32, #tpu.memory_space<hbm>> -> memref<32xi32, #tpu.memory_space<hbm>>
      tpu.enqueue_dma source(%dma_start3A_363 : memref<32xi32, #tpu.memory_space<hbm>>) target(%arg18 : memref<32xi32, #tpu.memory_space<vmem>>) target_semaphore(%arg35 : memref<!tpu.dma_semaphore, #tpu.memory_space<semaphore_mem>>)
      %dma_wait3A_364 = arith.constant 0 : i32
      %dma_wait3A_365 = arith.constant 0 : i32
      %dma_wait3A_366 = tpu.memref_slice %arg31[%dma_wait3A_364, %dma_wait3A_365] : memref<10240x128xf32, #tpu.memory_space<vmem_shared>> -> memref<10240x128xf32, #tpu.memory_space<vmem_shared>>
      tpu.wait_indirect_dma semaphore(%arg52 : memref<!tpu.dma_semaphore, #tpu.memory_space<semaphore_mem>>) src(%arg27 : memref<32x128xf32, #tpu.memory_space<vmem>>) dst(%dma_wait3A_366 : memref<10240x128xf32, #tpu.memory_space<vmem_shared>>)
      %add3A_367 = arith.constant 1 : i32
      %add3A_368 = arith.addi %while3A_251, %add3A_367 : i32
      %mul3A_369 = arith.constant 8 : i32
      %mul3A_370 = arith.muli %mul3A_369, %add3A_368 : i32
      %add3A_371 = arith.constant 4 : i32
      %add3A_372 = arith.addi %mul3A_370, %add3A_371 : i32
      %mul3A_373 = arith.constant 32 : i32
      %mul3A_374 = arith.muli %add3A_372, %mul3A_373 : i32
      %add3A_375 = arith.addi %add3A_13, %mul3A_374 : i32
      %dma_start3A_376 = tpu.memref_slice %arg3[%add3A_375] : memref<327680xi32, #tpu.memory_space<hbm>> -> memref<32xi32, #tpu.memory_space<hbm>>
      %dma_start3A_377 = tpu.memref_slice %arg3[%add3A_375] : memref<327680xi32, #tpu.memory_space<hbm>> -> memref<32xi32, #tpu.memory_space<hbm>>
      tpu.enqueue_dma source(%dma_start3A_377 : memref<32xi32, #tpu.memory_space<hbm>>) target(%arg11 : memref<32xi32, #tpu.memory_space<vmem>>) target_semaphore(%arg36 : memref<!tpu.dma_semaphore, #tpu.memory_space<semaphore_mem>>)
      %dma_start3A_378 = tpu.memref_slice %arg4[%add3A_375] : memref<327680xi32, #tpu.memory_space<hbm>> -> memref<32xi32, #tpu.memory_space<hbm>>
      %dma_start3A_379 = tpu.memref_slice %arg4[%add3A_375] : memref<327680xi32, #tpu.memory_space<hbm>> -> memref<32xi32, #tpu.memory_space<hbm>>
      tpu.enqueue_dma source(%dma_start3A_379 : memref<32xi32, #tpu.memory_space<hbm>>) target(%arg19 : memref<32xi32, #tpu.memory_space<vmem>>) target_semaphore(%arg36 : memref<!tpu.dma_semaphore, #tpu.memory_space<semaphore_mem>>)
      %dma_wait3A_380 = arith.constant 0 : i32
      %dma_wait3A_381 = arith.constant 0 : i32
      %dma_wait3A_382 = tpu.memref_slice %arg31[%dma_wait3A_380, %dma_wait3A_381] : memref<10240x128xf32, #tpu.memory_space<vmem_shared>> -> memref<10240x128xf32, #tpu.memory_space<vmem_shared>>
      tpu.wait_indirect_dma semaphore(%arg53 : memref<!tpu.dma_semaphore, #tpu.memory_space<semaphore_mem>>) src(%arg28 : memref<32x128xf32, #tpu.memory_space<vmem>>) dst(%dma_wait3A_382 : memref<10240x128xf32, #tpu.memory_space<vmem_shared>>)
      %add3A_383 = arith.constant 1 : i32
      %add3A_384 = arith.addi %while3A_251, %add3A_383 : i32
      %mul3A_385 = arith.constant 8 : i32
      %mul3A_386 = arith.muli %mul3A_385, %add3A_384 : i32
      %add3A_387 = arith.constant 5 : i32
      %add3A_388 = arith.addi %mul3A_386, %add3A_387 : i32
      %mul3A_389 = arith.constant 32 : i32
      %mul3A_390 = arith.muli %add3A_388, %mul3A_389 : i32
      %add3A_391 = arith.addi %add3A_13, %mul3A_390 : i32
      %dma_start3A_392 = tpu.memref_slice %arg3[%add3A_391] : memref<327680xi32, #tpu.memory_space<hbm>> -> memref<32xi32, #tpu.memory_space<hbm>>
      %dma_start3A_393 = tpu.memref_slice %arg3[%add3A_391] : memref<327680xi32, #tpu.memory_space<hbm>> -> memref<32xi32, #tpu.memory_space<hbm>>
      tpu.enqueue_dma source(%dma_start3A_393 : memref<32xi32, #tpu.memory_space<hbm>>) target(%arg12 : memref<32xi32, #tpu.memory_space<vmem>>) target_semaphore(%arg37 : memref<!tpu.dma_semaphore, #tpu.memory_space<semaphore_mem>>)
      %dma_start3A_394 = tpu.memref_slice %arg4[%add3A_391] : memref<327680xi32, #tpu.memory_space<hbm>> -> memref<32xi32, #tpu.memory_space<hbm>>
      %dma_start3A_395 = tpu.memref_slice %arg4[%add3A_391] : memref<327680xi32, #tpu.memory_space<hbm>> -> memref<32xi32, #tpu.memory_space<hbm>>
      tpu.enqueue_dma source(%dma_start3A_395 : memref<32xi32, #tpu.memory_space<hbm>>) target(%arg20 : memref<32xi32, #tpu.memory_space<vmem>>) target_semaphore(%arg37 : memref<!tpu.dma_semaphore, #tpu.memory_space<semaphore_mem>>)
      %dma_wait3A_396 = arith.constant 0 : i32
      %dma_wait3A_397 = arith.constant 0 : i32
      %dma_wait3A_398 = tpu.memref_slice %arg31[%dma_wait3A_396, %dma_wait3A_397] : memref<10240x128xf32, #tpu.memory_space<vmem_shared>> -> memref<10240x128xf32, #tpu.memory_space<vmem_shared>>
      tpu.wait_indirect_dma semaphore(%arg54 : memref<!tpu.dma_semaphore, #tpu.memory_space<semaphore_mem>>) src(%arg29 : memref<32x128xf32, #tpu.memory_space<vmem>>) dst(%dma_wait3A_398 : memref<10240x128xf32, #tpu.memory_space<vmem_shared>>)
      %add3A_399 = arith.constant 1 : i32
      %add3A_400 = arith.addi %while3A_251, %add3A_399 : i32
      %mul3A_401 = arith.constant 8 : i32
      %mul3A_402 = arith.muli %mul3A_401, %add3A_400 : i32
      %add3A_403 = arith.constant 6 : i32
      %add3A_404 = arith.addi %mul3A_402, %add3A_403 : i32
      %mul3A_405 = arith.constant 32 : i32
      %mul3A_406 = arith.muli %add3A_404, %mul3A_405 : i32
      %add3A_407 = arith.addi %add3A_13, %mul3A_406 : i32
      %dma_start3A_408 = tpu.memref_slice %arg3[%add3A_407] : memref<327680xi32, #tpu.memory_space<hbm>> -> memref<32xi32, #tpu.memory_space<hbm>>
      %dma_start3A_409 = tpu.memref_slice %arg3[%add3A_407] : memref<327680xi32, #tpu.memory_space<hbm>> -> memref<32xi32, #tpu.memory_space<hbm>>
      tpu.enqueue_dma source(%dma_start3A_409 : memref<32xi32, #tpu.memory_space<hbm>>) target(%arg13 : memref<32xi32, #tpu.memory_space<vmem>>) target_semaphore(%arg38 : memref<!tpu.dma_semaphore, #tpu.memory_space<semaphore_mem>>)
      %dma_start3A_410 = tpu.memref_slice %arg4[%add3A_407] : memref<327680xi32, #tpu.memory_space<hbm>> -> memref<32xi32, #tpu.memory_space<hbm>>
      %dma_start3A_411 = tpu.memref_slice %arg4[%add3A_407] : memref<327680xi32, #tpu.memory_space<hbm>> -> memref<32xi32, #tpu.memory_space<hbm>>
      tpu.enqueue_dma source(%dma_start3A_411 : memref<32xi32, #tpu.memory_space<hbm>>) target(%arg21 : memref<32xi32, #tpu.memory_space<vmem>>) target_semaphore(%arg38 : memref<!tpu.dma_semaphore, #tpu.memory_space<semaphore_mem>>)
      %dma_wait3A_412 = arith.constant 0 : i32
      %dma_wait3A_413 = arith.constant 0 : i32
      %dma_wait3A_414 = tpu.memref_slice %arg31[%dma_wait3A_412, %dma_wait3A_413] : memref<10240x128xf32, #tpu.memory_space<vmem_shared>> -> memref<10240x128xf32, #tpu.memory_space<vmem_shared>>
      tpu.wait_indirect_dma semaphore(%arg55 : memref<!tpu.dma_semaphore, #tpu.memory_space<semaphore_mem>>) src(%arg30 : memref<32x128xf32, #tpu.memory_space<vmem>>) dst(%dma_wait3A_414 : memref<10240x128xf32, #tpu.memory_space<vmem_shared>>)
      %add3A_415 = arith.constant 1 : i32
      %add3A_416 = arith.addi %while3A_251, %add3A_415 : i32
      %mul3A_417 = arith.constant 8 : i32
      %mul3A_418 = arith.muli %mul3A_417, %add3A_416 : i32
      %add3A_419 = arith.constant 7 : i32
      %add3A_420 = arith.addi %mul3A_418, %add3A_419 : i32
      %mul3A_421 = arith.constant 32 : i32
      %mul3A_422 = arith.muli %add3A_420, %mul3A_421 : i32
      %add3A_423 = arith.addi %add3A_13, %mul3A_422 : i32
      %dma_start3A_424 = tpu.memref_slice %arg3[%add3A_423] : memref<327680xi32, #tpu.memory_space<hbm>> -> memref<32xi32, #tpu.memory_space<hbm>>
      %dma_start3A_425 = tpu.memref_slice %arg3[%add3A_423] : memref<327680xi32, #tpu.memory_space<hbm>> -> memref<32xi32, #tpu.memory_space<hbm>>
      tpu.enqueue_dma source(%dma_start3A_425 : memref<32xi32, #tpu.memory_space<hbm>>) target(%arg14 : memref<32xi32, #tpu.memory_space<vmem>>) target_semaphore(%arg39 : memref<!tpu.dma_semaphore, #tpu.memory_space<semaphore_mem>>)
      %dma_start3A_426 = tpu.memref_slice %arg4[%add3A_423] : memref<327680xi32, #tpu.memory_space<hbm>> -> memref<32xi32, #tpu.memory_space<hbm>>
      %dma_start3A_427 = tpu.memref_slice %arg4[%add3A_423] : memref<327680xi32, #tpu.memory_space<hbm>> -> memref<32xi32, #tpu.memory_space<hbm>>
      tpu.enqueue_dma source(%dma_start3A_427 : memref<32xi32, #tpu.memory_space<hbm>>) target(%arg22 : memref<32xi32, #tpu.memory_space<vmem>>) target_semaphore(%arg39 : memref<!tpu.dma_semaphore, #tpu.memory_space<semaphore_mem>>)
      %dma_wait3A_428 = arith.constant 0 : i32
      %dma_wait3A_429 = tpu.memref_slice %arg3[%dma_wait3A_428] : memref<327680xi32, #tpu.memory_space<hbm>> -> memref<32xi32, #tpu.memory_space<hbm>>
      %dma_wait3A_430 = arith.constant 0 : i32
      %dma_wait3A_431 = tpu.memref_slice %arg3[%dma_wait3A_430] : memref<327680xi32, #tpu.memory_space<hbm>> -> memref<32xi32, #tpu.memory_space<hbm>>
      tpu.wait_dma2 semaphore(%arg32 : memref<!tpu.dma_semaphore, #tpu.memory_space<semaphore_mem>>) src(%dma_wait3A_431 : memref<32xi32, #tpu.memory_space<hbm>>) dst(%arg7 : memref<32xi32, #tpu.memory_space<vmem>>)
      %dma_wait3A_432 = arith.constant 0 : i32
      %dma_wait3A_433 = tpu.memref_slice %arg4[%dma_wait3A_432] : memref<327680xi32, #tpu.memory_space<hbm>> -> memref<32xi32, #tpu.memory_space<hbm>>
      %dma_wait3A_434 = arith.constant 0 : i32
      %dma_wait3A_435 = tpu.memref_slice %arg4[%dma_wait3A_434] : memref<327680xi32, #tpu.memory_space<hbm>> -> memref<32xi32, #tpu.memory_space<hbm>>
      tpu.wait_dma2 semaphore(%arg32 : memref<!tpu.dma_semaphore, #tpu.memory_space<semaphore_mem>>) src(%dma_wait3A_435 : memref<32xi32, #tpu.memory_space<hbm>>) dst(%arg15 : memref<32xi32, #tpu.memory_space<vmem>>)
      %dma_start3A_436 = arith.constant 0 : i32
      %dma_start3A_437 = arith.constant 0 : i32
      %dma_start3A_438 = tpu.memref_slice %arg2[%dma_start3A_436, %dma_start3A_437] : memref<10000x128xf32, #tpu.memory_space<hbm>> -> memref<10000x128xf32, #tpu.memory_space<hbm>>
      tpu.enqueue_indirect_dma source(%dma_start3A_438 : memref<10000x128xf32, #tpu.memory_space<hbm>>) target(%arg23 : memref<32x128xf32, #tpu.memory_space<vmem>>) offsets(%arg7 : memref<32xi32, #tpu.memory_space<vmem>>) semaphore(%arg40 : memref<!tpu.dma_semaphore, #tpu.memory_space<semaphore_mem>>)
      %dma_wait3A_439 = arith.constant 0 : i32
      %dma_wait3A_440 = tpu.memref_slice %arg3[%dma_wait3A_439] : memref<327680xi32, #tpu.memory_space<hbm>> -> memref<32xi32, #tpu.memory_space<hbm>>
      %dma_wait3A_441 = arith.constant 0 : i32
      %dma_wait3A_442 = tpu.memref_slice %arg3[%dma_wait3A_441] : memref<327680xi32, #tpu.memory_space<hbm>> -> memref<32xi32, #tpu.memory_space<hbm>>
      tpu.wait_dma2 semaphore(%arg33 : memref<!tpu.dma_semaphore, #tpu.memory_space<semaphore_mem>>) src(%dma_wait3A_442 : memref<32xi32, #tpu.memory_space<hbm>>) dst(%arg8 : memref<32xi32, #tpu.memory_space<vmem>>)
      %dma_wait3A_443 = arith.constant 0 : i32
      %dma_wait3A_444 = tpu.memref_slice %arg4[%dma_wait3A_443] : memref<327680xi32, #tpu.memory_space<hbm>> -> memref<32xi32, #tpu.memory_space<hbm>>
      %dma_wait3A_445 = arith.constant 0 : i32
      %dma_wait3A_446 = tpu.memref_slice %arg4[%dma_wait3A_445] : memref<327680xi32, #tpu.memory_space<hbm>> -> memref<32xi32, #tpu.memory_space<hbm>>
      tpu.wait_dma2 semaphore(%arg33 : memref<!tpu.dma_semaphore, #tpu.memory_space<semaphore_mem>>) src(%dma_wait3A_446 : memref<32xi32, #tpu.memory_space<hbm>>) dst(%arg16 : memref<32xi32, #tpu.memory_space<vmem>>)
      %dma_start3A_447 = arith.constant 0 : i32
      %dma_start3A_448 = arith.constant 0 : i32
      %dma_start3A_449 = tpu.memref_slice %arg2[%dma_start3A_447, %dma_start3A_448] : memref<10000x128xf32, #tpu.memory_space<hbm>> -> memref<10000x128xf32, #tpu.memory_space<hbm>>
      tpu.enqueue_indirect_dma source(%dma_start3A_449 : memref<10000x128xf32, #tpu.memory_space<hbm>>) target(%arg24 : memref<32x128xf32, #tpu.memory_space<vmem>>) offsets(%arg8 : memref<32xi32, #tpu.memory_space<vmem>>) semaphore(%arg41 : memref<!tpu.dma_semaphore, #tpu.memory_space<semaphore_mem>>)
      %dma_wait3A_450 = arith.constant 0 : i32
      %dma_wait3A_451 = tpu.memref_slice %arg3[%dma_wait3A_450] : memref<327680xi32, #tpu.memory_space<hbm>> -> memref<32xi32, #tpu.memory_space<hbm>>
      %dma_wait3A_452 = arith.constant 0 : i32
      %dma_wait3A_453 = tpu.memref_slice %arg3[%dma_wait3A_452] : memref<327680xi32, #tpu.memory_space<hbm>> -> memref<32xi32, #tpu.memory_space<hbm>>
      tpu.wait_dma2 semaphore(%arg34 : memref<!tpu.dma_semaphore, #tpu.memory_space<semaphore_mem>>) src(%dma_wait3A_453 : memref<32xi32, #tpu.memory_space<hbm>>) dst(%arg9 : memref<32xi32, #tpu.memory_space<vmem>>)
      %dma_wait3A_454 = arith.constant 0 : i32
      %dma_wait3A_455 = tpu.memref_slice %arg4[%dma_wait3A_454] : memref<327680xi32, #tpu.memory_space<hbm>> -> memref<32xi32, #tpu.memory_space<hbm>>
      %dma_wait3A_456 = arith.constant 0 : i32
      %dma_wait3A_457 = tpu.memref_slice %arg4[%dma_wait3A_456] : memref<327680xi32, #tpu.memory_space<hbm>> -> memref<32xi32, #tpu.memory_space<hbm>>
      tpu.wait_dma2 semaphore(%arg34 : memref<!tpu.dma_semaphore, #tpu.memory_space<semaphore_mem>>) src(%dma_wait3A_457 : memref<32xi32, #tpu.memory_space<hbm>>) dst(%arg17 : memref<32xi32, #tpu.memory_space<vmem>>)
      %dma_start3A_458 = arith.constant 0 : i32
      %dma_start3A_459 = arith.constant 0 : i32
      %dma_start3A_460 = tpu.memref_slice %arg2[%dma_start3A_458, %dma_start3A_459] : memref<10000x128xf32, #tpu.memory_space<hbm>> -> memref<10000x128xf32, #tpu.memory_space<hbm>>
      tpu.enqueue_indirect_dma source(%dma_start3A_460 : memref<10000x128xf32, #tpu.memory_space<hbm>>) target(%arg25 : memref<32x128xf32, #tpu.memory_space<vmem>>) offsets(%arg9 : memref<32xi32, #tpu.memory_space<vmem>>) semaphore(%arg42 : memref<!tpu.dma_semaphore, #tpu.memory_space<semaphore_mem>>)
      %dma_wait3A_461 = arith.constant 0 : i32
      %dma_wait3A_462 = tpu.memref_slice %arg3[%dma_wait3A_461] : memref<327680xi32, #tpu.memory_space<hbm>> -> memref<32xi32, #tpu.memory_space<hbm>>
      %dma_wait3A_463 = arith.constant 0 : i32
      %dma_wait3A_464 = tpu.memref_slice %arg3[%dma_wait3A_463] : memref<327680xi32, #tpu.memory_space<hbm>> -> memref<32xi32, #tpu.memory_space<hbm>>
      tpu.wait_dma2 semaphore(%arg35 : memref<!tpu.dma_semaphore, #tpu.memory_space<semaphore_mem>>) src(%dma_wait3A_464 : memref<32xi32, #tpu.memory_space<hbm>>) dst(%arg10 : memref<32xi32, #tpu.memory_space<vmem>>)
      %dma_wait3A_465 = arith.constant 0 : i32
      %dma_wait3A_466 = tpu.memref_slice %arg4[%dma_wait3A_465] : memref<327680xi32, #tpu.memory_space<hbm>> -> memref<32xi32, #tpu.memory_space<hbm>>
      %dma_wait3A_467 = arith.constant 0 : i32
      %dma_wait3A_468 = tpu.memref_slice %arg4[%dma_wait3A_467] : memref<327680xi32, #tpu.memory_space<hbm>> -> memref<32xi32, #tpu.memory_space<hbm>>
      tpu.wait_dma2 semaphore(%arg35 : memref<!tpu.dma_semaphore, #tpu.memory_space<semaphore_mem>>) src(%dma_wait3A_468 : memref<32xi32, #tpu.memory_space<hbm>>) dst(%arg18 : memref<32xi32, #tpu.memory_space<vmem>>)
      %dma_start3A_469 = arith.constant 0 : i32
      %dma_start3A_470 = arith.constant 0 : i32
      %dma_start3A_471 = tpu.memref_slice %arg2[%dma_start3A_469, %dma_start3A_470] : memref<10000x128xf32, #tpu.memory_space<hbm>> -> memref<10000x128xf32, #tpu.memory_space<hbm>>
      tpu.enqueue_indirect_dma source(%dma_start3A_471 : memref<10000x128xf32, #tpu.memory_space<hbm>>) target(%arg26 : memref<32x128xf32, #tpu.memory_space<vmem>>) offsets(%arg10 : memref<32xi32, #tpu.memory_space<vmem>>) semaphore(%arg43 : memref<!tpu.dma_semaphore, #tpu.memory_space<semaphore_mem>>)
      %dma_wait3A_472 = arith.constant 0 : i32
      %dma_wait3A_473 = tpu.memref_slice %arg3[%dma_wait3A_472] : memref<327680xi32, #tpu.memory_space<hbm>> -> memref<32xi32, #tpu.memory_space<hbm>>
      %dma_wait3A_474 = arith.constant 0 : i32
      %dma_wait3A_475 = tpu.memref_slice %arg3[%dma_wait3A_474] : memref<327680xi32, #tpu.memory_space<hbm>> -> memref<32xi32, #tpu.memory_space<hbm>>
      tpu.wait_dma2 semaphore(%arg36 : memref<!tpu.dma_semaphore, #tpu.memory_space<semaphore_mem>>) src(%dma_wait3A_475 : memref<32xi32, #tpu.memory_space<hbm>>) dst(%arg11 : memref<32xi32, #tpu.memory_space<vmem>>)
      %dma_wait3A_476 = arith.constant 0 : i32
      %dma_wait3A_477 = tpu.memref_slice %arg4[%dma_wait3A_476] : memref<327680xi32, #tpu.memory_space<hbm>> -> memref<32xi32, #tpu.memory_space<hbm>>
      %dma_wait3A_478 = arith.constant 0 : i32
      %dma_wait3A_479 = tpu.memref_slice %arg4[%dma_wait3A_478] : memref<327680xi32, #tpu.memory_space<hbm>> -> memref<32xi32, #tpu.memory_space<hbm>>
      tpu.wait_dma2 semaphore(%arg36 : memref<!tpu.dma_semaphore, #tpu.memory_space<semaphore_mem>>) src(%dma_wait3A_479 : memref<32xi32, #tpu.memory_space<hbm>>) dst(%arg19 : memref<32xi32, #tpu.memory_space<vmem>>)
      %dma_start3A_480 = arith.constant 0 : i32
      %dma_start3A_481 = arith.constant 0 : i32
      %dma_start3A_482 = tpu.memref_slice %arg2[%dma_start3A_480, %dma_start3A_481] : memref<10000x128xf32, #tpu.memory_space<hbm>> -> memref<10000x128xf32, #tpu.memory_space<hbm>>
      tpu.enqueue_indirect_dma source(%dma_start3A_482 : memref<10000x128xf32, #tpu.memory_space<hbm>>) target(%arg27 : memref<32x128xf32, #tpu.memory_space<vmem>>) offsets(%arg11 : memref<32xi32, #tpu.memory_space<vmem>>) semaphore(%arg44 : memref<!tpu.dma_semaphore, #tpu.memory_space<semaphore_mem>>)
      %dma_wait3A_483 = arith.constant 0 : i32
      %dma_wait3A_484 = tpu.memref_slice %arg3[%dma_wait3A_483] : memref<327680xi32, #tpu.memory_space<hbm>> -> memref<32xi32, #tpu.memory_space<hbm>>
      %dma_wait3A_485 = arith.constant 0 : i32
      %dma_wait3A_486 = tpu.memref_slice %arg3[%dma_wait3A_485] : memref<327680xi32, #tpu.memory_space<hbm>> -> memref<32xi32, #tpu.memory_space<hbm>>
      tpu.wait_dma2 semaphore(%arg37 : memref<!tpu.dma_semaphore, #tpu.memory_space<semaphore_mem>>) src(%dma_wait3A_486 : memref<32xi32, #tpu.memory_space<hbm>>) dst(%arg12 : memref<32xi32, #tpu.memory_space<vmem>>)
      %dma_wait3A_487 = arith.constant 0 : i32
      %dma_wait3A_488 = tpu.memref_slice %arg4[%dma_wait3A_487] : memref<327680xi32, #tpu.memory_space<hbm>> -> memref<32xi32, #tpu.memory_space<hbm>>
      %dma_wait3A_489 = arith.constant 0 : i32
      %dma_wait3A_490 = tpu.memref_slice %arg4[%dma_wait3A_489] : memref<327680xi32, #tpu.memory_space<hbm>> -> memref<32xi32, #tpu.memory_space<hbm>>
      tpu.wait_dma2 semaphore(%arg37 : memref<!tpu.dma_semaphore, #tpu.memory_space<semaphore_mem>>) src(%dma_wait3A_490 : memref<32xi32, #tpu.memory_space<hbm>>) dst(%arg20 : memref<32xi32, #tpu.memory_space<vmem>>)
      %dma_start3A_491 = arith.constant 0 : i32
      %dma_start3A_492 = arith.constant 0 : i32
      %dma_start3A_493 = tpu.memref_slice %arg2[%dma_start3A_491, %dma_start3A_492] : memref<10000x128xf32, #tpu.memory_space<hbm>> -> memref<10000x128xf32, #tpu.memory_space<hbm>>
      tpu.enqueue_indirect_dma source(%dma_start3A_493 : memref<10000x128xf32, #tpu.memory_space<hbm>>) target(%arg28 : memref<32x128xf32, #tpu.memory_space<vmem>>) offsets(%arg12 : memref<32xi32, #tpu.memory_space<vmem>>) semaphore(%arg45 : memref<!tpu.dma_semaphore, #tpu.memory_space<semaphore_mem>>)
      %dma_wait3A_494 = arith.constant 0 : i32
      %dma_wait3A_495 = tpu.memref_slice %arg3[%dma_wait3A_494] : memref<327680xi32, #tpu.memory_space<hbm>> -> memref<32xi32, #tpu.memory_space<hbm>>
      %dma_wait3A_496 = arith.constant 0 : i32
      %dma_wait3A_497 = tpu.memref_slice %arg3[%dma_wait3A_496] : memref<327680xi32, #tpu.memory_space<hbm>> -> memref<32xi32, #tpu.memory_space<hbm>>
      tpu.wait_dma2 semaphore(%arg38 : memref<!tpu.dma_semaphore, #tpu.memory_space<semaphore_mem>>) src(%dma_wait3A_497 : memref<32xi32, #tpu.memory_space<hbm>>) dst(%arg13 : memref<32xi32, #tpu.memory_space<vmem>>)
      %dma_wait3A_498 = arith.constant 0 : i32
      %dma_wait3A_499 = tpu.memref_slice %arg4[%dma_wait3A_498] : memref<327680xi32, #tpu.memory_space<hbm>> -> memref<32xi32, #tpu.memory_space<hbm>>
      %dma_wait3A_500 = arith.constant 0 : i32
      %dma_wait3A_501 = tpu.memref_slice %arg4[%dma_wait3A_500] : memref<327680xi32, #tpu.memory_space<hbm>> -> memref<32xi32, #tpu.memory_space<hbm>>
      tpu.wait_dma2 semaphore(%arg38 : memref<!tpu.dma_semaphore, #tpu.memory_space<semaphore_mem>>) src(%dma_wait3A_501 : memref<32xi32, #tpu.memory_space<hbm>>) dst(%arg21 : memref<32xi32, #tpu.memory_space<vmem>>)
      %dma_start3A_502 = arith.constant 0 : i32
      %dma_start3A_503 = arith.constant 0 : i32
      %dma_start3A_504 = tpu.memref_slice %arg2[%dma_start3A_502, %dma_start3A_503] : memref<10000x128xf32, #tpu.memory_space<hbm>> -> memref<10000x128xf32, #tpu.memory_space<hbm>>
      tpu.enqueue_indirect_dma source(%dma_start3A_504 : memref<10000x128xf32, #tpu.memory_space<hbm>>) target(%arg29 : memref<32x128xf32, #tpu.memory_space<vmem>>) offsets(%arg13 : memref<32xi32, #tpu.memory_space<vmem>>) semaphore(%arg46 : memref<!tpu.dma_semaphore, #tpu.memory_space<semaphore_mem>>)
      %dma_wait3A_505 = arith.constant 0 : i32
      %dma_wait3A_506 = tpu.memref_slice %arg3[%dma_wait3A_505] : memref<327680xi32, #tpu.memory_space<hbm>> -> memref<32xi32, #tpu.memory_space<hbm>>
      %dma_wait3A_507 = arith.constant 0 : i32
      %dma_wait3A_508 = tpu.memref_slice %arg3[%dma_wait3A_507] : memref<327680xi32, #tpu.memory_space<hbm>> -> memref<32xi32, #tpu.memory_space<hbm>>
      tpu.wait_dma2 semaphore(%arg39 : memref<!tpu.dma_semaphore, #tpu.memory_space<semaphore_mem>>) src(%dma_wait3A_508 : memref<32xi32, #tpu.memory_space<hbm>>) dst(%arg14 : memref<32xi32, #tpu.memory_space<vmem>>)
      %dma_wait3A_509 = arith.constant 0 : i32
      %dma_wait3A_510 = tpu.memref_slice %arg4[%dma_wait3A_509] : memref<327680xi32, #tpu.memory_space<hbm>> -> memref<32xi32, #tpu.memory_space<hbm>>
      %dma_wait3A_511 = arith.constant 0 : i32
      %dma_wait3A_512 = tpu.memref_slice %arg4[%dma_wait3A_511] : memref<327680xi32, #tpu.memory_space<hbm>> -> memref<32xi32, #tpu.memory_space<hbm>>
      tpu.wait_dma2 semaphore(%arg39 : memref<!tpu.dma_semaphore, #tpu.memory_space<semaphore_mem>>) src(%dma_wait3A_512 : memref<32xi32, #tpu.memory_space<hbm>>) dst(%arg22 : memref<32xi32, #tpu.memory_space<vmem>>)
      %dma_start3A_513 = arith.constant 0 : i32
      %dma_start3A_514 = arith.constant 0 : i32
      %dma_start3A_515 = tpu.memref_slice %arg2[%dma_start3A_513, %dma_start3A_514] : memref<10000x128xf32, #tpu.memory_space<hbm>> -> memref<10000x128xf32, #tpu.memory_space<hbm>>
      tpu.enqueue_indirect_dma source(%dma_start3A_515 : memref<10000x128xf32, #tpu.memory_space<hbm>>) target(%arg30 : memref<32x128xf32, #tpu.memory_space<vmem>>) offsets(%arg14 : memref<32xi32, #tpu.memory_space<vmem>>) semaphore(%arg47 : memref<!tpu.dma_semaphore, #tpu.memory_space<semaphore_mem>>)
    }
    %while3A_157 = arith.constant 1 : i32
    scf.for %while3A_251 = %while3A_155 to %while3A_151 step %while3A_157  : i32 {
      %dma_wait3A_252 = arith.constant 0 : i32
      %dma_wait3A_253 = arith.constant 0 : i32
      %dma_wait3A_254 = tpu.memref_slice %arg2[%dma_wait3A_252, %dma_wait3A_253] : memref<10000x128xf32, #tpu.memory_space<hbm>> -> memref<10000x128xf32, #tpu.memory_space<hbm>>
      tpu.wait_indirect_dma semaphore(%arg40 : memref<!tpu.dma_semaphore, #tpu.memory_space<semaphore_mem>>) src(%dma_wait3A_254 : memref<10000x128xf32, #tpu.memory_space<hbm>>) dst(%arg23 : memref<32x128xf32, #tpu.memory_space<vmem>>)
      %dma_start3A_255 = arith.constant 0 : i32
      %dma_start3A_256 = arith.constant 0 : i32
      %dma_start3A_257 = tpu.memref_slice %arg31[%dma_start3A_255, %dma_start3A_256] : memref<10240x128xf32, #tpu.memory_space<vmem_shared>> -> memref<10240x128xf32, #tpu.memory_space<vmem_shared>>
      tpu.enqueue_indirect_dma source(%arg23 : memref<32x128xf32, #tpu.memory_space<vmem>>) target(%dma_start3A_257 : memref<10240x128xf32, #tpu.memory_space<vmem_shared>>) offsets(%arg15 : memref<32xi32, #tpu.memory_space<vmem>>) semaphore(%arg48 : memref<!tpu.dma_semaphore, #tpu.memory_space<semaphore_mem>>) {add = true}
      %dma_wait3A_258 = arith.constant 0 : i32
      %dma_wait3A_259 = arith.constant 0 : i32
      %dma_wait3A_260 = tpu.memref_slice %arg2[%dma_wait3A_258, %dma_wait3A_259] : memref<10000x128xf32, #tpu.memory_space<hbm>> -> memref<10000x128xf32, #tpu.memory_space<hbm>>
      tpu.wait_indirect_dma semaphore(%arg41 : memref<!tpu.dma_semaphore, #tpu.memory_space<semaphore_mem>>) src(%dma_wait3A_260 : memref<10000x128xf32, #tpu.memory_space<hbm>>) dst(%arg24 : memref<32x128xf32, #tpu.memory_space<vmem>>)
      %dma_start3A_261 = arith.constant 0 : i32
      %dma_start3A_262 = arith.constant 0 : i32
      %dma_start3A_263 = tpu.memref_slice %arg31[%dma_start3A_261, %dma_start3A_262] : memref<10240x128xf32, #tpu.memory_space<vmem_shared>> -> memref<10240x128xf32, #tpu.memory_space<vmem_shared>>
      tpu.enqueue_indirect_dma source(%arg24 : memref<32x128xf32, #tpu.memory_space<vmem>>) target(%dma_start3A_263 : memref<10240x128xf32, #tpu.memory_space<vmem_shared>>) offsets(%arg16 : memref<32xi32, #tpu.memory_space<vmem>>) semaphore(%arg49 : memref<!tpu.dma_semaphore, #tpu.memory_space<semaphore_mem>>) {add = true}
      %dma_wait3A_264 = arith.constant 0 : i32
      %dma_wait3A_265 = arith.constant 0 : i32
      %dma_wait3A_266 = tpu.memref_slice %arg2[%dma_wait3A_264, %dma_wait3A_265] : memref<10000x128xf32, #tpu.memory_space<hbm>> -> memref<10000x128xf32, #tpu.memory_space<hbm>>
      tpu.wait_indirect_dma semaphore(%arg42 : memref<!tpu.dma_semaphore, #tpu.memory_space<semaphore_mem>>) src(%dma_wait3A_266 : memref<10000x128xf32, #tpu.memory_space<hbm>>) dst(%arg25 : memref<32x128xf32, #tpu.memory_space<vmem>>)
      %dma_start3A_267 = arith.constant 0 : i32
      %dma_start3A_268 = arith.constant 0 : i32
      %dma_start3A_269 = tpu.memref_slice %arg31[%dma_start3A_267, %dma_start3A_268] : memref<10240x128xf32, #tpu.memory_space<vmem_shared>> -> memref<10240x128xf32, #tpu.memory_space<vmem_shared>>
      tpu.enqueue_indirect_dma source(%arg25 : memref<32x128xf32, #tpu.memory_space<vmem>>) target(%dma_start3A_269 : memref<10240x128xf32, #tpu.memory_space<vmem_shared>>) offsets(%arg17 : memref<32xi32, #tpu.memory_space<vmem>>) semaphore(%arg50 : memref<!tpu.dma_semaphore, #tpu.memory_space<semaphore_mem>>) {add = true}
      %dma_wait3A_270 = arith.constant 0 : i32
      %dma_wait3A_271 = arith.constant 0 : i32
      %dma_wait3A_272 = tpu.memref_slice %arg2[%dma_wait3A_270, %dma_wait3A_271] : memref<10000x128xf32, #tpu.memory_space<hbm>> -> memref<10000x128xf32, #tpu.memory_space<hbm>>
      tpu.wait_indirect_dma semaphore(%arg43 : memref<!tpu.dma_semaphore, #tpu.memory_space<semaphore_mem>>) src(%dma_wait3A_272 : memref<10000x128xf32, #tpu.memory_space<hbm>>) dst(%arg26 : memref<32x128xf32, #tpu.memory_space<vmem>>)
      %dma_start3A_273 = arith.constant 0 : i32
      %dma_start3A_274 = arith.constant 0 : i32
      %dma_start3A_275 = tpu.memref_slice %arg31[%dma_start3A_273, %dma_start3A_274] : memref<10240x128xf32, #tpu.memory_space<vmem_shared>> -> memref<10240x128xf32, #tpu.memory_space<vmem_shared>>
      tpu.enqueue_indirect_dma source(%arg26 : memref<32x128xf32, #tpu.memory_space<vmem>>) target(%dma_start3A_275 : memref<10240x128xf32, #tpu.memory_space<vmem_shared>>) offsets(%arg18 : memref<32xi32, #tpu.memory_space<vmem>>) semaphore(%arg51 : memref<!tpu.dma_semaphore, #tpu.memory_space<semaphore_mem>>) {add = true}
      %dma_wait3A_276 = arith.constant 0 : i32
      %dma_wait3A_277 = arith.constant 0 : i32
      %dma_wait3A_278 = tpu.memref_slice %arg2[%dma_wait3A_276, %dma_wait3A_277] : memref<10000x128xf32, #tpu.memory_space<hbm>> -> memref<10000x128xf32, #tpu.memory_space<hbm>>
      tpu.wait_indirect_dma semaphore(%arg44 : memref<!tpu.dma_semaphore, #tpu.memory_space<semaphore_mem>>) src(%dma_wait3A_278 : memref<10000x128xf32, #tpu.memory_space<hbm>>) dst(%arg27 : memref<32x128xf32, #tpu.memory_space<vmem>>)
      %dma_start3A_279 = arith.constant 0 : i32
      %dma_start3A_280 = arith.constant 0 : i32
      %dma_start3A_281 = tpu.memref_slice %arg31[%dma_start3A_279, %dma_start3A_280] : memref<10240x128xf32, #tpu.memory_space<vmem_shared>> -> memref<10240x128xf32, #tpu.memory_space<vmem_shared>>
      tpu.enqueue_indirect_dma source(%arg27 : memref<32x128xf32, #tpu.memory_space<vmem>>) target(%dma_start3A_281 : memref<10240x128xf32, #tpu.memory_space<vmem_shared>>) offsets(%arg19 : memref<32xi32, #tpu.memory_space<vmem>>) semaphore(%arg52 : memref<!tpu.dma_semaphore, #tpu.memory_space<semaphore_mem>>) {add = true}
      %dma_wait3A_282 = arith.constant 0 : i32
      %dma_wait3A_283 = arith.constant 0 : i32
      %dma_wait3A_284 = tpu.memref_slice %arg2[%dma_wait3A_282, %dma_wait3A_283] : memref<10000x128xf32, #tpu.memory_space<hbm>> -> memref<10000x128xf32, #tpu.memory_space<hbm>>
      tpu.wait_indirect_dma semaphore(%arg45 : memref<!tpu.dma_semaphore, #tpu.memory_space<semaphore_mem>>) src(%dma_wait3A_284 : memref<10000x128xf32, #tpu.memory_space<hbm>>) dst(%arg28 : memref<32x128xf32, #tpu.memory_space<vmem>>)
      %dma_start3A_285 = arith.constant 0 : i32
      %dma_start3A_286 = arith.constant 0 : i32
      %dma_start3A_287 = tpu.memref_slice %arg31[%dma_start3A_285, %dma_start3A_286] : memref<10240x128xf32, #tpu.memory_space<vmem_shared>> -> memref<10240x128xf32, #tpu.memory_space<vmem_shared>>
      tpu.enqueue_indirect_dma source(%arg28 : memref<32x128xf32, #tpu.memory_space<vmem>>) target(%dma_start3A_287 : memref<10240x128xf32, #tpu.memory_space<vmem_shared>>) offsets(%arg20 : memref<32xi32, #tpu.memory_space<vmem>>) semaphore(%arg53 : memref<!tpu.dma_semaphore, #tpu.memory_space<semaphore_mem>>) {add = true}
      %dma_wait3A_288 = arith.constant 0 : i32
      %dma_wait3A_289 = arith.constant 0 : i32
      %dma_wait3A_290 = tpu.memref_slice %arg2[%dma_wait3A_288, %dma_wait3A_289] : memref<10000x128xf32, #tpu.memory_space<hbm>> -> memref<10000x128xf32, #tpu.memory_space<hbm>>
      tpu.wait_indirect_dma semaphore(%arg46 : memref<!tpu.dma_semaphore, #tpu.memory_space<semaphore_mem>>) src(%dma_wait3A_290 : memref<10000x128xf32, #tpu.memory_space<hbm>>) dst(%arg29 : memref<32x128xf32, #tpu.memory_space<vmem>>)
      %dma_start3A_291 = arith.constant 0 : i32
      %dma_start3A_292 = arith.constant 0 : i32
      %dma_start3A_293 = tpu.memref_slice %arg31[%dma_start3A_291, %dma_start3A_292] : memref<10240x128xf32, #tpu.memory_space<vmem_shared>> -> memref<10240x128xf32, #tpu.memory_space<vmem_shared>>
      tpu.enqueue_indirect_dma source(%arg29 : memref<32x128xf32, #tpu.memory_space<vmem>>) target(%dma_start3A_293 : memref<10240x128xf32, #tpu.memory_space<vmem_shared>>) offsets(%arg21 : memref<32xi32, #tpu.memory_space<vmem>>) semaphore(%arg54 : memref<!tpu.dma_semaphore, #tpu.memory_space<semaphore_mem>>) {add = true}
      %dma_wait3A_294 = arith.constant 0 : i32
      %dma_wait3A_295 = arith.constant 0 : i32
      %dma_wait3A_296 = tpu.memref_slice %arg2[%dma_wait3A_294, %dma_wait3A_295] : memref<10000x128xf32, #tpu.memory_space<hbm>> -> memref<10000x128xf32, #tpu.memory_space<hbm>>
      tpu.wait_indirect_dma semaphore(%arg47 : memref<!tpu.dma_semaphore, #tpu.memory_space<semaphore_mem>>) src(%dma_wait3A_296 : memref<10000x128xf32, #tpu.memory_space<hbm>>) dst(%arg30 : memref<32x128xf32, #tpu.memory_space<vmem>>)
      %dma_start3A_297 = arith.constant 0 : i32
      %dma_start3A_298 = arith.constant 0 : i32
      %dma_start3A_299 = tpu.memref_slice %arg31[%dma_start3A_297, %dma_start3A_298] : memref<10240x128xf32, #tpu.memory_space<vmem_shared>> -> memref<10240x128xf32, #tpu.memory_space<vmem_shared>>
      tpu.enqueue_indirect_dma source(%arg30 : memref<32x128xf32, #tpu.memory_space<vmem>>) target(%dma_start3A_299 : memref<10240x128xf32, #tpu.memory_space<vmem_shared>>) offsets(%arg22 : memref<32xi32, #tpu.memory_space<vmem>>) semaphore(%arg55 : memref<!tpu.dma_semaphore, #tpu.memory_space<semaphore_mem>>) {add = true}
      %dma_wait3A_300 = arith.constant 0 : i32
      %dma_wait3A_301 = arith.constant 0 : i32
      %dma_wait3A_302 = tpu.memref_slice %arg31[%dma_wait3A_300, %dma_wait3A_301] : memref<10240x128xf32, #tpu.memory_space<vmem_shared>> -> memref<10240x128xf32, #tpu.memory_space<vmem_shared>>
      tpu.wait_indirect_dma semaphore(%arg48 : memref<!tpu.dma_semaphore, #tpu.memory_space<semaphore_mem>>) src(%arg23 : memref<32x128xf32, #tpu.memory_space<vmem>>) dst(%dma_wait3A_302 : memref<10240x128xf32, #tpu.memory_space<vmem_shared>>)
      %add3A_303 = arith.constant 1 : i32
      %add3A_304 = arith.addi %while3A_251, %add3A_303 : i32
      %mul3A_305 = arith.constant 8 : i32
      %mul3A_306 = arith.muli %mul3A_305, %add3A_304 : i32
      %add3A_307 = arith.constant 0 : i32
      %add3A_308 = arith.addi %mul3A_306, %add3A_307 : i32
      %mul3A_309 = arith.constant 32 : i32
      %mul3A_310 = arith.muli %add3A_308, %mul3A_309 : i32
      %add3A_311 = arith.addi %add3A_13, %mul3A_310 : i32
      %dma_start3A_312 = tpu.memref_slice %arg3[%add3A_311] : memref<327680xi32, #tpu.memory_space<hbm>> -> memref<32xi32, #tpu.memory_space<hbm>>
      %dma_start3A_313 = tpu.memref_slice %arg3[%add3A_311] : memref<327680xi32, #tpu.memory_space<hbm>> -> memref<32xi32, #tpu.memory_space<hbm>>
      tpu.enqueue_dma source(%dma_start3A_313 : memref<32xi32, #tpu.memory_space<hbm>>) target(%arg7 : memref<32xi32, #tpu.memory_space<vmem>>) target_semaphore(%arg32 : memref<!tpu.dma_semaphore, #tpu.memory_space<semaphore_mem>>)
      %dma_start3A_314 = tpu.memref_slice %arg4[%add3A_311] : memref<327680xi32, #tpu.memory_space<hbm>> -> memref<32xi32, #tpu.memory_space<hbm>>
      %dma_start3A_315 = tpu.memref_slice %arg4[%add3A_311] : memref<327680xi32, #tpu.memory_space<hbm>> -> memref<32xi32, #tpu.memory_space<hbm>>
      tpu.enqueue_dma source(%dma_start3A_315 : memref<32xi32, #tpu.memory_space<hbm>>) target(%arg15 : memref<32xi32, #tpu.memory_space<vmem>>) target_semaphore(%arg32 : memref<!tpu.dma_semaphore, #tpu.memory_space<semaphore_mem>>)
      %dma_wait3A_316 = arith.constant 0 : i32
      %dma_wait3A_317 = arith.constant 0 : i32
      %dma_wait3A_318 = tpu.memref_slice %arg31[%dma_wait3A_316, %dma_wait3A_317] : memref<10240x128xf32, #tpu.memory_space<vmem_shared>> -> memref<10240x128xf32, #tpu.memory_space<vmem_shared>>
      tpu.wait_indirect_dma semaphore(%arg49 : memref<!tpu.dma_semaphore, #tpu.memory_space<semaphore_mem>>) src(%arg24 : memref<32x128xf32, #tpu.memory_space<vmem>>) dst(%dma_wait3A_318 : memref<10240x128xf32, #tpu.memory_space<vmem_shared>>)
      %add3A_319 = arith.constant 1 : i32
      %add3A_320 = arith.addi %while3A_251, %add3A_319 : i32
      %mul3A_321 = arith.constant 8 : i32
      %mul3A_322 = arith.muli %mul3A_321, %add3A_320 : i32
      %add3A_323 = arith.constant 1 : i32
      %add3A_324 = arith.addi %mul3A_322, %add3A_323 : i32
      %mul3A_325 = arith.constant 32 : i32
      %mul3A_326 = arith.muli %add3A_324, %mul3A_325 : i32
      %add3A_327 = arith.addi %add3A_13, %mul3A_326 : i32
      %dma_start3A_328 = tpu.memref_slice %arg3[%add3A_327] : memref<327680xi32, #tpu.memory_space<hbm>> -> memref<32xi32, #tpu.memory_space<hbm>>
      %dma_start3A_329 = tpu.memref_slice %arg3[%add3A_327] : memref<327680xi32, #tpu.memory_space<hbm>> -> memref<32xi32, #tpu.memory_space<hbm>>
      tpu.enqueue_dma source(%dma_start3A_329 : memref<32xi32, #tpu.memory_space<hbm>>) target(%arg8 : memref<32xi32, #tpu.memory_space<vmem>>) target_semaphore(%arg33 : memref<!tpu.dma_semaphore, #tpu.memory_space<semaphore_mem>>)
      %dma_start3A_330 = tpu.memref_slice %arg4[%add3A_327] : memref<327680xi32, #tpu.memory_space<hbm>> -> memref<32xi32, #tpu.memory_space<hbm>>
      %dma_start3A_331 = tpu.memref_slice %arg4[%add3A_327] : memref<327680xi32, #tpu.memory_space<hbm>> -> memref<32xi32, #tpu.memory_space<hbm>>
      tpu.enqueue_dma source(%dma_start3A_331 : memref<32xi32, #tpu.memory_space<hbm>>) target(%arg16 : memref<32xi32, #tpu.memory_space<vmem>>) target_semaphore(%arg33 : memref<!tpu.dma_semaphore, #tpu.memory_space<semaphore_mem>>)
      %dma_wait3A_332 = arith.constant 0 : i32
      %dma_wait3A_333 = arith.constant 0 : i32
      %dma_wait3A_334 = tpu.memref_slice %arg31[%dma_wait3A_332, %dma_wait3A_333] : memref<10240x128xf32, #tpu.memory_space<vmem_shared>> -> memref<10240x128xf32, #tpu.memory_space<vmem_shared>>
      tpu.wait_indirect_dma semaphore(%arg50 : memref<!tpu.dma_semaphore, #tpu.memory_space<semaphore_mem>>) src(%arg25 : memref<32x128xf32, #tpu.memory_space<vmem>>) dst(%dma_wait3A_334 : memref<10240x128xf32, #tpu.memory_space<vmem_shared>>)
      %add3A_335 = arith.constant 1 : i32
      %add3A_336 = arith.addi %while3A_251, %add3A_335 : i32
      %mul3A_337 = arith.constant 8 : i32
      %mul3A_338 = arith.muli %mul3A_337, %add3A_336 : i32
      %add3A_339 = arith.constant 2 : i32
      %add3A_340 = arith.addi %mul3A_338, %add3A_339 : i32
      %mul3A_341 = arith.constant 32 : i32
      %mul3A_342 = arith.muli %add3A_340, %mul3A_341 : i32
      %add3A_343 = arith.addi %add3A_13, %mul3A_342 : i32
      %dma_start3A_344 = tpu.memref_slice %arg3[%add3A_343] : memref<327680xi32, #tpu.memory_space<hbm>> -> memref<32xi32, #tpu.memory_space<hbm>>
      %dma_start3A_345 = tpu.memref_slice %arg3[%add3A_343] : memref<327680xi32, #tpu.memory_space<hbm>> -> memref<32xi32, #tpu.memory_space<hbm>>
      tpu.enqueue_dma source(%dma_start3A_345 : memref<32xi32, #tpu.memory_space<hbm>>) target(%arg9 : memref<32xi32, #tpu.memory_space<vmem>>) target_semaphore(%arg34 : memref<!tpu.dma_semaphore, #tpu.memory_space<semaphore_mem>>)
      %dma_start3A_346 = tpu.memref_slice %arg4[%add3A_343] : memref<327680xi32, #tpu.memory_space<hbm>> -> memref<32xi32, #tpu.memory_space<hbm>>
      %dma_start3A_347 = tpu.memref_slice %arg4[%add3A_343] : memref<327680xi32, #tpu.memory_space<hbm>> -> memref<32xi32, #tpu.memory_space<hbm>>
      tpu.enqueue_dma source(%dma_start3A_347 : memref<32xi32, #tpu.memory_space<hbm>>) target(%arg17 : memref<32xi32, #tpu.memory_space<vmem>>) target_semaphore(%arg34 : memref<!tpu.dma_semaphore, #tpu.memory_space<semaphore_mem>>)
      %dma_wait3A_348 = arith.constant 0 : i32
      %dma_wait3A_349 = arith.constant 0 : i32
      %dma_wait3A_350 = tpu.memref_slice %arg31[%dma_wait3A_348, %dma_wait3A_349] : memref<10240x128xf32, #tpu.memory_space<vmem_shared>> -> memref<10240x128xf32, #tpu.memory_space<vmem_shared>>
      tpu.wait_indirect_dma semaphore(%arg51 : memref<!tpu.dma_semaphore, #tpu.memory_space<semaphore_mem>>) src(%arg26 : memref<32x128xf32, #tpu.memory_space<vmem>>) dst(%dma_wait3A_350 : memref<10240x128xf32, #tpu.memory_space<vmem_shared>>)
      %add3A_351 = arith.constant 1 : i32
      %add3A_352 = arith.addi %while3A_251, %add3A_351 : i32
      %mul3A_353 = arith.constant 8 : i32
      %mul3A_354 = arith.muli %mul3A_353, %add3A_352 : i32
      %add3A_355 = arith.constant 3 : i32
      %add3A_356 = arith.addi %mul3A_354, %add3A_355 : i32
      %mul3A_357 = arith.constant 32 : i32
      %mul3A_358 = arith.muli %add3A_356, %mul3A_357 : i32
      %add3A_359 = arith.addi %add3A_13, %mul3A_358 : i32
      %dma_start3A_360 = tpu.memref_slice %arg3[%add3A_359] : memref<327680xi32, #tpu.memory_space<hbm>> -> memref<32xi32, #tpu.memory_space<hbm>>
      %dma_start3A_361 = tpu.memref_slice %arg3[%add3A_359] : memref<327680xi32, #tpu.memory_space<hbm>> -> memref<32xi32, #tpu.memory_space<hbm>>
      tpu.enqueue_dma source(%dma_start3A_361 : memref<32xi32, #tpu.memory_space<hbm>>) target(%arg10 : memref<32xi32, #tpu.memory_space<vmem>>) target_semaphore(%arg35 : memref<!tpu.dma_semaphore, #tpu.memory_space<semaphore_mem>>)
      %dma_start3A_362 = tpu.memref_slice %arg4[%add3A_359] : memref<327680xi32, #tpu.memory_space<hbm>> -> memref<32xi32, #tpu.memory_space<hbm>>
      %dma_start3A_363 = tpu.memref_slice %arg4[%add3A_359] : memref<327680xi32, #tpu.memory_space<hbm>> -> memref<32xi32, #tpu.memory_space<hbm>>
      tpu.enqueue_dma source(%dma_start3A_363 : memref<32xi32, #tpu.memory_space<hbm>>) target(%arg18 : memref<32xi32, #tpu.memory_space<vmem>>) target_semaphore(%arg35 : memref<!tpu.dma_semaphore, #tpu.memory_space<semaphore_mem>>)
      %dma_wait3A_364 = arith.constant 0 : i32
      %dma_wait3A_365 = arith.constant 0 : i32
      %dma_wait3A_366 = tpu.memref_slice %arg31[%dma_wait3A_364, %dma_wait3A_365] : memref<10240x128xf32, #tpu.memory_space<vmem_shared>> -> memref<10240x128xf32, #tpu.memory_space<vmem_shared>>
      tpu.wait_indirect_dma semaphore(%arg52 : memref<!tpu.dma_semaphore, #tpu.memory_space<semaphore_mem>>) src(%arg27 : memref<32x128xf32, #tpu.memory_space<vmem>>) dst(%dma_wait3A_366 : memref<10240x128xf32, #tpu.memory_space<vmem_shared>>)
      %add3A_367 = arith.constant 1 : i32
      %add3A_368 = arith.addi %while3A_251, %add3A_367 : i32
      %mul3A_369 = arith.constant 8 : i32
      %mul3A_370 = arith.muli %mul3A_369, %add3A_368 : i32
      %add3A_371 = arith.constant 4 : i32
      %add3A_372 = arith.addi %mul3A_370, %add3A_371 : i32
      %mul3A_373 = arith.constant 32 : i32
      %mul3A_374 = arith.muli %add3A_372, %mul3A_373 : i32
      %add3A_375 = arith.addi %add3A_13, %mul3A_374 : i32
      %dma_start3A_376 = tpu.memref_slice %arg3[%add3A_375] : memref<327680xi32, #tpu.memory_space<hbm>> -> memref<32xi32, #tpu.memory_space<hbm>>
      %dma_start3A_377 = tpu.memref_slice %arg3[%add3A_375] : memref<327680xi32, #tpu.memory_space<hbm>> -> memref<32xi32, #tpu.memory_space<hbm>>
      tpu.enqueue_dma source(%dma_start3A_377 : memref<32xi32, #tpu.memory_space<hbm>>) target(%arg11 : memref<32xi32, #tpu.memory_space<vmem>>) target_semaphore(%arg36 : memref<!tpu.dma_semaphore, #tpu.memory_space<semaphore_mem>>)
      %dma_start3A_378 = tpu.memref_slice %arg4[%add3A_375] : memref<327680xi32, #tpu.memory_space<hbm>> -> memref<32xi32, #tpu.memory_space<hbm>>
      %dma_start3A_379 = tpu.memref_slice %arg4[%add3A_375] : memref<327680xi32, #tpu.memory_space<hbm>> -> memref<32xi32, #tpu.memory_space<hbm>>
      tpu.enqueue_dma source(%dma_start3A_379 : memref<32xi32, #tpu.memory_space<hbm>>) target(%arg19 : memref<32xi32, #tpu.memory_space<vmem>>) target_semaphore(%arg36 : memref<!tpu.dma_semaphore, #tpu.memory_space<semaphore_mem>>)
      %dma_wait3A_380 = arith.constant 0 : i32
      %dma_wait3A_381 = arith.constant 0 : i32
      %dma_wait3A_382 = tpu.memref_slice %arg31[%dma_wait3A_380, %dma_wait3A_381] : memref<10240x128xf32, #tpu.memory_space<vmem_shared>> -> memref<10240x128xf32, #tpu.memory_space<vmem_shared>>
      tpu.wait_indirect_dma semaphore(%arg53 : memref<!tpu.dma_semaphore, #tpu.memory_space<semaphore_mem>>) src(%arg28 : memref<32x128xf32, #tpu.memory_space<vmem>>) dst(%dma_wait3A_382 : memref<10240x128xf32, #tpu.memory_space<vmem_shared>>)
      %add3A_383 = arith.constant 1 : i32
      %add3A_384 = arith.addi %while3A_251, %add3A_383 : i32
      %mul3A_385 = arith.constant 8 : i32
      %mul3A_386 = arith.muli %mul3A_385, %add3A_384 : i32
      %add3A_387 = arith.constant 5 : i32
      %add3A_388 = arith.addi %mul3A_386, %add3A_387 : i32
      %mul3A_389 = arith.constant 32 : i32
      %mul3A_390 = arith.muli %add3A_388, %mul3A_389 : i32
      %add3A_391 = arith.addi %add3A_13, %mul3A_390 : i32
      %dma_start3A_392 = tpu.memref_slice %arg3[%add3A_391] : memref<327680xi32, #tpu.memory_space<hbm>> -> memref<32xi32, #tpu.memory_space<hbm>>
      %dma_start3A_393 = tpu.memref_slice %arg3[%add3A_391] : memref<327680xi32, #tpu.memory_space<hbm>> -> memref<32xi32, #tpu.memory_space<hbm>>
      tpu.enqueue_dma source(%dma_start3A_393 : memref<32xi32, #tpu.memory_space<hbm>>) target(%arg12 : memref<32xi32, #tpu.memory_space<vmem>>) target_semaphore(%arg37 : memref<!tpu.dma_semaphore, #tpu.memory_space<semaphore_mem>>)
      %dma_start3A_394 = tpu.memref_slice %arg4[%add3A_391] : memref<327680xi32, #tpu.memory_space<hbm>> -> memref<32xi32, #tpu.memory_space<hbm>>
      %dma_start3A_395 = tpu.memref_slice %arg4[%add3A_391] : memref<327680xi32, #tpu.memory_space<hbm>> -> memref<32xi32, #tpu.memory_space<hbm>>
      tpu.enqueue_dma source(%dma_start3A_395 : memref<32xi32, #tpu.memory_space<hbm>>) target(%arg20 : memref<32xi32, #tpu.memory_space<vmem>>) target_semaphore(%arg37 : memref<!tpu.dma_semaphore, #tpu.memory_space<semaphore_mem>>)
      %dma_wait3A_396 = arith.constant 0 : i32
      %dma_wait3A_397 = arith.constant 0 : i32
      %dma_wait3A_398 = tpu.memref_slice %arg31[%dma_wait3A_396, %dma_wait3A_397] : memref<10240x128xf32, #tpu.memory_space<vmem_shared>> -> memref<10240x128xf32, #tpu.memory_space<vmem_shared>>
      tpu.wait_indirect_dma semaphore(%arg54 : memref<!tpu.dma_semaphore, #tpu.memory_space<semaphore_mem>>) src(%arg29 : memref<32x128xf32, #tpu.memory_space<vmem>>) dst(%dma_wait3A_398 : memref<10240x128xf32, #tpu.memory_space<vmem_shared>>)
      %add3A_399 = arith.constant 1 : i32
      %add3A_400 = arith.addi %while3A_251, %add3A_399 : i32
      %mul3A_401 = arith.constant 8 : i32
      %mul3A_402 = arith.muli %mul3A_401, %add3A_400 : i32
      %add3A_403 = arith.constant 6 : i32
      %add3A_404 = arith.addi %mul3A_402, %add3A_403 : i32
      %mul3A_405 = arith.constant 32 : i32
      %mul3A_406 = arith.muli %add3A_404, %mul3A_405 : i32
      %add3A_407 = arith.addi %add3A_13, %mul3A_406 : i32
      %dma_start3A_408 = tpu.memref_slice %arg3[%add3A_407] : memref<327680xi32, #tpu.memory_space<hbm>> -> memref<32xi32, #tpu.memory_space<hbm>>
      %dma_start3A_409 = tpu.memref_slice %arg3[%add3A_407] : memref<327680xi32, #tpu.memory_space<hbm>> -> memref<32xi32, #tpu.memory_space<hbm>>
      tpu.enqueue_dma source(%dma_start3A_409 : memref<32xi32, #tpu.memory_space<hbm>>) target(%arg13 : memref<32xi32, #tpu.memory_space<vmem>>) target_semaphore(%arg38 : memref<!tpu.dma_semaphore, #tpu.memory_space<semaphore_mem>>)
      %dma_start3A_410 = tpu.memref_slice %arg4[%add3A_407] : memref<327680xi32, #tpu.memory_space<hbm>> -> memref<32xi32, #tpu.memory_space<hbm>>
      %dma_start3A_411 = tpu.memref_slice %arg4[%add3A_407] : memref<327680xi32, #tpu.memory_space<hbm>> -> memref<32xi32, #tpu.memory_space<hbm>>
      tpu.enqueue_dma source(%dma_start3A_411 : memref<32xi32, #tpu.memory_space<hbm>>) target(%arg21 : memref<32xi32, #tpu.memory_space<vmem>>) target_semaphore(%arg38 : memref<!tpu.dma_semaphore, #tpu.memory_space<semaphore_mem>>)
      %dma_wait3A_412 = arith.constant 0 : i32
      %dma_wait3A_413 = arith.constant 0 : i32
      %dma_wait3A_414 = tpu.memref_slice %arg31[%dma_wait3A_412, %dma_wait3A_413] : memref<10240x128xf32, #tpu.memory_space<vmem_shared>> -> memref<10240x128xf32, #tpu.memory_space<vmem_shared>>
      tpu.wait_indirect_dma semaphore(%arg55 : memref<!tpu.dma_semaphore, #tpu.memory_space<semaphore_mem>>) src(%arg30 : memref<32x128xf32, #tpu.memory_space<vmem>>) dst(%dma_wait3A_414 : memref<10240x128xf32, #tpu.memory_space<vmem_shared>>)
      %add3A_415 = arith.constant 1 : i32
      %add3A_416 = arith.addi %while3A_251, %add3A_415 : i32
      %mul3A_417 = arith.constant 8 : i32
      %mul3A_418 = arith.muli %mul3A_417, %add3A_416 : i32
      %add3A_419 = arith.constant 7 : i32
      %add3A_420 = arith.addi %mul3A_418, %add3A_419 : i32
      %mul3A_421 = arith.constant 32 : i32
      %mul3A_422 = arith.muli %add3A_420, %mul3A_421 : i32
      %add3A_423 = arith.addi %add3A_13, %mul3A_422 : i32
      %dma_start3A_424 = tpu.memref_slice %arg3[%add3A_423] : memref<327680xi32, #tpu.memory_space<hbm>> -> memref<32xi32, #tpu.memory_space<hbm>>
      %dma_start3A_425 = tpu.memref_slice %arg3[%add3A_423] : memref<327680xi32, #tpu.memory_space<hbm>> -> memref<32xi32, #tpu.memory_space<hbm>>
      tpu.enqueue_dma source(%dma_start3A_425 : memref<32xi32, #tpu.memory_space<hbm>>) target(%arg14 : memref<32xi32, #tpu.memory_space<vmem>>) target_semaphore(%arg39 : memref<!tpu.dma_semaphore, #tpu.memory_space<semaphore_mem>>)
      %dma_start3A_426 = tpu.memref_slice %arg4[%add3A_423] : memref<327680xi32, #tpu.memory_space<hbm>> -> memref<32xi32, #tpu.memory_space<hbm>>
      %dma_start3A_427 = tpu.memref_slice %arg4[%add3A_423] : memref<327680xi32, #tpu.memory_space<hbm>> -> memref<32xi32, #tpu.memory_space<hbm>>
      tpu.enqueue_dma source(%dma_start3A_427 : memref<32xi32, #tpu.memory_space<hbm>>) target(%arg22 : memref<32xi32, #tpu.memory_space<vmem>>) target_semaphore(%arg39 : memref<!tpu.dma_semaphore, #tpu.memory_space<semaphore_mem>>)
      %dma_wait3A_428 = arith.constant 0 : i32
      %dma_wait3A_429 = tpu.memref_slice %arg3[%dma_wait3A_428] : memref<327680xi32, #tpu.memory_space<hbm>> -> memref<32xi32, #tpu.memory_space<hbm>>
      %dma_wait3A_430 = arith.constant 0 : i32
      %dma_wait3A_431 = tpu.memref_slice %arg3[%dma_wait3A_430] : memref<327680xi32, #tpu.memory_space<hbm>> -> memref<32xi32, #tpu.memory_space<hbm>>
      tpu.wait_dma2 semaphore(%arg32 : memref<!tpu.dma_semaphore, #tpu.memory_space<semaphore_mem>>) src(%dma_wait3A_431 : memref<32xi32, #tpu.memory_space<hbm>>) dst(%arg7 : memref<32xi32, #tpu.memory_space<vmem>>)
      %dma_wait3A_432 = arith.constant 0 : i32
      %dma_wait3A_433 = tpu.memref_slice %arg4[%dma_wait3A_432] : memref<327680xi32, #tpu.memory_space<hbm>> -> memref<32xi32, #tpu.memory_space<hbm>>
      %dma_wait3A_434 = arith.constant 0 : i32
      %dma_wait3A_435 = tpu.memref_slice %arg4[%dma_wait3A_434] : memref<327680xi32, #tpu.memory_space<hbm>> -> memref<32xi32, #tpu.memory_space<hbm>>
      tpu.wait_dma2 semaphore(%arg32 : memref<!tpu.dma_semaphore, #tpu.memory_space<semaphore_mem>>) src(%dma_wait3A_435 : memref<32xi32, #tpu.memory_space<hbm>>) dst(%arg15 : memref<32xi32, #tpu.memory_space<vmem>>)
      %dma_start3A_436 = arith.constant 0 : i32
      %dma_start3A_437 = arith.constant 0 : i32
      %dma_start3A_438 = tpu.memref_slice %arg2[%dma_start3A_436, %dma_start3A_437] : memref<10000x128xf32, #tpu.memory_space<hbm>> -> memref<10000x128xf32, #tpu.memory_space<hbm>>
      tpu.enqueue_indirect_dma source(%dma_start3A_438 : memref<10000x128xf32, #tpu.memory_space<hbm>>) target(%arg23 : memref<32x128xf32, #tpu.memory_space<vmem>>) offsets(%arg7 : memref<32xi32, #tpu.memory_space<vmem>>) semaphore(%arg40 : memref<!tpu.dma_semaphore, #tpu.memory_space<semaphore_mem>>)
      %dma_wait3A_439 = arith.constant 0 : i32
      %dma_wait3A_440 = tpu.memref_slice %arg3[%dma_wait3A_439] : memref<327680xi32, #tpu.memory_space<hbm>> -> memref<32xi32, #tpu.memory_space<hbm>>
      %dma_wait3A_441 = arith.constant 0 : i32
      %dma_wait3A_442 = tpu.memref_slice %arg3[%dma_wait3A_441] : memref<327680xi32, #tpu.memory_space<hbm>> -> memref<32xi32, #tpu.memory_space<hbm>>
      tpu.wait_dma2 semaphore(%arg33 : memref<!tpu.dma_semaphore, #tpu.memory_space<semaphore_mem>>) src(%dma_wait3A_442 : memref<32xi32, #tpu.memory_space<hbm>>) dst(%arg8 : memref<32xi32, #tpu.memory_space<vmem>>)
      %dma_wait3A_443 = arith.constant 0 : i32
      %dma_wait3A_444 = tpu.memref_slice %arg4[%dma_wait3A_443] : memref<327680xi32, #tpu.memory_space<hbm>> -> memref<32xi32, #tpu.memory_space<hbm>>
      %dma_wait3A_445 = arith.constant 0 : i32
      %dma_wait3A_446 = tpu.memref_slice %arg4[%dma_wait3A_445] : memref<327680xi32, #tpu.memory_space<hbm>> -> memref<32xi32, #tpu.memory_space<hbm>>
      tpu.wait_dma2 semaphore(%arg33 : memref<!tpu.dma_semaphore, #tpu.memory_space<semaphore_mem>>) src(%dma_wait3A_446 : memref<32xi32, #tpu.memory_space<hbm>>) dst(%arg16 : memref<32xi32, #tpu.memory_space<vmem>>)
      %dma_start3A_447 = arith.constant 0 : i32
      %dma_start3A_448 = arith.constant 0 : i32
      %dma_start3A_449 = tpu.memref_slice %arg2[%dma_start3A_447, %dma_start3A_448] : memref<10000x128xf32, #tpu.memory_space<hbm>> -> memref<10000x128xf32, #tpu.memory_space<hbm>>
      tpu.enqueue_indirect_dma source(%dma_start3A_449 : memref<10000x128xf32, #tpu.memory_space<hbm>>) target(%arg24 : memref<32x128xf32, #tpu.memory_space<vmem>>) offsets(%arg8 : memref<32xi32, #tpu.memory_space<vmem>>) semaphore(%arg41 : memref<!tpu.dma_semaphore, #tpu.memory_space<semaphore_mem>>)
      %dma_wait3A_450 = arith.constant 0 : i32
      %dma_wait3A_451 = tpu.memref_slice %arg3[%dma_wait3A_450] : memref<327680xi32, #tpu.memory_space<hbm>> -> memref<32xi32, #tpu.memory_space<hbm>>
      %dma_wait3A_452 = arith.constant 0 : i32
      %dma_wait3A_453 = tpu.memref_slice %arg3[%dma_wait3A_452] : memref<327680xi32, #tpu.memory_space<hbm>> -> memref<32xi32, #tpu.memory_space<hbm>>
      tpu.wait_dma2 semaphore(%arg34 : memref<!tpu.dma_semaphore, #tpu.memory_space<semaphore_mem>>) src(%dma_wait3A_453 : memref<32xi32, #tpu.memory_space<hbm>>) dst(%arg9 : memref<32xi32, #tpu.memory_space<vmem>>)
      %dma_wait3A_454 = arith.constant 0 : i32
      %dma_wait3A_455 = tpu.memref_slice %arg4[%dma_wait3A_454] : memref<327680xi32, #tpu.memory_space<hbm>> -> memref<32xi32, #tpu.memory_space<hbm>>
      %dma_wait3A_456 = arith.constant 0 : i32
      %dma_wait3A_457 = tpu.memref_slice %arg4[%dma_wait3A_456] : memref<327680xi32, #tpu.memory_space<hbm>> -> memref<32xi32, #tpu.memory_space<hbm>>
      tpu.wait_dma2 semaphore(%arg34 : memref<!tpu.dma_semaphore, #tpu.memory_space<semaphore_mem>>) src(%dma_wait3A_457 : memref<32xi32, #tpu.memory_space<hbm>>) dst(%arg17 : memref<32xi32, #tpu.memory_space<vmem>>)
      %dma_start3A_458 = arith.constant 0 : i32
      %dma_start3A_459 = arith.constant 0 : i32
      %dma_start3A_460 = tpu.memref_slice %arg2[%dma_start3A_458, %dma_start3A_459] : memref<10000x128xf32, #tpu.memory_space<hbm>> -> memref<10000x128xf32, #tpu.memory_space<hbm>>
      tpu.enqueue_indirect_dma source(%dma_start3A_460 : memref<10000x128xf32, #tpu.memory_space<hbm>>) target(%arg25 : memref<32x128xf32, #tpu.memory_space<vmem>>) offsets(%arg9 : memref<32xi32, #tpu.memory_space<vmem>>) semaphore(%arg42 : memref<!tpu.dma_semaphore, #tpu.memory_space<semaphore_mem>>)
      %dma_wait3A_461 = arith.constant 0 : i32
      %dma_wait3A_462 = tpu.memref_slice %arg3[%dma_wait3A_461] : memref<327680xi32, #tpu.memory_space<hbm>> -> memref<32xi32, #tpu.memory_space<hbm>>
      %dma_wait3A_463 = arith.constant 0 : i32
      %dma_wait3A_464 = tpu.memref_slice %arg3[%dma_wait3A_463] : memref<327680xi32, #tpu.memory_space<hbm>> -> memref<32xi32, #tpu.memory_space<hbm>>
      tpu.wait_dma2 semaphore(%arg35 : memref<!tpu.dma_semaphore, #tpu.memory_space<semaphore_mem>>) src(%dma_wait3A_464 : memref<32xi32, #tpu.memory_space<hbm>>) dst(%arg10 : memref<32xi32, #tpu.memory_space<vmem>>)
      %dma_wait3A_465 = arith.constant 0 : i32
      %dma_wait3A_466 = tpu.memref_slice %arg4[%dma_wait3A_465] : memref<327680xi32, #tpu.memory_space<hbm>> -> memref<32xi32, #tpu.memory_space<hbm>>
      %dma_wait3A_467 = arith.constant 0 : i32
      %dma_wait3A_468 = tpu.memref_slice %arg4[%dma_wait3A_467] : memref<327680xi32, #tpu.memory_space<hbm>> -> memref<32xi32, #tpu.memory_space<hbm>>
      tpu.wait_dma2 semaphore(%arg35 : memref<!tpu.dma_semaphore, #tpu.memory_space<semaphore_mem>>) src(%dma_wait3A_468 : memref<32xi32, #tpu.memory_space<hbm>>) dst(%arg18 : memref<32xi32, #tpu.memory_space<vmem>>)
      %dma_start3A_469 = arith.constant 0 : i32
      %dma_start3A_470 = arith.constant 0 : i32
      %dma_start3A_471 = tpu.memref_slice %arg2[%dma_start3A_469, %dma_start3A_470] : memref<10000x128xf32, #tpu.memory_space<hbm>> -> memref<10000x128xf32, #tpu.memory_space<hbm>>
      tpu.enqueue_indirect_dma source(%dma_start3A_471 : memref<10000x128xf32, #tpu.memory_space<hbm>>) target(%arg26 : memref<32x128xf32, #tpu.memory_space<vmem>>) offsets(%arg10 : memref<32xi32, #tpu.memory_space<vmem>>) semaphore(%arg43 : memref<!tpu.dma_semaphore, #tpu.memory_space<semaphore_mem>>)
      %dma_wait3A_472 = arith.constant 0 : i32
      %dma_wait3A_473 = tpu.memref_slice %arg3[%dma_wait3A_472] : memref<327680xi32, #tpu.memory_space<hbm>> -> memref<32xi32, #tpu.memory_space<hbm>>
      %dma_wait3A_474 = arith.constant 0 : i32
      %dma_wait3A_475 = tpu.memref_slice %arg3[%dma_wait3A_474] : memref<327680xi32, #tpu.memory_space<hbm>> -> memref<32xi32, #tpu.memory_space<hbm>>
      tpu.wait_dma2 semaphore(%arg36 : memref<!tpu.dma_semaphore, #tpu.memory_space<semaphore_mem>>) src(%dma_wait3A_475 : memref<32xi32, #tpu.memory_space<hbm>>) dst(%arg11 : memref<32xi32, #tpu.memory_space<vmem>>)
      %dma_wait3A_476 = arith.constant 0 : i32
      %dma_wait3A_477 = tpu.memref_slice %arg4[%dma_wait3A_476] : memref<327680xi32, #tpu.memory_space<hbm>> -> memref<32xi32, #tpu.memory_space<hbm>>
      %dma_wait3A_478 = arith.constant 0 : i32
      %dma_wait3A_479 = tpu.memref_slice %arg4[%dma_wait3A_478] : memref<327680xi32, #tpu.memory_space<hbm>> -> memref<32xi32, #tpu.memory_space<hbm>>
      tpu.wait_dma2 semaphore(%arg36 : memref<!tpu.dma_semaphore, #tpu.memory_space<semaphore_mem>>) src(%dma_wait3A_479 : memref<32xi32, #tpu.memory_space<hbm>>) dst(%arg19 : memref<32xi32, #tpu.memory_space<vmem>>)
      %dma_start3A_480 = arith.constant 0 : i32
      %dma_start3A_481 = arith.constant 0 : i32
      %dma_start3A_482 = tpu.memref_slice %arg2[%dma_start3A_480, %dma_start3A_481] : memref<10000x128xf32, #tpu.memory_space<hbm>> -> memref<10000x128xf32, #tpu.memory_space<hbm>>
      tpu.enqueue_indirect_dma source(%dma_start3A_482 : memref<10000x128xf32, #tpu.memory_space<hbm>>) target(%arg27 : memref<32x128xf32, #tpu.memory_space<vmem>>) offsets(%arg11 : memref<32xi32, #tpu.memory_space<vmem>>) semaphore(%arg44 : memref<!tpu.dma_semaphore, #tpu.memory_space<semaphore_mem>>)
      %dma_wait3A_483 = arith.constant 0 : i32
      %dma_wait3A_484 = tpu.memref_slice %arg3[%dma_wait3A_483] : memref<327680xi32, #tpu.memory_space<hbm>> -> memref<32xi32, #tpu.memory_space<hbm>>
      %dma_wait3A_485 = arith.constant 0 : i32
      %dma_wait3A_486 = tpu.memref_slice %arg3[%dma_wait3A_485] : memref<327680xi32, #tpu.memory_space<hbm>> -> memref<32xi32, #tpu.memory_space<hbm>>
      tpu.wait_dma2 semaphore(%arg37 : memref<!tpu.dma_semaphore, #tpu.memory_space<semaphore_mem>>) src(%dma_wait3A_486 : memref<32xi32, #tpu.memory_space<hbm>>) dst(%arg12 : memref<32xi32, #tpu.memory_space<vmem>>)
      %dma_wait3A_487 = arith.constant 0 : i32
      %dma_wait3A_488 = tpu.memref_slice %arg4[%dma_wait3A_487] : memref<327680xi32, #tpu.memory_space<hbm>> -> memref<32xi32, #tpu.memory_space<hbm>>
      %dma_wait3A_489 = arith.constant 0 : i32
      %dma_wait3A_490 = tpu.memref_slice %arg4[%dma_wait3A_489] : memref<327680xi32, #tpu.memory_space<hbm>> -> memref<32xi32, #tpu.memory_space<hbm>>
      tpu.wait_dma2 semaphore(%arg37 : memref<!tpu.dma_semaphore, #tpu.memory_space<semaphore_mem>>) src(%dma_wait3A_490 : memref<32xi32, #tpu.memory_space<hbm>>) dst(%arg20 : memref<32xi32, #tpu.memory_space<vmem>>)
      %dma_start3A_491 = arith.constant 0 : i32
      %dma_start3A_492 = arith.constant 0 : i32
      %dma_start3A_493 = tpu.memref_slice %arg2[%dma_start3A_491, %dma_start3A_492] : memref<10000x128xf32, #tpu.memory_space<hbm>> -> memref<10000x128xf32, #tpu.memory_space<hbm>>
      tpu.enqueue_indirect_dma source(%dma_start3A_493 : memref<10000x128xf32, #tpu.memory_space<hbm>>) target(%arg28 : memref<32x128xf32, #tpu.memory_space<vmem>>) offsets(%arg12 : memref<32xi32, #tpu.memory_space<vmem>>) semaphore(%arg45 : memref<!tpu.dma_semaphore, #tpu.memory_space<semaphore_mem>>)
      %dma_wait3A_494 = arith.constant 0 : i32
      %dma_wait3A_495 = tpu.memref_slice %arg3[%dma_wait3A_494] : memref<327680xi32, #tpu.memory_space<hbm>> -> memref<32xi32, #tpu.memory_space<hbm>>
      %dma_wait3A_496 = arith.constant 0 : i32
      %dma_wait3A_497 = tpu.memref_slice %arg3[%dma_wait3A_496] : memref<327680xi32, #tpu.memory_space<hbm>> -> memref<32xi32, #tpu.memory_space<hbm>>
      tpu.wait_dma2 semaphore(%arg38 : memref<!tpu.dma_semaphore, #tpu.memory_space<semaphore_mem>>) src(%dma_wait3A_497 : memref<32xi32, #tpu.memory_space<hbm>>) dst(%arg13 : memref<32xi32, #tpu.memory_space<vmem>>)
      %dma_wait3A_498 = arith.constant 0 : i32
      %dma_wait3A_499 = tpu.memref_slice %arg4[%dma_wait3A_498] : memref<327680xi32, #tpu.memory_space<hbm>> -> memref<32xi32, #tpu.memory_space<hbm>>
      %dma_wait3A_500 = arith.constant 0 : i32
      %dma_wait3A_501 = tpu.memref_slice %arg4[%dma_wait3A_500] : memref<327680xi32, #tpu.memory_space<hbm>> -> memref<32xi32, #tpu.memory_space<hbm>>
      tpu.wait_dma2 semaphore(%arg38 : memref<!tpu.dma_semaphore, #tpu.memory_space<semaphore_mem>>) src(%dma_wait3A_501 : memref<32xi32, #tpu.memory_space<hbm>>) dst(%arg21 : memref<32xi32, #tpu.memory_space<vmem>>)
      %dma_start3A_502 = arith.constant 0 : i32
      %dma_start3A_503 = arith.constant 0 : i32
      %dma_start3A_504 = tpu.memref_slice %arg2[%dma_start3A_502, %dma_start3A_503] : memref<10000x128xf32, #tpu.memory_space<hbm>> -> memref<10000x128xf32, #tpu.memory_space<hbm>>
      tpu.enqueue_indirect_dma source(%dma_start3A_504 : memref<10000x128xf32, #tpu.memory_space<hbm>>) target(%arg29 : memref<32x128xf32, #tpu.memory_space<vmem>>) offsets(%arg13 : memref<32xi32, #tpu.memory_space<vmem>>) semaphore(%arg46 : memref<!tpu.dma_semaphore, #tpu.memory_space<semaphore_mem>>)
      %dma_wait3A_505 = arith.constant 0 : i32
      %dma_wait3A_506 = tpu.memref_slice %arg3[%dma_wait3A_505] : memref<327680xi32, #tpu.memory_space<hbm>> -> memref<32xi32, #tpu.memory_space<hbm>>
      %dma_wait3A_507 = arith.constant 0 : i32
      %dma_wait3A_508 = tpu.memref_slice %arg3[%dma_wait3A_507] : memref<327680xi32, #tpu.memory_space<hbm>> -> memref<32xi32, #tpu.memory_space<hbm>>
      tpu.wait_dma2 semaphore(%arg39 : memref<!tpu.dma_semaphore, #tpu.memory_space<semaphore_mem>>) src(%dma_wait3A_508 : memref<32xi32, #tpu.memory_space<hbm>>) dst(%arg14 : memref<32xi32, #tpu.memory_space<vmem>>)
      %dma_wait3A_509 = arith.constant 0 : i32
      %dma_wait3A_510 = tpu.memref_slice %arg4[%dma_wait3A_509] : memref<327680xi32, #tpu.memory_space<hbm>> -> memref<32xi32, #tpu.memory_space<hbm>>
      %dma_wait3A_511 = arith.constant 0 : i32
      %dma_wait3A_512 = tpu.memref_slice %arg4[%dma_wait3A_511] : memref<327680xi32, #tpu.memory_space<hbm>> -> memref<32xi32, #tpu.memory_space<hbm>>
      tpu.wait_dma2 semaphore(%arg39 : memref<!tpu.dma_semaphore, #tpu.memory_space<semaphore_mem>>) src(%dma_wait3A_512 : memref<32xi32, #tpu.memory_space<hbm>>) dst(%arg22 : memref<32xi32, #tpu.memory_space<vmem>>)
      %dma_start3A_513 = arith.constant 0 : i32
      %dma_start3A_514 = arith.constant 0 : i32
      %dma_start3A_515 = tpu.memref_slice %arg2[%dma_start3A_513, %dma_start3A_514] : memref<10000x128xf32, #tpu.memory_space<hbm>> -> memref<10000x128xf32, #tpu.memory_space<hbm>>
      tpu.enqueue_indirect_dma source(%dma_start3A_515 : memref<10000x128xf32, #tpu.memory_space<hbm>>) target(%arg30 : memref<32x128xf32, #tpu.memory_space<vmem>>) offsets(%arg14 : memref<32xi32, #tpu.memory_space<vmem>>) semaphore(%arg47 : memref<!tpu.dma_semaphore, #tpu.memory_space<semaphore_mem>>)
    }
    %dma_wait3A_158 = arith.constant 0 : i32
    %dma_wait3A_159 = arith.constant 0 : i32
    %dma_wait3A_160 = tpu.memref_slice %arg2[%dma_wait3A_158, %dma_wait3A_159] : memref<10000x128xf32, #tpu.memory_space<hbm>> -> memref<10000x128xf32, #tpu.memory_space<hbm>>
    tpu.wait_indirect_dma semaphore(%arg40 : memref<!tpu.dma_semaphore, #tpu.memory_space<semaphore_mem>>) src(%dma_wait3A_160 : memref<10000x128xf32, #tpu.memory_space<hbm>>) dst(%arg23 : memref<32x128xf32, #tpu.memory_space<vmem>>)
    %dma_start3A_161 = arith.constant 0 : i32
    %dma_start3A_162 = arith.constant 0 : i32
    %dma_start3A_163 = tpu.memref_slice %arg31[%dma_start3A_161, %dma_start3A_162] : memref<10240x128xf32, #tpu.memory_space<vmem_shared>> -> memref<10240x128xf32, #tpu.memory_space<vmem_shared>>
    tpu.enqueue_indirect_dma source(%arg23 : memref<32x128xf32, #tpu.memory_space<vmem>>) target(%dma_start3A_163 : memref<10240x128xf32, #tpu.memory_space<vmem_shared>>) offsets(%arg15 : memref<32xi32, #tpu.memory_space<vmem>>) semaphore(%arg48 : memref<!tpu.dma_semaphore, #tpu.memory_space<semaphore_mem>>) {add = true}
    %dma_wait3A_164 = arith.constant 0 : i32
    %dma_wait3A_165 = arith.constant 0 : i32
    %dma_wait3A_166 = tpu.memref_slice %arg2[%dma_wait3A_164, %dma_wait3A_165] : memref<10000x128xf32, #tpu.memory_space<hbm>> -> memref<10000x128xf32, #tpu.memory_space<hbm>>
    tpu.wait_indirect_dma semaphore(%arg41 : memref<!tpu.dma_semaphore, #tpu.memory_space<semaphore_mem>>) src(%dma_wait3A_166 : memref<10000x128xf32, #tpu.memory_space<hbm>>) dst(%arg24 : memref<32x128xf32, #tpu.memory_space<vmem>>)
    %dma_start3A_167 = arith.constant 0 : i32
    %dma_start3A_168 = arith.constant 0 : i32
    %dma_start3A_169 = tpu.memref_slice %arg31[%dma_start3A_167, %dma_start3A_168] : memref<10240x128xf32, #tpu.memory_space<vmem_shared>> -> memref<10240x128xf32, #tpu.memory_space<vmem_shared>>
    tpu.enqueue_indirect_dma source(%arg24 : memref<32x128xf32, #tpu.memory_space<vmem>>) target(%dma_start3A_169 : memref<10240x128xf32, #tpu.memory_space<vmem_shared>>) offsets(%arg16 : memref<32xi32, #tpu.memory_space<vmem>>) semaphore(%arg49 : memref<!tpu.dma_semaphore, #tpu.memory_space<semaphore_mem>>) {add = true}
    %dma_wait3A_170 = arith.constant 0 : i32
    %dma_wait3A_171 = arith.constant 0 : i32
    %dma_wait3A_172 = tpu.memref_slice %arg2[%dma_wait3A_170, %dma_wait3A_171] : memref<10000x128xf32, #tpu.memory_space<hbm>> -> memref<10000x128xf32, #tpu.memory_space<hbm>>
    tpu.wait_indirect_dma semaphore(%arg42 : memref<!tpu.dma_semaphore, #tpu.memory_space<semaphore_mem>>) src(%dma_wait3A_172 : memref<10000x128xf32, #tpu.memory_space<hbm>>) dst(%arg25 : memref<32x128xf32, #tpu.memory_space<vmem>>)
    %dma_start3A_173 = arith.constant 0 : i32
    %dma_start3A_174 = arith.constant 0 : i32
    %dma_start3A_175 = tpu.memref_slice %arg31[%dma_start3A_173, %dma_start3A_174] : memref<10240x128xf32, #tpu.memory_space<vmem_shared>> -> memref<10240x128xf32, #tpu.memory_space<vmem_shared>>
    tpu.enqueue_indirect_dma source(%arg25 : memref<32x128xf32, #tpu.memory_space<vmem>>) target(%dma_start3A_175 : memref<10240x128xf32, #tpu.memory_space<vmem_shared>>) offsets(%arg17 : memref<32xi32, #tpu.memory_space<vmem>>) semaphore(%arg50 : memref<!tpu.dma_semaphore, #tpu.memory_space<semaphore_mem>>) {add = true}
    %dma_wait3A_176 = arith.constant 0 : i32
    %dma_wait3A_177 = arith.constant 0 : i32
    %dma_wait3A_178 = tpu.memref_slice %arg2[%dma_wait3A_176, %dma_wait3A_177] : memref<10000x128xf32, #tpu.memory_space<hbm>> -> memref<10000x128xf32, #tpu.memory_space<hbm>>
    tpu.wait_indirect_dma semaphore(%arg43 : memref<!tpu.dma_semaphore, #tpu.memory_space<semaphore_mem>>) src(%dma_wait3A_178 : memref<10000x128xf32, #tpu.memory_space<hbm>>) dst(%arg26 : memref<32x128xf32, #tpu.memory_space<vmem>>)
    %dma_start3A_179 = arith.constant 0 : i32
    %dma_start3A_180 = arith.constant 0 : i32
    %dma_start3A_181 = tpu.memref_slice %arg31[%dma_start3A_179, %dma_start3A_180] : memref<10240x128xf32, #tpu.memory_space<vmem_shared>> -> memref<10240x128xf32, #tpu.memory_space<vmem_shared>>
    tpu.enqueue_indirect_dma source(%arg26 : memref<32x128xf32, #tpu.memory_space<vmem>>) target(%dma_start3A_181 : memref<10240x128xf32, #tpu.memory_space<vmem_shared>>) offsets(%arg18 : memref<32xi32, #tpu.memory_space<vmem>>) semaphore(%arg51 : memref<!tpu.dma_semaphore, #tpu.memory_space<semaphore_mem>>) {add = true}
    %dma_wait3A_182 = arith.constant 0 : i32
    %dma_wait3A_183 = arith.constant 0 : i32
    %dma_wait3A_184 = tpu.memref_slice %arg2[%dma_wait3A_182, %dma_wait3A_183] : memref<10000x128xf32, #tpu.memory_space<hbm>> -> memref<10000x128xf32, #tpu.memory_space<hbm>>
    tpu.wait_indirect_dma semaphore(%arg44 : memref<!tpu.dma_semaphore, #tpu.memory_space<semaphore_mem>>) src(%dma_wait3A_184 : memref<10000x128xf32, #tpu.memory_space<hbm>>) dst(%arg27 : memref<32x128xf32, #tpu.memory_space<vmem>>)
    %dma_start3A_185 = arith.constant 0 : i32
    %dma_start3A_186 = arith.constant 0 : i32
    %dma_start3A_187 = tpu.memref_slice %arg31[%dma_start3A_185, %dma_start3A_186] : memref<10240x128xf32, #tpu.memory_space<vmem_shared>> -> memref<10240x128xf32, #tpu.memory_space<vmem_shared>>
    tpu.enqueue_indirect_dma source(%arg27 : memref<32x128xf32, #tpu.memory_space<vmem>>) target(%dma_start3A_187 : memref<10240x128xf32, #tpu.memory_space<vmem_shared>>) offsets(%arg19 : memref<32xi32, #tpu.memory_space<vmem>>) semaphore(%arg52 : memref<!tpu.dma_semaphore, #tpu.memory_space<semaphore_mem>>) {add = true}
    %dma_wait3A_188 = arith.constant 0 : i32
    %dma_wait3A_189 = arith.constant 0 : i32
    %dma_wait3A_190 = tpu.memref_slice %arg2[%dma_wait3A_188, %dma_wait3A_189] : memref<10000x128xf32, #tpu.memory_space<hbm>> -> memref<10000x128xf32, #tpu.memory_space<hbm>>
    tpu.wait_indirect_dma semaphore(%arg45 : memref<!tpu.dma_semaphore, #tpu.memory_space<semaphore_mem>>) src(%dma_wait3A_190 : memref<10000x128xf32, #tpu.memory_space<hbm>>) dst(%arg28 : memref<32x128xf32, #tpu.memory_space<vmem>>)
    %dma_start3A_191 = arith.constant 0 : i32
    %dma_start3A_192 = arith.constant 0 : i32
    %dma_start3A_193 = tpu.memref_slice %arg31[%dma_start3A_191, %dma_start3A_192] : memref<10240x128xf32, #tpu.memory_space<vmem_shared>> -> memref<10240x128xf32, #tpu.memory_space<vmem_shared>>
    tpu.enqueue_indirect_dma source(%arg28 : memref<32x128xf32, #tpu.memory_space<vmem>>) target(%dma_start3A_193 : memref<10240x128xf32, #tpu.memory_space<vmem_shared>>) offsets(%arg20 : memref<32xi32, #tpu.memory_space<vmem>>) semaphore(%arg53 : memref<!tpu.dma_semaphore, #tpu.memory_space<semaphore_mem>>) {add = true}
    %dma_wait3A_194 = arith.constant 0 : i32
    %dma_wait3A_195 = arith.constant 0 : i32
    %dma_wait3A_196 = tpu.memref_slice %arg2[%dma_wait3A_194, %dma_wait3A_195] : memref<10000x128xf32, #tpu.memory_space<hbm>> -> memref<10000x128xf32, #tpu.memory_space<hbm>>
    tpu.wait_indirect_dma semaphore(%arg46 : memref<!tpu.dma_semaphore, #tpu.memory_space<semaphore_mem>>) src(%dma_wait3A_196 : memref<10000x128xf32, #tpu.memory_space<hbm>>) dst(%arg29 : memref<32x128xf32, #tpu.memory_space<vmem>>)
    %dma_start3A_197 = arith.constant 0 : i32
    %dma_start3A_198 = arith.constant 0 : i32
    %dma_start3A_199 = tpu.memref_slice %arg31[%dma_start3A_197, %dma_start3A_198] : memref<10240x128xf32, #tpu.memory_space<vmem_shared>> -> memref<10240x128xf32, #tpu.memory_space<vmem_shared>>
    tpu.enqueue_indirect_dma source(%arg29 : memref<32x128xf32, #tpu.memory_space<vmem>>) target(%dma_start3A_199 : memref<10240x128xf32, #tpu.memory_space<vmem_shared>>) offsets(%arg21 : memref<32xi32, #tpu.memory_space<vmem>>) semaphore(%arg54 : memref<!tpu.dma_semaphore, #tpu.memory_space<semaphore_mem>>) {add = true}
    %dma_wait3A_200 = arith.constant 0 : i32
    %dma_wait3A_201 = arith.constant 0 : i32
    %dma_wait3A_202 = tpu.memref_slice %arg2[%dma_wait3A_200, %dma_wait3A_201] : memref<10000x128xf32, #tpu.memory_space<hbm>> -> memref<10000x128xf32, #tpu.memory_space<hbm>>
    tpu.wait_indirect_dma semaphore(%arg47 : memref<!tpu.dma_semaphore, #tpu.memory_space<semaphore_mem>>) src(%dma_wait3A_202 : memref<10000x128xf32, #tpu.memory_space<hbm>>) dst(%arg30 : memref<32x128xf32, #tpu.memory_space<vmem>>)
    %dma_start3A_203 = arith.constant 0 : i32
    %dma_start3A_204 = arith.constant 0 : i32
    %dma_start3A_205 = tpu.memref_slice %arg31[%dma_start3A_203, %dma_start3A_204] : memref<10240x128xf32, #tpu.memory_space<vmem_shared>> -> memref<10240x128xf32, #tpu.memory_space<vmem_shared>>
    tpu.enqueue_indirect_dma source(%arg30 : memref<32x128xf32, #tpu.memory_space<vmem>>) target(%dma_start3A_205 : memref<10240x128xf32, #tpu.memory_space<vmem_shared>>) offsets(%arg22 : memref<32xi32, #tpu.memory_space<vmem>>) semaphore(%arg55 : memref<!tpu.dma_semaphore, #tpu.memory_space<semaphore_mem>>) {add = true}
    %dma_wait3A_206 = arith.constant 0 : i32
    %dma_wait3A_207 = arith.constant 0 : i32
    %dma_wait3A_208 = tpu.memref_slice %arg31[%dma_wait3A_206, %dma_wait3A_207] : memref<10240x128xf32, #tpu.memory_space<vmem_shared>> -> memref<10240x128xf32, #tpu.memory_space<vmem_shared>>
    tpu.wait_indirect_dma semaphore(%arg48 : memref<!tpu.dma_semaphore, #tpu.memory_space<semaphore_mem>>) src(%arg23 : memref<32x128xf32, #tpu.memory_space<vmem>>) dst(%dma_wait3A_208 : memref<10240x128xf32, #tpu.memory_space<vmem_shared>>)
    %dma_wait3A_209 = arith.constant 0 : i32
    %dma_wait3A_210 = arith.constant 0 : i32
    %dma_wait3A_211 = tpu.memref_slice %arg31[%dma_wait3A_209, %dma_wait3A_210] : memref<10240x128xf32, #tpu.memory_space<vmem_shared>> -> memref<10240x128xf32, #tpu.memory_space<vmem_shared>>
    tpu.wait_indirect_dma semaphore(%arg49 : memref<!tpu.dma_semaphore, #tpu.memory_space<semaphore_mem>>) src(%arg24 : memref<32x128xf32, #tpu.memory_space<vmem>>) dst(%dma_wait3A_211 : memref<10240x128xf32, #tpu.memory_space<vmem_shared>>)
    %dma_wait3A_212 = arith.constant 0 : i32
    %dma_wait3A_213 = arith.constant 0 : i32
    %dma_wait3A_214 = tpu.memref_slice %arg31[%dma_wait3A_212, %dma_wait3A_213] : memref<10240x128xf32, #tpu.memory_space<vmem_shared>> -> memref<10240x128xf32, #tpu.memory_space<vmem_shared>>
    tpu.wait_indirect_dma semaphore(%arg50 : memref<!tpu.dma_semaphore, #tpu.memory_space<semaphore_mem>>) src(%arg25 : memref<32x128xf32, #tpu.memory_space<vmem>>) dst(%dma_wait3A_214 : memref<10240x128xf32, #tpu.memory_space<vmem_shared>>)
    %dma_wait3A_215 = arith.constant 0 : i32
    %dma_wait3A_216 = arith.constant 0 : i32
    %dma_wait3A_217 = tpu.memref_slice %arg31[%dma_wait3A_215, %dma_wait3A_216] : memref<10240x128xf32, #tpu.memory_space<vmem_shared>> -> memref<10240x128xf32, #tpu.memory_space<vmem_shared>>
    tpu.wait_indirect_dma semaphore(%arg51 : memref<!tpu.dma_semaphore, #tpu.memory_space<semaphore_mem>>) src(%arg26 : memref<32x128xf32, #tpu.memory_space<vmem>>) dst(%dma_wait3A_217 : memref<10240x128xf32, #tpu.memory_space<vmem_shared>>)
    %dma_wait3A_218 = arith.constant 0 : i32
    %dma_wait3A_219 = arith.constant 0 : i32
    %dma_wait3A_220 = tpu.memref_slice %arg31[%dma_wait3A_218, %dma_wait3A_219] : memref<10240x128xf32, #tpu.memory_space<vmem_shared>> -> memref<10240x128xf32, #tpu.memory_space<vmem_shared>>
    tpu.wait_indirect_dma semaphore(%arg52 : memref<!tpu.dma_semaphore, #tpu.memory_space<semaphore_mem>>) src(%arg27 : memref<32x128xf32, #tpu.memory_space<vmem>>) dst(%dma_wait3A_220 : memref<10240x128xf32, #tpu.memory_space<vmem_shared>>)
    %dma_wait3A_221 = arith.constant 0 : i32
    %dma_wait3A_222 = arith.constant 0 : i32
    %dma_wait3A_223 = tpu.memref_slice %arg31[%dma_wait3A_221, %dma_wait3A_222] : memref<10240x128xf32, #tpu.memory_space<vmem_shared>> -> memref<10240x128xf32, #tpu.memory_space<vmem_shared>>
    tpu.wait_indirect_dma semaphore(%arg53 : memref<!tpu.dma_semaphore, #tpu.memory_space<semaphore_mem>>) src(%arg28 : memref<32x128xf32, #tpu.memory_space<vmem>>) dst(%dma_wait3A_223 : memref<10240x128xf32, #tpu.memory_space<vmem_shared>>)
    %dma_wait3A_224 = arith.constant 0 : i32
    %dma_wait3A_225 = arith.constant 0 : i32
    %dma_wait3A_226 = tpu.memref_slice %arg31[%dma_wait3A_224, %dma_wait3A_225] : memref<10240x128xf32, #tpu.memory_space<vmem_shared>> -> memref<10240x128xf32, #tpu.memory_space<vmem_shared>>
    tpu.wait_indirect_dma semaphore(%arg54 : memref<!tpu.dma_semaphore, #tpu.memory_space<semaphore_mem>>) src(%arg29 : memref<32x128xf32, #tpu.memory_space<vmem>>) dst(%dma_wait3A_226 : memref<10240x128xf32, #tpu.memory_space<vmem_shared>>)
    %dma_wait3A_227 = arith.constant 0 : i32
    %dma_wait3A_228 = arith.constant 0 : i32
    %dma_wait3A_229 = tpu.memref_slice %arg31[%dma_wait3A_227, %dma_wait3A_228] : memref<10240x128xf32, #tpu.memory_space<vmem_shared>> -> memref<10240x128xf32, #tpu.memory_space<vmem_shared>>
    tpu.wait_indirect_dma semaphore(%arg55 : memref<!tpu.dma_semaphore, #tpu.memory_space<semaphore_mem>>) src(%arg30 : memref<32x128xf32, #tpu.memory_space<vmem>>) dst(%dma_wait3A_229 : memref<10240x128xf32, #tpu.memory_space<vmem_shared>>)
    %barrier3A_230 = arith.constant 0 : index
    tpu.barrier barrier_id(%barrier3A_230)
    "tpu.trace_stop"() : () -> ()
    "tpu.trace_start"() <{level = 10 : i32, message = "agg_out"}> : () -> ()
    %mul3A_231 = arith.constant 640 : i32
    %mul3A_232 = arith.muli %arg1, %mul3A_231 : i32
    %add3A_233 = arith.constant 0 : i32
    %add3A_234 = arith.addi %mul3A_232, %add3A_233 : i32
    "tpu.region"() ({
      %run_scoped3A = tpu.sem_alloc : memref<!tpu.dma_semaphore, #tpu.memory_space<semaphore_mem>>
      %dma_start3A_251 = arith.constant 0 : i32
      %dma_start3A_252 = tpu.memref_slice %arg6[%arg0, %add3A_234, %dma_start3A_251] : memref<2x10240x128xf32, #tpu.memory_space<hbm>> -> memref<1x128x128xf32, #tpu.memory_space<hbm>>
      %dma_start3A_253 = tpu.memref_squeeze %dma_start3A_252 : memref<1x128x128xf32, #tpu.memory_space<hbm>> -> memref<128x128xf32, #tpu.memory_space<hbm>>
      %dma_start3A_254 = arith.constant 0 : i32
      %dma_start3A_255 = tpu.memref_slice %arg31[%add3A_234, %dma_start3A_254] : memref<10240x128xf32, #tpu.memory_space<vmem_shared>> -> memref<128x128xf32, #tpu.memory_space<vmem_shared>>
      tpu.enqueue_dma source(%dma_start3A_255 : memref<128x128xf32, #tpu.memory_space<vmem_shared>>) target(%dma_start3A_253 : memref<128x128xf32, #tpu.memory_space<hbm>>) target_semaphore(%run_scoped3A : memref<!tpu.dma_semaphore, #tpu.memory_space<semaphore_mem>>)
      %dma_wait3A_256 = arith.constant 0 : i32
      %dma_wait3A_257 = tpu.memref_slice %arg6[%arg0, %add3A_234, %dma_wait3A_256] : memref<2x10240x128xf32, #tpu.memory_space<hbm>> -> memref<1x128x128xf32, #tpu.memory_space<hbm>>
      %dma_wait3A_258 = tpu.memref_squeeze %dma_wait3A_257 : memref<1x128x128xf32, #tpu.memory_space<hbm>> -> memref<128x128xf32, #tpu.memory_space<hbm>>
      %dma_wait3A_259 = arith.constant 0 : i32
      %dma_wait3A_260 = tpu.memref_slice %arg31[%add3A_234, %dma_wait3A_259] : memref<10240x128xf32, #tpu.memory_space<vmem_shared>> -> memref<128x128xf32, #tpu.memory_space<vmem_shared>>
      tpu.wait_dma2 semaphore(%run_scoped3A : memref<!tpu.dma_semaphore, #tpu.memory_space<semaphore_mem>>) src(%dma_wait3A_260 : memref<128x128xf32, #tpu.memory_space<vmem_shared>>) dst(%dma_wait3A_258 : memref<128x128xf32, #tpu.memory_space<hbm>>)
      tpu.yield
    }) : () -> ()
    %mul3A_235 = arith.constant 640 : i32
    %mul3A_236 = arith.muli %arg1, %mul3A_235 : i32
    %add3A_237 = arith.constant 128 : i32
    %add3A_238 = arith.addi %mul3A_236, %add3A_237 : i32
    "tpu.region"() ({
      %run_scoped3A = tpu.sem_alloc : memref<!tpu.dma_semaphore, #tpu.memory_space<semaphore_mem>>
      %dma_start3A_251 = arith.constant 0 : i32
      %dma_start3A_252 = tpu.memref_slice %arg6[%arg0, %add3A_238, %dma_start3A_251] : memref<2x10240x128xf32, #tpu.memory_space<hbm>> -> memref<1x128x128xf32, #tpu.memory_space<hbm>>
      %dma_start3A_253 = tpu.memref_squeeze %dma_start3A_252 : memref<1x128x128xf32, #tpu.memory_space<hbm>> -> memref<128x128xf32, #tpu.memory_space<hbm>>
      %dma_start3A_254 = arith.constant 0 : i32
      %dma_start3A_255 = tpu.memref_slice %arg31[%add3A_238, %dma_start3A_254] : memref<10240x128xf32, #tpu.memory_space<vmem_shared>> -> memref<128x128xf32, #tpu.memory_space<vmem_shared>>
      tpu.enqueue_dma source(%dma_start3A_255 : memref<128x128xf32, #tpu.memory_space<vmem_shared>>) target(%dma_start3A_253 : memref<128x128xf32, #tpu.memory_space<hbm>>) target_semaphore(%run_scoped3A : memref<!tpu.dma_semaphore, #tpu.memory_space<semaphore_mem>>)
      %dma_wait3A_256 = arith.constant 0 : i32
      %dma_wait3A_257 = tpu.memref_slice %arg6[%arg0, %add3A_238, %dma_wait3A_256] : memref<2x10240x128xf32, #tpu.memory_space<hbm>> -> memref<1x128x128xf32, #tpu.memory_space<hbm>>
      %dma_wait3A_258 = tpu.memref_squeeze %dma_wait3A_257 : memref<1x128x128xf32, #tpu.memory_space<hbm>> -> memref<128x128xf32, #tpu.memory_space<hbm>>
      %dma_wait3A_259 = arith.constant 0 : i32
      %dma_wait3A_260 = tpu.memref_slice %arg31[%add3A_238, %dma_wait3A_259] : memref<10240x128xf32, #tpu.memory_space<vmem_shared>> -> memref<128x128xf32, #tpu.memory_space<vmem_shared>>
      tpu.wait_dma2 semaphore(%run_scoped3A : memref<!tpu.dma_semaphore, #tpu.memory_space<semaphore_mem>>) src(%dma_wait3A_260 : memref<128x128xf32, #tpu.memory_space<vmem_shared>>) dst(%dma_wait3A_258 : memref<128x128xf32, #tpu.memory_space<hbm>>)
      tpu.yield
    }) : () -> ()
    %mul3A_239 = arith.constant 640 : i32
    %mul3A_240 = arith.muli %arg1, %mul3A_239 : i32
    %add3A_241 = arith.constant 256 : i32
    %add3A_242 = arith.addi %mul3A_240, %add3A_241 : i32
    "tpu.region"() ({
      %run_scoped3A = tpu.sem_alloc : memref<!tpu.dma_semaphore, #tpu.memory_space<semaphore_mem>>
      %dma_start3A_251 = arith.constant 0 : i32
      %dma_start3A_252 = tpu.memref_slice %arg6[%arg0, %add3A_242, %dma_start3A_251] : memref<2x10240x128xf32, #tpu.memory_space<hbm>> -> memref<1x128x128xf32, #tpu.memory_space<hbm>>
      %dma_start3A_253 = tpu.memref_squeeze %dma_start3A_252 : memref<1x128x128xf32, #tpu.memory_space<hbm>> -> memref<128x128xf32, #tpu.memory_space<hbm>>
      %dma_start3A_254 = arith.constant 0 : i32
      %dma_start3A_255 = tpu.memref_slice %arg31[%add3A_242, %dma_start3A_254] : memref<10240x128xf32, #tpu.memory_space<vmem_shared>> -> memref<128x128xf32, #tpu.memory_space<vmem_shared>>
      tpu.enqueue_dma source(%dma_start3A_255 : memref<128x128xf32, #tpu.memory_space<vmem_shared>>) target(%dma_start3A_253 : memref<128x128xf32, #tpu.memory_space<hbm>>) target_semaphore(%run_scoped3A : memref<!tpu.dma_semaphore, #tpu.memory_space<semaphore_mem>>)
      %dma_wait3A_256 = arith.constant 0 : i32
      %dma_wait3A_257 = tpu.memref_slice %arg6[%arg0, %add3A_242, %dma_wait3A_256] : memref<2x10240x128xf32, #tpu.memory_space<hbm>> -> memref<1x128x128xf32, #tpu.memory_space<hbm>>
      %dma_wait3A_258 = tpu.memref_squeeze %dma_wait3A_257 : memref<1x128x128xf32, #tpu.memory_space<hbm>> -> memref<128x128xf32, #tpu.memory_space<hbm>>
      %dma_wait3A_259 = arith.constant 0 : i32
      %dma_wait3A_260 = tpu.memref_slice %arg31[%add3A_242, %dma_wait3A_259] : memref<10240x128xf32, #tpu.memory_space<vmem_shared>> -> memref<128x128xf32, #tpu.memory_space<vmem_shared>>
      tpu.wait_dma2 semaphore(%run_scoped3A : memref<!tpu.dma_semaphore, #tpu.memory_space<semaphore_mem>>) src(%dma_wait3A_260 : memref<128x128xf32, #tpu.memory_space<vmem_shared>>) dst(%dma_wait3A_258 : memref<128x128xf32, #tpu.memory_space<hbm>>)
      tpu.yield
    }) : () -> ()
    %mul3A_243 = arith.constant 640 : i32
    %mul3A_244 = arith.muli %arg1, %mul3A_243 : i32
    %add3A_245 = arith.constant 384 : i32
    %add3A_246 = arith.addi %mul3A_244, %add3A_245 : i32
    "tpu.region"() ({
      %run_scoped3A = tpu.sem_alloc : memref<!tpu.dma_semaphore, #tpu.memory_space<semaphore_mem>>
      %dma_start3A_251 = arith.constant 0 : i32
      %dma_start3A_252 = tpu.memref_slice %arg6[%arg0, %add3A_246, %dma_start3A_251] : memref<2x10240x128xf32, #tpu.memory_space<hbm>> -> memref<1x128x128xf32, #tpu.memory_space<hbm>>
      %dma_start3A_253 = tpu.memref_squeeze %dma_start3A_252 : memref<1x128x128xf32, #tpu.memory_space<hbm>> -> memref<128x128xf32, #tpu.memory_space<hbm>>
      %dma_start3A_254 = arith.constant 0 : i32
      %dma_start3A_255 = tpu.memref_slice %arg31[%add3A_246, %dma_start3A_254] : memref<10240x128xf32, #tpu.memory_space<vmem_shared>> -> memref<128x128xf32, #tpu.memory_space<vmem_shared>>
      tpu.enqueue_dma source(%dma_start3A_255 : memref<128x128xf32, #tpu.memory_space<vmem_shared>>) target(%dma_start3A_253 : memref<128x128xf32, #tpu.memory_space<hbm>>) target_semaphore(%run_scoped3A : memref<!tpu.dma_semaphore, #tpu.memory_space<semaphore_mem>>)
      %dma_wait3A_256 = arith.constant 0 : i32
      %dma_wait3A_257 = tpu.memref_slice %arg6[%arg0, %add3A_246, %dma_wait3A_256] : memref<2x10240x128xf32, #tpu.memory_space<hbm>> -> memref<1x128x128xf32, #tpu.memory_space<hbm>>
      %dma_wait3A_258 = tpu.memref_squeeze %dma_wait3A_257 : memref<1x128x128xf32, #tpu.memory_space<hbm>> -> memref<128x128xf32, #tpu.memory_space<hbm>>
      %dma_wait3A_259 = arith.constant 0 : i32
      %dma_wait3A_260 = tpu.memref_slice %arg31[%add3A_246, %dma_wait3A_259] : memref<10240x128xf32, #tpu.memory_space<vmem_shared>> -> memref<128x128xf32, #tpu.memory_space<vmem_shared>>
      tpu.wait_dma2 semaphore(%run_scoped3A : memref<!tpu.dma_semaphore, #tpu.memory_space<semaphore_mem>>) src(%dma_wait3A_260 : memref<128x128xf32, #tpu.memory_space<vmem_shared>>) dst(%dma_wait3A_258 : memref<128x128xf32, #tpu.memory_space<hbm>>)
      tpu.yield
    }) : () -> ()
    %mul3A_247 = arith.constant 640 : i32
    %mul3A_248 = arith.muli %arg1, %mul3A_247 : i32
    %add3A_249 = arith.constant 512 : i32
    %add3A_250 = arith.addi %mul3A_248, %add3A_249 : i32
    "tpu.region"() ({
      %run_scoped3A = tpu.sem_alloc : memref<!tpu.dma_semaphore, #tpu.memory_space<semaphore_mem>>
      %dma_start3A_251 = arith.constant 0 : i32
      %dma_start3A_252 = tpu.memref_slice %arg6[%arg0, %add3A_250, %dma_start3A_251] : memref<2x10240x128xf32, #tpu.memory_space<hbm>> -> memref<1x128x128xf32, #tpu.memory_space<hbm>>
      %dma_start3A_253 = tpu.memref_squeeze %dma_start3A_252 : memref<1x128x128xf32, #tpu.memory_space<hbm>> -> memref<128x128xf32, #tpu.memory_space<hbm>>
      %dma_start3A_254 = arith.constant 0 : i32
      %dma_start3A_255 = tpu.memref_slice %arg31[%add3A_250, %dma_start3A_254] : memref<10240x128xf32, #tpu.memory_space<vmem_shared>> -> memref<128x128xf32, #tpu.memory_space<vmem_shared>>
      tpu.enqueue_dma source(%dma_start3A_255 : memref<128x128xf32, #tpu.memory_space<vmem_shared>>) target(%dma_start3A_253 : memref<128x128xf32, #tpu.memory_space<hbm>>) target_semaphore(%run_scoped3A : memref<!tpu.dma_semaphore, #tpu.memory_space<semaphore_mem>>)
      %dma_wait3A_256 = arith.constant 0 : i32
      %dma_wait3A_257 = tpu.memref_slice %arg6[%arg0, %add3A_250, %dma_wait3A_256] : memref<2x10240x128xf32, #tpu.memory_space<hbm>> -> memref<1x128x128xf32, #tpu.memory_space<hbm>>
      %dma_wait3A_258 = tpu.memref_squeeze %dma_wait3A_257 : memref<1x128x128xf32, #tpu.memory_space<hbm>> -> memref<128x128xf32, #tpu.memory_space<hbm>>
      %dma_wait3A_259 = arith.constant 0 : i32
      %dma_wait3A_260 = tpu.memref_slice %arg31[%add3A_250, %dma_wait3A_259] : memref<10240x128xf32, #tpu.memory_space<vmem_shared>> -> memref<128x128xf32, #tpu.memory_space<vmem_shared>>
      tpu.wait_dma2 semaphore(%run_scoped3A : memref<!tpu.dma_semaphore, #tpu.memory_space<semaphore_mem>>) src(%dma_wait3A_260 : memref<128x128xf32, #tpu.memory_space<vmem_shared>>) dst(%dma_wait3A_258 : memref<128x128xf32, #tpu.memory_space<hbm>>)
      tpu.yield
    }) : () -> ()
    "tpu.trace_stop"() : () -> ()
    return
  }
}

module attributes {stable_mosaic.version = 14 : i64} {
  func.func @_mm1_body(%arg0: i32, %arg1: memref<2000x128xf32, #tpu.memory_space<vmem>>, %arg2: memref<128x128xf32, #tpu.memory_space<vmem>>, %arg3: memref<2000x128xf32, #tpu.memory_space<vmem>>) attributes {dimension_semantics = [#tpu.dimension_semantics<arbitrary>], iteration_bounds = array<i64: 5>, scalar_prefetch = 0 : i64, scratch_operands = 0 : i64, tpu.core_type = #tpu.core_type<tc>, window_params = [{transform_indices = @transform_0, window_bounds = array<i64: 2000, 128>}, {pipeline_mode = #tpu.pipeline_mode<synchronous>, transform_indices = @transform_1, window_bounds = array<i64: 128, 128>}, {transform_indices = @transform_2, window_bounds = array<i64: 2000, 128>}]} {
    %get3A = arith.constant 0 : index
    %get3A_0 = arith.constant 0 : index
    %get3A_1 = vector.load %arg1[%get3A, %get3A_0] : memref<2000x128xf32, #tpu.memory_space<vmem>>, vector<2000x128xf32>
    %get3A_2 = arith.constant 0 : index
    %get3A_3 = arith.constant 0 : index
    %get3A_4 = vector.load %arg2[%get3A_2, %get3A_3] : memref<128x128xf32, #tpu.memory_space<vmem>>, vector<128x128xf32>
    %dot_general3A = arith.constant dense<0.000000e+00> : vector<2000x128xf32>
    %dot_general3A_5 = tpu.matmul %get3A_1, %get3A_4, %dot_general3A {dimension_numbers = #tpu.dot_dimension_numbers<[1], [1], [0], [0], [0, 0, 1, 0], [], []>, transpose_lhs_hint = false} : vector<2000x128xf32>, vector<128x128xf32>, vector<2000x128xf32> -> vector<2000x128xf32>
    %swap3A = arith.constant 0 : index
    %swap3A_6 = arith.constant 0 : index
    %swap3A_7 = vector.load %arg3[%swap3A, %swap3A_6] : memref<2000x128xf32, #tpu.memory_space<vmem>>, vector<2000x128xf32>
    tpu.vector_store %arg3[%swap3A, %swap3A_6], %dot_general3A_5 {strides = array<i32>} : memref<2000x128xf32, #tpu.memory_space<vmem>>, vector<2000x128xf32>,
    return
  }
  func.func @transform_0(%arg0: i32) -> (i32, i32) {
    %c0_i32 = arith.constant 0 : i32
    %c0_i32_0 = arith.constant 0 : i32
    return %arg0, %c0_i32 : i32, i32
  }
  func.func @transform_1(%arg0: i32) -> (i32, i32) {
    %c0_i32 = arith.constant 0 : i32
    %c0_i32_0 = arith.constant 0 : i32
    %c0_i32_1 = arith.constant 0 : i32
    return %c0_i32, %c0_i32_0 : i32, i32
  }
  func.func @transform_2(%arg0: i32) -> (i32, i32) {
    %c0_i32 = arith.constant 0 : i32
    %c0_i32_0 = arith.constant 0 : i32
    return %arg0, %c0_i32 : i32, i32
  }
}

module attributes {stable_mosaic.version = 14 : i64} {
  func.func @_scale_body(%arg0: i32, %arg1: memref<2000x128xf32, #tpu.memory_space<vmem>>, %arg2: memref<2x2000x1xf32, #tpu.memory_space<vmem>>, %arg3: memref<2000x128xf32, #tpu.memory_space<vmem>>) attributes {dimension_semantics = [#tpu.dimension_semantics<arbitrary>], iteration_bounds = array<i64: 5>, scalar_prefetch = 0 : i64, scratch_operands = 0 : i64, tpu.core_type = #tpu.core_type<tc>, window_params = [{transform_indices = @transform_0, window_bounds = array<i64: 2000, 128>}, {transform_indices = @transform_1, window_bounds = array<i64: 2, 2000, 1>}, {transform_indices = @transform_2, window_bounds = array<i64: 2000, 128>}]} {
    %get3A = arith.constant 0 : index
    %get3A_0 = arith.constant 0 : index
    %get3A_1 = vector.load %arg1[%get3A, %get3A_0] : memref<2000x128xf32, #tpu.memory_space<vmem>>, vector<2000x128xf32>
    %get3A_2 = arith.constant 0 : index
    %get3A_3 = arith.constant 0 : index
    %get3A_4 = arith.constant 0 : index
    %get3A_5 = vector.load %arg2[%get3A_2, %get3A_3, %get3A_4] : memref<2x2000x1xf32, #tpu.memory_space<vmem>>, vector<1x2000x1xf32>
    %get3A_6 = vector.shape_cast %get3A_5 : vector<1x2000x1xf32> to vector<2000x1xf32>
    %get3A_7 = arith.constant 1 : index
    %get3A_8 = arith.constant 0 : index
    %get3A_9 = arith.constant 0 : index
    %get3A_10 = vector.load %arg2[%get3A_7, %get3A_8, %get3A_9] : memref<2x2000x1xf32, #tpu.memory_space<vmem>>, vector<1x2000x1xf32>
    %get3A_11 = vector.shape_cast %get3A_10 : vector<1x2000x1xf32> to vector<2000x1xf32>
    %add3A = arith.addf %get3A_6, %get3A_11 : vector<2000x1xf32>
    %add3A_12 = arith.constant 1.000000e+00 : f32
    %add3A_13 = vector.broadcast %add3A_12 : f32 to vector<2000x1xf32>
    %add3A_14 = arith.addf %add3A, %add3A_13 : vector<2000x1xf32>
    %rsqrt3A = math.rsqrt %add3A_14 : vector<2000x1xf32>
    %mul3A = vector.broadcast %rsqrt3A : vector<2000x1xf32> to vector<2000x128xf32>
    %mul3A_15 = arith.mulf %get3A_1, %mul3A : vector<2000x128xf32>
    %swap3A = arith.constant 0 : index
    %swap3A_16 = arith.constant 0 : index
    %swap3A_17 = vector.load %arg3[%swap3A, %swap3A_16] : memref<2000x128xf32, #tpu.memory_space<vmem>>, vector<2000x128xf32>
    tpu.vector_store %arg3[%swap3A, %swap3A_16], %mul3A_15 {strides = array<i32>} : memref<2000x128xf32, #tpu.memory_space<vmem>>, vector<2000x128xf32>,
    return
  }
  func.func @transform_0(%arg0: i32) -> (i32, i32) {
    %c0_i32 = arith.constant 0 : i32
    %c0_i32_0 = arith.constant 0 : i32
    return %arg0, %c0_i32 : i32, i32
  }
  func.func @transform_1(%arg0: i32) -> (i32, i32, i32) {
    %c0_i32 = arith.constant 0 : i32
    %c0_i32_0 = arith.constant 0 : i32
    %c0_i32_1 = arith.constant 0 : i32
    return %c0_i32, %arg0, %c0_i32_0 : i32, i32, i32
  }
  func.func @transform_2(%arg0: i32) -> (i32, i32) {
    %c0_i32 = arith.constant 0 : i32
    %c0_i32_0 = arith.constant 0 : i32
    return %arg0, %c0_i32 : i32, i32
  }
}

module attributes {stable_mosaic.version = 14 : i64} {
  func.func @_prep2_body(%arg0: i32, %arg1: memref<2x2000x128xf32, #tpu.memory_space<vmem>>, %arg2: memref<2000x128xf32, #tpu.memory_space<vmem>>, %arg3: memref<2x2000x1xf32, #tpu.memory_space<vmem>>, %arg4: memref<1x128xf32, #tpu.memory_space<vmem>>, %arg5: memref<128x128xf32, #tpu.memory_space<vmem>>, %arg6: memref<2000x128xf32, #tpu.memory_space<vmem>>) attributes {dimension_semantics = [#tpu.dimension_semantics<arbitrary>], iteration_bounds = array<i64: 5>, scalar_prefetch = 0 : i64, scratch_operands = 0 : i64, tpu.core_type = #tpu.core_type<tc>, window_params = [{transform_indices = @transform_0, window_bounds = array<i64: 2, 2000, 128>}, {transform_indices = @transform_1, window_bounds = array<i64: 2000, 128>}, {transform_indices = @transform_2, window_bounds = array<i64: 2, 2000, 1>}, {pipeline_mode = #tpu.pipeline_mode<synchronous>, transform_indices = @transform_3, window_bounds = array<i64: 1, 128>}, {pipeline_mode = #tpu.pipeline_mode<synchronous>, transform_indices = @transform_4, window_bounds = array<i64: 128, 128>}, {transform_indices = @transform_5, window_bounds = array<i64: 2000, 128>}]} {
    %get3A = arith.constant 0 : index
    %get3A_0 = arith.constant 0 : index
    %get3A_1 = arith.constant 0 : index
    %get3A_2 = vector.load %arg3[%get3A, %get3A_0, %get3A_1] : memref<2x2000x1xf32, #tpu.memory_space<vmem>>, vector<1x2000x1xf32>
    %get3A_3 = vector.shape_cast %get3A_2 : vector<1x2000x1xf32> to vector<2000x1xf32>
    %get3A_4 = arith.constant 1 : index
    %get3A_5 = arith.constant 0 : index
    %get3A_6 = arith.constant 0 : index
    %get3A_7 = vector.load %arg3[%get3A_4, %get3A_5, %get3A_6] : memref<2x2000x1xf32, #tpu.memory_space<vmem>>, vector<1x2000x1xf32>
    %get3A_8 = vector.shape_cast %get3A_7 : vector<1x2000x1xf32> to vector<2000x1xf32>
    %add3A = arith.addf %get3A_3, %get3A_8 : vector<2000x1xf32>
    %add3A_9 = arith.constant 1.000000e+00 : f32
    %add3A_10 = vector.broadcast %add3A_9 : f32 to vector<2000x1xf32>
    %add3A_11 = arith.addf %add3A, %add3A_10 : vector<2000x1xf32>
    %rsqrt3A = math.rsqrt %add3A_11 : vector<2000x1xf32>
    %get3A_12 = arith.constant 0 : index
    %get3A_13 = arith.constant 0 : index
    %get3A_14 = arith.constant 0 : index
    %get3A_15 = vector.load %arg1[%get3A_12, %get3A_13, %get3A_14] : memref<2x2000x128xf32, #tpu.memory_space<vmem>>, vector<1x2000x128xf32>
    %get3A_16 = vector.shape_cast %get3A_15 : vector<1x2000x128xf32> to vector<2000x128xf32>
    %get3A_17 = arith.constant 1 : index
    %get3A_18 = arith.constant 0 : index
    %get3A_19 = arith.constant 0 : index
    %get3A_20 = vector.load %arg1[%get3A_17, %get3A_18, %get3A_19] : memref<2x2000x128xf32, #tpu.memory_space<vmem>>, vector<1x2000x128xf32>
    %get3A_21 = vector.shape_cast %get3A_20 : vector<1x2000x128xf32> to vector<2000x128xf32>
    %add3A_22 = arith.addf %get3A_16, %get3A_21 : vector<2000x128xf32>
    %get3A_23 = arith.constant 0 : index
    %get3A_24 = arith.constant 0 : index
    %get3A_25 = vector.load %arg2[%get3A_23, %get3A_24] : memref<2000x128xf32, #tpu.memory_space<vmem>>, vector<2000x128xf32>
    %add3A_26 = arith.addf %add3A_22, %get3A_25 : vector<2000x128xf32>
    %mul3A = vector.broadcast %rsqrt3A : vector<2000x1xf32> to vector<2000x128xf32>
    %mul3A_27 = arith.mulf %add3A_26, %mul3A : vector<2000x128xf32>
    %get3A_28 = arith.constant 0 : index
    %get3A_29 = arith.constant 0 : index
    %get3A_30 = vector.load %arg4[%get3A_28, %get3A_29] : memref<1x128xf32, #tpu.memory_space<vmem>>, vector<1x128xf32>
    %add3A_31 = vector.broadcast %get3A_30 : vector<1x128xf32> to vector<2000x128xf32>
    %add3A_32 = arith.addf %mul3A_27, %add3A_31 : vector<2000x128xf32>
    %max3A = arith.constant 0.000000e+00 : f32
    %max3A_33 = vector.broadcast %max3A : f32 to vector<2000x128xf32>
    %max3A_34 = arith.maximumf %add3A_32, %max3A_33 : vector<2000x128xf32>
    %get3A_35 = arith.constant 0 : index
    %get3A_36 = arith.constant 0 : index
    %get3A_37 = vector.load %arg5[%get3A_35, %get3A_36] : memref<128x128xf32, #tpu.memory_space<vmem>>, vector<128x128xf32>
    %dot_general3A = arith.constant dense<0.000000e+00> : vector<2000x128xf32>
    %dot_general3A_38 = tpu.matmul %max3A_34, %get3A_37, %dot_general3A {dimension_numbers = #tpu.dot_dimension_numbers<[1], [1], [0], [0], [0, 0, 1, 0], [], []>, transpose_lhs_hint = false} : vector<2000x128xf32>, vector<128x128xf32>, vector<2000x128xf32> -> vector<2000x128xf32>
    %mul3A_39 = vector.broadcast %rsqrt3A : vector<2000x1xf32> to vector<2000x128xf32>
    %mul3A_40 = arith.mulf %dot_general3A_38, %mul3A_39 : vector<2000x128xf32>
    %swap3A = arith.constant 0 : index
    %swap3A_41 = arith.constant 0 : index
    %swap3A_42 = vector.load %arg6[%swap3A, %swap3A_41] : memref<2000x128xf32, #tpu.memory_space<vmem>>, vector<2000x128xf32>
    tpu.vector_store %arg6[%swap3A, %swap3A_41], %mul3A_40 {strides = array<i32>} : memref<2000x128xf32, #tpu.memory_space<vmem>>, vector<2000x128xf32>,
    return
  }
  func.func @transform_0(%arg0: i32) -> (i32, i32, i32) {
    %c0_i32 = arith.constant 0 : i32
    %c0_i32_0 = arith.constant 0 : i32
    %c0_i32_1 = arith.constant 0 : i32
    return %c0_i32, %arg0, %c0_i32_0 : i32, i32, i32
  }
  func.func @transform_1(%arg0: i32) -> (i32, i32) {
    %c0_i32 = arith.constant 0 : i32
    %c0_i32_0 = arith.constant 0 : i32
    return %arg0, %c0_i32 : i32, i32
  }
  func.func @transform_2(%arg0: i32) -> (i32, i32, i32) {
    %c0_i32 = arith.constant 0 : i32
    %c0_i32_0 = arith.constant 0 : i32
    %c0_i32_1 = arith.constant 0 : i32
    return %c0_i32, %arg0, %c0_i32_0 : i32, i32, i32
  }
  func.func @transform_3(%arg0: i32) -> (i32, i32) {
    %c0_i32 = arith.constant 0 : i32
    %c0_i32_0 = arith.constant 0 : i32
    %c0_i32_1 = arith.constant 0 : i32
    return %c0_i32, %c0_i32_0 : i32, i32
  }
  func.func @transform_4(%arg0: i32) -> (i32, i32) {
    %c0_i32 = arith.constant 0 : i32
    %c0_i32_0 = arith.constant 0 : i32
    %c0_i32_1 = arith.constant 0 : i32
    return %c0_i32, %c0_i32_0 : i32, i32
  }
  func.func @transform_5(%arg0: i32) -> (i32, i32) {
    %c0_i32 = arith.constant 0 : i32
    %c0_i32_0 = arith.constant 0 : i32
    return %arg0, %c0_i32 : i32, i32
  }
}

module attributes {stable_mosaic.version = 14 : i64} {
  func.func @_final_body(%arg0: i32, %arg1: memref<2x2000x128xf32, #tpu.memory_space<vmem>>, %arg2: memref<2000x128xf32, #tpu.memory_space<vmem>>, %arg3: memref<2x2000x1xf32, #tpu.memory_space<vmem>>, %arg4: memref<1x128xf32, #tpu.memory_space<vmem>>, %arg5: memref<2000x1xi32, #tpu.memory_space<vmem>>, %arg6: memref<128x128xf32, #tpu.memory_space<vmem>>, %arg7: memref<1x128xf32, #tpu.memory_space<vmem>>, %arg8: memref<128x128xf32, #tpu.memory_space<vmem>>, %arg9: memref<128x128xf32, #tpu.memory_space<vmem>>, %arg10: memref<128x128xf32, #tpu.memory_space<vmem>>) attributes {dimension_semantics = [#tpu.dimension_semantics<arbitrary>], iteration_bounds = array<i64: 5>, scalar_prefetch = 0 : i64, scratch_operands = 2 : i64, tpu.core_type = #tpu.core_type<tc>, window_params = [{transform_indices = @transform_0, window_bounds = array<i64: 2, 2000, 128>}, {transform_indices = @transform_1, window_bounds = array<i64: 2000, 128>}, {transform_indices = @transform_2, window_bounds = array<i64: 2, 2000, 1>}, {pipeline_mode = #tpu.pipeline_mode<synchronous>, transform_indices = @transform_3, window_bounds = array<i64: 1, 128>}, {transform_indices = @transform_4, window_bounds = array<i64: 2000, 1>}, {pipeline_mode = #tpu.pipeline_mode<synchronous>, transform_indices = @transform_5, window_bounds = array<i64: 128, 128>}, {pipeline_mode = #tpu.pipeline_mode<synchronous>, transform_indices = @transform_6, window_bounds = array<i64: 1, 128>}, {pipeline_mode = #tpu.pipeline_mode<synchronous>, transform_indices = @transform_7, window_bounds = array<i64: 128, 128>}]} {
    %eq3A = arith.constant 0 : i32
    %eq3A_0 = arith.cmpi eq, %arg0, %eq3A : i32
    %convert_element_type3A = arith.extui %eq3A_0 : i1 to i32
    %cond3A = arith.constant 0 : i32
    %cond3A_1 = arith.cmpi ne, %convert_element_type3A, %cond3A : i32
    scf.if %cond3A_1 {
      %broadcast_in_dim3A_66 = arith.constant 0.000000e+00 : f32
      %broadcast_in_dim3A_67 = vector.broadcast %broadcast_in_dim3A_66 : f32 to vector<128x128xf32>
      %swap3A_68 = arith.constant 0 : index
      %swap3A_69 = arith.constant 0 : index
      %swap3A_70 = vector.load %arg9[%swap3A_68, %swap3A_69] : memref<128x128xf32, #tpu.memory_space<vmem>>, vector<128x128xf32>
      tpu.vector_store %arg9[%swap3A_68, %swap3A_69], %broadcast_in_dim3A_67 {strides = array<i32>} : memref<128x128xf32, #tpu.memory_space<vmem>>, vector<128x128xf32>,
      %broadcast_in_dim3A_71 = arith.constant 0.000000e+00 : f32
      %broadcast_in_dim3A_72 = vector.broadcast %broadcast_in_dim3A_71 : f32 to vector<128x128xf32>
      %swap3A_73 = arith.constant 0 : index
      %swap3A_74 = arith.constant 0 : index
      %swap3A_75 = vector.load %arg10[%swap3A_73, %swap3A_74] : memref<128x128xf32, #tpu.memory_space<vmem>>, vector<128x128xf32>
      tpu.vector_store %arg10[%swap3A_73, %swap3A_74], %broadcast_in_dim3A_72 {strides = array<i32>} : memref<128x128xf32, #tpu.memory_space<vmem>>, vector<128x128xf32>,
    } else {
    }
    %get3A = arith.constant 0 : index
    %get3A_2 = arith.constant 0 : index
    %get3A_3 = arith.constant 0 : index
    %get3A_4 = vector.load %arg3[%get3A, %get3A_2, %get3A_3] : memref<2x2000x1xf32, #tpu.memory_space<vmem>>, vector<1x2000x1xf32>
    %get3A_5 = vector.shape_cast %get3A_4 : vector<1x2000x1xf32> to vector<2000x1xf32>
    %get3A_6 = arith.constant 1 : index
    %get3A_7 = arith.constant 0 : index
    %get3A_8 = arith.constant 0 : index
    %get3A_9 = vector.load %arg3[%get3A_6, %get3A_7, %get3A_8] : memref<2x2000x1xf32, #tpu.memory_space<vmem>>, vector<1x2000x1xf32>
    %get3A_10 = vector.shape_cast %get3A_9 : vector<1x2000x1xf32> to vector<2000x1xf32>
    %add3A = arith.addf %get3A_5, %get3A_10 : vector<2000x1xf32>
    %add3A_11 = arith.constant 1.000000e+00 : f32
    %add3A_12 = vector.broadcast %add3A_11 : f32 to vector<2000x1xf32>
    %add3A_13 = arith.addf %add3A, %add3A_12 : vector<2000x1xf32>
    %rsqrt3A = math.rsqrt %add3A_13 : vector<2000x1xf32>
    %get3A_14 = arith.constant 0 : index
    %get3A_15 = arith.constant 0 : index
    %get3A_16 = arith.constant 0 : index
    %get3A_17 = vector.load %arg1[%get3A_14, %get3A_15, %get3A_16] : memref<2x2000x128xf32, #tpu.memory_space<vmem>>, vector<1x2000x128xf32>
    %get3A_18 = vector.shape_cast %get3A_17 : vector<1x2000x128xf32> to vector<2000x128xf32>
    %get3A_19 = arith.constant 1 : index
    %get3A_20 = arith.constant 0 : index
    %get3A_21 = arith.constant 0 : index
    %get3A_22 = vector.load %arg1[%get3A_19, %get3A_20, %get3A_21] : memref<2x2000x128xf32, #tpu.memory_space<vmem>>, vector<1x2000x128xf32>
    %get3A_23 = vector.shape_cast %get3A_22 : vector<1x2000x128xf32> to vector<2000x128xf32>
    %add3A_24 = arith.addf %get3A_18, %get3A_23 : vector<2000x128xf32>
    %get3A_25 = arith.constant 0 : index
    %get3A_26 = arith.constant 0 : index
    %get3A_27 = vector.load %arg2[%get3A_25, %get3A_26] : memref<2000x128xf32, #tpu.memory_space<vmem>>, vector<2000x128xf32>
    %add3A_28 = arith.addf %add3A_24, %get3A_27 : vector<2000x128xf32>
    %mul3A = vector.broadcast %rsqrt3A : vector<2000x1xf32> to vector<2000x128xf32>
    %mul3A_29 = arith.mulf %add3A_28, %mul3A : vector<2000x128xf32>
    %get3A_30 = arith.constant 0 : index
    %get3A_31 = arith.constant 0 : index
    %get3A_32 = vector.load %arg4[%get3A_30, %get3A_31] : memref<1x128xf32, #tpu.memory_space<vmem>>, vector<1x128xf32>
    %add3A_33 = vector.broadcast %get3A_32 : vector<1x128xf32> to vector<2000x128xf32>
    %add3A_34 = arith.addf %mul3A_29, %add3A_33 : vector<2000x128xf32>
    %max3A = arith.constant 0.000000e+00 : f32
    %max3A_35 = vector.broadcast %max3A : f32 to vector<2000x128xf32>
    %max3A_36 = arith.maximumf %add3A_34, %max3A_35 : vector<2000x128xf32>
    %iota3A = tpu.iota {dimensions = array<i32: 1>} : vector<2000x128xi32>
    %get3A_37 = arith.constant 0 : index
    %get3A_38 = arith.constant 0 : index
    %get3A_39 = vector.load %arg5[%get3A_37, %get3A_38] : memref<2000x1xi32, #tpu.memory_space<vmem>>, vector<2000x1xi32>
    %eq3A_40 = vector.broadcast %get3A_39 : vector<2000x1xi32> to vector<2000x128xi32>
    %eq3A_41 = arith.cmpi eq, %iota3A, %eq3A_40 : vector<2000x128xi32>
    %convert_element_type3A_42 = arith.extui %eq3A_41 : vector<2000x128xi1> to vector<2000x128xi32>
    %convert_element_type3A_43 = arith.sitofp %convert_element_type3A_42 : vector<2000x128xi32> to vector<2000x128xf32>
    %get3A_44 = arith.constant 0 : index
    %get3A_45 = arith.constant 0 : index
    %get3A_46 = vector.load %arg9[%get3A_44, %get3A_45] : memref<128x128xf32, #tpu.memory_space<vmem>>, vector<128x128xf32>
    %dot_general3A = arith.constant dense<0.000000e+00> : vector<128x128xf32>
    %dot_general3A_47 = tpu.matmul %convert_element_type3A_43, %max3A_36, %dot_general3A {dimension_numbers = #tpu.dot_dimension_numbers<[0], [0], [1], [1], [0, 1, 1, 1], [], []>, transpose_lhs_hint = false} : vector<2000x128xf32>, vector<2000x128xf32>, vector<128x128xf32> -> vector<128x128xf32>
    %add3A_48 = arith.addf %get3A_46, %dot_general3A_47 : vector<128x128xf32>
    %swap3A = arith.constant 0 : index
    %swap3A_49 = arith.constant 0 : index
    %swap3A_50 = vector.load %arg9[%swap3A, %swap3A_49] : memref<128x128xf32, #tpu.memory_space<vmem>>, vector<128x128xf32>
    tpu.vector_store %arg9[%swap3A, %swap3A_49], %add3A_48 {strides = array<i32>} : memref<128x128xf32, #tpu.memory_space<vmem>>, vector<128x128xf32>,
    %get3A_51 = arith.constant 0 : index
    %get3A_52 = arith.constant 0 : index
    %get3A_53 = vector.load %arg10[%get3A_51, %get3A_52] : memref<128x128xf32, #tpu.memory_space<vmem>>, vector<128x128xf32>
    %broadcast_in_dim3A = arith.constant 1.000000e+00 : f32
    %broadcast_in_dim3A_54 = vector.broadcast %broadcast_in_dim3A : f32 to vector<2000x128xf32>
    %dot_general3A_55 = arith.constant dense<0.000000e+00> : vector<128x128xf32>
    %dot_general3A_56 = tpu.matmul %convert_element_type3A_43, %broadcast_in_dim3A_54, %dot_general3A_55 {dimension_numbers = #tpu.dot_dimension_numbers<[0], [0], [1], [1], [0, 1, 1, 1], [], []>, transpose_lhs_hint = false} : vector<2000x128xf32>, vector<2000x128xf32>, vector<128x128xf32> -> vector<128x128xf32>
    %add3A_57 = arith.addf %get3A_53, %dot_general3A_56 : vector<128x128xf32>
    %swap3A_58 = arith.constant 0 : index
    %swap3A_59 = arith.constant 0 : index
    %swap3A_60 = vector.load %arg10[%swap3A_58, %swap3A_59] : memref<128x128xf32, #tpu.memory_space<vmem>>, vector<128x128xf32>
    tpu.vector_store %arg10[%swap3A_58, %swap3A_59], %add3A_57 {strides = array<i32>} : memref<128x128xf32, #tpu.memory_space<vmem>>, vector<128x128xf32>,
    %eq3A_61 = arith.constant 4 : i32
    %eq3A_62 = arith.cmpi eq, %arg0, %eq3A_61 : i32
    %convert_element_type3A_63 = arith.extui %eq3A_62 : i1 to i32
    %cond3A_64 = arith.constant 0 : i32
    %cond3A_65 = arith.cmpi ne, %convert_element_type3A_63, %cond3A_64 : i32
    scf.if %cond3A_65 {
      %get3A_66 = arith.constant 0 : index
      %get3A_67 = arith.constant 0 : index
      %get3A_68 = vector.load %arg9[%get3A_66, %get3A_67] : memref<128x128xf32, #tpu.memory_space<vmem>>, vector<128x128xf32>
      %get3A_69 = arith.constant 0 : index
      %get3A_70 = arith.constant 0 : index
      %get3A_71 = vector.load %arg10[%get3A_69, %get3A_70] : memref<128x128xf32, #tpu.memory_space<vmem>>, vector<128x128xf32>
      %max3A_72 = arith.constant 1.000000e+00 : f32
      %max3A_73 = vector.broadcast %max3A_72 : f32 to vector<128x128xf32>
      %max3A_74 = arith.maximumf %get3A_71, %max3A_73 : vector<128x128xf32>
      %div3A = arith.divf %get3A_68, %max3A_74 : vector<128x128xf32>
      %get3A_75 = arith.constant 0 : index
      %get3A_76 = arith.constant 0 : index
      %get3A_77 = vector.load %arg6[%get3A_75, %get3A_76] : memref<128x128xf32, #tpu.memory_space<vmem>>, vector<128x128xf32>
      %dot_general3A_78 = arith.constant dense<0.000000e+00> : vector<128x128xf32>
      %dot_general3A_79 = tpu.matmul %div3A, %get3A_77, %dot_general3A_78 {dimension_numbers = #tpu.dot_dimension_numbers<[1], [1], [0], [0], [0, 0, 1, 0], [], []>, transpose_lhs_hint = false} : vector<128x128xf32>, vector<128x128xf32>, vector<128x128xf32> -> vector<128x128xf32>
      %get3A_80 = arith.constant 0 : index
      %get3A_81 = arith.constant 0 : index
      %get3A_82 = vector.load %arg7[%get3A_80, %get3A_81] : memref<1x128xf32, #tpu.memory_space<vmem>>, vector<1x128xf32>
      %add3A_83 = vector.broadcast %get3A_82 : vector<1x128xf32> to vector<128x128xf32>
      %add3A_84 = arith.addf %dot_general3A_79, %add3A_83 : vector<128x128xf32>
      %swap3A_85 = arith.constant 0 : index
      %swap3A_86 = arith.constant 0 : index
      %swap3A_87 = vector.load %arg8[%swap3A_85, %swap3A_86] : memref<128x128xf32, #tpu.memory_space<vmem>>, vector<128x128xf32>
      tpu.vector_store %arg8[%swap3A_85, %swap3A_86], %add3A_84 {strides = array<i32>} : memref<128x128xf32, #tpu.memory_space<vmem>>, vector<128x128xf32>,
    } else {
    }
    return
  }
  func.func @transform_0(%arg0: i32) -> (i32, i32, i32) {
    %c0_i32 = arith.constant 0 : i32
    %c0_i32_0 = arith.constant 0 : i32
    %c0_i32_1 = arith.constant 0 : i32
    return %c0_i32, %arg0, %c0_i32_0 : i32, i32, i32
  }
  func.func @transform_1(%arg0: i32) -> (i32, i32) {
    %c0_i32 = arith.constant 0 : i32
    %c0_i32_0 = arith.constant 0 : i32
    return %arg0, %c0_i32 : i32, i32
  }
  func.func @transform_2(%arg0: i32) -> (i32, i32, i32) {
    %c0_i32 = arith.constant 0 : i32
    %c0_i32_0 = arith.constant 0 : i32
    %c0_i32_1 = arith.constant 0 : i32
    return %c0_i32, %arg0, %c0_i32_0 : i32, i32, i32
  }
  func.func @transform_3(%arg0: i32) -> (i32, i32) {
    %c0_i32 = arith.constant 0 : i32
    %c0_i32_0 = arith.constant 0 : i32
    %c0_i32_1 = arith.constant 0 : i32
    return %c0_i32, %c0_i32_0 : i32, i32
  }
  func.func @transform_4(%arg0: i32) -> (i32, i32) {
    %c0_i32 = arith.constant 0 : i32
    %c0_i32_0 = arith.constant 0 : i32
    return %arg0, %c0_i32 : i32, i32
  }
  func.func @transform_5(%arg0: i32) -> (i32, i32) {
    %c0_i32 = arith.constant 0 : i32
    %c0_i32_0 = arith.constant 0 : i32
    %c0_i32_1 = arith.constant 0 : i32
    return %c0_i32, %c0_i32_0 : i32, i32
  }
  func.func @transform_6(%arg0: i32) -> (i32, i32) {
    %c0_i32 = arith.constant 0 : i32
    %c0_i32_0 = arith.constant 0 : i32
    %c0_i32_1 = arith.constant 0 : i32
    return %c0_i32, %c0_i32_0 : i32, i32
  }
  func.func @transform_7(%arg0: i32) -> (i32, i32) {
    %c0_i32 = arith.constant 0 : i32
    %c0_i32_0 = arith.constant 0 : i32
    %c0_i32_1 = arith.constant 0 : i32
    return %c0_i32, %c0_i32_0 : i32, i32
  }
}

</mosaic_0001>

<sc_bundles>
// kernel: kernel.12.cloned.1.call-start
scs
__scs_entry_jumppad:
0x0: {  	(pc) =	sbr.rel $0x88, $3  }
0x1: {  	(tag) =	ssettag $0x0;
	lr =	simm.s32 $0x1  }
0x2: {  	[smem:$0x3F98] =	sst lr;
	_ =	strace $0xD0000000  }
0x3: {  	_ = 	snop  }
0x4: {  	_ = 	snop  }
0x5: {  	_ = 	snop  }
0x6: {  	_ = 	snop  }
0x7: {  	_ = 	snop  }
__scs_overlays_trampoline_lowered:
0x8: {  	[smem:$0x3FA7] =	sst s0  }
0x9: {  	[smem:$0x3FA8] =	sst s1  }
0xa: {  	[smem:$0x3FA9] =	sst s2  }
0xb: {  	[smem:$0x3FAA] =	sst s3  }
0xc: {  	[smem:$0x3FAB] =	sst s4  }
0xd: {  	[smem:$0x3FAC] =	sst s5  }
0xe: {  	[smem:$0x3FAD] =	sst s6  }
0xf: {  	[smem:$0x3FAE] =	sst s7  }
0x10: {  	[smem:$0x3FAF] =	sst s8  }
0x11: {  	[smem:$0x3FB0] =	sst s9;
	s0 =	simm.s32 @!p0 $0x0  }
0x12: {  	s1 =	sld [smem:$0x3F96];
	s0 =	simm.s32 @p0 $0x1  }
0x13: {  	[smem:$0x3FB1] =	sst s0;
	s0 =	simm.s32 @!p1 $0x0  }
0x14: {  	s2 =	sld [smem:$0x3F95];
	s0 =	simm.s32 @p1 $0x1  }
0x15: {  	[smem:$0x3FB2] =	sst s0;
	s0 =	simm.s32 @!p2 $0x0  }
0x16: {  	s3 =	sld [smem:$0x3FDB];
	s0 =	simm.s32 @p2 $0x1  }
0x17: {  	s4 =	simm.s32 $0x1BF5;
	[smem:$0x3FB4] =	sst s0  }
0x18: {  	s0 =	sld [smem:$0x3F97];
	_ =	swait.ge [sflag:s4], $0x0  }
0x19: {  	s7 =	sld [smem:$0x3F98]  }
0x1a: {  	s8 =	sadd.s32 $0xFFFFE003, lr  }
0x1b: {  	s9 =	sadd.s32 $0xFFFFFEF7, lr;
	s5 =	simm.s32 $0xFFFFFFFF;
	p2 =	slt.u32 s8, $0xFFFFF086  }
0x1c: {  	p1 =	slt.u32 s9, $0xF7A;
	s5 =	simm.s32 @!p2 $0x0  }
0x1d: {  	s5 =	simm.s32 @p1 $0x1;
	p0 =	seq.s32 s7, s2  }
0x1e: {  	s7 =	smul.u32 @!p0 $0xF7A, s2;
	p2 =	seq.s32 @!p0 s5, $0x0  }
0x1f: {  	s9 =	smul.u32 $0xF7A, s1;
	s8 =	simm.s32 @!p0 $0x1BF5;
	p2 =	por !p2, p0  }
0x20: {  	[sflag:s8] =	ssyncset.s32 @!p0 $0xFFFFF086;
	s6 =	sadd.s32 @!p0 s3, s7;
	s7 =	simm.s32 @!p0 $0x108  }
0x21: {  	s3 =	sadd.s32 s3, s9;
	s6 =	sadd.s32 @!p0 $0x88, s6;
	s7 =	simm.s32 @p2 $0x1082  }
0x22: {  	[simem:s7], [sflag:s8] =	dma.local @!p0 [hbm:s6], $0xF7A  }
0x23: {  	s9 =	sor.u32 $0xD0000000, s2;
	s6 =	simm.s32 $0x108;
	_ =	swait.ge @!p0 [sflag:s8], $0x0  }
0x24: {  	s3 =	sadd.s32 $0x88, s3;
	s6 =	simm.s32 @!p1 $0x1082;
	[sflag:s4] =	ssyncset.s32 $0xFFFFF086  }
0x25: {  	[simem:s6], [sflag:s4] =	dma.local [hbm:s3], $0xF7A  }
0x26: {  	[smem:$0x3F98] =	sst s1;
	(tag) =	ssettag s2;
	_ =	strace s9  }
0x27: {  	s1 =	sld [smem:$0x3FA8]  }
0x28: {  	s2 =	sld [smem:$0x3FA9]  }
0x29: {  	s4 =	sld [smem:$0x3FAB]  }
0x2a: {  	p0 =	seq.s32 s5, $0x0;
	s5 =	sld [smem:$0x3FAC]  }
0x2b: {  	s6 =	sld [smem:$0x3FAD]  }
0x2c: {  	s7 =	sld [smem:$0x3FAE]  }
0x2d: {  	s3 =	simm.s32 $0x108;
	s8 =	sld [smem:$0x3FAF]  }
0x2e: {  	s3 =	simm.s32 @!p0 $0x1082;
	s9 =	sld [smem:$0x3FB0]  }
0x2f: {  	lr =	sadd.s32 s0, s3;
	s0 =	sld [smem:$0x3FA7]  }
0x30: {  	s3 =	sld [smem:$0x3FAA]  }
0x31: {  	[smem:$0x3FB3] =	sst s10  }
0x32: {  	s10 =	sld [smem:$0x3FB1];
	_ =	sdelay $0x3  }
0x33: {  	p0 =	seq.s32 s10, $0x1;
	s10 =	sld [smem:$0x3FB3];
	_ =	sdelay $0x3  }
0x34: {  	[smem:$0x3FB3] =	sst s10  }
0x35: {  	s10 =	sld [smem:$0x3FB2];
	_ =	sdelay $0x3  }
0x36: {  	p1 =	seq.s32 s10, $0x1;
	s10 =	sld [smem:$0x3FB3];
	_ =	sdelay $0x3  }
0x37: {  	[smem:$0x3FB3] =	sst s10  }
0x38: {  	s10 =	sld [smem:$0x3FB4]  }
0x39: {  	_ = 	snop;
	(pc) =	sbr.ind lr, $3  }
0x3a: {  	_ = 	snop  }
0x3b: {  	_ = 	snop  }
0x3c: {  	p2 =	seq.s32 s10, $0x1;
	s10 =	sld [smem:$0x3FB3]  }
0x3d: {  	_ =	shalt  }
0x3e: {  	_ =	shalt  }
0x3f: {  	_ =	shalt  }
0x40: {  	_ =	shalt  }
0x41: {  	_ =	shalt  }
0x42: {  	_ =	shalt  }
0x43: {  	_ =	shalt  }
0x44: {  	_ =	shalt  }
0x45: {  	_ =	shalt  }
0x46: {  	_ =	shalt  }
0x47: {  	_ =	shalt  }
0x48: {  	_ =	shalt  }
0x49: {  	_ =	shalt  }
0x4a: {  	_ =	shalt  }
0x4b: {  	_ =	shalt  }
0x4c: {  	_ =	shalt  }
0x4d: {  	_ =	shalt  }
0x4e: {  	_ =	shalt  }
0x4f: {  	_ =	shalt  }
0x50: {  	_ =	shalt  }
0x51: {  	_ =	shalt  }
0x52: {  	_ =	shalt  }
0x53: {  	_ =	shalt  }
0x54: {  	_ =	shalt  }
0x55: {  	_ =	shalt  }
0x56: {  	_ =	shalt  }
0x57: {  	_ =	shalt  }
0x58: {  	_ =	shalt  }
0x59: {  	_ =	shalt  }
0x5a: {  	_ =	shalt  }
0x5b: {  	_ =	shalt  }
0x5c: {  	_ =	shalt  }
0x5d: {  	_ =	shalt  }
0x5e: {  	_ =	shalt  }
0x5f: {  	_ =	shalt  }
0x60: {  	_ =	shalt  }
0x61: {  	_ =	shalt  }
0x62: {  	_ =	shalt  }
0x63: {  	_ =	shalt  }
0x64: {  	_ =	shalt  }
0x65: {  	_ =	shalt  }
0x66: {  	_ =	shalt  }
0x67: {  	_ =	shalt  }
0x68: {  	_ =	shalt  }
0x69: {  	_ =	shalt  }
0x6a: {  	_ =	shalt  }
0x6b: {  	_ =	shalt  }
0x6c: {  	_ =	shalt  }
0x6d: {  	_ =	shalt  }
0x6e: {  	_ =	shalt  }
0x6f: {  	_ =	shalt  }
0x70: {  	_ =	shalt  }
0x71: {  	_ =	shalt  }
0x72: {  	_ =	shalt  }
0x73: {  	_ =	shalt  }
0x74: {  	_ =	shalt  }
0x75: {  	_ =	shalt  }
0x76: {  	_ =	shalt  }
0x77: {  	_ =	shalt  }
0x78: {  	_ =	shalt  }
0x79: {  	_ =	shalt  }
0x7a: {  	_ =	shalt  }
0x7b: {  	_ =	shalt  }
0x7c: {  	_ =	shalt  }
0x7d: {  	_ =	shalt  }
0x7e: {  	_ =	shalt  }
0x7f: {  	_ =	shalt  }
0x80: {  	_ =	shalt  }
0x81: {  	_ =	shalt  }
0x82: {  	_ =	shalt  }
0x83: {  	_ =	shalt  }
0x84: {  	_ =	shalt  }
0x85: {  	_ =	shalt  }
0x86: {  	_ =	shalt  }
0x87: {  	_ =	shalt  }
.Lfunc_end0:
.L_simem_size_0:
called_computation.1_lowered:
.L_overlay_start_0:
0x88: {  	s2 =	sld [smem:$0x3FD9]  }
0x89: {  	s3 =	sld [smem:$0x3FFE];
	_ =	sdelay $0x1  }
0x8a: {  	s1 =	srdreg.scid  }
0x8b: {  	s0 =	sand.u32 $0x1, s1  }
0x8c: {  	s16 =	sshll.u32 s0, $0xA;
	s2 =	sadd.s32 s3, s2  }
0x8d: {  	s2 =	sadd.s32 s2, s16  }
0x8e: {  	[smem:$0x3FBF] =	sst s2  }
0x8f: {  	_ = 	snop  }
0x90: {  	(tm) =	ssettm $0x1  }
0x91: {  	s17 =	sld [smem:$0x3FFB];
	_ =	sdelay $0x3  }
0x92: {  	_ =	strace s17  }
0x93: {  	s2 =	sld [smem:$0x3FFC];
	_ =	sdelay $0x3  }
0x94: {  	_ =	strace s2  }
0x95: {  	s2 =	sld [smem:$0x3FFD];
	_ =	sdelay $0x3  }
0x96: {  	_ =	strace s2  }
0x97: {  	_ =	strace $0x8FFFFFFF  }
0x98: {  	s18 =	sld [smem:$0x3FDB];
	_ =	sdelay $0x1  }
0x99: {  	s19 =	simm.s32 $_scs_section_size  }
0x9a: {  	s4 =	simm.s32 $_size__tile_overlayer_lowered;
	s5 =	simm.s32 $_tile_overlayer_lowered  }
0x9b: {  	s22 =	simm.s32 $0x1BFF;
	s21 =	sshll.u32 s5, $0x1;
	s2 =	sadd.s32 s19, s18  }
0x9c: {  	s6 =	simm.s32 $0x0;
	s20 =	sshll.u32 s4, $0x1;
	s4 =	sadd.s32 s21, s2  }
0x9d: {  	[timem:s6], [sflag:s22] =	dma.local [hbm:s4], s20  }
0x9e: {  	_ =	swait.ge [sflag:s22], s20  }
0x9f: {  	s3 =	ssub.s32 $0x0, s20;
	[sflag:s22] =	ssyncset.done $0x0  }
0xa0: {  	[sflag:s22] =	ssyncadd.s32 s3;
	_ =	sdelay $0x1  }
0xa1: {  	s23 =	simm.s32 $0x1B8B  }
0xa2: {  	_ =	swait.ge [sflag:s23], $0x1  }
0xa3: {  	[sflag:s23] =	ssyncset.done $0x0  }
0xa4: {  	s25 =	simm.s32 $0x1B8E;
	s24 =	sld [smem:$0x3FFE];
	[sflag:s23] =	ssyncadd.s32 $0xFFFFFFFF  }
0xa5: {  	s26 =	simm.s32 $execute0_lowered;
	[smem:$0x3FD2] =	sst s25  }
0xa6: {  	s4 =	sshll.u32 s26, $0x1;
	_ =	strace $0x80000049;
	[dreg:$0x1] =	wrdreg $0xFFFFFFFF  }
0xa7: {  	s28 =	simm.s32 $_size_execute0_lowered;
	s2 =	sadd.s32 s2, s4;
	[dreg:$0x0] =	wrdreg $0x0  }
0xa8: {  	s4 =	sshll.u32 s28, $0x1;
	[dreg:$0x2] =	wrdreg s2  }
0xa9: {  	[dreg:$0x3] =	wrdreg s4  }
0xaa: {  	[dreg:$0x4] =	wrdreg $0xC0  }
0xab: {  	_ =	task [dreg:s6], $0x5FFFF  }
0xac: {  	[dreg:$0x1] =	wrdreg $0xFFFFFFFF  }
0xad: {  	[dreg:$0x0] =	wrdreg $0x60  }
0xae: {  	[dreg:$0x2] =	wrdreg s24  }
0xaf: {  	[dreg:$0x3] =	wrdreg $0x88000  }
0xb0: {  	[dreg:$0x4] =	wrdreg $0x9  }
0xb1: {  	_ =	task.clear_ibuf [dreg:s6], $0x5FFFF;
	_ =	strace $0x90000049  }
0xb2: {  	s29 =	simm.s32 $0x9;
	_ =	strace $0x8000004E  }
0xb3: {  	_ =	swait.ge [sflag:s29], $0x1  }
0xb4: {  	[sflag:s29] =	ssyncadd.s32 $0xFFFFFFFF  }
0xb5: {  	_ =	strace $0x9000004E  }
0xb6: {  	_ =	sfence  }
0xb7: {  	s30 =	sld [smem:$0x0];
	_ =	sdelay $0x2  }
0xb8: {  	s31 =	sshll.u32 s1, $0xD;
	s1 =	sshrl.u32 s1, $0x2  }
0xb9: {  	s3 =	sand.u32 $0x4000, s31;
	s1 =	sadd.s32 s1, s30  }
0xba: {  	s0 =	sor.u32 s3, s0;
	s1 =	sshll.u32 s1, $0x11  }
0xbb: {  	s0 =	sor.u32 s1, s0  }
0xbc: {  	s0 =	sadd.s32 $0x8F2B, s0  }
0xbd: {  	[sflag:s0] =	ssyncadd.remote.s32 $0x1  }
0xbe: {  	_ =	sfence.sel $0xFFFF  }
0xbf: {  	[dreg:$0x0] =	wrdreg $0xFFFFFFFF;
	(pc) =	sbr.abs _section_cstart, $3  }
0xc0: {  	[dreg:$0x1] =	wrdreg $0xFFFFFFFF  }
0xc1: {  	_ =	task.clear_ibuf [dreg:s6], $0x2FFFF;
	_ =	strace $0x9FFFFFFF  }
0xc2: {  	(tm) =	ssettm $0x7FFFFFFF  }
0xc3: {  	_ =	shalt  }
tec
execute0_lowered:
.L_overlay_start_1:
0x0: {  	(tag) =	ssettag $0x1  }
0x1: {  	s0 =	rddreg [dreg:$0x0]  }
0x2: {  	s1 =	rddreg [dreg:$0x1];
	s17 =	stileid.u32  }
0x3: {  	s2 =	srdreg.scid;
	s3 =	simm.s32 $0x0;
	s8 =	smul.u32 $0x2800, s17  }
0x4: {  	s29 =	simm.s32 $0x3;
	s2 =	sand.u32 $0x1, s2;
	s5 =	smul.u32 $0x14000, s17  }
0x5: {  	s31 =	simm.s32 $0x4;
	[smem:$0x7FF] =	sst s3;
	s7 =	smul.u32 $0x28000, s2  }
0x6: {  	s4 =	sadd.s32 $0xCA00, s0;
	s6 =	sadd.s32 $0x2A00, s0;
	s12 =	smul.u32 $0x140000, s2  }
0x7: {  	s10 =	sadd.s32 $0xB5C00, s0;
	_ =	strace $0x8000004A;
	s25 =	ssub.s32 $0x2, s2  }
0x8: {  	s9 =	sshrl.u32 s25, $0x1;
	s11 =	sadd.s32 s8, s7;
	s14 =	sadd.s32 s5, s12  }
0x9: {  	s2 =	ssub.s32 s25, s9;
	s7 =	sshrl.u32 s11, $0x3;
	s9 =	sshrl.u32 s14, $0x3  }
0xa: {  	s20 =	sor.u32 $0x1C0, s11;
	s24 =	sor.u32 $0x1A0, s11;
	s2 =	smax.u32 s2, $0x1  }
0xb: {  	s13 =	sor.u32 $0x4, s7;
	s28 =	sor.u32 $0x8, s7;
	s9 =	sadd.s32 s10, s9  }
0xc: {  	s22 =	sshrl.u32 s20, $0x3;
	s20 =	sor.u32 $0x160, s11;
	[smem:$0x7F9] =	sst s2  }
0xd: {  	s26 =	sadd.s32 s4, s13;
	s30 =	sadd.s32 s6, s13;
	[dreg:$0x17] =	wrdreg s9  }
0xe: {  	s13 =	sadd.s32 s4, s28;
	s8 =	sadd.s32 s6, s28;
	[dreg:$0x13] =	wrdreg s26  }
0xf: {  	s9 =	sadd.s32 $0x8000, s5;
	s23 =	sadd.s32 s22, s6;
	[dreg:$0x14] =	wrdreg s30  }
0x10: {  	s25 =	sadd.s32 s22, s4;
	s22 =	sshrl.u32 s20, $0x3;
	[dreg:$0x15] =	wrdreg s13  }
0x11: {  	s20 =	sor.u32 $0xC, s7;
	[dreg:$0x16] =	wrdreg s8;
	s8 =	sadd.s32 $0x4000, s5  }
0x12: {  	s14 =	sadd.s32 s12, s9;
	[dreg:$0x5] =	wrdreg s23;
	s26 =	sshrl.u32 s24, $0x3  }
0x13: {  	[dreg:$0x6] =	wrdreg s25;
	s30 =	sor.u32 $0x180, s11;
	s23 =	sadd.s32 s22, s6  }
0x14: {  	s24 =	sor.u32 $0x140, s11;
	s25 =	sadd.s32 s22, s4;
	s22 =	sor.u32 $0x10, s7  }
0x15: {  	s15 =	sadd.s32 s12, s8;
	s16 =	sshrl.u32 s14, $0x3;
	[dreg:$0xb] =	wrdreg s23  }
0x16: {  	s28 =	sadd.s32 s26, s6;
	[dreg:$0xc] =	wrdreg s25;
	s23 =	sadd.s32 s4, s22  }
0x17: {  	s13 =	sshrl.u32 s15, $0x3;
	s15 =	sor.u32 $0x1E0, s11;
	[dreg:$0x7] =	wrdreg s28  }
0x18: {  	[dreg:$0x1e] =	wrdreg s23;
	s13 =	sadd.s32 s10, s13;
	s18 =	sshrl.u32 s15, $0x3  }
0x19: {  	s15 =	sadd.s32 $0xC000, s5;
	[dreg:$0x18] =	wrdreg s13;
	s13 =	sadd.s32 s10, s16  }
0x1a: {  	s19 =	sadd.s32 s18, s6;
	s21 =	sadd.s32 s18, s4;
	[dreg:$0x19] =	wrdreg s13  }
0x1b: {  	s16 =	sadd.s32 s26, s4;
	s18 =	sshrl.u32 s30, $0x3;
	[dreg:$0x3] =	wrdreg s19  }
0x1c: {  	s26 =	sshrl.u32 s24, $0x3;
	s30 =	sor.u32 $0x120, s11;
	[dreg:$0x4] =	wrdreg s21  }
0x1d: {  	s11 =	sor.u32 $0x100, s11;
	[dreg:$0x8] =	wrdreg s16;
	s19 =	sadd.s32 s18, s6  }
0x1e: {  	s24 =	sor.u32 $0x14, s7;
	s21 =	sadd.s32 s18, s4;
	[dreg:$0x9] =	wrdreg s19  }
0x1f: {  	s23 =	sadd.s32 s15, s1;
	s28 =	sadd.s32 s26, s6;
	[dreg:$0xa] =	wrdreg s21  }
0x20: {  	s16 =	sadd.s32 s12, s15;
	s14 =	sadd.s32 s26, s4;
	[dreg:$0xd] =	wrdreg s28  }
0x21: {  	s13 =	sshrl.u32 s30, $0x3;
	s25 =	sadd.s32 s4, s24;
	[dreg:$0xe] =	wrdreg s14  }
0x22: {  	s11 =	sshrl.u32 s11, $0x3;
	s30 =	sadd.s32 s4, s7;
	[smem:$0x7EF] =	sst s25  }
0x23: {  	s26 =	sor.u32 $0x18, s7;
	s18 =	sadd.s32 s13, s6;
	[smem:$0x7F3] =	sst s30  }
0x24: {  	s15 =	simm.s32 $0x180;
	s13 =	sadd.s32 s13, s4;
	[dreg:$0xf] =	wrdreg s18  }
0x25: {  	s16 =	sshrl.u32 s16, $0x3;
	s19 =	sadd.s32 s11, s6;
	[dreg:$0x10] =	wrdreg s13  }
0x26: {  	s14 =	sadd.s32 $0x10000, s5;
	s21 =	sadd.s32 s4, s20;
	[dreg:$0x11] =	wrdreg s19  }
0x27: {  	s28 =	sadd.s32 s4, s26;
	s25 =	sadd.s32 $0x66A00, s0;
	[dreg:$0x1c] =	wrdreg s21  }
0x28: {  	s16 =	sadd.s32 s10, s16;
	s12 =	sadd.s32 s12, s14;
	[smem:$0x7F1] =	sst s28  }
0x29: {  	s13 =	smul.u32 $0x50000, s17;
	s17 =	sshrl.u32 s5, $0x3;
	s21 =	sadd.s32 s8, s1  }
0x2a: {  	s28 =	sshrl.u32 s23, $0x3;
	[dreg:$0x1a] =	wrdreg s16;
	s12 =	sshrl.u32 s12, $0x3  }
0x2b: {  	s8 =	simm.s32 $0x19;
	[smem:$0x7FC] =	sst s28;
	s10 =	sadd.s32 s10, s12  }
0x2c: {  	s5 =	simm.s32 $0x5;
	s12 =	sadd.s32 s6, s7;
	[dreg:$0x1b] =	wrdreg s10  }
0x2d: {  	s7 =	sor.u32 $0x1C, s7;
	s10 =	sadd.s32 s6, s20;
	[smem:$0x7F4] =	sst s12  }
0x2e: {  	s18 =	sshrl.u32 s13, $0x2;
	s16 =	sadd.s32 s4, s7;
	[dreg:$0x1d] =	wrdreg s10  }
0x2f: {  	s13 =	simm.s32 $0x100;
	s4 =	sadd.s32 s11, s4;
	[smem:$0x7F6] =	sst s16  }
0x30: {  	s19 =	sadd.s32 s18, s1;
	s11 =	simm.s32 $0x80;
	[dreg:$0x12] =	wrdreg s4  }
0x31: {  	s10 =	sadd.s32 s6, s22;
	s4 =	sadd.s32 s17, s0;
	[smem:$0x7F7] =	sst s19  }
0x32: {  	s22 =	sadd.s32 s9, s1;
	s0 =	sshrl.u32 s21, $0x3;
	[dreg:$0x1f] =	wrdreg s10  }
0x33: {  	s17 =	simm.s32 $0x200;
	s10 =	sadd.s32 s6, s24;
	[smem:$0x7FA] =	sst s0  }
0x34: {  	s19 =	simm.s32 $0x280;
	s20 =	sadd.s32 $0x8DC00, s4;
	[smem:$0x7F0] =	sst s10  }
0x35: {  	s21 =	simm.s32 $0x20;
	s10 =	sadd.s32 s6, s26;
	[smem:$0x7F8] =	sst s20  }
0x36: {  	s24 =	sadd.s32 s14, s1;
	s6 =	sadd.s32 s6, s7;
	[smem:$0x7F2] =	sst s10  }
0x37: {  	s1 =	simm.s32 $0x6;
	s26 =	sshrl.u32 s22, $0x3;
	[smem:$0x7F5] =	sst s6  }
0x38: {  	s0 =	simm.s32 $0x0;
	s30 =	sshrl.u32 s24, $0x3;
	[smem:$0x7FB] =	sst s26  }
0x39: {  	s24 =	simm.s32 $0x300;
	s20 =	simm.s32 $0x1;
	[smem:$0x7FD] =	sst s30  }
0x3a: {  	s26 =	simm.s32 $0x2;
	s6 =	simm.s32 $0x7;
	s10 =	simm.s32 $0x8  }
.LBB2_1:
0x3b: {  	[smem:$0x7EC] =	sst s0  }
0x3c: {  	_ =	strace $0x8000004B  }
0x3d: {  	s4 =	stileid.u32;
	s22 =	sld [smem:$0x7F7]  }
0x3e: {  	s4 =	sshll.u32 s4, $0x6  }
0x3f: {  	s18 =	sor.u32 $0x1C19, s4;
	s23 =	sld [smem:$0x7F8]  }
0x40: {  	[smem:$0x7ED] =	sst s18;
	s2 =	sshrl.u32 s22, $0x3  }
0x41: {  	[smem:$0x7EE] =	sst s2  }
0x42: {  	[spmem:s2], [sflag:s18] =	dma.local [hbm:s23], $0x2800  }
0x43: {  	_ =	swait.ge [sflag:s8], $0x2800  }
0x44: {  	[sflag:s8] =	ssyncset.done $0x0  }
0x45: {  	[sflag:s8] =	ssyncadd.s32 $0xFFFFD800  }
0x46: {  	[bflag:$0x0] =	sbarrier.arrive $0xFFFF  }
0x47: {  	_ =	strace $0x9000004B  }
0x48: {  	_ =	strace $0x8000004C  }
0x49: {  	s28 =	sld [smem:$0x7F3];
	_ =	sdelay $0x1  }
0x4a: {  	s30 =	sld [smem:$0x7F4]  }
0x4b: {  	[tilespmem:s3], [sflag:$0x1] =	stream.linear.gather [hbm4b:s28+s3], $0x20, $0x200038;
	[tilespmem:$0x1C800] =	vst v63  }
0x4c: {  	s8 =	simm.s32 $0x400;
	s0 =	rddreg [dreg:$0x13]  }
0x4d: {  	[tilespmem:s8], [sflag:$0x1] =	stream.linear.gather [hbm4b:s30+s3], $0x20, $0x200038;
	[tilespmem:$0x1C800] =	vst v63  }
0x4e: {  	s2 =	rddreg [dreg:$0x14]  }
0x4f: {  	[tilespmem:s11], [sflag:$0x2] =	stream.linear.gather [hbm4b:s0+s3], $0x20, $0x200038;
	[tilespmem:$0x1C800] =	vst v63  }
0x50: {  	s16 =	simm.s32 $0x480;
	s7 =	rddreg [dreg:$0x15]  }
0x51: {  	[tilespmem:s16], [sflag:$0x2] =	stream.linear.gather [hbm4b:s2+s3], $0x20, $0x200038;
	[tilespmem:$0x1C800] =	vst v63  }
0x52: {  	s9 =	rddreg [dreg:$0x16]  }
0x53: {  	[tilespmem:s13], [sflag:$0x3] =	stream.linear.gather [hbm4b:s7+s3], $0x20, $0x200038;
	[tilespmem:$0x1C800] =	vst v63  }
0x54: {  	s18 =	simm.s32 $0x500;
	s12 =	rddreg [dreg:$0x1c]  }
0x55: {  	[tilespmem:s18], [sflag:$0x3] =	stream.linear.gather [hbm4b:s9+s3], $0x20, $0x200038;
	[tilespmem:$0x1C800] =	vst v63  }
0x56: {  	s14 =	rddreg [dreg:$0x1d]  }
0x57: {  	[tilespmem:s15], [sflag:$0x4] =	stream.linear.gather [hbm4b:s12+s3], $0x20, $0x200038;
	[tilespmem:$0x1C800] =	vst v63  }
0x58: {  	s23 =	simm.s32 $0x580;
	s22 =	rddreg [dreg:$0x1e]  }
0x59: {  	[tilespmem:s23], [sflag:$0x4] =	stream.linear.gather [hbm4b:s14+s3], $0x20, $0x200038;
	[tilespmem:$0x1C800] =	vst v63  }
0x5a: {  	s28 =	rddreg [dreg:$0x1f]  }
0x5b: {  	[tilespmem:s17], [sflag:$0x5] =	stream.linear.gather [hbm4b:s22+s3], $0x20, $0x200038;
	[tilespmem:$0x1C800] =	vst v63  }
0x5c: {  	s30 =	simm.s32 $0x600;
	s0 =	sld [smem:$0x7EF]  }
0x5d: {  	[tilespmem:s30], [sflag:$0x5] =	stream.linear.gather [hbm4b:s28+s3], $0x20, $0x200038;
	[tilespmem:$0x1C800] =	vst v63  }
0x5e: {  	s2 =	sld [smem:$0x7F0]  }
0x5f: {  	[tilespmem:s19], [sflag:$0x6] =	stream.linear.gather [hbm4b:s0+s3], $0x20, $0x200038;
	[tilespmem:$0x1C800] =	vst v63  }
0x60: {  	s7 =	simm.s32 $0x680;
	s9 =	sld [smem:$0x7F1]  }
0x61: {  	[tilespmem:s7], [sflag:$0x6] =	stream.linear.gather [hbm4b:s2+s3], $0x20, $0x200038;
	[tilespmem:$0x1C800] =	vst v63  }
0x62: {  	s12 =	sld [smem:$0x7F2]  }
0x63: {  	[tilespmem:s24], [sflag:$0x7] =	stream.linear.gather [hbm4b:s9+s3], $0x20, $0x200038;
	[tilespmem:$0x1C800] =	vst v63  }
0x64: {  	s14 =	simm.s32 $0x700;
	s22 =	sld [smem:$0x7F6]  }
0x65: {  	[tilespmem:s14], [sflag:$0x7] =	stream.linear.gather [hbm4b:s12+s3], $0x20, $0x200038;
	[tilespmem:$0x1C800] =	vst v63  }
0x66: {  	s28 =	simm.s32 $0x380;
	s0 =	sld [smem:$0x7F5]  }
0x67: {  	[tilespmem:s28], [sflag:$0x8] =	stream.linear.gather [hbm4b:s22+s3], $0x20, $0x200038;
	[tilespmem:$0x1C800] =	vst v63  }
0x68: {  	s2 =	simm.s32 $0x780  }
0x69: {  	[tilespmem:s2], [sflag:$0x8] =	stream.linear.gather [hbm4b:s0+s3], $0x20, $0x200038;
	[tilespmem:$0x1C800] =	vst v63  }
0x6a: {  	_ =	swait.ge [sflag:s20], $0x20  }
0x6b: {  	[sflag:s20] =	ssyncset.done $0x0  }
0x6c: {  	[sflag:s20] =	ssyncadd.s32 $0xFFFFFFE0  }
0x6d: {  	_ =	swait.ge [sflag:s20], $0x20  }
0x6e: {  	[sflag:s20] =	ssyncset.done $0x0  }
0x6f: {  	s7 =	simm.s32 $0x800;
	[sflag:s20] =	ssyncadd.s32 $0xFFFFFFE0  }
0x70: {  	[tilespmem:s7], [sflag:$0x9] =	stream.indirect.gather [hbm4b:s25+s21], $0x80, s3, s21, $0x2000b8;
	[tilespmem:$0x1C800] =	vst v63  }
0x71: {  	_ =	swait.ge [sflag:s26], $0x20  }
0x72: {  	[sflag:s26] =	ssyncset.done $0x0  }
0x73: {  	[sflag:s26] =	ssyncadd.s32 $0xFFFFFFE0  }
0x74: {  	_ =	swait.ge [sflag:s26], $0x20  }
0x75: {  	[sflag:s26] =	ssyncset.done $0x0  }
0x76: {  	s9 =	simm.s32 $0x1800;
	[sflag:s26] =	ssyncadd.s32 $0xFFFFFFE0  }
0x77: {  	[tilespmem:s9], [sflag:$0xA] =	stream.indirect.gather [hbm4b:s25+s21], $0x80, s11, s21, $0x2000b8;
	[tilespmem:$0x1C800] =	vst v63  }
0x78: {  	_ =	swait.ge [sflag:s29], $0x20  }
0x79: {  	[sflag:s29] =	ssyncset.done $0x0  }
0x7a: {  	[sflag:s29] =	ssyncadd.s32 $0xFFFFFFE0  }
0x7b: {  	_ =	swait.ge [sflag:s29], $0x20  }
0x7c: {  	[sflag:s29] =	ssyncset.done $0x0  }
0x7d: {  	s12 =	simm.s32 $0x2800;
	[sflag:s29] =	ssyncadd.s32 $0xFFFFFFE0  }
0x7e: {  	[tilespmem:s12], [sflag:$0xB] =	stream.indirect.gather [hbm4b:s25+s21], $0x80, s13, s21, $0x2000b8;
	[tilespmem:$0x1C800] =	vst v63  }
0x7f: {  	_ =	swait.ge [sflag:s31], $0x20  }
0x80: {  	[sflag:s31] =	ssyncset.done $0x0  }
0x81: {  	[sflag:s31] =	ssyncadd.s32 $0xFFFFFFE0  }
0x82: {  	_ =	swait.ge [sflag:s31], $0x20  }
0x83: {  	[sflag:s31] =	ssyncset.done $0x0  }
0x84: {  	s2 =	simm.s32 $0x3800;
	[sflag:s31] =	ssyncadd.s32 $0xFFFFFFE0  }
0x85: {  	[tilespmem:s2], [sflag:$0xC] =	stream.indirect.gather [hbm4b:s25+s21], $0x80, s15, s21, $0x2000b8;
	[tilespmem:$0x1C800] =	vst v63  }
0x86: {  	_ =	swait.ge [sflag:s5], $0x20  }
0x87: {  	[sflag:s5] =	ssyncset.done $0x0  }
0x88: {  	[sflag:s5] =	ssyncadd.s32 $0xFFFFFFE0  }
0x89: {  	_ =	swait.ge [sflag:s5], $0x20  }
0x8a: {  	[sflag:s5] =	ssyncset.done $0x0  }
0x8b: {  	s4 =	simm.s32 $0x4800;
	[sflag:s5] =	ssyncadd.s32 $0xFFFFFFE0  }
0x8c: {  	[tilespmem:s4], [sflag:$0xD] =	stream.indirect.gather [hbm4b:s25+s21], $0x80, s17, s21, $0x2000b8;
	[tilespmem:$0x1C800] =	vst v63  }
0x8d: {  	_ =	swait.ge [sflag:s1], $0x20  }
0x8e: {  	[sflag:s1] =	ssyncset.done $0x0  }
0x8f: {  	[sflag:s1] =	ssyncadd.s32 $0xFFFFFFE0  }
0x90: {  	_ =	swait.ge [sflag:s1], $0x20  }
0x91: {  	[sflag:s1] =	ssyncset.done $0x0  }
0x92: {  	s5 =	simm.s32 $0x5800;
	[sflag:s1] =	ssyncadd.s32 $0xFFFFFFE0  }
0x93: {  	[tilespmem:s5], [sflag:$0xE] =	stream.indirect.gather [hbm4b:s25+s21], $0x80, s19, s21, $0x2000b8;
	[tilespmem:$0x1C800] =	vst v63  }
0x94: {  	_ =	swait.ge [sflag:s6], $0x20  }
0x95: {  	[sflag:s6] =	ssyncset.done $0x0  }
0x96: {  	[sflag:s6] =	ssyncadd.s32 $0xFFFFFFE0  }
0x97: {  	_ =	swait.ge [sflag:s6], $0x20  }
0x98: {  	[sflag:s6] =	ssyncset.done $0x0  }
0x99: {  	[sflag:s6] =	ssyncadd.s32 $0xFFFFFFE0;
	s6 =	simm.s32 $0x6800  }
0x9a: {  	[tilespmem:s6], [sflag:$0xF] =	stream.indirect.gather [hbm4b:s25+s21], $0x80, s24, s21, $0x2000b8;
	[tilespmem:$0x1C800] =	vst v63  }
0x9b: {  	_ =	swait.ge [sflag:s10], $0x20  }
0x9c: {  	[sflag:s10] =	ssyncset.done $0x0  }
0x9d: {  	[sflag:s10] =	ssyncadd.s32 $0xFFFFFFE0  }
0x9e: {  	_ =	swait.ge [sflag:s10], $0x20  }
0x9f: {  	s28 =	simm.s32 $0x380;
	[sflag:s10] =	ssyncset.done $0x0  }
0xa0: {  	s4 =	simm.s32 $0x7800;
	[sflag:s10] =	ssyncadd.s32 $0xFFFFFFE0;
	s10 =	simm.s32 $0x9  }
0xa1: {  	[tilespmem:s4], [sflag:$0x10] =	stream.indirect.gather [hbm4b:s25+s21], $0x80, s28, s21, $0x2000b8;
	[tilespmem:$0x1C800] =	vst v63  }
0xa2: {  	_ =	swait.ge [sflag:s10], $0x1000  }
0xa3: {  	[sflag:s10] =	ssyncset.done $0x0  }
0xa4: {  	[sflag:s10] =	ssyncadd.s32 $0xFFFFF000  }
0xa5: {  	s22 =	simm.s32 $0x800;
	s28 =	simm.s32 $0xA;
	s1 =	rddreg [dreg:$0x1]  }
0xa6: {  	[spmem:s1] =	stream.indirect.scatter.add.f32 [tilespmem:s22], [sflag:$0x11], $0x80, s8, s21, $0x2000b8;
	[tilespmem:$0x1C800] =	vst v63  }
0xa7: {  	_ =	swait.ge [sflag:s28], $0x1000  }
0xa8: {  	[sflag:s28] =	ssyncset.done $0x0  }
0xa9: {  	s14 =	simm.s32 $0x1800;
	s6 =	simm.s32 $0xB;
	[sflag:s28] =	ssyncadd.s32 $0xFFFFF000  }
0xaa: {  	[spmem:s1] =	stream.indirect.scatter.add.f32 [tilespmem:s14], [sflag:$0x12], $0x80, s16, s21, $0x2000b8;
	[tilespmem:$0x1C800] =	vst v63  }
0xab: {  	_ =	swait.ge [sflag:s6], $0x1000  }
0xac: {  	[sflag:s6] =	ssyncset.done $0x0  }
0xad: {  	s12 =	simm.s32 $0x2800;
	s10 =	simm.s32 $0xC;
	[sflag:s6] =	ssyncadd.s32 $0xFFFFF000  }
0xae: {  	[spmem:s1] =	stream.indirect.scatter.add.f32 [tilespmem:s12], [sflag:$0x13], $0x80, s18, s21, $0x2000b8;
	[tilespmem:$0x1C800] =	vst v63  }
0xaf: {  	_ =	swait.ge [sflag:s10], $0x1000  }
0xb0: {  	[sflag:s10] =	ssyncset.done $0x0  }
0xb1: {  	s9 =	simm.s32 $0x3800;
	s14 =	simm.s32 $0xD;
	[sflag:s10] =	ssyncadd.s32 $0xFFFFF000  }
0xb2: {  	[spmem:s1] =	stream.indirect.scatter.add.f32 [tilespmem:s9], [sflag:$0x14], $0x80, s23, s21, $0x2000b8;
	[tilespmem:$0x1C800] =	vst v63  }
0xb3: {  	_ =	swait.ge [sflag:s14], $0x1000  }
0xb4: {  	[sflag:s14] =	ssyncset.done $0x0  }
0xb5: {  	s7 =	simm.s32 $0x4800;
	s22 =	simm.s32 $0xE;
	[sflag:s14] =	ssyncadd.s32 $0xFFFFF000  }
0xb6: {  	[spmem:s1] =	stream.indirect.scatter.add.f32 [tilespmem:s7], [sflag:$0x15], $0x80, s30, s21, $0x2000b8;
	[tilespmem:$0x1C800] =	vst v63  }
0xb7: {  	_ =	swait.ge [sflag:s22], $0x1000  }
0xb8: {  	s2 =	simm.s32 $0x5800;
	[sflag:s22] =	ssyncset.done $0x0  }
0xb9: {  	s28 =	simm.s32 $0x680;
	s6 =	simm.s32 $0xF;
	[sflag:s22] =	ssyncadd.s32 $0xFFFFF000  }
0xba: {  	[spmem:s1] =	stream.indirect.scatter.add.f32 [tilespmem:s2], [sflag:$0x16], $0x80, s28, s21, $0x2000b8;
	[tilespmem:$0x1C800] =	vst v63  }
0xbb: {  	_ =	swait.ge [sflag:s6], $0x1000  }
0xbc: {  	s0 =	simm.s32 $0x6800;
	[sflag:s6] =	ssyncset.done $0x0  }
0xbd: {  	s10 =	simm.s32 $0x700;
	s14 =	simm.s32 $0x10;
	[sflag:s6] =	ssyncadd.s32 $0xFFFFF000  }
0xbe: {  	[spmem:s1] =	stream.indirect.scatter.add.f32 [tilespmem:s0], [sflag:$0x17], $0x80, s10, s21, $0x2000b8;
	[tilespmem:$0x1C800] =	vst v63  }
0xbf: {  	_ =	swait.ge [sflag:s14], $0x1000  }
0xc0: {  	[sflag:s14] =	ssyncset.done $0x0  }
0xc1: {  	s22 =	simm.s32 $0x780;
	s0 =	simm.s32 $0x11;
	[sflag:s14] =	ssyncadd.s32 $0xFFFFF000  }
0xc2: {  	[spmem:s1] =	stream.indirect.scatter.add.f32 [tilespmem:s4], [sflag:$0x18], $0x80, s22, s21, $0x2000b8;
	[tilespmem:$0x1C800] =	vst v63  }
0xc3: {  	_ =	swait.ge [sflag:s0], $0x1000  }
0xc4: {  	s4 =	rddreg [dreg:$0x12];
	[sflag:s0] =	ssyncset.done $0x0  }
0xc5: {  	s6 =	rddreg [dreg:$0x11];
	[sflag:s0] =	ssyncadd.s32 $0xFFFFF000;
	s4 =	sadd.s32 $0x0, s4  }
0xc6: {  	[tilespmem:s3], [sflag:$0x1] =	stream.linear.gather [hbm4b:s4+s3], $0x20, $0x200038;
	[tilespmem:$0x1C800] =	vst v63  }
0xc7: {  	s0 =	sadd.s32 $0x0, s6;
	s4 =	simm.s32 $0x12  }
0xc8: {  	[tilespmem:s8], [sflag:$0x1] =	stream.linear.gather [hbm4b:s0+s3], $0x20, $0x200038;
	[tilespmem:$0x1C800] =	vst v63  }
0xc9: {  	_ =	swait.ge [sflag:s4], $0x1000  }
0xca: {  	s6 =	rddreg [dreg:$0x10];
	[sflag:s4] =	ssyncset.done $0x0  }
0xcb: {  	s8 =	rddreg [dreg:$0xf];
	[sflag:s4] =	ssyncadd.s32 $0xFFFFF000;
	s4 =	sadd.s32 $0x0, s6  }
0xcc: {  	[tilespmem:s11], [sflag:$0x2] =	stream.linear.gather [hbm4b:s4+s3], $0x20, $0x200038;
	[tilespmem:$0x1C800] =	vst v63  }
0xcd: {  	s0 =	sadd.s32 $0x0, s8;
	s6 =	simm.s32 $0x13  }
0xce: {  	[tilespmem:s16], [sflag:$0x2] =	stream.linear.gather [hbm4b:s0+s3], $0x20, $0x200038;
	[tilespmem:$0x1C800] =	vst v63  }
0xcf: {  	_ =	swait.ge [sflag:s6], $0x1000  }
0xd0: {  	s8 =	rddreg [dreg:$0xe];
	[sflag:s6] =	ssyncset.done $0x0  }
0xd1: {  	s16 =	rddreg [dreg:$0xd];
	[sflag:s6] =	ssyncadd.s32 $0xFFFFF000;
	s4 =	sadd.s32 $0x0, s8  }
0xd2: {  	[tilespmem:s13], [sflag:$0x3] =	stream.linear.gather [hbm4b:s4+s3], $0x20, $0x200038;
	[tilespmem:$0x1C800] =	vst v63  }
0xd3: {  	s6 =	sadd.s32 $0x0, s16;
	s8 =	simm.s32 $0x14  }
0xd4: {  	[tilespmem:s18], [sflag:$0x3] =	stream.linear.gather [hbm4b:s6+s3], $0x20, $0x200038;
	[tilespmem:$0x1C800] =	vst v63  }
0xd5: {  	_ =	swait.ge [sflag:s8], $0x1000  }
0xd6: {  	s16 =	rddreg [dreg:$0xc];
	[sflag:s8] =	ssyncset.done $0x0  }
0xd7: {  	s18 =	rddreg [dreg:$0xb];
	[sflag:s8] =	ssyncadd.s32 $0xFFFFF000;
	s4 =	sadd.s32 $0x0, s16  }
0xd8: {  	[tilespmem:s15], [sflag:$0x4] =	stream.linear.gather [hbm4b:s4+s3], $0x20, $0x200038;
	[tilespmem:$0x1C800] =	vst v63  }
0xd9: {  	s8 =	sadd.s32 $0x0, s18;
	s16 =	simm.s32 $0x15  }
0xda: {  	[tilespmem:s23], [sflag:$0x4] =	stream.linear.gather [hbm4b:s8+s3], $0x20, $0x200038;
	[tilespmem:$0x1C800] =	vst v63  }
0xdb: {  	_ =	swait.ge [sflag:s16], $0x1000  }
0xdc: {  	s18 =	rddreg [dreg:$0xa];
	[sflag:s16] =	ssyncset.done $0x0  }
0xdd: {  	s23 =	rddreg [dreg:$0x9];
	[sflag:s16] =	ssyncadd.s32 $0xFFFFF000;
	s4 =	sadd.s32 $0x0, s18  }
0xde: {  	[tilespmem:s17], [sflag:$0x5] =	stream.linear.gather [hbm4b:s4+s3], $0x20, $0x200038;
	[tilespmem:$0x1C800] =	vst v63  }
0xdf: {  	s0 =	sadd.s32 $0x0, s23;
	s4 =	simm.s32 $0x16  }
0xe0: {  	[tilespmem:s30], [sflag:$0x5] =	stream.linear.gather [hbm4b:s0+s3], $0x20, $0x200038;
	[tilespmem:$0x1C800] =	vst v63  }
0xe1: {  	_ =	swait.ge [sflag:s4], $0x1000  }
0xe2: {  	s6 =	rddreg [dreg:$0x8];
	[sflag:s4] =	ssyncset.done $0x0  }
0xe3: {  	s8 =	rddreg [dreg:$0x7];
	[sflag:s4] =	ssyncadd.s32 $0xFFFFF000;
	s4 =	sadd.s32 $0x0, s6  }
0xe4: {  	[tilespmem:s19], [sflag:$0x6] =	stream.linear.gather [hbm4b:s4+s3], $0x20, $0x200038;
	[tilespmem:$0x1C800] =	vst v63  }
0xe5: {  	s2 =	simm.s32 $0x680;
	s18 =	simm.s32 $0x17;
	s16 =	sadd.s32 $0x0, s8  }
0xe6: {  	[tilespmem:s2], [sflag:$0x6] =	stream.linear.gather [hbm4b:s16+s3], $0x20, $0x200038;
	[tilespmem:$0x1C800] =	vst v63  }
0xe7: {  	_ =	swait.ge [sflag:s18], $0x1000  }
0xe8: {  	s23 =	rddreg [dreg:$0x6];
	[sflag:s18] =	ssyncset.done $0x0  }
0xe9: {  	s30 =	rddreg [dreg:$0x5];
	[sflag:s18] =	ssyncadd.s32 $0xFFFFF000;
	s4 =	sadd.s32 $0x0, s23  }
0xea: {  	[tilespmem:s24], [sflag:$0x7] =	stream.linear.gather [hbm4b:s4+s3], $0x20, $0x200038;
	[tilespmem:$0x1C800] =	vst v63  }
0xeb: {  	s28 =	simm.s32 $0x700;
	s2 =	sadd.s32 $0x0, s30;
	s4 =	simm.s32 $0x18  }
0xec: {  	[tilespmem:s28], [sflag:$0x7] =	stream.linear.gather [hbm4b:s2+s3], $0x20, $0x200038;
	[tilespmem:$0x1C800] =	vst v63  }
0xed: {  	_ =	swait.ge [sflag:s4], $0x1000  }
0xee: {  	s16 =	simm.s32 $0x380;
	s6 =	rddreg [dreg:$0x4];
	[sflag:s4] =	ssyncset.done $0x0  }
0xef: {  	s8 =	rddreg [dreg:$0x3];
	[sflag:s4] =	ssyncadd.s32 $0xFFFFF000;
	s4 =	sadd.s32 $0x0, s6  }
0xf0: {  	[tilespmem:s16], [sflag:$0x8] =	stream.linear.gather [hbm4b:s4+s3], $0x20, $0x200038;
	[tilespmem:$0x1C800] =	vst v63  }
0xf1: {  	s22 =	simm.s32 $0x780;
	s18 =	sadd.s32 $0x0, s8  }
0xf2: {  	[tilespmem:s22], [sflag:$0x8] =	stream.linear.gather [hbm4b:s18+s3], $0x20, $0x200038;
	[tilespmem:$0x1C800] =	vst v63  }
0xf3: {  	_ =	swait.ge [sflag:s20], $0x20  }
0xf4: {  	[sflag:s20] =	ssyncset.done $0x0  }
0xf5: {  	[sflag:s20] =	ssyncadd.s32 $0xFFFFFFE0  }
0xf6: {  	_ =	swait.ge [sflag:s20], $0x20  }
0xf7: {  	[sflag:s20] =	ssyncset.done $0x0  }
0xf8: {  	s23 =	simm.s32 $0x800;
	[sflag:s20] =	ssyncadd.s32 $0xFFFFFFE0  }
0xf9: {  	[tilespmem:s23], [sflag:$0x9] =	stream.indirect.gather [hbm4b:s25+s21], $0x80, s3, s21, $0x2000b8;
	[tilespmem:$0x1C800] =	vst v63  }
0xfa: {  	_ =	swait.ge [sflag:s26], $0x20  }
0xfb: {  	[sflag:s26] =	ssyncset.done $0x0  }
0xfc: {  	[sflag:s26] =	ssyncadd.s32 $0xFFFFFFE0  }
0xfd: {  	_ =	swait.ge [sflag:s26], $0x20  }
0xfe: {  	[sflag:s26] =	ssyncset.done $0x0  }
0xff: {  	s28 =	simm.s32 $0x1800;
	[sflag:s26] =	ssyncadd.s32 $0xFFFFFFE0  }
0x100: {  	[tilespmem:s28], [sflag:$0xA] =	stream.indirect.gather [hbm4b:s25+s21], $0x80, s11, s21, $0x2000b8;
	[tilespmem:$0x1C800] =	vst v63  }
0x101: {  	_ =	swait.ge [sflag:s29], $0x20  }
0x102: {  	[sflag:s29] =	ssyncset.done $0x0  }
0x103: {  	[sflag:s29] =	ssyncadd.s32 $0xFFFFFFE0  }
0x104: {  	_ =	swait.ge [sflag:s29], $0x20  }
0x105: {  	[sflag:s29] =	ssyncset.done $0x0  }
0x106: {  	s12 =	simm.s32 $0x2800;
	[sflag:s29] =	ssyncadd.s32 $0xFFFFFFE0  }
0x107: {  	[tilespmem:s12], [sflag:$0xB] =	stream.indirect.gather [hbm4b:s25+s21], $0x80, s13, s21, $0x2000b8;
	[tilespmem:$0x1C800] =	vst v63  }
0x108: {  	_ =	swait.ge [sflag:s31], $0x20  }
0x109: {  	[sflag:s31] =	ssyncset.done $0x0  }
0x10a: {  	[sflag:s31] =	ssyncadd.s32 $0xFFFFFFE0  }
0x10b: {  	_ =	swait.ge [sflag:s31], $0x20  }
0x10c: {  	[sflag:s31] =	ssyncset.done $0x0  }
0x10d: {  	s5 =	simm.s32 $0x5;
	s30 =	simm.s32 $0x3800;
	[sflag:s31] =	ssyncadd.s32 $0xFFFFFFE0  }
0x10e: {  	[tilespmem:s30], [sflag:$0xC] =	stream.indirect.gather [hbm4b:s25+s21], $0x80, s15, s21, $0x2000b8;
	[tilespmem:$0x1C800] =	vst v63  }
0x10f: {  	_ =	swait.ge [sflag:s5], $0x20  }
0x110: {  	[sflag:s5] =	ssyncset.done $0x0  }
0x111: {  	[sflag:s5] =	ssyncadd.s32 $0xFFFFFFE0  }
0x112: {  	_ =	swait.ge [sflag:s5], $0x20  }
0x113: {  	[sflag:s5] =	ssyncset.done $0x0  }
0x114: {  	s7 =	simm.s32 $0x4800;
	s1 =	simm.s32 $0x6;
	[sflag:s5] =	ssyncadd.s32 $0xFFFFFFE0  }
0x115: {  	[tilespmem:s7], [sflag:$0xD] =	stream.indirect.gather [hbm4b:s25+s21], $0x80, s17, s21, $0x2000b8;
	[tilespmem:$0x1C800] =	vst v63  }
0x116: {  	_ =	swait.ge [sflag:s1], $0x20  }
0x117: {  	[sflag:s1] =	ssyncset.done $0x0  }
0x118: {  	[sflag:s1] =	ssyncadd.s32 $0xFFFFFFE0  }
0x119: {  	_ =	swait.ge [sflag:s1], $0x20  }
0x11a: {  	[sflag:s1] =	ssyncset.done $0x0  }
0x11b: {  	s9 =	simm.s32 $0x5800;
	s10 =	simm.s32 $0x7;
	[sflag:s1] =	ssyncadd.s32 $0xFFFFFFE0  }
0x11c: {  	[tilespmem:s9], [sflag:$0xE] =	stream.indirect.gather [hbm4b:s25+s21], $0x80, s19, s21, $0x2000b8;
	[tilespmem:$0x1C800] =	vst v63  }
0x11d: {  	_ =	swait.ge [sflag:s10], $0x20  }
0x11e: {  	[sflag:s10] =	ssyncset.done $0x0  }
0x11f: {  	[sflag:s10] =	ssyncadd.s32 $0xFFFFFFE0  }
0x120: {  	_ =	swait.ge [sflag:s10], $0x20  }
0x121: {  	[sflag:s10] =	ssyncset.done $0x0  }
0x122: {  	s14 =	simm.s32 $0x8;
	s31 =	simm.s32 $0x6800;
	[sflag:s10] =	ssyncadd.s32 $0xFFFFFFE0  }
0x123: {  	[tilespmem:s31], [sflag:$0xF] =	stream.indirect.gather [hbm4b:s25+s21], $0x80, s24, s21, $0x2000b8;
	[tilespmem:$0x1C800] =	vst v63  }
0x124: {  	_ =	swait.ge [sflag:s14], $0x20  }
0x125: {  	[sflag:s14] =	ssyncset.done $0x0  }
0x126: {  	[sflag:s14] =	ssyncadd.s32 $0xFFFFFFE0  }
0x127: {  	_ =	swait.ge [sflag:s14], $0x20  }
0x128: {  	[sflag:s14] =	ssyncset.done $0x0  }
0x129: {  	s4 =	simm.s32 $0x20;
	s26 =	simm.s32 $0x2;
	[sflag:s14] =	ssyncadd.s32 $0xFFFFFFE0  }
.LBB2_2:
0x12a: {  	s0 =	simm.s32 $0x380;
	s9 =	simm.s32 $0x7800;
	s2 =	simm.s32 $0x9  }
0x12b: {  	[tilespmem:s9], [sflag:$0x10] =	stream.indirect.gather [hbm4b:s25+s21], $0x80, s0, s21, $0x2000b8;
	[tilespmem:$0x1C800] =	vst v63  }
0x12c: {  	_ =	swait.ge [sflag:s2], $0x1000  }
0x12d: {  	[sflag:s2] =	ssyncset.done $0x0  }
0x12e: {  	s11 =	simm.s32 $0x400;
	[sflag:s2] =	ssyncadd.s32 $0xFFFFF000  }
0x12f: {  	s23 =	simm.s32 $0x800;
	s15 =	simm.s32 $0xA;
	s8 =	rddreg [dreg:$0x1]  }
0x130: {  	[spmem:s8] =	stream.indirect.scatter.add.f32 [tilespmem:s23], [sflag:$0x11], $0x80, s11, s21, $0x2000b8;
	[tilespmem:$0x1C800] =	vst v63  }
0x131: {  	_ =	swait.ge [sflag:s15], $0x1000  }
0x132: {  	s13 =	simm.s32 $0x480;
	[sflag:s15] =	ssyncset.done $0x0  }
0x133: {  	s29 =	simm.s32 $0x1800;
	s16 =	simm.s32 $0xB;
	[sflag:s15] =	ssyncadd.s32 $0xFFFFF000  }
0x134: {  	[spmem:s8] =	stream.indirect.scatter.add.f32 [tilespmem:s29], [sflag:$0x12], $0x80, s13, s21, $0x2000b8;
	[tilespmem:$0x1C800] =	vst v63  }
0x135: {  	_ =	swait.ge [sflag:s16], $0x1000  }
0x136: {  	s31 =	simm.s32 $0x2800;
	[sflag:s16] =	ssyncset.done $0x0  }
0x137: {  	s17 =	simm.s32 $0xC;
	s15 =	simm.s32 $0x500;
	[sflag:s16] =	ssyncadd.s32 $0xFFFFF000  }
0x138: {  	[spmem:s8] =	stream.indirect.scatter.add.f32 [tilespmem:s31], [sflag:$0x13], $0x80, s15, s21, $0x2000b8;
	[tilespmem:$0x1C800] =	vst v63  }
0x139: {  	_ =	swait.ge [sflag:s17], $0x1000  }
0x13a: {  	s7 =	simm.s32 $0xD;
	[sflag:s17] =	ssyncset.done $0x0  }
0x13b: {  	s2 =	simm.s32 $0x3800;
	[sflag:s17] =	ssyncadd.s32 $0xFFFFF000;
	s17 =	simm.s32 $0x580  }
0x13c: {  	[spmem:s8] =	stream.indirect.scatter.add.f32 [tilespmem:s2], [sflag:$0x14], $0x80, s17, s21, $0x2000b8;
	[tilespmem:$0x1C800] =	vst v63  }
0x13d: {  	_ =	swait.ge [sflag:s7], $0x1000  }
0x13e: {  	s19 =	simm.s32 $0x600;
	[sflag:s7] =	ssyncset.done $0x0  }
0x13f: {  	s12 =	simm.s32 $0xE;
	[sflag:s7] =	ssyncadd.s32 $0xFFFFF000;
	s7 =	simm.s32 $0x4800  }
0x140: {  	[spmem:s8] =	stream.indirect.scatter.add.f32 [tilespmem:s7], [sflag:$0x15], $0x80, s19, s21, $0x2000b8;
	[tilespmem:$0x1C800] =	vst v63  }
0x141: {  	_ =	swait.ge [sflag:s12], $0x1000  }
0x142: {  	s24 =	simm.s32 $0x680;
	[sflag:s12] =	ssyncset.done $0x0  }
0x143: {  	s5 =	simm.s32 $0x5800;
	s18 =	simm.s32 $0xF;
	[sflag:s12] =	ssyncadd.s32 $0xFFFFF000  }
0x144: {  	[spmem:s8] =	stream.indirect.scatter.add.f32 [tilespmem:s5], [sflag:$0x16], $0x80, s24, s21, $0x2000b8;
	[tilespmem:$0x1C800] =	vst v63  }
0x145: {  	_ =	swait.ge [sflag:s18], $0x1000  }
0x146: {  	s30 =	simm.s32 $0x700;
	[sflag:s18] =	ssyncset.done $0x0  }
0x147: {  	s20 =	simm.s32 $0x6800;
	s22 =	simm.s32 $0x10;
	[sflag:s18] =	ssyncadd.s32 $0xFFFFF000  }
0x148: {  	[spmem:s8] =	stream.indirect.scatter.add.f32 [tilespmem:s20], [sflag:$0x17], $0x80, s30, s21, $0x2000b8;
	[tilespmem:$0x1C800] =	vst v63  }
0x149: {  	_ =	swait.ge [sflag:s22], $0x1000  }
0x14a: {  	[sflag:s22] =	ssyncset.done $0x0  }
0x14b: {  	s20 =	simm.s32 $0x780;
	[sflag:s22] =	ssyncadd.s32 $0xFFFFF000  }
0x14c: {  	[spmem:s8] =	stream.indirect.scatter.add.f32 [tilespmem:s9], [sflag:$0x18], $0x80, s20, s21, $0x2000b8;
	[tilespmem:$0x1C800] =	vst v63  }
0x14d: {  	s9 =	simm.s32 $0x11  }
0x14e: {  	_ =	swait.ge [sflag:s9], $0x1000  }
0x14f: {  	s6 =	smov.u32 s4;
	s16 =	rddreg [dreg:$0x12];
	[sflag:s9] =	ssyncset.done $0x0  }
0x150: {  	s18 =	rddreg [dreg:$0x11];
	[sflag:s9] =	ssyncadd.s32 $0xFFFFF000;
	s8 =	sadd.s32 s6, s16  }
0x151: {  	[tilespmem:s3], [sflag:$0x1] =	stream.linear.gather [hbm4b:s8+s3], $0x20, $0x200038;
	[tilespmem:$0x1C800] =	vst v63  }
0x152: {  	s22 =	sadd.s32 s6, s18;
	s9 =	simm.s32 $0x12  }
0x153: {  	[tilespmem:s11], [sflag:$0x1] =	stream.linear.gather [hbm4b:s22+s3], $0x20, $0x200038;
	[tilespmem:$0x1C800] =	vst v63  }
0x154: {  	_ =	swait.ge [sflag:s9], $0x1000  }
0x155: {  	s11 =	simm.s32 $0x80;
	s16 =	rddreg [dreg:$0x10];
	[sflag:s9] =	ssyncset.done $0x0  }
0x156: {  	s18 =	rddreg [dreg:$0xf];
	[sflag:s9] =	ssyncadd.s32 $0xFFFFF000;
	s8 =	sadd.s32 s6, s16  }
0x157: {  	[tilespmem:s11], [sflag:$0x2] =	stream.linear.gather [hbm4b:s8+s3], $0x20, $0x200038;
	[tilespmem:$0x1C800] =	vst v63  }
0x158: {  	s22 =	sadd.s32 s6, s18;
	s9 =	simm.s32 $0x13  }
0x159: {  	[tilespmem:s13], [sflag:$0x2] =	stream.linear.gather [hbm4b:s22+s3], $0x20, $0x200038;
	[tilespmem:$0x1C800] =	vst v63  }
0x15a: {  	_ =	swait.ge [sflag:s9], $0x1000  }
0x15b: {  	s13 =	simm.s32 $0x100;
	s16 =	rddreg [dreg:$0xe];
	[sflag:s9] =	ssyncset.done $0x0  }
0x15c: {  	s18 =	rddreg [dreg:$0xd];
	[sflag:s9] =	ssyncadd.s32 $0xFFFFF000;
	s8 =	sadd.s32 s6, s16  }
0x15d: {  	[tilespmem:s13], [sflag:$0x3] =	stream.linear.gather [hbm4b:s8+s3], $0x20, $0x200038;
	[tilespmem:$0x1C800] =	vst v63  }
0x15e: {  	s22 =	sadd.s32 s6, s18;
	s9 =	simm.s32 $0x14  }
0x15f: {  	[tilespmem:s15], [sflag:$0x3] =	stream.linear.gather [hbm4b:s22+s3], $0x20, $0x200038;
	[tilespmem:$0x1C800] =	vst v63  }
0x160: {  	_ =	swait.ge [sflag:s9], $0x1000  }
0x161: {  	s15 =	simm.s32 $0x180;
	s16 =	rddreg [dreg:$0xc];
	[sflag:s9] =	ssyncset.done $0x0  }
0x162: {  	s18 =	rddreg [dreg:$0xb];
	[sflag:s9] =	ssyncadd.s32 $0xFFFFF000;
	s8 =	sadd.s32 s6, s16  }
0x163: {  	[tilespmem:s15], [sflag:$0x4] =	stream.linear.gather [hbm4b:s8+s3], $0x20, $0x200038;
	[tilespmem:$0x1C800] =	vst v63  }
0x164: {  	s22 =	sadd.s32 s6, s18;
	s8 =	simm.s32 $0x15  }
0x165: {  	[tilespmem:s17], [sflag:$0x4] =	stream.linear.gather [hbm4b:s22+s3], $0x20, $0x200038;
	[tilespmem:$0x1C800] =	vst v63  }
0x166: {  	_ =	swait.ge [sflag:s8], $0x1000  }
0x167: {  	s17 =	simm.s32 $0x200;
	s9 =	rddreg [dreg:$0xa];
	[sflag:s8] =	ssyncset.done $0x0  }
0x168: {  	s18 =	rddreg [dreg:$0x9];
	[sflag:s8] =	ssyncadd.s32 $0xFFFFF000;
	s8 =	sadd.s32 s6, s9  }
0x169: {  	[tilespmem:s17], [sflag:$0x5] =	stream.linear.gather [hbm4b:s8+s3], $0x20, $0x200038;
	[tilespmem:$0x1C800] =	vst v63  }
0x16a: {  	s22 =	sadd.s32 s6, s18;
	s8 =	simm.s32 $0x16  }
0x16b: {  	[tilespmem:s19], [sflag:$0x5] =	stream.linear.gather [hbm4b:s22+s3], $0x20, $0x200038;
	[tilespmem:$0x1C800] =	vst v63  }
0x16c: {  	_ =	swait.ge [sflag:s8], $0x1000  }
0x16d: {  	s19 =	simm.s32 $0x280;
	s9 =	rddreg [dreg:$0x8];
	[sflag:s8] =	ssyncset.done $0x0  }
0x16e: {  	s22 =	rddreg [dreg:$0x7];
	[sflag:s8] =	ssyncadd.s32 $0xFFFFF000;
	s8 =	sadd.s32 s6, s9  }
0x16f: {  	[tilespmem:s19], [sflag:$0x6] =	stream.linear.gather [hbm4b:s8+s3], $0x20, $0x200038;
	[tilespmem:$0x1C800] =	vst v63  }
0x170: {  	s12 =	sadd.s32 s6, s22  }
0x171: {  	[tilespmem:s24], [sflag:$0x6] =	stream.linear.gather [hbm4b:s12+s3], $0x20, $0x200038;
	[tilespmem:$0x1C800] =	vst v63  }
0x172: {  	s12 =	simm.s32 $0x17  }
0x173: {  	_ =	swait.ge [sflag:s12], $0x1000  }
0x174: {  	s24 =	simm.s32 $0x300;
	s8 =	rddreg [dreg:$0x6];
	[sflag:s12] =	ssyncset.done $0x0  }
0x175: {  	s9 =	rddreg [dreg:$0x5];
	[sflag:s12] =	ssyncadd.s32 $0xFFFFF000;
	s8 =	sadd.s32 s6, s8  }
0x176: {  	[tilespmem:s24], [sflag:$0x7] =	stream.linear.gather [hbm4b:s8+s3], $0x20, $0x200038;
	[tilespmem:$0x1C800] =	vst v63  }
0x177: {  	s9 =	sadd.s32 s6, s9;
	s12 =	simm.s32 $0x18  }
0x178: {  	[tilespmem:s30], [sflag:$0x7] =	stream.linear.gather [hbm4b:s9+s3], $0x20, $0x200038;
	[tilespmem:$0x1C800] =	vst v63  }
0x179: {  	_ =	swait.ge [sflag:s12], $0x1000  }
0x17a: {  	s8 =	rddreg [dreg:$0x4];
	[sflag:s12] =	ssyncset.done $0x0  }
0x17b: {  	s9 =	rddreg [dreg:$0x3];
	[sflag:s12] =	ssyncadd.s32 $0xFFFFF000;
	s8 =	sadd.s32 s6, s8  }
0x17c: {  	[tilespmem:s0], [sflag:$0x8] =	stream.linear.gather [hbm4b:s8+s3], $0x20, $0x200038;
	[tilespmem:$0x1C800] =	vst v63  }
0x17d: {  	s6 =	sadd.s32 s6, s9  }
0x17e: {  	[tilespmem:s20], [sflag:$0x8] =	stream.linear.gather [hbm4b:s6+s3], $0x20, $0x200038;
	[tilespmem:$0x1C800] =	vst v63  }
0x17f: {  	s20 =	simm.s32 $0x1  }
0x180: {  	_ =	swait.ge [sflag:s20], $0x20  }
0x181: {  	[sflag:s20] =	ssyncset.done $0x0  }
0x182: {  	[sflag:s20] =	ssyncadd.s32 $0xFFFFFFE0  }
0x183: {  	_ =	swait.ge [sflag:s20], $0x20  }
0x184: {  	[sflag:s20] =	ssyncset.done $0x0  }
0x185: {  	[sflag:s20] =	ssyncadd.s32 $0xFFFFFFE0  }
0x186: {  	[tilespmem:s23], [sflag:$0x9] =	stream.indirect.gather [hbm4b:s25+s21], $0x80, s3, s21, $0x2000b8;
	[tilespmem:$0x1C800] =	vst v63  }
0x187: {  	_ =	swait.ge [sflag:s26], $0x20  }
0x188: {  	[sflag:s26] =	ssyncset.done $0x0  }
0x189: {  	[sflag:s26] =	ssyncadd.s32 $0xFFFFFFE0  }
0x18a: {  	_ =	swait.ge [sflag:s26], $0x20  }
0x18b: {  	[sflag:s26] =	ssyncset.done $0x0  }
0x18c: {  	[sflag:s26] =	ssyncadd.s32 $0xFFFFFFE0  }
0x18d: {  	[tilespmem:s29], [sflag:$0xA] =	stream.indirect.gather [hbm4b:s25+s21], $0x80, s11, s21, $0x2000b8;
	[tilespmem:$0x1C800] =	vst v63  }
0x18e: {  	s29 =	simm.s32 $0x3  }
0x18f: {  	_ =	swait.ge [sflag:s29], $0x20  }
0x190: {  	[sflag:s29] =	ssyncset.done $0x0  }
0x191: {  	[sflag:s29] =	ssyncadd.s32 $0xFFFFFFE0  }
0x192: {  	_ =	swait.ge [sflag:s29], $0x20  }
0x193: {  	[sflag:s29] =	ssyncset.done $0x0  }
0x194: {  	[sflag:s29] =	ssyncadd.s32 $0xFFFFFFE0  }
0x195: {  	[tilespmem:s31], [sflag:$0xB] =	stream.indirect.gather [hbm4b:s25+s21], $0x80, s13, s21, $0x2000b8;
	[tilespmem:$0x1C800] =	vst v63  }
0x196: {  	s31 =	simm.s32 $0x4  }
0x197: {  	_ =	swait.ge [sflag:s31], $0x20  }
0x198: {  	[sflag:s31] =	ssyncset.done $0x0  }
0x199: {  	[sflag:s31] =	ssyncadd.s32 $0xFFFFFFE0  }
0x19a: {  	_ =	swait.ge [sflag:s31], $0x20  }
0x19b: {  	[sflag:s31] =	ssyncset.done $0x0  }
0x19c: {  	s12 =	simm.s32 $0x5;
	[sflag:s31] =	ssyncadd.s32 $0xFFFFFFE0  }
0x19d: {  	[tilespmem:s2], [sflag:$0xC] =	stream.indirect.gather [hbm4b:s25+s21], $0x80, s15, s21, $0x2000b8;
	[tilespmem:$0x1C800] =	vst v63  }
0x19e: {  	_ =	swait.ge [sflag:s12], $0x20  }
0x19f: {  	[sflag:s12] =	ssyncset.done $0x0  }
0x1a0: {  	[sflag:s12] =	ssyncadd.s32 $0xFFFFFFE0  }
0x1a1: {  	_ =	swait.ge [sflag:s12], $0x20  }
0x1a2: {  	[sflag:s12] =	ssyncset.done $0x0  }
0x1a3: {  	[sflag:s12] =	ssyncadd.s32 $0xFFFFFFE0  }
0x1a4: {  	[tilespmem:s7], [sflag:$0xD] =	stream.indirect.gather [hbm4b:s25+s21], $0x80, s17, s21, $0x2000b8;
	[tilespmem:$0x1C800] =	vst v63  }
0x1a5: {  	_ =	swait.ge [sflag:s1], $0x20  }
0x1a6: {  	[sflag:s1] =	ssyncset.done $0x0  }
0x1a7: {  	[sflag:s1] =	ssyncadd.s32 $0xFFFFFFE0  }
0x1a8: {  	_ =	swait.ge [sflag:s1], $0x20  }
0x1a9: {  	[sflag:s1] =	ssyncset.done $0x0  }
0x1aa: {  	[sflag:s1] =	ssyncadd.s32 $0xFFFFFFE0  }
0x1ab: {  	[tilespmem:s5], [sflag:$0xE] =	stream.indirect.gather [hbm4b:s25+s21], $0x80, s19, s21, $0x2000b8;
	[tilespmem:$0x1C800] =	vst v63  }
0x1ac: {  	_ =	swait.ge [sflag:s10], $0x20  }
0x1ad: {  	[sflag:s10] =	ssyncset.done $0x0  }
0x1ae: {  	[sflag:s10] =	ssyncadd.s32 $0xFFFFFFE0  }
0x1af: {  	p0 =	sne.s32 s4, $0x4C0;
	_ =	swait.ge [sflag:s10], $0x20  }
0x1b0: {  	s4 =	sadd.s32 $0x20, s4;
	s28 =	simm.s32 $0x700;
	[sflag:s10] =	ssyncset.done $0x0  }
0x1b1: {  	s16 =	simm.s32 $0x580;
	s5 =	simm.s32 $0x6800;
	[sflag:s10] =	ssyncadd.s32 $0xFFFFFFE0  }
0x1b2: {  	[tilespmem:s5], [sflag:$0xF] =	stream.indirect.gather [hbm4b:s25+s21], $0x80, s24, s21, $0x2000b8;
	[tilespmem:$0x1C800] =	vst v63  }
0x1b3: {  	s18 =	simm.s32 $0x600;
	s22 =	simm.s32 $0x680;
	_ =	swait.ge [sflag:s14], $0x20  }
.Ltmp0:
0x1b4: {  	s30 =	simm.s32 $0x380;
	[sflag:s14] =	ssyncset.done $0x0;
	(pc) =	sbr.rel @p0 .LBB2_2-.Ltmp0, $4  }
0x1b5: {  	s9 =	simm.s32 $0x2800;
	s0 =	simm.s32 $0x780;
	[sflag:s14] =	ssyncadd.s32 $0xFFFFFFE0  }
0x1b6: {  	s8 =	simm.s32 $0x1800;
	s6 =	simm.s32 $0x800;
	_ =	swait.ge [sflag:s14], $0x20  }
0x1b7: {  	s23 =	simm.s32 $0x3800;
	s2 =	simm.s32 $0x4800;
	[sflag:s14] =	ssyncset.done $0x0  }
0x1b8: {  	s12 =	simm.s32 $0x6800;
	s7 =	simm.s32 $0x5800;
	[sflag:s14] =	ssyncadd.s32 $0xFFFFFFE0  }
0x1b9: {  	s5 =	simm.s32 $0x7800;
	s1 =	simm.s32 $0x9  }
0x1ba: {  	[tilespmem:s5], [sflag:$0x10] =	stream.indirect.gather [hbm4b:s25+s21], $0x80, s30, s21, $0x2000b8;
	[tilespmem:$0x1C800] =	vst v63  }
0x1bb: {  	_ =	swait.ge [sflag:s1], $0x1000  }
0x1bc: {  	[sflag:s1] =	ssyncset.done $0x0  }
0x1bd: {  	[sflag:s1] =	ssyncadd.s32 $0xFFFFF000  }
0x1be: {  	s4 =	simm.s32 $0x400;
	s26 =	simm.s32 $0xA;
	s1 =	rddreg [dreg:$0x1]  }
0x1bf: {  	[spmem:s1] =	stream.indirect.scatter.add.f32 [tilespmem:s6], [sflag:$0x11], $0x80, s4, s21, $0x2000b8;
	[tilespmem:$0x1C800] =	vst v63  }
0x1c0: {  	_ =	swait.ge [sflag:s26], $0x1000  }
0x1c1: {  	[sflag:s26] =	ssyncset.done $0x0  }
0x1c2: {  	s30 =	simm.s32 $0x480;
	s6 =	simm.s32 $0xB;
	[sflag:s26] =	ssyncadd.s32 $0xFFFFF000  }
0x1c3: {  	[spmem:s1] =	stream.indirect.scatter.add.f32 [tilespmem:s8], [sflag:$0x12], $0x80, s30, s21, $0x2000b8;
	[tilespmem:$0x1C800] =	vst v63  }
0x1c4: {  	_ =	swait.ge [sflag:s6], $0x1000  }
0x1c5: {  	[sflag:s6] =	ssyncset.done $0x0  }
0x1c6: {  	s10 =	simm.s32 $0xC;
	s8 =	simm.s32 $0x500;
	[sflag:s6] =	ssyncadd.s32 $0xFFFFF000  }
0x1c7: {  	[spmem:s1] =	stream.indirect.scatter.add.f32 [tilespmem:s9], [sflag:$0x13], $0x80, s8, s21, $0x2000b8;
	[tilespmem:$0x1C800] =	vst v63  }
0x1c8: {  	_ =	swait.ge [sflag:s10], $0x1000  }
0x1c9: {  	[sflag:s10] =	ssyncset.done $0x0  }
0x1ca: {  	s14 =	simm.s32 $0xD;
	[sflag:s10] =	ssyncadd.s32 $0xFFFFF000  }
0x1cb: {  	[spmem:s1] =	stream.indirect.scatter.add.f32 [tilespmem:s23], [sflag:$0x14], $0x80, s16, s21, $0x2000b8;
	[tilespmem:$0x1C800] =	vst v63  }
0x1cc: {  	_ =	swait.ge [sflag:s14], $0x1000  }
0x1cd: {  	[sflag:s14] =	ssyncset.done $0x0  }
0x1ce: {  	s16 =	simm.s32 $0xE;
	[sflag:s14] =	ssyncadd.s32 $0xFFFFF000  }
0x1cf: {  	[spmem:s1] =	stream.indirect.scatter.add.f32 [tilespmem:s2], [sflag:$0x15], $0x80, s18, s21, $0x2000b8;
	[tilespmem:$0x1C800] =	vst v63  }
0x1d0: {  	_ =	swait.ge [sflag:s16], $0x1000  }
0x1d1: {  	[sflag:s16] =	ssyncset.done $0x0  }
0x1d2: {  	s18 =	simm.s32 $0xF;
	[sflag:s16] =	ssyncadd.s32 $0xFFFFF000  }
0x1d3: {  	[spmem:s1] =	stream.indirect.scatter.add.f32 [tilespmem:s7], [sflag:$0x16], $0x80, s22, s21, $0x2000b8;
	[tilespmem:$0x1C800] =	vst v63  }
0x1d4: {  	_ =	swait.ge [sflag:s18], $0x1000  }
0x1d5: {  	[sflag:s18] =	ssyncset.done $0x0  }
0x1d6: {  	s22 =	simm.s32 $0x10;
	[sflag:s18] =	ssyncadd.s32 $0xFFFFF000  }
0x1d7: {  	[spmem:s1] =	stream.indirect.scatter.add.f32 [tilespmem:s12], [sflag:$0x17], $0x80, s28, s21, $0x2000b8;
	[tilespmem:$0x1C800] =	vst v63  }
0x1d8: {  	_ =	swait.ge [sflag:s22], $0x1000  }
0x1d9: {  	[sflag:s22] =	ssyncset.done $0x0  }
0x1da: {  	s23 =	simm.s32 $0x11;
	[sflag:s22] =	ssyncadd.s32 $0xFFFFF000  }
0x1db: {  	[spmem:s1] =	stream.indirect.scatter.add.f32 [tilespmem:s5], [sflag:$0x18], $0x80, s0, s21, $0x2000b8;
	[tilespmem:$0x1C800] =	vst v63  }
0x1dc: {  	_ =	swait.ge [sflag:s23], $0x1000  }
0x1dd: {  	[sflag:s23] =	ssyncset.done $0x0  }
0x1de: {  	s26 =	simm.s32 $0x12;
	[sflag:s23] =	ssyncadd.s32 $0xFFFFF000  }
0x1df: {  	_ =	swait.ge [sflag:s26], $0x1000  }
0x1e0: {  	[sflag:s26] =	ssyncset.done $0x0  }
0x1e1: {  	s28 =	simm.s32 $0x13;
	[sflag:s26] =	ssyncadd.s32 $0xFFFFF000  }
0x1e2: {  	_ =	swait.ge [sflag:s28], $0x1000  }
0x1e3: {  	[sflag:s28] =	ssyncset.done $0x0  }
0x1e4: {  	s30 =	simm.s32 $0x14;
	[sflag:s28] =	ssyncadd.s32 $0xFFFFF000  }
0x1e5: {  	_ =	swait.ge [sflag:s30], $0x1000  }
0x1e6: {  	[sflag:s30] =	ssyncset.done $0x0  }
0x1e7: {  	s1 =	simm.s32 $0x15;
	[sflag:s30] =	ssyncadd.s32 $0xFFFFF000  }
0x1e8: {  	_ =	swait.ge [sflag:s1], $0x1000  }
0x1e9: {  	[sflag:s1] =	ssyncset.done $0x0  }
0x1ea: {  	s2 =	simm.s32 $0x16;
	[sflag:s1] =	ssyncadd.s32 $0xFFFFF000  }
0x1eb: {  	_ =	swait.ge [sflag:s2], $0x1000  }
0x1ec: {  	[sflag:s2] =	ssyncset.done $0x0  }
0x1ed: {  	s4 =	simm.s32 $0x17;
	[sflag:s2] =	ssyncadd.s32 $0xFFFFF000  }
0x1ee: {  	_ =	swait.ge [sflag:s4], $0x1000  }
0x1ef: {  	[sflag:s4] =	ssyncset.done $0x0  }
0x1f0: {  	s5 =	simm.s32 $0x18;
	[sflag:s4] =	ssyncadd.s32 $0xFFFFF000  }
0x1f1: {  	_ =	swait.ge [sflag:s5], $0x1000  }
0x1f2: {  	[sflag:s5] =	ssyncset.done $0x0  }
0x1f3: {  	[sflag:s5] =	ssyncadd.s32 $0xFFFFF000  }
0x1f4: {  	[bflag:$0x0] =	sbarrier.arrive $0xFFFF  }
0x1f5: {  	_ =	strace $0x9000004C  }
0x1f6: {  	_ =	strace $0x8000004D  }
0x1f7: {  	s7 =	sld [smem:$0x7ED]  }
0x1f8: {  	s9 =	sld [smem:$0x7EE];
	_ =	sdelay $0x1  }
0x1f9: {  	s8 =	simm.s32 $0x19;
	s6 =	rddreg [dreg:$0x17]  }
0x1fa: {  	[hbm:s6], [sflag:s7] =	dma.local [spmem:s9], $0x800  }
0x1fb: {  	_ =	swait.ge [sflag:s8], $0x800  }
0x1fc: {  	s12 =	sld [smem:$0x7FA]  }
0x1fd: {  	[sflag:s8] =	ssyncset.done $0x0  }
0x1fe: {  	s10 =	rddreg [dreg:$0x18];
	[sflag:s8] =	ssyncadd.s32 $0xFFFFF800  }
0x1ff: {  	[hbm:s10], [sflag:s7] =	dma.local [spmem:s12], $0x800  }
0x200: {  	_ =	swait.ge [sflag:s8], $0x800  }
0x201: {  	s16 =	sld [smem:$0x7FB]  }
0x202: {  	[sflag:s8] =	ssyncset.done $0x0  }
0x203: {  	s14 =	rddreg [dreg:$0x19];
	[sflag:s8] =	ssyncadd.s32 $0xFFFFF800  }
0x204: {  	[hbm:s14], [sflag:s7] =	dma.local [spmem:s16], $0x800  }
0x205: {  	_ =	swait.ge [sflag:s8], $0x800  }
0x206: {  	s22 =	sld [smem:$0x7FC]  }
0x207: {  	[sflag:s8] =	ssyncset.done $0x0  }
0x208: {  	s18 =	rddreg [dreg:$0x1a];
	[sflag:s8] =	ssyncadd.s32 $0xFFFFF800  }
0x209: {  	[hbm:s18], [sflag:s7] =	dma.local [spmem:s22], $0x800  }
0x20a: {  	_ =	swait.ge [sflag:s8], $0x800  }
0x20b: {  	s26 =	sld [smem:$0x7FD]  }
0x20c: {  	[sflag:s8] =	ssyncset.done $0x0  }
0x20d: {  	s23 =	rddreg [dreg:$0x1b];
	[sflag:s8] =	ssyncadd.s32 $0xFFFFF800  }
0x20e: {  	[hbm:s23], [sflag:s7] =	dma.local [spmem:s26], $0x800  }
0x20f: {  	_ =	swait.ge [sflag:s8], $0x800  }
0x210: {  	s28 =	sld [smem:$0x7EC]  }
0x211: {  	s30 =	sld [smem:$0x7F9];
	_ =	sdelay $0x1  }
0x212: {  	s0 =	sadd.s32 $0x1, s28  }
0x213: {  	p0 =	sne.s32 s0, s30  }
.Ltmp1:
0x214: {  	_ = 	snop;
	(pc) =	sbr.rel @p0 .LBB2_1-.Ltmp1, $4  }
0x215: {  	_ = 	snop  }
0x216: {  	s1 =	simm.s32 $0x6;
	[sflag:s8] =	ssyncset.done $0x0  }
0x217: {  	s5 =	simm.s32 $0x5;
	s6 =	simm.s32 $0x7;
	[sflag:s8] =	ssyncadd.s32 $0xFFFFF800  }
0x218: {  	s10 =	simm.s32 $0x8;
	s26 =	simm.s32 $0x2;
	_ =	strace $0x9000004D  }
0x219: {  	_ =	sfence.sel $0x180000  }
0x21a: {  	[bflag:$0x0] =	sbarrier.arrive $0xFFFF  }
0x21b: {  	_ =	strace $0x9000004A  }
0x21c: {  	s0 =	stileid.u32;
	[bflag:$0x2] =	sbarrier.arrive $0xFFFF  }
0x21d: {  	p0 =	sne.s32 s0, $0x0;
	s0 =	rddreg [dreg:$0x2]  }
0x21e: {  	s0 =	sadd.s32 @!p0 $0x100000, s0  }
0x21f: {  	[sflag:s0] =	ssyncadd.tile.s32 @!p0 $0x1;
	_ =	shalt  }
.Lfunc_end2:
_tile_overlayer_lowered:
.L_overlay_start_2:
0x220: {  	(tag) =	ssettag $0x2  }
0x221: {  	s0 =	rddreg [dreg:$0x0];
	s2 =	stileid.u32  }
0x222: {  	s1 =	rddreg [dreg:$0x1];
	p0 =	sne.s32 s2, $0x0  }
0x223: {  	s3 =	rddreg [dreg:$0x2];
	[bflag:$0x3] =	sbarrier.arrive $0xFFFF;
	s2 =	simm.s32 @!p0 $0x1C19  }
0x224: {  	[timem:s3], [sflag:s2] =	dma.local @!p0 [hbm:s0], s1  }
0x225: {  	s0 =	simm.s32 @!p0 $0x19  }
0x226: {  	_ =	swait.ge @!p0 [sflag:s0], s1  }
0x227: {  	s1 =	ssub.s32 @!p0 $0x0, s1;
	[sflag:s0] =	ssyncset.done @!p0 $0x0  }
0x228: {  	[sflag:s0] =	ssyncadd.s32 @!p0 s1  }
0x229: {  	[bflag:$0x3] =	sbarrier.arrive $0xFFFF  }
0x22a: {  	_ =	shalt  }

// kernel: kernel.15.cloned.1.call-start
scs
__scs_entry_jumppad:
0x0: {  	(pc) =	sbr.rel $0x88, $3  }
0x1: {  	(tag) =	ssettag $0x0;
	lr =	simm.s32 $0x1  }
0x2: {  	[smem:$0x3F98] =	sst lr;
	_ =	strace $0xD0000000  }
0x3: {  	_ = 	snop  }
0x4: {  	_ = 	snop  }
0x5: {  	_ = 	snop  }
0x6: {  	_ = 	snop  }
0x7: {  	_ = 	snop  }
__scs_overlays_trampoline_lowered:
0x8: {  	[smem:$0x3FA7] =	sst s0  }
0x9: {  	[smem:$0x3FA8] =	sst s1  }
0xa: {  	[smem:$0x3FA9] =	sst s2  }
0xb: {  	[smem:$0x3FAA] =	sst s3  }
0xc: {  	[smem:$0x3FAB] =	sst s4  }
0xd: {  	[smem:$0x3FAC] =	sst s5  }
0xe: {  	[smem:$0x3FAD] =	sst s6  }
0xf: {  	[smem:$0x3FAE] =	sst s7  }
0x10: {  	[smem:$0x3FAF] =	sst s8  }
0x11: {  	[smem:$0x3FB0] =	sst s9;
	s0 =	simm.s32 @!p0 $0x0  }
0x12: {  	s1 =	sld [smem:$0x3F96];
	s0 =	simm.s32 @p0 $0x1  }
0x13: {  	[smem:$0x3FB1] =	sst s0;
	s0 =	simm.s32 @!p1 $0x0  }
0x14: {  	s2 =	sld [smem:$0x3F95];
	s0 =	simm.s32 @p1 $0x1  }
0x15: {  	[smem:$0x3FB2] =	sst s0;
	s0 =	simm.s32 @!p2 $0x0  }
0x16: {  	s3 =	sld [smem:$0x3FDB];
	s0 =	simm.s32 @p2 $0x1  }
0x17: {  	s4 =	simm.s32 $0x1BF5;
	[smem:$0x3FB4] =	sst s0  }
0x18: {  	s0 =	sld [smem:$0x3F97];
	_ =	swait.ge [sflag:s4], $0x0  }
0x19: {  	s7 =	sld [smem:$0x3F98]  }
0x1a: {  	s8 =	sadd.s32 $0xFFFFE003, lr  }
0x1b: {  	s9 =	sadd.s32 $0xFFFFFEF7, lr;
	s5 =	simm.s32 $0xFFFFFFFF;
	p2 =	slt.u32 s8, $0xFFFFF086  }
0x1c: {  	p1 =	slt.u32 s9, $0xF7A;
	s5 =	simm.s32 @!p2 $0x0  }
0x1d: {  	s5 =	simm.s32 @p1 $0x1;
	p0 =	seq.s32 s7, s2  }
0x1e: {  	s7 =	smul.u32 @!p0 $0xF7A, s2;
	p2 =	seq.s32 @!p0 s5, $0x0  }
0x1f: {  	s9 =	smul.u32 $0xF7A, s1;
	s8 =	simm.s32 @!p0 $0x1BF5;
	p2 =	por !p2, p0  }
0x20: {  	[sflag:s8] =	ssyncset.s32 @!p0 $0xFFFFF086;
	s6 =	sadd.s32 @!p0 s3, s7;
	s7 =	simm.s32 @!p0 $0x108  }
0x21: {  	s3 =	sadd.s32 s3, s9;
	s6 =	sadd.s32 @!p0 $0x88, s6;
	s7 =	simm.s32 @p2 $0x1082  }
0x22: {  	[simem:s7], [sflag:s8] =	dma.local @!p0 [hbm:s6], $0xF7A  }
0x23: {  	s9 =	sor.u32 $0xD0000000, s2;
	s6 =	simm.s32 $0x108;
	_ =	swait.ge @!p0 [sflag:s8], $0x0  }
0x24: {  	s3 =	sadd.s32 $0x88, s3;
	s6 =	simm.s32 @!p1 $0x1082;
	[sflag:s4] =	ssyncset.s32 $0xFFFFF086  }
0x25: {  	[simem:s6], [sflag:s4] =	dma.local [hbm:s3], $0xF7A  }
0x26: {  	[smem:$0x3F98] =	sst s1;
	(tag) =	ssettag s2;
	_ =	strace s9  }
0x27: {  	s1 =	sld [smem:$0x3FA8]  }
0x28: {  	s2 =	sld [smem:$0x3FA9]  }
0x29: {  	s4 =	sld [smem:$0x3FAB]  }
0x2a: {  	p0 =	seq.s32 s5, $0x0;
	s5 =	sld [smem:$0x3FAC]  }
0x2b: {  	s6 =	sld [smem:$0x3FAD]  }
0x2c: {  	s7 =	sld [smem:$0x3FAE]  }
0x2d: {  	s3 =	simm.s32 $0x108;
	s8 =	sld [smem:$0x3FAF]  }
0x2e: {  	s3 =	simm.s32 @!p0 $0x1082;
	s9 =	sld [smem:$0x3FB0]  }
0x2f: {  	lr =	sadd.s32 s0, s3;
	s0 =	sld [smem:$0x3FA7]  }
0x30: {  	s3 =	sld [smem:$0x3FAA]  }
0x31: {  	[smem:$0x3FB3] =	sst s10  }
0x32: {  	s10 =	sld [smem:$0x3FB1];
	_ =	sdelay $0x3  }
0x33: {  	p0 =	seq.s32 s10, $0x1;
	s10 =	sld [smem:$0x3FB3];
	_ =	sdelay $0x3  }
0x34: {  	[smem:$0x3FB3] =	sst s10  }
0x35: {  	s10 =	sld [smem:$0x3FB2];
	_ =	sdelay $0x3  }
0x36: {  	p1 =	seq.s32 s10, $0x1;
	s10 =	sld [smem:$0x3FB3];
	_ =	sdelay $0x3  }
0x37: {  	[smem:$0x3FB3] =	sst s10  }
0x38: {  	s10 =	sld [smem:$0x3FB4]  }
0x39: {  	_ = 	snop;
	(pc) =	sbr.ind lr, $3  }
0x3a: {  	_ = 	snop  }
0x3b: {  	_ = 	snop  }
0x3c: {  	p2 =	seq.s32 s10, $0x1;
	s10 =	sld [smem:$0x3FB3]  }
0x3d: {  	_ =	shalt  }
0x3e: {  	_ =	shalt  }
0x3f: {  	_ =	shalt  }
0x40: {  	_ =	shalt  }
0x41: {  	_ =	shalt  }
0x42: {  	_ =	shalt  }
0x43: {  	_ =	shalt  }
0x44: {  	_ =	shalt  }
0x45: {  	_ =	shalt  }
0x46: {  	_ =	shalt  }
0x47: {  	_ =	shalt  }
0x48: {  	_ =	shalt  }
0x49: {  	_ =	shalt  }
0x4a: {  	_ =	shalt  }
0x4b: {  	_ =	shalt  }
0x4c: {  	_ =	shalt  }
0x4d: {  	_ =	shalt  }
0x4e: {  	_ =	shalt  }
0x4f: {  	_ =	shalt  }
0x50: {  	_ =	shalt  }
0x51: {  	_ =	shalt  }
0x52: {  	_ =	shalt  }
0x53: {  	_ =	shalt  }
0x54: {  	_ =	shalt  }
0x55: {  	_ =	shalt  }
0x56: {  	_ =	shalt  }
0x57: {  	_ =	shalt  }
0x58: {  	_ =	shalt  }
0x59: {  	_ =	shalt  }
0x5a: {  	_ =	shalt  }
0x5b: {  	_ =	shalt  }
0x5c: {  	_ =	shalt  }
0x5d: {  	_ =	shalt  }
0x5e: {  	_ =	shalt  }
0x5f: {  	_ =	shalt  }
0x60: {  	_ =	shalt  }
0x61: {  	_ =	shalt  }
0x62: {  	_ =	shalt  }
0x63: {  	_ =	shalt  }
0x64: {  	_ =	shalt  }
0x65: {  	_ =	shalt  }
0x66: {  	_ =	shalt  }
0x67: {  	_ =	shalt  }
0x68: {  	_ =	shalt  }
0x69: {  	_ =	shalt  }
0x6a: {  	_ =	shalt  }
0x6b: {  	_ =	shalt  }
0x6c: {  	_ =	shalt  }
0x6d: {  	_ =	shalt  }
0x6e: {  	_ =	shalt  }
0x6f: {  	_ =	shalt  }
0x70: {  	_ =	shalt  }
0x71: {  	_ =	shalt  }
0x72: {  	_ =	shalt  }
0x73: {  	_ =	shalt  }
0x74: {  	_ =	shalt  }
0x75: {  	_ =	shalt  }
0x76: {  	_ =	shalt  }
0x77: {  	_ =	shalt  }
0x78: {  	_ =	shalt  }
0x79: {  	_ =	shalt  }
0x7a: {  	_ =	shalt  }
0x7b: {  	_ =	shalt  }
0x7c: {  	_ =	shalt  }
0x7d: {  	_ =	shalt  }
0x7e: {  	_ =	shalt  }
0x7f: {  	_ =	shalt  }
0x80: {  	_ =	shalt  }
0x81: {  	_ =	shalt  }
0x82: {  	_ =	shalt  }
0x83: {  	_ =	shalt  }
0x84: {  	_ =	shalt  }
0x85: {  	_ =	shalt  }
0x86: {  	_ =	shalt  }
0x87: {  	_ =	shalt  }
.Lfunc_end0:
.L_simem_size_0:
called_computation.2_lowered:
.L_overlay_start_0:
0x88: {  	s2 =	sld [smem:$0x3FD9]  }
0x89: {  	s3 =	sld [smem:$0x3FFE];
	_ =	sdelay $0x1  }
0x8a: {  	s1 =	srdreg.scid  }
0x8b: {  	s0 =	sand.u32 $0x1, s1  }
0x8c: {  	s16 =	sshll.u32 s0, $0xA;
	s2 =	sadd.s32 s3, s2  }
0x8d: {  	s2 =	sadd.s32 s2, s16  }
0x8e: {  	[smem:$0x3FBF] =	sst s2  }
0x8f: {  	_ = 	snop  }
0x90: {  	(tm) =	ssettm $0x1  }
0x91: {  	s17 =	sld [smem:$0x3FFB];
	_ =	sdelay $0x3  }
0x92: {  	_ =	strace s17  }
0x93: {  	s2 =	sld [smem:$0x3FFC];
	_ =	sdelay $0x3  }
0x94: {  	_ =	strace s2  }
0x95: {  	s2 =	sld [smem:$0x3FFD];
	_ =	sdelay $0x3  }
0x96: {  	_ =	strace s2  }
0x97: {  	_ =	strace $0x8FFFFFFF  }
0x98: {  	s18 =	sld [smem:$0x3FDB];
	_ =	sdelay $0x1  }
0x99: {  	s19 =	simm.s32 $_scs_section_size  }
0x9a: {  	s4 =	simm.s32 $_size__tile_overlayer_lowered;
	s5 =	simm.s32 $_tile_overlayer_lowered  }
0x9b: {  	s22 =	simm.s32 $0x1BFF;
	s21 =	sshll.u32 s5, $0x1;
	s2 =	sadd.s32 s19, s18  }
0x9c: {  	s6 =	simm.s32 $0x0;
	s20 =	sshll.u32 s4, $0x1;
	s4 =	sadd.s32 s21, s2  }
0x9d: {  	[timem:s6], [sflag:s22] =	dma.local [hbm:s4], s20  }
0x9e: {  	_ =	swait.ge [sflag:s22], s20  }
0x9f: {  	s3 =	ssub.s32 $0x0, s20;
	[sflag:s22] =	ssyncset.done $0x0  }
0xa0: {  	[sflag:s22] =	ssyncadd.s32 s3;
	_ =	sdelay $0x1  }
0xa1: {  	s23 =	simm.s32 $0x1B8B  }
0xa2: {  	_ =	swait.ge [sflag:s23], $0x1  }
0xa3: {  	[sflag:s23] =	ssyncset.done $0x0  }
0xa4: {  	s25 =	simm.s32 $0x1B8E;
	s24 =	sld [smem:$0x3FFE];
	[sflag:s23] =	ssyncadd.s32 $0xFFFFFFFF  }
0xa5: {  	s26 =	simm.s32 $execute0_lowered;
	[smem:$0x3FD2] =	sst s25  }
0xa6: {  	s4 =	sshll.u32 s26, $0x1;
	_ =	strace $0x8000004F;
	[dreg:$0x1] =	wrdreg $0xFFFFFFFF  }
0xa7: {  	s28 =	simm.s32 $_size_execute0_lowered;
	s2 =	sadd.s32 s2, s4;
	[dreg:$0x0] =	wrdreg $0x0  }
0xa8: {  	s4 =	sshll.u32 s28, $0x1;
	[dreg:$0x2] =	wrdreg s2  }
0xa9: {  	[dreg:$0x3] =	wrdreg s4  }
0xaa: {  	[dreg:$0x4] =	wrdreg $0xC0  }
0xab: {  	_ =	task [dreg:s6], $0x5FFFF  }
0xac: {  	[dreg:$0x1] =	wrdreg $0xFFFFFFFF  }
0xad: {  	[dreg:$0x0] =	wrdreg $0x60  }
0xae: {  	[dreg:$0x2] =	wrdreg s24  }
0xaf: {  	[dreg:$0x3] =	wrdreg $0x88000  }
0xb0: {  	[dreg:$0x4] =	wrdreg $0x9  }
0xb1: {  	_ =	task.clear_ibuf [dreg:s6], $0x5FFFF;
	_ =	strace $0x9000004F  }
0xb2: {  	s29 =	simm.s32 $0x9;
	_ =	strace $0x80000054  }
0xb3: {  	_ =	swait.ge [sflag:s29], $0x1  }
0xb4: {  	[sflag:s29] =	ssyncadd.s32 $0xFFFFFFFF  }
0xb5: {  	_ =	strace $0x90000054  }
0xb6: {  	_ =	sfence  }
0xb7: {  	s30 =	sld [smem:$0x0];
	_ =	sdelay $0x2  }
0xb8: {  	s31 =	sshll.u32 s1, $0xD;
	s1 =	sshrl.u32 s1, $0x2  }
0xb9: {  	s3 =	sand.u32 $0x4000, s31;
	s1 =	sadd.s32 s1, s30  }
0xba: {  	s0 =	sor.u32 s3, s0;
	s1 =	sshll.u32 s1, $0x11  }
0xbb: {  	s0 =	sor.u32 s1, s0  }
0xbc: {  	s0 =	sadd.s32 $0x8F2B, s0  }
0xbd: {  	[sflag:s0] =	ssyncadd.remote.s32 $0x1  }
0xbe: {  	_ =	sfence.sel $0xFFFF  }
0xbf: {  	[dreg:$0x0] =	wrdreg $0xFFFFFFFF;
	(pc) =	sbr.abs _section_cstart, $3  }
0xc0: {  	[dreg:$0x1] =	wrdreg $0xFFFFFFFF  }
0xc1: {  	_ =	task.clear_ibuf [dreg:s6], $0x2FFFF;
	_ =	strace $0x9FFFFFFF  }
0xc2: {  	(tm) =	ssettm $0x7FFFFFFF  }
0xc3: {  	_ =	shalt  }
tec
execute0_lowered:
.L_overlay_start_1:
0x0: {  	(tag) =	ssettag $0x1  }
0x1: {  	s0 =	rddreg [dreg:$0x0]  }
0x2: {  	s1 =	rddreg [dreg:$0x1];
	s17 =	stileid.u32  }
0x3: {  	s2 =	srdreg.scid;
	s3 =	simm.s32 $0x0;
	s8 =	smul.u32 $0x2800, s17  }
0x4: {  	s29 =	simm.s32 $0x3;
	s2 =	sand.u32 $0x1, s2;
	s5 =	smul.u32 $0x14000, s17  }
0x5: {  	s31 =	simm.s32 $0x4;
	[smem:$0x7FF] =	sst s3;
	s7 =	smul.u32 $0x28000, s2  }
0x6: {  	s4 =	sadd.s32 $0xCA00, s0;
	s6 =	sadd.s32 $0x2A00, s0;
	s12 =	smul.u32 $0x140000, s2  }
0x7: {  	s10 =	sadd.s32 $0xB5C00, s0;
	_ =	strace $0x80000050;
	s25 =	ssub.s32 $0x2, s2  }
0x8: {  	s9 =	sshrl.u32 s25, $0x1;
	s11 =	sadd.s32 s8, s7;
	s14 =	sadd.s32 s5, s12  }
0x9: {  	s2 =	ssub.s32 s25, s9;
	s7 =	sshrl.u32 s11, $0x3;
	s9 =	sshrl.u32 s14, $0x3  }
0xa: {  	s20 =	sor.u32 $0x1C0, s11;
	s24 =	sor.u32 $0x1A0, s11;
	s2 =	smax.u32 s2, $0x1  }
0xb: {  	s13 =	sor.u32 $0x4, s7;
	s28 =	sor.u32 $0x8, s7;
	s9 =	sadd.s32 s10, s9  }
0xc: {  	s22 =	sshrl.u32 s20, $0x3;
	s20 =	sor.u32 $0x160, s11;
	[smem:$0x7F9] =	sst s2  }
0xd: {  	s26 =	sadd.s32 s4, s13;
	s30 =	sadd.s32 s6, s13;
	[dreg:$0x17] =	wrdreg s9  }
0xe: {  	s13 =	sadd.s32 s4, s28;
	s8 =	sadd.s32 s6, s28;
	[dreg:$0x13] =	wrdreg s26  }
0xf: {  	s9 =	sadd.s32 $0x8000, s5;
	s23 =	sadd.s32 s22, s6;
	[dreg:$0x14] =	wrdreg s30  }
0x10: {  	s25 =	sadd.s32 s22, s4;
	s22 =	sshrl.u32 s20, $0x3;
	[dreg:$0x15] =	wrdreg s13  }
0x11: {  	s20 =	sor.u32 $0xC, s7;
	[dreg:$0x16] =	wrdreg s8;
	s8 =	sadd.s32 $0x4000, s5  }
0x12: {  	s14 =	sadd.s32 s12, s9;
	[dreg:$0x5] =	wrdreg s23;
	s26 =	sshrl.u32 s24, $0x3  }
0x13: {  	[dreg:$0x6] =	wrdreg s25;
	s30 =	sor.u32 $0x180, s11;
	s23 =	sadd.s32 s22, s6  }
0x14: {  	s24 =	sor.u32 $0x140, s11;
	s25 =	sadd.s32 s22, s4;
	s22 =	sor.u32 $0x10, s7  }
0x15: {  	s15 =	sadd.s32 s12, s8;
	s16 =	sshrl.u32 s14, $0x3;
	[dreg:$0xb] =	wrdreg s23  }
0x16: {  	s28 =	sadd.s32 s26, s6;
	[dreg:$0xc] =	wrdreg s25;
	s23 =	sadd.s32 s4, s22  }
0x17: {  	s13 =	sshrl.u32 s15, $0x3;
	s15 =	sor.u32 $0x1E0, s11;
	[dreg:$0x7] =	wrdreg s28  }
0x18: {  	[dreg:$0x1e] =	wrdreg s23;
	s13 =	sadd.s32 s10, s13;
	s18 =	sshrl.u32 s15, $0x3  }
0x19: {  	s15 =	sadd.s32 $0xC000, s5;
	[dreg:$0x18] =	wrdreg s13;
	s13 =	sadd.s32 s10, s16  }
0x1a: {  	s19 =	sadd.s32 s18, s6;
	s21 =	sadd.s32 s18, s4;
	[dreg:$0x19] =	wrdreg s13  }
0x1b: {  	s16 =	sadd.s32 s26, s4;
	s18 =	sshrl.u32 s30, $0x3;
	[dreg:$0x3] =	wrdreg s19  }
0x1c: {  	s26 =	sshrl.u32 s24, $0x3;
	s30 =	sor.u32 $0x120, s11;
	[dreg:$0x4] =	wrdreg s21  }
0x1d: {  	s11 =	sor.u32 $0x100, s11;
	[dreg:$0x8] =	wrdreg s16;
	s19 =	sadd.s32 s18, s6  }
0x1e: {  	s24 =	sor.u32 $0x14, s7;
	s21 =	sadd.s32 s18, s4;
	[dreg:$0x9] =	wrdreg s19  }
0x1f: {  	s23 =	sadd.s32 s15, s1;
	s28 =	sadd.s32 s26, s6;
	[dreg:$0xa] =	wrdreg s21  }
0x20: {  	s16 =	sadd.s32 s12, s15;
	s14 =	sadd.s32 s26, s4;
	[dreg:$0xd] =	wrdreg s28  }
0x21: {  	s13 =	sshrl.u32 s30, $0x3;
	s25 =	sadd.s32 s4, s24;
	[dreg:$0xe] =	wrdreg s14  }
0x22: {  	s11 =	sshrl.u32 s11, $0x3;
	s30 =	sadd.s32 s4, s7;
	[smem:$0x7EF] =	sst s25  }
0x23: {  	s26 =	sor.u32 $0x18, s7;
	s18 =	sadd.s32 s13, s6;
	[smem:$0x7F3] =	sst s30  }
0x24: {  	s15 =	simm.s32 $0x180;
	s13 =	sadd.s32 s13, s4;
	[dreg:$0xf] =	wrdreg s18  }
0x25: {  	s16 =	sshrl.u32 s16, $0x3;
	s19 =	sadd.s32 s11, s6;
	[dreg:$0x10] =	wrdreg s13  }
0x26: {  	s14 =	sadd.s32 $0x10000, s5;
	s21 =	sadd.s32 s4, s20;
	[dreg:$0x11] =	wrdreg s19  }
0x27: {  	s28 =	sadd.s32 s4, s26;
	s25 =	sadd.s32 $0x66A00, s0;
	[dreg:$0x1c] =	wrdreg s21  }
0x28: {  	s16 =	sadd.s32 s10, s16;
	s12 =	sadd.s32 s12, s14;
	[smem:$0x7F1] =	sst s28  }
0x29: {  	s13 =	smul.u32 $0x50000, s17;
	s17 =	sshrl.u32 s5, $0x3;
	s21 =	sadd.s32 s8, s1  }
0x2a: {  	s28 =	sshrl.u32 s23, $0x3;
	[dreg:$0x1a] =	wrdreg s16;
	s12 =	sshrl.u32 s12, $0x3  }
0x2b: {  	s8 =	simm.s32 $0x19;
	[smem:$0x7FC] =	sst s28;
	s10 =	sadd.s32 s10, s12  }
0x2c: {  	s5 =	simm.s32 $0x5;
	s12 =	sadd.s32 s6, s7;
	[dreg:$0x1b] =	wrdreg s10  }
0x2d: {  	s7 =	sor.u32 $0x1C, s7;
	s10 =	sadd.s32 s6, s20;
	[smem:$0x7F4] =	sst s12  }
0x2e: {  	s18 =	sshrl.u32 s13, $0x2;
	s16 =	sadd.s32 s4, s7;
	[dreg:$0x1d] =	wrdreg s10  }
0x2f: {  	s13 =	simm.s32 $0x100;
	s4 =	sadd.s32 s11, s4;
	[smem:$0x7F6] =	sst s16  }
0x30: {  	s19 =	sadd.s32 s18, s1;
	s11 =	simm.s32 $0x80;
	[dreg:$0x12] =	wrdreg s4  }
0x31: {  	s10 =	sadd.s32 s6, s22;
	s4 =	sadd.s32 s17, s0;
	[smem:$0x7F7] =	sst s19  }
0x32: {  	s22 =	sadd.s32 s9, s1;
	s0 =	sshrl.u32 s21, $0x3;
	[dreg:$0x1f] =	wrdreg s10  }
0x33: {  	s17 =	simm.s32 $0x200;
	s10 =	sadd.s32 s6, s24;
	[smem:$0x7FA] =	sst s0  }
0x34: {  	s19 =	simm.s32 $0x280;
	s20 =	sadd.s32 $0x8DC00, s4;
	[smem:$0x7F0] =	sst s10  }
0x35: {  	s21 =	simm.s32 $0x20;
	s10 =	sadd.s32 s6, s26;
	[smem:$0x7F8] =	sst s20  }
0x36: {  	s24 =	sadd.s32 s14, s1;
	s6 =	sadd.s32 s6, s7;
	[smem:$0x7F2] =	sst s10  }
0x37: {  	s1 =	simm.s32 $0x6;
	s26 =	sshrl.u32 s22, $0x3;
	[smem:$0x7F5] =	sst s6  }
0x38: {  	s0 =	simm.s32 $0x0;
	s30 =	sshrl.u32 s24, $0x3;
	[smem:$0x7FB] =	sst s26  }
0x39: {  	s24 =	simm.s32 $0x300;
	s20 =	simm.s32 $0x1;
	[smem:$0x7FD] =	sst s30  }
0x3a: {  	s26 =	simm.s32 $0x2;
	s6 =	simm.s32 $0x7;
	s10 =	simm.s32 $0x8  }
.LBB2_1:
0x3b: {  	[smem:$0x7EC] =	sst s0  }
0x3c: {  	_ =	strace $0x80000051  }
0x3d: {  	s4 =	stileid.u32;
	s22 =	sld [smem:$0x7F7]  }
0x3e: {  	s4 =	sshll.u32 s4, $0x6  }
0x3f: {  	s18 =	sor.u32 $0x1C19, s4;
	s23 =	sld [smem:$0x7F8]  }
0x40: {  	[smem:$0x7ED] =	sst s18;
	s2 =	sshrl.u32 s22, $0x3  }
0x41: {  	[smem:$0x7EE] =	sst s2  }
0x42: {  	[spmem:s2], [sflag:s18] =	dma.local [hbm:s23], $0x2800  }
0x43: {  	_ =	swait.ge [sflag:s8], $0x2800  }
0x44: {  	[sflag:s8] =	ssyncset.done $0x0  }
0x45: {  	[sflag:s8] =	ssyncadd.s32 $0xFFFFD800  }
0x46: {  	[bflag:$0x0] =	sbarrier.arrive $0xFFFF  }
0x47: {  	_ =	strace $0x90000051  }
0x48: {  	_ =	strace $0x80000052  }
0x49: {  	s28 =	sld [smem:$0x7F3];
	_ =	sdelay $0x1  }
0x4a: {  	s30 =	sld [smem:$0x7F4]  }
0x4b: {  	[tilespmem:s3], [sflag:$0x1] =	stream.linear.gather [hbm4b:s28+s3], $0x20, $0x200038;
	[tilespmem:$0x1C800] =	vst v63  }
0x4c: {  	s8 =	simm.s32 $0x400;
	s0 =	rddreg [dreg:$0x13]  }
0x4d: {  	[tilespmem:s8], [sflag:$0x1] =	stream.linear.gather [hbm4b:s30+s3], $0x20, $0x200038;
	[tilespmem:$0x1C800] =	vst v63  }
0x4e: {  	s2 =	rddreg [dreg:$0x14]  }
0x4f: {  	[tilespmem:s11], [sflag:$0x2] =	stream.linear.gather [hbm4b:s0+s3], $0x20, $0x200038;
	[tilespmem:$0x1C800] =	vst v63  }
0x50: {  	s16 =	simm.s32 $0x480;
	s7 =	rddreg [dreg:$0x15]  }
0x51: {  	[tilespmem:s16], [sflag:$0x2] =	stream.linear.gather [hbm4b:s2+s3], $0x20, $0x200038;
	[tilespmem:$0x1C800] =	vst v63  }
0x52: {  	s9 =	rddreg [dreg:$0x16]  }
0x53: {  	[tilespmem:s13], [sflag:$0x3] =	stream.linear.gather [hbm4b:s7+s3], $0x20, $0x200038;
	[tilespmem:$0x1C800] =	vst v63  }
0x54: {  	s18 =	simm.s32 $0x500;
	s12 =	rddreg [dreg:$0x1c]  }
0x55: {  	[tilespmem:s18], [sflag:$0x3] =	stream.linear.gather [hbm4b:s9+s3], $0x20, $0x200038;
	[tilespmem:$0x1C800] =	vst v63  }
0x56: {  	s14 =	rddreg [dreg:$0x1d]  }
0x57: {  	[tilespmem:s15], [sflag:$0x4] =	stream.linear.gather [hbm4b:s12+s3], $0x20, $0x200038;
	[tilespmem:$0x1C800] =	vst v63  }
0x58: {  	s23 =	simm.s32 $0x580;
	s22 =	rddreg [dreg:$0x1e]  }
0x59: {  	[tilespmem:s23], [sflag:$0x4] =	stream.linear.gather [hbm4b:s14+s3], $0x20, $0x200038;
	[tilespmem:$0x1C800] =	vst v63  }
0x5a: {  	s28 =	rddreg [dreg:$0x1f]  }
0x5b: {  	[tilespmem:s17], [sflag:$0x5] =	stream.linear.gather [hbm4b:s22+s3], $0x20, $0x200038;
	[tilespmem:$0x1C800] =	vst v63  }
0x5c: {  	s30 =	simm.s32 $0x600;
	s0 =	sld [smem:$0x7EF]  }
0x5d: {  	[tilespmem:s30], [sflag:$0x5] =	stream.linear.gather [hbm4b:s28+s3], $0x20, $0x200038;
	[tilespmem:$0x1C800] =	vst v63  }
0x5e: {  	s2 =	sld [smem:$0x7F0]  }
0x5f: {  	[tilespmem:s19], [sflag:$0x6] =	stream.linear.gather [hbm4b:s0+s3], $0x20, $0x200038;
	[tilespmem:$0x1C800] =	vst v63  }
0x60: {  	s7 =	simm.s32 $0x680;
	s9 =	sld [smem:$0x7F1]  }
0x61: {  	[tilespmem:s7], [sflag:$0x6] =	stream.linear.gather [hbm4b:s2+s3], $0x20, $0x200038;
	[tilespmem:$0x1C800] =	vst v63  }
0x62: {  	s12 =	sld [smem:$0x7F2]  }
0x63: {  	[tilespmem:s24], [sflag:$0x7] =	stream.linear.gather [hbm4b:s9+s3], $0x20, $0x200038;
	[tilespmem:$0x1C800] =	vst v63  }
0x64: {  	s14 =	simm.s32 $0x700;
	s22 =	sld [smem:$0x7F6]  }
0x65: {  	[tilespmem:s14], [sflag:$0x7] =	stream.linear.gather [hbm4b:s12+s3], $0x20, $0x200038;
	[tilespmem:$0x1C800] =	vst v63  }
0x66: {  	s28 =	simm.s32 $0x380;
	s0 =	sld [smem:$0x7F5]  }
0x67: {  	[tilespmem:s28], [sflag:$0x8] =	stream.linear.gather [hbm4b:s22+s3], $0x20, $0x200038;
	[tilespmem:$0x1C800] =	vst v63  }
0x68: {  	s2 =	simm.s32 $0x780  }
0x69: {  	[tilespmem:s2], [sflag:$0x8] =	stream.linear.gather [hbm4b:s0+s3], $0x20, $0x200038;
	[tilespmem:$0x1C800] =	vst v63  }
0x6a: {  	_ =	swait.ge [sflag:s20], $0x20  }
0x6b: {  	[sflag:s20] =	ssyncset.done $0x0  }
0x6c: {  	[sflag:s20] =	ssyncadd.s32 $0xFFFFFFE0  }
0x6d: {  	_ =	swait.ge [sflag:s20], $0x20  }
0x6e: {  	[sflag:s20] =	ssyncset.done $0x0  }
0x6f: {  	s7 =	simm.s32 $0x800;
	[sflag:s20] =	ssyncadd.s32 $0xFFFFFFE0  }
0x70: {  	[tilespmem:s7], [sflag:$0x9] =	stream.indirect.gather [hbm4b:s25+s21], $0x80, s3, s21, $0x2000b8;
	[tilespmem:$0x1C800] =	vst v63  }
0x71: {  	_ =	swait.ge [sflag:s26], $0x20  }
0x72: {  	[sflag:s26] =	ssyncset.done $0x0  }
0x73: {  	[sflag:s26] =	ssyncadd.s32 $0xFFFFFFE0  }
0x74: {  	_ =	swait.ge [sflag:s26], $0x20  }
0x75: {  	[sflag:s26] =	ssyncset.done $0x0  }
0x76: {  	s9 =	simm.s32 $0x1800;
	[sflag:s26] =	ssyncadd.s32 $0xFFFFFFE0  }
0x77: {  	[tilespmem:s9], [sflag:$0xA] =	stream.indirect.gather [hbm4b:s25+s21], $0x80, s11, s21, $0x2000b8;
	[tilespmem:$0x1C800] =	vst v63  }
0x78: {  	_ =	swait.ge [sflag:s29], $0x20  }
0x79: {  	[sflag:s29] =	ssyncset.done $0x0  }
0x7a: {  	[sflag:s29] =	ssyncadd.s32 $0xFFFFFFE0  }
0x7b: {  	_ =	swait.ge [sflag:s29], $0x20  }
0x7c: {  	[sflag:s29] =	ssyncset.done $0x0  }
0x7d: {  	s12 =	simm.s32 $0x2800;
	[sflag:s29] =	ssyncadd.s32 $0xFFFFFFE0  }
0x7e: {  	[tilespmem:s12], [sflag:$0xB] =	stream.indirect.gather [hbm4b:s25+s21], $0x80, s13, s21, $0x2000b8;
	[tilespmem:$0x1C800] =	vst v63  }
0x7f: {  	_ =	swait.ge [sflag:s31], $0x20  }
0x80: {  	[sflag:s31] =	ssyncset.done $0x0  }
0x81: {  	[sflag:s31] =	ssyncadd.s32 $0xFFFFFFE0  }
0x82: {  	_ =	swait.ge [sflag:s31], $0x20  }
0x83: {  	[sflag:s31] =	ssyncset.done $0x0  }
0x84: {  	s2 =	simm.s32 $0x3800;
	[sflag:s31] =	ssyncadd.s32 $0xFFFFFFE0  }
0x85: {  	[tilespmem:s2], [sflag:$0xC] =	stream.indirect.gather [hbm4b:s25+s21], $0x80, s15, s21, $0x2000b8;
	[tilespmem:$0x1C800] =	vst v63  }
0x86: {  	_ =	swait.ge [sflag:s5], $0x20  }
0x87: {  	[sflag:s5] =	ssyncset.done $0x0  }
0x88: {  	[sflag:s5] =	ssyncadd.s32 $0xFFFFFFE0  }
0x89: {  	_ =	swait.ge [sflag:s5], $0x20  }
0x8a: {  	[sflag:s5] =	ssyncset.done $0x0  }
0x8b: {  	s4 =	simm.s32 $0x4800;
	[sflag:s5] =	ssyncadd.s32 $0xFFFFFFE0  }
0x8c: {  	[tilespmem:s4], [sflag:$0xD] =	stream.indirect.gather [hbm4b:s25+s21], $0x80, s17, s21, $0x2000b8;
	[tilespmem:$0x1C800] =	vst v63  }
0x8d: {  	_ =	swait.ge [sflag:s1], $0x20  }
0x8e: {  	[sflag:s1] =	ssyncset.done $0x0  }
0x8f: {  	[sflag:s1] =	ssyncadd.s32 $0xFFFFFFE0  }
0x90: {  	_ =	swait.ge [sflag:s1], $0x20  }
0x91: {  	[sflag:s1] =	ssyncset.done $0x0  }
0x92: {  	s5 =	simm.s32 $0x5800;
	[sflag:s1] =	ssyncadd.s32 $0xFFFFFFE0  }
0x93: {  	[tilespmem:s5], [sflag:$0xE] =	stream.indirect.gather [hbm4b:s25+s21], $0x80, s19, s21, $0x2000b8;
	[tilespmem:$0x1C800] =	vst v63  }
0x94: {  	_ =	swait.ge [sflag:s6], $0x20  }
0x95: {  	[sflag:s6] =	ssyncset.done $0x0  }
0x96: {  	[sflag:s6] =	ssyncadd.s32 $0xFFFFFFE0  }
0x97: {  	_ =	swait.ge [sflag:s6], $0x20  }
0x98: {  	[sflag:s6] =	ssyncset.done $0x0  }
0x99: {  	[sflag:s6] =	ssyncadd.s32 $0xFFFFFFE0;
	s6 =	simm.s32 $0x6800  }
0x9a: {  	[tilespmem:s6], [sflag:$0xF] =	stream.indirect.gather [hbm4b:s25+s21], $0x80, s24, s21, $0x2000b8;
	[tilespmem:$0x1C800] =	vst v63  }
0x9b: {  	_ =	swait.ge [sflag:s10], $0x20  }
0x9c: {  	[sflag:s10] =	ssyncset.done $0x0  }
0x9d: {  	[sflag:s10] =	ssyncadd.s32 $0xFFFFFFE0  }
0x9e: {  	_ =	swait.ge [sflag:s10], $0x20  }
0x9f: {  	s28 =	simm.s32 $0x380;
	[sflag:s10] =	ssyncset.done $0x0  }
0xa0: {  	s4 =	simm.s32 $0x7800;
	[sflag:s10] =	ssyncadd.s32 $0xFFFFFFE0;
	s10 =	simm.s32 $0x9  }
0xa1: {  	[tilespmem:s4], [sflag:$0x10] =	stream.indirect.gather [hbm4b:s25+s21], $0x80, s28, s21, $0x2000b8;
	[tilespmem:$0x1C800] =	vst v63  }
0xa2: {  	_ =	swait.ge [sflag:s10], $0x1000  }
0xa3: {  	[sflag:s10] =	ssyncset.done $0x0  }
0xa4: {  	[sflag:s10] =	ssyncadd.s32 $0xFFFFF000  }
0xa5: {  	s22 =	simm.s32 $0x800;
	s28 =	simm.s32 $0xA;
	s1 =	rddreg [dreg:$0x1]  }
0xa6: {  	[spmem:s1] =	stream.indirect.scatter.add.f32 [tilespmem:s22], [sflag:$0x11], $0x80, s8, s21, $0x2000b8;
	[tilespmem:$0x1C800] =	vst v63  }
0xa7: {  	_ =	swait.ge [sflag:s28], $0x1000  }
0xa8: {  	[sflag:s28] =	ssyncset.done $0x0  }
0xa9: {  	s14 =	simm.s32 $0x1800;
	s6 =	simm.s32 $0xB;
	[sflag:s28] =	ssyncadd.s32 $0xFFFFF000  }
0xaa: {  	[spmem:s1] =	stream.indirect.scatter.add.f32 [tilespmem:s14], [sflag:$0x12], $0x80, s16, s21, $0x2000b8;
	[tilespmem:$0x1C800] =	vst v63  }
0xab: {  	_ =	swait.ge [sflag:s6], $0x1000  }
0xac: {  	[sflag:s6] =	ssyncset.done $0x0  }
0xad: {  	s12 =	simm.s32 $0x2800;
	s10 =	simm.s32 $0xC;
	[sflag:s6] =	ssyncadd.s32 $0xFFFFF000  }
0xae: {  	[spmem:s1] =	stream.indirect.scatter.add.f32 [tilespmem:s12], [sflag:$0x13], $0x80, s18, s21, $0x2000b8;
	[tilespmem:$0x1C800] =	vst v63  }
0xaf: {  	_ =	swait.ge [sflag:s10], $0x1000  }
0xb0: {  	[sflag:s10] =	ssyncset.done $0x0  }
0xb1: {  	s9 =	simm.s32 $0x3800;
	s14 =	simm.s32 $0xD;
	[sflag:s10] =	ssyncadd.s32 $0xFFFFF000  }
0xb2: {  	[spmem:s1] =	stream.indirect.scatter.add.f32 [tilespmem:s9], [sflag:$0x14], $0x80, s23, s21, $0x2000b8;
	[tilespmem:$0x1C800] =	vst v63  }
0xb3: {  	_ =	swait.ge [sflag:s14], $0x1000  }
0xb4: {  	[sflag:s14] =	ssyncset.done $0x0  }
0xb5: {  	s7 =	simm.s32 $0x4800;
	s22 =	simm.s32 $0xE;
	[sflag:s14] =	ssyncadd.s32 $0xFFFFF000  }
0xb6: {  	[spmem:s1] =	stream.indirect.scatter.add.f32 [tilespmem:s7], [sflag:$0x15], $0x80, s30, s21, $0x2000b8;
	[tilespmem:$0x1C800] =	vst v63  }
0xb7: {  	_ =	swait.ge [sflag:s22], $0x1000  }
0xb8: {  	s2 =	simm.s32 $0x5800;
	[sflag:s22] =	ssyncset.done $0x0  }
0xb9: {  	s28 =	simm.s32 $0x680;
	s6 =	simm.s32 $0xF;
	[sflag:s22] =	ssyncadd.s32 $0xFFFFF000  }
0xba: {  	[spmem:s1] =	stream.indirect.scatter.add.f32 [tilespmem:s2], [sflag:$0x16], $0x80, s28, s21, $0x2000b8;
	[tilespmem:$0x1C800] =	vst v63  }
0xbb: {  	_ =	swait.ge [sflag:s6], $0x1000  }
0xbc: {  	s0 =	simm.s32 $0x6800;
	[sflag:s6] =	ssyncset.done $0x0  }
0xbd: {  	s10 =	simm.s32 $0x700;
	s14 =	simm.s32 $0x10;
	[sflag:s6] =	ssyncadd.s32 $0xFFFFF000  }
0xbe: {  	[spmem:s1] =	stream.indirect.scatter.add.f32 [tilespmem:s0], [sflag:$0x17], $0x80, s10, s21, $0x2000b8;
	[tilespmem:$0x1C800] =	vst v63  }
0xbf: {  	_ =	swait.ge [sflag:s14], $0x1000  }
0xc0: {  	[sflag:s14] =	ssyncset.done $0x0  }
0xc1: {  	s22 =	simm.s32 $0x780;
	s0 =	simm.s32 $0x11;
	[sflag:s14] =	ssyncadd.s32 $0xFFFFF000  }
0xc2: {  	[spmem:s1] =	stream.indirect.scatter.add.f32 [tilespmem:s4], [sflag:$0x18], $0x80, s22, s21, $0x2000b8;
	[tilespmem:$0x1C800] =	vst v63  }
0xc3: {  	_ =	swait.ge [sflag:s0], $0x1000  }
0xc4: {  	s4 =	rddreg [dreg:$0x12];
	[sflag:s0] =	ssyncset.done $0x0  }
0xc5: {  	s6 =	rddreg [dreg:$0x11];
	[sflag:s0] =	ssyncadd.s32 $0xFFFFF000;
	s4 =	sadd.s32 $0x0, s4  }
0xc6: {  	[tilespmem:s3], [sflag:$0x1] =	stream.linear.gather [hbm4b:s4+s3], $0x20, $0x200038;
	[tilespmem:$0x1C800] =	vst v63  }
0xc7: {  	s0 =	sadd.s32 $0x0, s6;
	s4 =	simm.s32 $0x12  }
0xc8: {  	[tilespmem:s8], [sflag:$0x1] =	stream.linear.gather [hbm4b:s0+s3], $0x20, $0x200038;
	[tilespmem:$0x1C800] =	vst v63  }
0xc9: {  	_ =	swait.ge [sflag:s4], $0x1000  }
0xca: {  	s6 =	rddreg [dreg:$0x10];
	[sflag:s4] =	ssyncset.done $0x0  }
0xcb: {  	s8 =	rddreg [dreg:$0xf];
	[sflag:s4] =	ssyncadd.s32 $0xFFFFF000;
	s4 =	sadd.s32 $0x0, s6  }
0xcc: {  	[tilespmem:s11], [sflag:$0x2] =	stream.linear.gather [hbm4b:s4+s3], $0x20, $0x200038;
	[tilespmem:$0x1C800] =	vst v63  }
0xcd: {  	s0 =	sadd.s32 $0x0, s8;
	s6 =	simm.s32 $0x13  }
0xce: {  	[tilespmem:s16], [sflag:$0x2] =	stream.linear.gather [hbm4b:s0+s3], $0x20, $0x200038;
	[tilespmem:$0x1C800] =	vst v63  }
0xcf: {  	_ =	swait.ge [sflag:s6], $0x1000  }
0xd0: {  	s8 =	rddreg [dreg:$0xe];
	[sflag:s6] =	ssyncset.done $0x0  }
0xd1: {  	s16 =	rddreg [dreg:$0xd];
	[sflag:s6] =	ssyncadd.s32 $0xFFFFF000;
	s4 =	sadd.s32 $0x0, s8  }
0xd2: {  	[tilespmem:s13], [sflag:$0x3] =	stream.linear.gather [hbm4b:s4+s3], $0x20, $0x200038;
	[tilespmem:$0x1C800] =	vst v63  }
0xd3: {  	s6 =	sadd.s32 $0x0, s16;
	s8 =	simm.s32 $0x14  }
0xd4: {  	[tilespmem:s18], [sflag:$0x3] =	stream.linear.gather [hbm4b:s6+s3], $0x20, $0x200038;
	[tilespmem:$0x1C800] =	vst v63  }
0xd5: {  	_ =	swait.ge [sflag:s8], $0x1000  }
0xd6: {  	s16 =	rddreg [dreg:$0xc];
	[sflag:s8] =	ssyncset.done $0x0  }
0xd7: {  	s18 =	rddreg [dreg:$0xb];
	[sflag:s8] =	ssyncadd.s32 $0xFFFFF000;
	s4 =	sadd.s32 $0x0, s16  }
0xd8: {  	[tilespmem:s15], [sflag:$0x4] =	stream.linear.gather [hbm4b:s4+s3], $0x20, $0x200038;
	[tilespmem:$0x1C800] =	vst v63  }
0xd9: {  	s8 =	sadd.s32 $0x0, s18;
	s16 =	simm.s32 $0x15  }
0xda: {  	[tilespmem:s23], [sflag:$0x4] =	stream.linear.gather [hbm4b:s8+s3], $0x20, $0x200038;
	[tilespmem:$0x1C800] =	vst v63  }
0xdb: {  	_ =	swait.ge [sflag:s16], $0x1000  }
0xdc: {  	s18 =	rddreg [dreg:$0xa];
	[sflag:s16] =	ssyncset.done $0x0  }
0xdd: {  	s23 =	rddreg [dreg:$0x9];
	[sflag:s16] =	ssyncadd.s32 $0xFFFFF000;
	s4 =	sadd.s32 $0x0, s18  }
0xde: {  	[tilespmem:s17], [sflag:$0x5] =	stream.linear.gather [hbm4b:s4+s3], $0x20, $0x200038;
	[tilespmem:$0x1C800] =	vst v63  }
0xdf: {  	s0 =	sadd.s32 $0x0, s23;
	s4 =	simm.s32 $0x16  }
0xe0: {  	[tilespmem:s30], [sflag:$0x5] =	stream.linear.gather [hbm4b:s0+s3], $0x20, $0x200038;
	[tilespmem:$0x1C800] =	vst v63  }
0xe1: {  	_ =	swait.ge [sflag:s4], $0x1000  }
0xe2: {  	s6 =	rddreg [dreg:$0x8];
	[sflag:s4] =	ssyncset.done $0x0  }
0xe3: {  	s8 =	rddreg [dreg:$0x7];
	[sflag:s4] =	ssyncadd.s32 $0xFFFFF000;
	s4 =	sadd.s32 $0x0, s6  }
0xe4: {  	[tilespmem:s19], [sflag:$0x6] =	stream.linear.gather [hbm4b:s4+s3], $0x20, $0x200038;
	[tilespmem:$0x1C800] =	vst v63  }
0xe5: {  	s2 =	simm.s32 $0x680;
	s18 =	simm.s32 $0x17;
	s16 =	sadd.s32 $0x0, s8  }
0xe6: {  	[tilespmem:s2], [sflag:$0x6] =	stream.linear.gather [hbm4b:s16+s3], $0x20, $0x200038;
	[tilespmem:$0x1C800] =	vst v63  }
0xe7: {  	_ =	swait.ge [sflag:s18], $0x1000  }
0xe8: {  	s23 =	rddreg [dreg:$0x6];
	[sflag:s18] =	ssyncset.done $0x0  }
0xe9: {  	s30 =	rddreg [dreg:$0x5];
	[sflag:s18] =	ssyncadd.s32 $0xFFFFF000;
	s4 =	sadd.s32 $0x0, s23  }
0xea: {  	[tilespmem:s24], [sflag:$0x7] =	stream.linear.gather [hbm4b:s4+s3], $0x20, $0x200038;
	[tilespmem:$0x1C800] =	vst v63  }
0xeb: {  	s28 =	simm.s32 $0x700;
	s2 =	sadd.s32 $0x0, s30;
	s4 =	simm.s32 $0x18  }
0xec: {  	[tilespmem:s28], [sflag:$0x7] =	stream.linear.gather [hbm4b:s2+s3], $0x20, $0x200038;
	[tilespmem:$0x1C800] =	vst v63  }
0xed: {  	_ =	swait.ge [sflag:s4], $0x1000  }
0xee: {  	s16 =	simm.s32 $0x380;
	s6 =	rddreg [dreg:$0x4];
	[sflag:s4] =	ssyncset.done $0x0  }
0xef: {  	s8 =	rddreg [dreg:$0x3];
	[sflag:s4] =	ssyncadd.s32 $0xFFFFF000;
	s4 =	sadd.s32 $0x0, s6  }
0xf0: {  	[tilespmem:s16], [sflag:$0x8] =	stream.linear.gather [hbm4b:s4+s3], $0x20, $0x200038;
	[tilespmem:$0x1C800] =	vst v63  }
0xf1: {  	s22 =	simm.s32 $0x780;
	s18 =	sadd.s32 $0x0, s8  }
0xf2: {  	[tilespmem:s22], [sflag:$0x8] =	stream.linear.gather [hbm4b:s18+s3], $0x20, $0x200038;
	[tilespmem:$0x1C800] =	vst v63  }
0xf3: {  	_ =	swait.ge [sflag:s20], $0x20  }
0xf4: {  	[sflag:s20] =	ssyncset.done $0x0  }
0xf5: {  	[sflag:s20] =	ssyncadd.s32 $0xFFFFFFE0  }
0xf6: {  	_ =	swait.ge [sflag:s20], $0x20  }
0xf7: {  	[sflag:s20] =	ssyncset.done $0x0  }
0xf8: {  	s23 =	simm.s32 $0x800;
	[sflag:s20] =	ssyncadd.s32 $0xFFFFFFE0  }
0xf9: {  	[tilespmem:s23], [sflag:$0x9] =	stream.indirect.gather [hbm4b:s25+s21], $0x80, s3, s21, $0x2000b8;
	[tilespmem:$0x1C800] =	vst v63  }
0xfa: {  	_ =	swait.ge [sflag:s26], $0x20  }
0xfb: {  	[sflag:s26] =	ssyncset.done $0x0  }
0xfc: {  	[sflag:s26] =	ssyncadd.s32 $0xFFFFFFE0  }
0xfd: {  	_ =	swait.ge [sflag:s26], $0x20  }
0xfe: {  	[sflag:s26] =	ssyncset.done $0x0  }
0xff: {  	s28 =	simm.s32 $0x1800;
	[sflag:s26] =	ssyncadd.s32 $0xFFFFFFE0  }
0x100: {  	[tilespmem:s28], [sflag:$0xA] =	stream.indirect.gather [hbm4b:s25+s21], $0x80, s11, s21, $0x2000b8;
	[tilespmem:$0x1C800] =	vst v63  }
0x101: {  	_ =	swait.ge [sflag:s29], $0x20  }
0x102: {  	[sflag:s29] =	ssyncset.done $0x0  }
0x103: {  	[sflag:s29] =	ssyncadd.s32 $0xFFFFFFE0  }
0x104: {  	_ =	swait.ge [sflag:s29], $0x20  }
0x105: {  	[sflag:s29] =	ssyncset.done $0x0  }
0x106: {  	s12 =	simm.s32 $0x2800;
	[sflag:s29] =	ssyncadd.s32 $0xFFFFFFE0  }
0x107: {  	[tilespmem:s12], [sflag:$0xB] =	stream.indirect.gather [hbm4b:s25+s21], $0x80, s13, s21, $0x2000b8;
	[tilespmem:$0x1C800] =	vst v63  }
0x108: {  	_ =	swait.ge [sflag:s31], $0x20  }
0x109: {  	[sflag:s31] =	ssyncset.done $0x0  }
0x10a: {  	[sflag:s31] =	ssyncadd.s32 $0xFFFFFFE0  }
0x10b: {  	_ =	swait.ge [sflag:s31], $0x20  }
0x10c: {  	[sflag:s31] =	ssyncset.done $0x0  }
0x10d: {  	s5 =	simm.s32 $0x5;
	s30 =	simm.s32 $0x3800;
	[sflag:s31] =	ssyncadd.s32 $0xFFFFFFE0  }
0x10e: {  	[tilespmem:s30], [sflag:$0xC] =	stream.indirect.gather [hbm4b:s25+s21], $0x80, s15, s21, $0x2000b8;
	[tilespmem:$0x1C800] =	vst v63  }
0x10f: {  	_ =	swait.ge [sflag:s5], $0x20  }
0x110: {  	[sflag:s5] =	ssyncset.done $0x0  }
0x111: {  	[sflag:s5] =	ssyncadd.s32 $0xFFFFFFE0  }
0x112: {  	_ =	swait.ge [sflag:s5], $0x20  }
0x113: {  	[sflag:s5] =	ssyncset.done $0x0  }
0x114: {  	s7 =	simm.s32 $0x4800;
	s1 =	simm.s32 $0x6;
	[sflag:s5] =	ssyncadd.s32 $0xFFFFFFE0  }
0x115: {  	[tilespmem:s7], [sflag:$0xD] =	stream.indirect.gather [hbm4b:s25+s21], $0x80, s17, s21, $0x2000b8;
	[tilespmem:$0x1C800] =	vst v63  }
0x116: {  	_ =	swait.ge [sflag:s1], $0x20  }
0x117: {  	[sflag:s1] =	ssyncset.done $0x0  }
0x118: {  	[sflag:s1] =	ssyncadd.s32 $0xFFFFFFE0  }
0x119: {  	_ =	swait.ge [sflag:s1], $0x20  }
0x11a: {  	[sflag:s1] =	ssyncset.done $0x0  }
0x11b: {  	s9 =	simm.s32 $0x5800;
	s10 =	simm.s32 $0x7;
	[sflag:s1] =	ssyncadd.s32 $0xFFFFFFE0  }
0x11c: {  	[tilespmem:s9], [sflag:$0xE] =	stream.indirect.gather [hbm4b:s25+s21], $0x80, s19, s21, $0x2000b8;
	[tilespmem:$0x1C800] =	vst v63  }
0x11d: {  	_ =	swait.ge [sflag:s10], $0x20  }
0x11e: {  	[sflag:s10] =	ssyncset.done $0x0  }
0x11f: {  	[sflag:s10] =	ssyncadd.s32 $0xFFFFFFE0  }
0x120: {  	_ =	swait.ge [sflag:s10], $0x20  }
0x121: {  	[sflag:s10] =	ssyncset.done $0x0  }
0x122: {  	s14 =	simm.s32 $0x8;
	s31 =	simm.s32 $0x6800;
	[sflag:s10] =	ssyncadd.s32 $0xFFFFFFE0  }
0x123: {  	[tilespmem:s31], [sflag:$0xF] =	stream.indirect.gather [hbm4b:s25+s21], $0x80, s24, s21, $0x2000b8;
	[tilespmem:$0x1C800] =	vst v63  }
0x124: {  	_ =	swait.ge [sflag:s14], $0x20  }
0x125: {  	[sflag:s14] =	ssyncset.done $0x0  }
0x126: {  	[sflag:s14] =	ssyncadd.s32 $0xFFFFFFE0  }
0x127: {  	_ =	swait.ge [sflag:s14], $0x20  }
0x128: {  	[sflag:s14] =	ssyncset.done $0x0  }
0x129: {  	s4 =	simm.s32 $0x20;
	s26 =	simm.s32 $0x2;
	[sflag:s14] =	ssyncadd.s32 $0xFFFFFFE0  }
.LBB2_2:
0x12a: {  	s0 =	simm.s32 $0x380;
	s9 =	simm.s32 $0x7800;
	s2 =	simm.s32 $0x9  }
0x12b: {  	[tilespmem:s9], [sflag:$0x10] =	stream.indirect.gather [hbm4b:s25+s21], $0x80, s0, s21, $0x2000b8;
	[tilespmem:$0x1C800] =	vst v63  }
0x12c: {  	_ =	swait.ge [sflag:s2], $0x1000  }
0x12d: {  	[sflag:s2] =	ssyncset.done $0x0  }
0x12e: {  	s11 =	simm.s32 $0x400;
	[sflag:s2] =	ssyncadd.s32 $0xFFFFF000  }
0x12f: {  	s23 =	simm.s32 $0x800;
	s15 =	simm.s32 $0xA;
	s8 =	rddreg [dreg:$0x1]  }
0x130: {  	[spmem:s8] =	stream.indirect.scatter.add.f32 [tilespmem:s23], [sflag:$0x11], $0x80, s11, s21, $0x2000b8;
	[tilespmem:$0x1C800] =	vst v63  }
0x131: {  	_ =	swait.ge [sflag:s15], $0x1000  }
0x132: {  	s13 =	simm.s32 $0x480;
	[sflag:s15] =	ssyncset.done $0x0  }
0x133: {  	s29 =	simm.s32 $0x1800;
	s16 =	simm.s32 $0xB;
	[sflag:s15] =	ssyncadd.s32 $0xFFFFF000  }
0x134: {  	[spmem:s8] =	stream.indirect.scatter.add.f32 [tilespmem:s29], [sflag:$0x12], $0x80, s13, s21, $0x2000b8;
	[tilespmem:$0x1C800] =	vst v63  }
0x135: {  	_ =	swait.ge [sflag:s16], $0x1000  }
0x136: {  	s31 =	simm.s32 $0x2800;
	[sflag:s16] =	ssyncset.done $0x0  }
0x137: {  	s17 =	simm.s32 $0xC;
	s15 =	simm.s32 $0x500;
	[sflag:s16] =	ssyncadd.s32 $0xFFFFF000  }
0x138: {  	[spmem:s8] =	stream.indirect.scatter.add.f32 [tilespmem:s31], [sflag:$0x13], $0x80, s15, s21, $0x2000b8;
	[tilespmem:$0x1C800] =	vst v63  }
0x139: {  	_ =	swait.ge [sflag:s17], $0x1000  }
0x13a: {  	s7 =	simm.s32 $0xD;
	[sflag:s17] =	ssyncset.done $0x0  }
0x13b: {  	s2 =	simm.s32 $0x3800;
	[sflag:s17] =	ssyncadd.s32 $0xFFFFF000;
	s17 =	simm.s32 $0x580  }
0x13c: {  	[spmem:s8] =	stream.indirect.scatter.add.f32 [tilespmem:s2], [sflag:$0x14], $0x80, s17, s21, $0x2000b8;
	[tilespmem:$0x1C800] =	vst v63  }
0x13d: {  	_ =	swait.ge [sflag:s7], $0x1000  }
0x13e: {  	s19 =	simm.s32 $0x600;
	[sflag:s7] =	ssyncset.done $0x0  }
0x13f: {  	s12 =	simm.s32 $0xE;
	[sflag:s7] =	ssyncadd.s32 $0xFFFFF000;
	s7 =	simm.s32 $0x4800  }
0x140: {  	[spmem:s8] =	stream.indirect.scatter.add.f32 [tilespmem:s7], [sflag:$0x15], $0x80, s19, s21, $0x2000b8;
	[tilespmem:$0x1C800] =	vst v63  }
0x141: {  	_ =	swait.ge [sflag:s12], $0x1000  }
0x142: {  	s24 =	simm.s32 $0x680;
	[sflag:s12] =	ssyncset.done $0x0  }
0x143: {  	s5 =	simm.s32 $0x5800;
	s18 =	simm.s32 $0xF;
	[sflag:s12] =	ssyncadd.s32 $0xFFFFF000  }
0x144: {  	[spmem:s8] =	stream.indirect.scatter.add.f32 [tilespmem:s5], [sflag:$0x16], $0x80, s24, s21, $0x2000b8;
	[tilespmem:$0x1C800] =	vst v63  }
0x145: {  	_ =	swait.ge [sflag:s18], $0x1000  }
0x146: {  	s30 =	simm.s32 $0x700;
	[sflag:s18] =	ssyncset.done $0x0  }
0x147: {  	s20 =	simm.s32 $0x6800;
	s22 =	simm.s32 $0x10;
	[sflag:s18] =	ssyncadd.s32 $0xFFFFF000  }
0x148: {  	[spmem:s8] =	stream.indirect.scatter.add.f32 [tilespmem:s20], [sflag:$0x17], $0x80, s30, s21, $0x2000b8;
	[tilespmem:$0x1C800] =	vst v63  }
0x149: {  	_ =	swait.ge [sflag:s22], $0x1000  }
0x14a: {  	[sflag:s22] =	ssyncset.done $0x0  }
0x14b: {  	s20 =	simm.s32 $0x780;
	[sflag:s22] =	ssyncadd.s32 $0xFFFFF000  }
0x14c: {  	[spmem:s8] =	stream.indirect.scatter.add.f32 [tilespmem:s9], [sflag:$0x18], $0x80, s20, s21, $0x2000b8;
	[tilespmem:$0x1C800] =	vst v63  }
0x14d: {  	s9 =	simm.s32 $0x11  }
0x14e: {  	_ =	swait.ge [sflag:s9], $0x1000  }
0x14f: {  	s6 =	smov.u32 s4;
	s16 =	rddreg [dreg:$0x12];
	[sflag:s9] =	ssyncset.done $0x0  }
0x150: {  	s18 =	rddreg [dreg:$0x11];
	[sflag:s9] =	ssyncadd.s32 $0xFFFFF000;
	s8 =	sadd.s32 s6, s16  }
0x151: {  	[tilespmem:s3], [sflag:$0x1] =	stream.linear.gather [hbm4b:s8+s3], $0x20, $0x200038;
	[tilespmem:$0x1C800] =	vst v63  }
0x152: {  	s22 =	sadd.s32 s6, s18;
	s9 =	simm.s32 $0x12  }
0x153: {  	[tilespmem:s11], [sflag:$0x1] =	stream.linear.gather [hbm4b:s22+s3], $0x20, $0x200038;
	[tilespmem:$0x1C800] =	vst v63  }
0x154: {  	_ =	swait.ge [sflag:s9], $0x1000  }
0x155: {  	s11 =	simm.s32 $0x80;
	s16 =	rddreg [dreg:$0x10];
	[sflag:s9] =	ssyncset.done $0x0  }
0x156: {  	s18 =	rddreg [dreg:$0xf];
	[sflag:s9] =	ssyncadd.s32 $0xFFFFF000;
	s8 =	sadd.s32 s6, s16  }
0x157: {  	[tilespmem:s11], [sflag:$0x2] =	stream.linear.gather [hbm4b:s8+s3], $0x20, $0x200038;
	[tilespmem:$0x1C800] =	vst v63  }
0x158: {  	s22 =	sadd.s32 s6, s18;
	s9 =	simm.s32 $0x13  }
0x159: {  	[tilespmem:s13], [sflag:$0x2] =	stream.linear.gather [hbm4b:s22+s3], $0x20, $0x200038;
	[tilespmem:$0x1C800] =	vst v63  }
0x15a: {  	_ =	swait.ge [sflag:s9], $0x1000  }
0x15b: {  	s13 =	simm.s32 $0x100;
	s16 =	rddreg [dreg:$0xe];
	[sflag:s9] =	ssyncset.done $0x0  }
0x15c: {  	s18 =	rddreg [dreg:$0xd];
	[sflag:s9] =	ssyncadd.s32 $0xFFFFF000;
	s8 =	sadd.s32 s6, s16  }
0x15d: {  	[tilespmem:s13], [sflag:$0x3] =	stream.linear.gather [hbm4b:s8+s3], $0x20, $0x200038;
	[tilespmem:$0x1C800] =	vst v63  }
0x15e: {  	s22 =	sadd.s32 s6, s18;
	s9 =	simm.s32 $0x14  }
0x15f: {  	[tilespmem:s15], [sflag:$0x3] =	stream.linear.gather [hbm4b:s22+s3], $0x20, $0x200038;
	[tilespmem:$0x1C800] =	vst v63  }
0x160: {  	_ =	swait.ge [sflag:s9], $0x1000  }
0x161: {  	s15 =	simm.s32 $0x180;
	s16 =	rddreg [dreg:$0xc];
	[sflag:s9] =	ssyncset.done $0x0  }
0x162: {  	s18 =	rddreg [dreg:$0xb];
	[sflag:s9] =	ssyncadd.s32 $0xFFFFF000;
	s8 =	sadd.s32 s6, s16  }
0x163: {  	[tilespmem:s15], [sflag:$0x4] =	stream.linear.gather [hbm4b:s8+s3], $0x20, $0x200038;
	[tilespmem:$0x1C800] =	vst v63  }
0x164: {  	s22 =	sadd.s32 s6, s18;
	s8 =	simm.s32 $0x15  }
0x165: {  	[tilespmem:s17], [sflag:$0x4] =	stream.linear.gather [hbm4b:s22+s3], $0x20, $0x200038;
	[tilespmem:$0x1C800] =	vst v63  }
0x166: {  	_ =	swait.ge [sflag:s8], $0x1000  }
0x167: {  	s17 =	simm.s32 $0x200;
	s9 =	rddreg [dreg:$0xa];
	[sflag:s8] =	ssyncset.done $0x0  }
0x168: {  	s18 =	rddreg [dreg:$0x9];
	[sflag:s8] =	ssyncadd.s32 $0xFFFFF000;
	s8 =	sadd.s32 s6, s9  }
0x169: {  	[tilespmem:s17], [sflag:$0x5] =	stream.linear.gather [hbm4b:s8+s3], $0x20, $0x200038;
	[tilespmem:$0x1C800] =	vst v63  }
0x16a: {  	s22 =	sadd.s32 s6, s18;
	s8 =	simm.s32 $0x16  }
0x16b: {  	[tilespmem:s19], [sflag:$0x5] =	stream.linear.gather [hbm4b:s22+s3], $0x20, $0x200038;
	[tilespmem:$0x1C800] =	vst v63  }
0x16c: {  	_ =	swait.ge [sflag:s8], $0x1000  }
0x16d: {  	s19 =	simm.s32 $0x280;
	s9 =	rddreg [dreg:$0x8];
	[sflag:s8] =	ssyncset.done $0x0  }
0x16e: {  	s22 =	rddreg [dreg:$0x7];
	[sflag:s8] =	ssyncadd.s32 $0xFFFFF000;
	s8 =	sadd.s32 s6, s9  }
0x16f: {  	[tilespmem:s19], [sflag:$0x6] =	stream.linear.gather [hbm4b:s8+s3], $0x20, $0x200038;
	[tilespmem:$0x1C800] =	vst v63  }
0x170: {  	s12 =	sadd.s32 s6, s22  }
0x171: {  	[tilespmem:s24], [sflag:$0x6] =	stream.linear.gather [hbm4b:s12+s3], $0x20, $0x200038;
	[tilespmem:$0x1C800] =	vst v63  }
0x172: {  	s12 =	simm.s32 $0x17  }
0x173: {  	_ =	swait.ge [sflag:s12], $0x1000  }
0x174: {  	s24 =	simm.s32 $0x300;
	s8 =	rddreg [dreg:$0x6];
	[sflag:s12] =	ssyncset.done $0x0  }
0x175: {  	s9 =	rddreg [dreg:$0x5];
	[sflag:s12] =	ssyncadd.s32 $0xFFFFF000;
	s8 =	sadd.s32 s6, s8  }
0x176: {  	[tilespmem:s24], [sflag:$0x7] =	stream.linear.gather [hbm4b:s8+s3], $0x20, $0x200038;
	[tilespmem:$0x1C800] =	vst v63  }
0x177: {  	s9 =	sadd.s32 s6, s9;
	s12 =	simm.s32 $0x18  }
0x178: {  	[tilespmem:s30], [sflag:$0x7] =	stream.linear.gather [hbm4b:s9+s3], $0x20, $0x200038;
	[tilespmem:$0x1C800] =	vst v63  }
0x179: {  	_ =	swait.ge [sflag:s12], $0x1000  }
0x17a: {  	s8 =	rddreg [dreg:$0x4];
	[sflag:s12] =	ssyncset.done $0x0  }
0x17b: {  	s9 =	rddreg [dreg:$0x3];
	[sflag:s12] =	ssyncadd.s32 $0xFFFFF000;
	s8 =	sadd.s32 s6, s8  }
0x17c: {  	[tilespmem:s0], [sflag:$0x8] =	stream.linear.gather [hbm4b:s8+s3], $0x20, $0x200038;
	[tilespmem:$0x1C800] =	vst v63  }
0x17d: {  	s6 =	sadd.s32 s6, s9  }
0x17e: {  	[tilespmem:s20], [sflag:$0x8] =	stream.linear.gather [hbm4b:s6+s3], $0x20, $0x200038;
	[tilespmem:$0x1C800] =	vst v63  }
0x17f: {  	s20 =	simm.s32 $0x1  }
0x180: {  	_ =	swait.ge [sflag:s20], $0x20  }
0x181: {  	[sflag:s20] =	ssyncset.done $0x0  }
0x182: {  	[sflag:s20] =	ssyncadd.s32 $0xFFFFFFE0  }
0x183: {  	_ =	swait.ge [sflag:s20], $0x20  }
0x184: {  	[sflag:s20] =	ssyncset.done $0x0  }
0x185: {  	[sflag:s20] =	ssyncadd.s32 $0xFFFFFFE0  }
0x186: {  	[tilespmem:s23], [sflag:$0x9] =	stream.indirect.gather [hbm4b:s25+s21], $0x80, s3, s21, $0x2000b8;
	[tilespmem:$0x1C800] =	vst v63  }
0x187: {  	_ =	swait.ge [sflag:s26], $0x20  }
0x188: {  	[sflag:s26] =	ssyncset.done $0x0  }
0x189: {  	[sflag:s26] =	ssyncadd.s32 $0xFFFFFFE0  }
0x18a: {  	_ =	swait.ge [sflag:s26], $0x20  }
0x18b: {  	[sflag:s26] =	ssyncset.done $0x0  }
0x18c: {  	[sflag:s26] =	ssyncadd.s32 $0xFFFFFFE0  }
0x18d: {  	[tilespmem:s29], [sflag:$0xA] =	stream.indirect.gather [hbm4b:s25+s21], $0x80, s11, s21, $0x2000b8;
	[tilespmem:$0x1C800] =	vst v63  }
0x18e: {  	s29 =	simm.s32 $0x3  }
0x18f: {  	_ =	swait.ge [sflag:s29], $0x20  }
0x190: {  	[sflag:s29] =	ssyncset.done $0x0  }
0x191: {  	[sflag:s29] =	ssyncadd.s32 $0xFFFFFFE0  }
0x192: {  	_ =	swait.ge [sflag:s29], $0x20  }
0x193: {  	[sflag:s29] =	ssyncset.done $0x0  }
0x194: {  	[sflag:s29] =	ssyncadd.s32 $0xFFFFFFE0  }
0x195: {  	[tilespmem:s31], [sflag:$0xB] =	stream.indirect.gather [hbm4b:s25+s21], $0x80, s13, s21, $0x2000b8;
	[tilespmem:$0x1C800] =	vst v63  }
0x196: {  	s31 =	simm.s32 $0x4  }
0x197: {  	_ =	swait.ge [sflag:s31], $0x20  }
0x198: {  	[sflag:s31] =	ssyncset.done $0x0  }
0x199: {  	[sflag:s31] =	ssyncadd.s32 $0xFFFFFFE0  }
0x19a: {  	_ =	swait.ge [sflag:s31], $0x20  }
0x19b: {  	[sflag:s31] =	ssyncset.done $0x0  }
0x19c: {  	s12 =	simm.s32 $0x5;
	[sflag:s31] =	ssyncadd.s32 $0xFFFFFFE0  }
0x19d: {  	[tilespmem:s2], [sflag:$0xC] =	stream.indirect.gather [hbm4b:s25+s21], $0x80, s15, s21, $0x2000b8;
	[tilespmem:$0x1C800] =	vst v63  }
0x19e: {  	_ =	swait.ge [sflag:s12], $0x20  }
0x19f: {  	[sflag:s12] =	ssyncset.done $0x0  }
0x1a0: {  	[sflag:s12] =	ssyncadd.s32 $0xFFFFFFE0  }
0x1a1: {  	_ =	swait.ge [sflag:s12], $0x20  }
0x1a2: {  	[sflag:s12] =	ssyncset.done $0x0  }
0x1a3: {  	[sflag:s12] =	ssyncadd.s32 $0xFFFFFFE0  }
0x1a4: {  	[tilespmem:s7], [sflag:$0xD] =	stream.indirect.gather [hbm4b:s25+s21], $0x80, s17, s21, $0x2000b8;
	[tilespmem:$0x1C800] =	vst v63  }
0x1a5: {  	_ =	swait.ge [sflag:s1], $0x20  }
0x1a6: {  	[sflag:s1] =	ssyncset.done $0x0  }
0x1a7: {  	[sflag:s1] =	ssyncadd.s32 $0xFFFFFFE0  }
0x1a8: {  	_ =	swait.ge [sflag:s1], $0x20  }
0x1a9: {  	[sflag:s1] =	ssyncset.done $0x0  }
0x1aa: {  	[sflag:s1] =	ssyncadd.s32 $0xFFFFFFE0  }
0x1ab: {  	[tilespmem:s5], [sflag:$0xE] =	stream.indirect.gather [hbm4b:s25+s21], $0x80, s19, s21, $0x2000b8;
	[tilespmem:$0x1C800] =	vst v63  }
0x1ac: {  	_ =	swait.ge [sflag:s10], $0x20  }
0x1ad: {  	[sflag:s10] =	ssyncset.done $0x0  }
0x1ae: {  	[sflag:s10] =	ssyncadd.s32 $0xFFFFFFE0  }
0x1af: {  	p0 =	sne.s32 s4, $0x4C0;
	_ =	swait.ge [sflag:s10], $0x20  }
0x1b0: {  	s4 =	sadd.s32 $0x20, s4;
	s28 =	simm.s32 $0x700;
	[sflag:s10] =	ssyncset.done $0x0  }
0x1b1: {  	s16 =	simm.s32 $0x580;
	s5 =	simm.s32 $0x6800;
	[sflag:s10] =	ssyncadd.s32 $0xFFFFFFE0  }
0x1b2: {  	[tilespmem:s5], [sflag:$0xF] =	stream.indirect.gather [hbm4b:s25+s21], $0x80, s24, s21, $0x2000b8;
	[tilespmem:$0x1C800] =	vst v63  }
0x1b3: {  	s18 =	simm.s32 $0x600;
	s22 =	simm.s32 $0x680;
	_ =	swait.ge [sflag:s14], $0x20  }
.Ltmp0:
0x1b4: {  	s30 =	simm.s32 $0x380;
	[sflag:s14] =	ssyncset.done $0x0;
	(pc) =	sbr.rel @p0 .LBB2_2-.Ltmp0, $4  }
0x1b5: {  	s9 =	simm.s32 $0x2800;
	s0 =	simm.s32 $0x780;
	[sflag:s14] =	ssyncadd.s32 $0xFFFFFFE0  }
0x1b6: {  	s8 =	simm.s32 $0x1800;
	s6 =	simm.s32 $0x800;
	_ =	swait.ge [sflag:s14], $0x20  }
0x1b7: {  	s23 =	simm.s32 $0x3800;
	s2 =	simm.s32 $0x4800;
	[sflag:s14] =	ssyncset.done $0x0  }
0x1b8: {  	s12 =	simm.s32 $0x6800;
	s7 =	simm.s32 $0x5800;
	[sflag:s14] =	ssyncadd.s32 $0xFFFFFFE0  }
0x1b9: {  	s5 =	simm.s32 $0x7800;
	s1 =	simm.s32 $0x9  }
0x1ba: {  	[tilespmem:s5], [sflag:$0x10] =	stream.indirect.gather [hbm4b:s25+s21], $0x80, s30, s21, $0x2000b8;
	[tilespmem:$0x1C800] =	vst v63  }
0x1bb: {  	_ =	swait.ge [sflag:s1], $0x1000  }
0x1bc: {  	[sflag:s1] =	ssyncset.done $0x0  }
0x1bd: {  	[sflag:s1] =	ssyncadd.s32 $0xFFFFF000  }
0x1be: {  	s4 =	simm.s32 $0x400;
	s26 =	simm.s32 $0xA;
	s1 =	rddreg [dreg:$0x1]  }
0x1bf: {  	[spmem:s1] =	stream.indirect.scatter.add.f32 [tilespmem:s6], [sflag:$0x11], $0x80, s4, s21, $0x2000b8;
	[tilespmem:$0x1C800] =	vst v63  }
0x1c0: {  	_ =	swait.ge [sflag:s26], $0x1000  }
0x1c1: {  	[sflag:s26] =	ssyncset.done $0x0  }
0x1c2: {  	s30 =	simm.s32 $0x480;
	s6 =	simm.s32 $0xB;
	[sflag:s26] =	ssyncadd.s32 $0xFFFFF000  }
0x1c3: {  	[spmem:s1] =	stream.indirect.scatter.add.f32 [tilespmem:s8], [sflag:$0x12], $0x80, s30, s21, $0x2000b8;
	[tilespmem:$0x1C800] =	vst v63  }
0x1c4: {  	_ =	swait.ge [sflag:s6], $0x1000  }
0x1c5: {  	[sflag:s6] =	ssyncset.done $0x0  }
0x1c6: {  	s10 =	simm.s32 $0xC;
	s8 =	simm.s32 $0x500;
	[sflag:s6] =	ssyncadd.s32 $0xFFFFF000  }
0x1c7: {  	[spmem:s1] =	stream.indirect.scatter.add.f32 [tilespmem:s9], [sflag:$0x13], $0x80, s8, s21, $0x2000b8;
	[tilespmem:$0x1C800] =	vst v63  }
0x1c8: {  	_ =	swait.ge [sflag:s10], $0x1000  }
0x1c9: {  	[sflag:s10] =	ssyncset.done $0x0  }
0x1ca: {  	s14 =	simm.s32 $0xD;
	[sflag:s10] =	ssyncadd.s32 $0xFFFFF000  }
0x1cb: {  	[spmem:s1] =	stream.indirect.scatter.add.f32 [tilespmem:s23], [sflag:$0x14], $0x80, s16, s21, $0x2000b8;
	[tilespmem:$0x1C800] =	vst v63  }
0x1cc: {  	_ =	swait.ge [sflag:s14], $0x1000  }
0x1cd: {  	[sflag:s14] =	ssyncset.done $0x0  }
0x1ce: {  	s16 =	simm.s32 $0xE;
	[sflag:s14] =	ssyncadd.s32 $0xFFFFF000  }
0x1cf: {  	[spmem:s1] =	stream.indirect.scatter.add.f32 [tilespmem:s2], [sflag:$0x15], $0x80, s18, s21, $0x2000b8;
	[tilespmem:$0x1C800] =	vst v63  }
0x1d0: {  	_ =	swait.ge [sflag:s16], $0x1000  }
0x1d1: {  	[sflag:s16] =	ssyncset.done $0x0  }
0x1d2: {  	s18 =	simm.s32 $0xF;
	[sflag:s16] =	ssyncadd.s32 $0xFFFFF000  }
0x1d3: {  	[spmem:s1] =	stream.indirect.scatter.add.f32 [tilespmem:s7], [sflag:$0x16], $0x80, s22, s21, $0x2000b8;
	[tilespmem:$0x1C800] =	vst v63  }
0x1d4: {  	_ =	swait.ge [sflag:s18], $0x1000  }
0x1d5: {  	[sflag:s18] =	ssyncset.done $0x0  }
0x1d6: {  	s22 =	simm.s32 $0x10;
	[sflag:s18] =	ssyncadd.s32 $0xFFFFF000  }
0x1d7: {  	[spmem:s1] =	stream.indirect.scatter.add.f32 [tilespmem:s12], [sflag:$0x17], $0x80, s28, s21, $0x2000b8;
	[tilespmem:$0x1C800] =	vst v63  }
0x1d8: {  	_ =	swait.ge [sflag:s22], $0x1000  }
0x1d9: {  	[sflag:s22] =	ssyncset.done $0x0  }
0x1da: {  	s23 =	simm.s32 $0x11;
	[sflag:s22] =	ssyncadd.s32 $0xFFFFF000  }
0x1db: {  	[spmem:s1] =	stream.indirect.scatter.add.f32 [tilespmem:s5], [sflag:$0x18], $0x80, s0, s21, $0x2000b8;
	[tilespmem:$0x1C800] =	vst v63  }
0x1dc: {  	_ =	swait.ge [sflag:s23], $0x1000  }
0x1dd: {  	[sflag:s23] =	ssyncset.done $0x0  }
0x1de: {  	s26 =	simm.s32 $0x12;
	[sflag:s23] =	ssyncadd.s32 $0xFFFFF000  }
0x1df: {  	_ =	swait.ge [sflag:s26], $0x1000  }
0x1e0: {  	[sflag:s26] =	ssyncset.done $0x0  }
0x1e1: {  	s28 =	simm.s32 $0x13;
	[sflag:s26] =	ssyncadd.s32 $0xFFFFF000  }
0x1e2: {  	_ =	swait.ge [sflag:s28], $0x1000  }
0x1e3: {  	[sflag:s28] =	ssyncset.done $0x0  }
0x1e4: {  	s30 =	simm.s32 $0x14;
	[sflag:s28] =	ssyncadd.s32 $0xFFFFF000  }
0x1e5: {  	_ =	swait.ge [sflag:s30], $0x1000  }
0x1e6: {  	[sflag:s30] =	ssyncset.done $0x0  }
0x1e7: {  	s1 =	simm.s32 $0x15;
	[sflag:s30] =	ssyncadd.s32 $0xFFFFF000  }
0x1e8: {  	_ =	swait.ge [sflag:s1], $0x1000  }
0x1e9: {  	[sflag:s1] =	ssyncset.done $0x0  }
0x1ea: {  	s2 =	simm.s32 $0x16;
	[sflag:s1] =	ssyncadd.s32 $0xFFFFF000  }
0x1eb: {  	_ =	swait.ge [sflag:s2], $0x1000  }
0x1ec: {  	[sflag:s2] =	ssyncset.done $0x0  }
0x1ed: {  	s4 =	simm.s32 $0x17;
	[sflag:s2] =	ssyncadd.s32 $0xFFFFF000  }
0x1ee: {  	_ =	swait.ge [sflag:s4], $0x1000  }
0x1ef: {  	[sflag:s4] =	ssyncset.done $0x0  }
0x1f0: {  	s5 =	simm.s32 $0x18;
	[sflag:s4] =	ssyncadd.s32 $0xFFFFF000  }
0x1f1: {  	_ =	swait.ge [sflag:s5], $0x1000  }
0x1f2: {  	[sflag:s5] =	ssyncset.done $0x0  }
0x1f3: {  	[sflag:s5] =	ssyncadd.s32 $0xFFFFF000  }
0x1f4: {  	[bflag:$0x0] =	sbarrier.arrive $0xFFFF  }
0x1f5: {  	_ =	strace $0x90000052  }
0x1f6: {  	_ =	strace $0x80000053  }
0x1f7: {  	s7 =	sld [smem:$0x7ED]  }
0x1f8: {  	s9 =	sld [smem:$0x7EE];
	_ =	sdelay $0x1  }
0x1f9: {  	s8 =	simm.s32 $0x19;
	s6 =	rddreg [dreg:$0x17]  }
0x1fa: {  	[hbm:s6], [sflag:s7] =	dma.local [spmem:s9], $0x800  }
0x1fb: {  	_ =	swait.ge [sflag:s8], $0x800  }
0x1fc: {  	s12 =	sld [smem:$0x7FA]  }
0x1fd: {  	[sflag:s8] =	ssyncset.done $0x0  }
0x1fe: {  	s10 =	rddreg [dreg:$0x18];
	[sflag:s8] =	ssyncadd.s32 $0xFFFFF800  }
0x1ff: {  	[hbm:s10], [sflag:s7] =	dma.local [spmem:s12], $0x800  }
0x200: {  	_ =	swait.ge [sflag:s8], $0x800  }
0x201: {  	s16 =	sld [smem:$0x7FB]  }
0x202: {  	[sflag:s8] =	ssyncset.done $0x0  }
0x203: {  	s14 =	rddreg [dreg:$0x19];
	[sflag:s8] =	ssyncadd.s32 $0xFFFFF800  }
0x204: {  	[hbm:s14], [sflag:s7] =	dma.local [spmem:s16], $0x800  }
0x205: {  	_ =	swait.ge [sflag:s8], $0x800  }
0x206: {  	s22 =	sld [smem:$0x7FC]  }
0x207: {  	[sflag:s8] =	ssyncset.done $0x0  }
0x208: {  	s18 =	rddreg [dreg:$0x1a];
	[sflag:s8] =	ssyncadd.s32 $0xFFFFF800  }
0x209: {  	[hbm:s18], [sflag:s7] =	dma.local [spmem:s22], $0x800  }
0x20a: {  	_ =	swait.ge [sflag:s8], $0x800  }
0x20b: {  	s26 =	sld [smem:$0x7FD]  }
0x20c: {  	[sflag:s8] =	ssyncset.done $0x0  }
0x20d: {  	s23 =	rddreg [dreg:$0x1b];
	[sflag:s8] =	ssyncadd.s32 $0xFFFFF800  }
0x20e: {  	[hbm:s23], [sflag:s7] =	dma.local [spmem:s26], $0x800  }
0x20f: {  	_ =	swait.ge [sflag:s8], $0x800  }
0x210: {  	s28 =	sld [smem:$0x7EC]  }
0x211: {  	s30 =	sld [smem:$0x7F9];
	_ =	sdelay $0x1  }
0x212: {  	s0 =	sadd.s32 $0x1, s28  }
0x213: {  	p0 =	sne.s32 s0, s30  }
.Ltmp1:
0x214: {  	_ = 	snop;
	(pc) =	sbr.rel @p0 .LBB2_1-.Ltmp1, $4  }
0x215: {  	_ = 	snop  }
0x216: {  	s1 =	simm.s32 $0x6;
	[sflag:s8] =	ssyncset.done $0x0  }
0x217: {  	s5 =	simm.s32 $0x5;
	s6 =	simm.s32 $0x7;
	[sflag:s8] =	ssyncadd.s32 $0xFFFFF800  }
0x218: {  	s10 =	simm.s32 $0x8;
	s26 =	simm.s32 $0x2;
	_ =	strace $0x90000053  }
0x219: {  	_ =	sfence.sel $0x180000  }
0x21a: {  	[bflag:$0x0] =	sbarrier.arrive $0xFFFF  }
0x21b: {  	_ =	strace $0x90000050  }
0x21c: {  	s0 =	stileid.u32;
	[bflag:$0x2] =	sbarrier.arrive $0xFFFF  }
0x21d: {  	p0 =	sne.s32 s0, $0x0;
	s0 =	rddreg [dreg:$0x2]  }
0x21e: {  	s0 =	sadd.s32 @!p0 $0x100000, s0  }
0x21f: {  	[sflag:s0] =	ssyncadd.tile.s32 @!p0 $0x1;
	_ =	shalt  }
.Lfunc_end2:
_tile_overlayer_lowered:
.L_overlay_start_2:
0x220: {  	(tag) =	ssettag $0x2  }
0x221: {  	s0 =	rddreg [dreg:$0x0];
	s2 =	stileid.u32  }
0x222: {  	s1 =	rddreg [dreg:$0x1];
	p0 =	sne.s32 s2, $0x0  }
0x223: {  	s3 =	rddreg [dreg:$0x2];
	[bflag:$0x3] =	sbarrier.arrive $0xFFFF;
	s2 =	simm.s32 @!p0 $0x1C19  }
0x224: {  	[timem:s3], [sflag:s2] =	dma.local @!p0 [hbm:s0], s1  }
0x225: {  	s0 =	simm.s32 @!p0 $0x19  }
0x226: {  	_ =	swait.ge @!p0 [sflag:s0], s1  }
0x227: {  	s1 =	ssub.s32 @!p0 $0x0, s1;
	[sflag:s0] =	ssyncset.done @!p0 $0x0  }
0x228: {  	[sflag:s0] =	ssyncadd.s32 @!p0 s1  }
0x229: {  	[bflag:$0x3] =	sbarrier.arrive $0xFFFF  }
0x22a: {  	_ =	shalt  }

// kernel: kernel.9.cloned.1.call-start
scs
__scs_entry_jumppad:
0x0: {  	(pc) =	sbr.rel $0x88, $3  }
0x1: {  	(tag) =	ssettag $0x0;
	lr =	simm.s32 $0x1  }
0x2: {  	[smem:$0x3F98] =	sst lr;
	_ =	strace $0xD0000000  }
0x3: {  	_ = 	snop  }
0x4: {  	_ = 	snop  }
0x5: {  	_ = 	snop  }
0x6: {  	_ = 	snop  }
0x7: {  	_ = 	snop  }
__scs_overlays_trampoline_lowered:
0x8: {  	[smem:$0x3FA7] =	sst s0  }
0x9: {  	[smem:$0x3FA8] =	sst s1  }
0xa: {  	[smem:$0x3FA9] =	sst s2  }
0xb: {  	[smem:$0x3FAA] =	sst s3  }
0xc: {  	[smem:$0x3FAB] =	sst s4  }
0xd: {  	[smem:$0x3FAC] =	sst s5  }
0xe: {  	[smem:$0x3FAD] =	sst s6  }
0xf: {  	[smem:$0x3FAE] =	sst s7  }
0x10: {  	[smem:$0x3FAF] =	sst s8  }
0x11: {  	[smem:$0x3FB0] =	sst s9;
	s0 =	simm.s32 @!p0 $0x0  }
0x12: {  	s1 =	sld [smem:$0x3F96];
	s0 =	simm.s32 @p0 $0x1  }
0x13: {  	[smem:$0x3FB1] =	sst s0;
	s0 =	simm.s32 @!p1 $0x0  }
0x14: {  	s2 =	sld [smem:$0x3F95];
	s0 =	simm.s32 @p1 $0x1  }
0x15: {  	[smem:$0x3FB2] =	sst s0;
	s0 =	simm.s32 @!p2 $0x0  }
0x16: {  	s3 =	sld [smem:$0x3FDB];
	s0 =	simm.s32 @p2 $0x1  }
0x17: {  	s4 =	simm.s32 $0x1BF5;
	[smem:$0x3FB4] =	sst s0  }
0x18: {  	s0 =	sld [smem:$0x3F97];
	_ =	swait.ge [sflag:s4], $0x0  }
0x19: {  	s7 =	sld [smem:$0x3F98]  }
0x1a: {  	s8 =	sadd.s32 $0xFFFFE003, lr  }
0x1b: {  	s9 =	sadd.s32 $0xFFFFFEF7, lr;
	s5 =	simm.s32 $0xFFFFFFFF;
	p2 =	slt.u32 s8, $0xFFFFF086  }
0x1c: {  	p1 =	slt.u32 s9, $0xF7A;
	s5 =	simm.s32 @!p2 $0x0  }
0x1d: {  	s5 =	simm.s32 @p1 $0x1;
	p0 =	seq.s32 s7, s2  }
0x1e: {  	s7 =	smul.u32 @!p0 $0xF7A, s2;
	p2 =	seq.s32 @!p0 s5, $0x0  }
0x1f: {  	s9 =	smul.u32 $0xF7A, s1;
	s8 =	simm.s32 @!p0 $0x1BF5;
	p2 =	por !p2, p0  }
0x20: {  	[sflag:s8] =	ssyncset.s32 @!p0 $0xFFFFF086;
	s6 =	sadd.s32 @!p0 s3, s7;
	s7 =	simm.s32 @!p0 $0x108  }
0x21: {  	s3 =	sadd.s32 s3, s9;
	s6 =	sadd.s32 @!p0 $0x88, s6;
	s7 =	simm.s32 @p2 $0x1082  }
0x22: {  	[simem:s7], [sflag:s8] =	dma.local @!p0 [hbm:s6], $0xF7A  }
0x23: {  	s9 =	sor.u32 $0xD0000000, s2;
	s6 =	simm.s32 $0x108;
	_ =	swait.ge @!p0 [sflag:s8], $0x0  }
0x24: {  	s3 =	sadd.s32 $0x88, s3;
	s6 =	simm.s32 @!p1 $0x1082;
	[sflag:s4] =	ssyncset.s32 $0xFFFFF086  }
0x25: {  	[simem:s6], [sflag:s4] =	dma.local [hbm:s3], $0xF7A  }
0x26: {  	[smem:$0x3F98] =	sst s1;
	(tag) =	ssettag s2;
	_ =	strace s9  }
0x27: {  	s1 =	sld [smem:$0x3FA8]  }
0x28: {  	s2 =	sld [smem:$0x3FA9]  }
0x29: {  	s4 =	sld [smem:$0x3FAB]  }
0x2a: {  	p0 =	seq.s32 s5, $0x0;
	s5 =	sld [smem:$0x3FAC]  }
0x2b: {  	s6 =	sld [smem:$0x3FAD]  }
0x2c: {  	s7 =	sld [smem:$0x3FAE]  }
0x2d: {  	s3 =	simm.s32 $0x108;
	s8 =	sld [smem:$0x3FAF]  }
0x2e: {  	s3 =	simm.s32 @!p0 $0x1082;
	s9 =	sld [smem:$0x3FB0]  }
0x2f: {  	lr =	sadd.s32 s0, s3;
	s0 =	sld [smem:$0x3FA7]  }
0x30: {  	s3 =	sld [smem:$0x3FAA]  }
0x31: {  	[smem:$0x3FB3] =	sst s10  }
0x32: {  	s10 =	sld [smem:$0x3FB1];
	_ =	sdelay $0x3  }
0x33: {  	p0 =	seq.s32 s10, $0x1;
	s10 =	sld [smem:$0x3FB3];
	_ =	sdelay $0x3  }
0x34: {  	[smem:$0x3FB3] =	sst s10  }
0x35: {  	s10 =	sld [smem:$0x3FB2];
	_ =	sdelay $0x3  }
0x36: {  	p1 =	seq.s32 s10, $0x1;
	s10 =	sld [smem:$0x3FB3];
	_ =	sdelay $0x3  }
0x37: {  	[smem:$0x3FB3] =	sst s10  }
0x38: {  	s10 =	sld [smem:$0x3FB4]  }
0x39: {  	_ = 	snop;
	(pc) =	sbr.ind lr, $3  }
0x3a: {  	_ = 	snop  }
0x3b: {  	_ = 	snop  }
0x3c: {  	p2 =	seq.s32 s10, $0x1;
	s10 =	sld [smem:$0x3FB3]  }
0x3d: {  	_ =	shalt  }
0x3e: {  	_ =	shalt  }
0x3f: {  	_ =	shalt  }
0x40: {  	_ =	shalt  }
0x41: {  	_ =	shalt  }
0x42: {  	_ =	shalt  }
0x43: {  	_ =	shalt  }
0x44: {  	_ =	shalt  }
0x45: {  	_ =	shalt  }
0x46: {  	_ =	shalt  }
0x47: {  	_ =	shalt  }
0x48: {  	_ =	shalt  }
0x49: {  	_ =	shalt  }
0x4a: {  	_ =	shalt  }
0x4b: {  	_ =	shalt  }
0x4c: {  	_ =	shalt  }
0x4d: {  	_ =	shalt  }
0x4e: {  	_ =	shalt  }
0x4f: {  	_ =	shalt  }
0x50: {  	_ =	shalt  }
0x51: {  	_ =	shalt  }
0x52: {  	_ =	shalt  }
0x53: {  	_ =	shalt  }
0x54: {  	_ =	shalt  }
0x55: {  	_ =	shalt  }
0x56: {  	_ =	shalt  }
0x57: {  	_ =	shalt  }
0x58: {  	_ =	shalt  }
0x59: {  	_ =	shalt  }
0x5a: {  	_ =	shalt  }
0x5b: {  	_ =	shalt  }
0x5c: {  	_ =	shalt  }
0x5d: {  	_ =	shalt  }
0x5e: {  	_ =	shalt  }
0x5f: {  	_ =	shalt  }
0x60: {  	_ =	shalt  }
0x61: {  	_ =	shalt  }
0x62: {  	_ =	shalt  }
0x63: {  	_ =	shalt  }
0x64: {  	_ =	shalt  }
0x65: {  	_ =	shalt  }
0x66: {  	_ =	shalt  }
0x67: {  	_ =	shalt  }
0x68: {  	_ =	shalt  }
0x69: {  	_ =	shalt  }
0x6a: {  	_ =	shalt  }
0x6b: {  	_ =	shalt  }
0x6c: {  	_ =	shalt  }
0x6d: {  	_ =	shalt  }
0x6e: {  	_ =	shalt  }
0x6f: {  	_ =	shalt  }
0x70: {  	_ =	shalt  }
0x71: {  	_ =	shalt  }
0x72: {  	_ =	shalt  }
0x73: {  	_ =	shalt  }
0x74: {  	_ =	shalt  }
0x75: {  	_ =	shalt  }
0x76: {  	_ =	shalt  }
0x77: {  	_ =	shalt  }
0x78: {  	_ =	shalt  }
0x79: {  	_ =	shalt  }
0x7a: {  	_ =	shalt  }
0x7b: {  	_ =	shalt  }
0x7c: {  	_ =	shalt  }
0x7d: {  	_ =	shalt  }
0x7e: {  	_ =	shalt  }
0x7f: {  	_ =	shalt  }
0x80: {  	_ =	shalt  }
0x81: {  	_ =	shalt  }
0x82: {  	_ =	shalt  }
0x83: {  	_ =	shalt  }
0x84: {  	_ =	shalt  }
0x85: {  	_ =	shalt  }
0x86: {  	_ =	shalt  }
0x87: {  	_ =	shalt  }
.Lfunc_end0:
.L_simem_size_0:
called_computation_lowered:
.L_overlay_start_0:
0x88: {  	s2 =	sld [smem:$0x3FD9]  }
0x89: {  	s3 =	sld [smem:$0x3FFE];
	_ =	sdelay $0x1  }
0x8a: {  	s1 =	srdreg.scid  }
0x8b: {  	s0 =	sand.u32 $0x1, s1  }
0x8c: {  	s16 =	sshll.u32 s0, $0xA;
	s2 =	sadd.s32 s3, s2  }
0x8d: {  	s2 =	sadd.s32 s2, s16  }
0x8e: {  	[smem:$0x3FBF] =	sst s2  }
0x8f: {  	_ = 	snop  }
0x90: {  	(tm) =	ssettm $0x1  }
0x91: {  	s17 =	sld [smem:$0x3FFB];
	_ =	sdelay $0x3  }
0x92: {  	_ =	strace s17  }
0x93: {  	s2 =	sld [smem:$0x3FFC];
	_ =	sdelay $0x3  }
0x94: {  	_ =	strace s2  }
0x95: {  	s2 =	sld [smem:$0x3FFD];
	_ =	sdelay $0x3  }
0x96: {  	_ =	strace s2  }
0x97: {  	_ =	strace $0x8FFFFFFF  }
0x98: {  	s18 =	sld [smem:$0x3FDB];
	_ =	sdelay $0x1  }
0x99: {  	s19 =	simm.s32 $_scs_section_size  }
0x9a: {  	s4 =	simm.s32 $_size__tile_overlayer_lowered;
	s5 =	simm.s32 $_tile_overlayer_lowered  }
0x9b: {  	s22 =	simm.s32 $0x1BFF;
	s21 =	sshll.u32 s5, $0x1;
	s2 =	sadd.s32 s19, s18  }
0x9c: {  	s6 =	simm.s32 $0x0;
	s20 =	sshll.u32 s4, $0x1;
	s4 =	sadd.s32 s21, s2  }
0x9d: {  	[timem:s6], [sflag:s22] =	dma.local [hbm:s4], s20  }
0x9e: {  	_ =	swait.ge [sflag:s22], s20  }
0x9f: {  	s3 =	ssub.s32 $0x0, s20;
	[sflag:s22] =	ssyncset.done $0x0  }
0xa0: {  	[sflag:s22] =	ssyncadd.s32 s3;
	_ =	sdelay $0x1  }
0xa1: {  	s23 =	simm.s32 $0x1B8B  }
0xa2: {  	_ =	swait.ge [sflag:s23], $0x1  }
0xa3: {  	[sflag:s23] =	ssyncset.done $0x0  }
0xa4: {  	s25 =	simm.s32 $0x1B8E;
	s24 =	sld [smem:$0x3FFE];
	[sflag:s23] =	ssyncadd.s32 $0xFFFFFFFF  }
0xa5: {  	s26 =	simm.s32 $execute0_lowered;
	[smem:$0x3FD2] =	sst s25  }
0xa6: {  	s4 =	sshll.u32 s26, $0x1;
	_ =	strace $0x80000046;
	[dreg:$0x1] =	wrdreg $0xFFFFFFFF  }
0xa7: {  	s28 =	simm.s32 $_size_execute0_lowered;
	s2 =	sadd.s32 s2, s4;
	[dreg:$0x0] =	wrdreg $0x0  }
0xa8: {  	s4 =	sshll.u32 s28, $0x1;
	[dreg:$0x2] =	wrdreg s2  }
0xa9: {  	[dreg:$0x3] =	wrdreg s4  }
0xaa: {  	[dreg:$0x4] =	wrdreg $0xC0  }
0xab: {  	_ =	task [dreg:s6], $0x5FFFF  }
0xac: {  	[dreg:$0x1] =	wrdreg $0xFFFFFFFF  }
0xad: {  	[dreg:$0x0] =	wrdreg $0x60  }
0xae: {  	[dreg:$0x2] =	wrdreg s24  }
0xaf: {  	[dreg:$0x3] =	wrdreg $0x7000  }
0xb0: {  	[dreg:$0x4] =	wrdreg $0x9  }
0xb1: {  	_ =	task.clear_ibuf [dreg:s6], $0x5FFFF;
	_ =	strace $0x90000046  }
0xb2: {  	s29 =	simm.s32 $0x9;
	_ =	strace $0x80000048  }
0xb3: {  	_ =	swait.ge [sflag:s29], $0x1  }
0xb4: {  	[sflag:s29] =	ssyncadd.s32 $0xFFFFFFFF  }
0xb5: {  	_ =	strace $0x90000048  }
0xb6: {  	_ =	sfence  }
0xb7: {  	s30 =	sld [smem:$0x0];
	_ =	sdelay $0x2  }
0xb8: {  	s31 =	sshll.u32 s1, $0xD;
	s1 =	sshrl.u32 s1, $0x2  }
0xb9: {  	s3 =	sand.u32 $0x4000, s31;
	s1 =	sadd.s32 s1, s30  }
0xba: {  	s0 =	sor.u32 s3, s0;
	s1 =	sshll.u32 s1, $0x11  }
0xbb: {  	s0 =	sor.u32 s1, s0  }
0xbc: {  	s0 =	sadd.s32 $0x8F2B, s0  }
0xbd: {  	[sflag:s0] =	ssyncadd.remote.s32 $0x1  }
0xbe: {  	_ =	sfence.sel $0xFFFF  }
0xbf: {  	[dreg:$0x0] =	wrdreg $0xFFFFFFFF;
	(pc) =	sbr.abs _section_cstart, $3  }
0xc0: {  	[dreg:$0x1] =	wrdreg $0xFFFFFFFF  }
0xc1: {  	_ =	task.clear_ibuf [dreg:s6], $0x2FFFF;
	_ =	strace $0x9FFFFFFF  }
0xc2: {  	(tm) =	ssettm $0x7FFFFFFF  }
0xc3: {  	_ =	shalt  }
tec
execute0_lowered:
.L_overlay_start_1:
0x0: {  	(tag) =	ssettag $0x1  }
0x1: {  	s0 =	rddreg [dreg:$0x0]  }
0x2: {  	s2 =	rddreg [dreg:$0x1]  }
0x3: {  	s1 =	srdreg.scid;
	s9 =	stileid.u32;
	s3 =	simm.s32 $0x0  }
0x4: {  	s28 =	simm.s32 $0x2;
	s29 =	simm.s32 $0x3;
	s4 =	smul.u32 $0x500, s9  }
0x5: {  	s30 =	simm.s32 $0x4;
	s31 =	simm.s32 $0x5;
	s7 =	smul.u32 $0xA00, s9  }
0x6: {  	s1 =	sand.u32 $0x1, s1;
	[smem:$0x7FF] =	sst s3;
	s20 =	smul.u32 $0x2800, s9  }
0x7: {  	s5 =	sshll.u32 s1, $0x7;
	s6 =	sshll.u32 s1, $0x4;
	_ =	strace $0x80000047  }
0x8: {  	s19 =	ssub.s32 $0x2, s1;
	s1 =	smul.u32 $0x28000, s1;
	s4 =	sor.u32 s5, s4  }
0x9: {  	s18 =	sor.u32 s9, s6;
	s6 =	sadd.s32 $0x2A00, s0;
	s8 =	sshrl.u32 s19, $0x1  }
0xa: {  	s7 =	sshrl.u32 s7, $0x2;
	s4 =	sshrl.u32 s4, $0x3;
	s5 =	smul.u32 $0x2800, s18  }
0xb: {  	s16 =	sadd.s32 s7, s2;
	s1 =	sadd.s32 s20, s1;
	s0 =	sadd.s32 s4, s0  }
0xc: {  	s4 =	ssub.s32 s19, s8;
	s26 =	sor.u32 $0x1E0, s1;
	s9 =	sor.u32 $0x1C0, s1  }
0xd: {  	s13 =	sor.u32 $0x1A0, s1;
	s15 =	sor.u32 $0x180, s1;
	s17 =	sor.u32 $0x160, s1  }
0xe: {  	[dreg:$0xc] =	wrdreg s16;
	s5 =	sshrl.u32 s5, $0x3;
	s7 =	sshrl.u32 s9, $0x3  }
0xf: {  	s14 =	sshrl.u32 s13, $0x3;
	s19 =	sshrl.u32 s17, $0x3;
	s0 =	sadd.s32 $0x16A00, s0  }
0x10: {  	s17 =	simm.s32 $0x80;
	s10 =	sadd.s32 s6, s5;
	[dreg:$0x14] =	wrdreg s0  }
0x11: {  	s9 =	simm.s32 $0xC;
	s12 =	sadd.s32 s7, s6;
	[dreg:$0xb] =	wrdreg s10  }
0x12: {  	s13 =	simm.s32 $0x10;
	s20 =	sadd.s32 s19, s6;
	[dreg:$0x4] =	wrdreg s12  }
0x13: {  	s5 =	sshrl.u32 s26, $0x3;
	s26 =	smax.u32 s4, $0x1;
	[dreg:$0x7] =	wrdreg s20  }
0x14: {  	s7 =	sshrl.u32 s15, $0x3;
	s21 =	sadd.s32 $0x4, s10;
	[dreg:$0x15] =	wrdreg s26  }
0x15: {  	s19 =	simm.s32 $0x180;
	s22 =	sadd.s32 $0x8, s10;
	[dreg:$0xd] =	wrdreg s21  }
0x16: {  	s0 =	simm.s32 $0x6;
	s23 =	sadd.s32 $0xC, s10;
	[dreg:$0xe] =	wrdreg s22  }
0x17: {  	s15 =	simm.s32 $0x8;
	s24 =	sadd.s32 $0x10, s10;
	[dreg:$0xf] =	wrdreg s23  }
0x18: {  	s25 =	sadd.s32 $0x14, s10;
	s8 =	sadd.s32 $0x18, s10;
	[dreg:$0x10] =	wrdreg s24  }
0x19: {  	s11 =	sadd.s32 $0x1C, s10;
	s5 =	sadd.s32 s5, s6;
	[dreg:$0x11] =	wrdreg s25  }
0x1a: {  	s18 =	sadd.s32 s7, s6;
	s20 =	simm.s32 $0x200;
	[dreg:$0x12] =	wrdreg s8  }
0x1b: {  	s26 =	simm.s32 $0x400;
	s10 =	simm.s32 $0xD;
	[dreg:$0x13] =	wrdreg s11  }
0x1c: {  	s12 =	simm.s32 $0xF;
	[dreg:$0x3] =	wrdreg s5;
	s5 =	sadd.s32 s14, s6  }
0x1d: {  	[dreg:$0x6] =	wrdreg s18;
	s21 =	sor.u32 $0x140, s1;
	s23 =	sor.u32 $0x120, s1  }
0x1e: {  	s1 =	sor.u32 $0x100, s1;
	s18 =	simm.s32 $0x100;
	s8 =	simm.s32 $0xB  }
0x1f: {  	s11 =	simm.s32 $0xE;
	s14 =	simm.s32 $0x0;
	[dreg:$0x5] =	wrdreg s5  }
0x20: {  	s22 =	sshrl.u32 s21, $0x3;
	s7 =	sshrl.u32 s23, $0x3;
	s1 =	sshrl.u32 s1, $0x3  }
0x21: {  	s21 =	simm.s32 $0x280;
	s23 =	simm.s32 $0x380;
	s5 =	sadd.s32 s22, s6  }
0x22: {  	s24 =	sadd.s32 s7, s6;
	s25 =	sadd.s32 s1, s6;
	[dreg:$0x8] =	wrdreg s5  }
0x23: {  	s22 =	simm.s32 $0x300;
	s1 =	simm.s32 $0x7;
	[dreg:$0x9] =	wrdreg s24  }
0x24: {  	s6 =	simm.s32 $0x9;
	s7 =	simm.s32 $0xA;
	[dreg:$0xa] =	wrdreg s25  }
0x25: {  	v0 =	vimm.f32 $1.000000000e+00;
	v1 =	vimm.f32 $0.0e+00;
	s5 =	simm.s32 $0x11;
	s24 =	simm.s32 $0x1;
	s25 =	simm.s32 $0x20  }
.LBB2_1:
0x26: {  	[tilespmem:$0x400] =	vst v0  }
0x27: {  	[tilespmem:$0x410] =	vst v0  }
0x28: {  	[tilespmem:$0x480] =	vst v1  }
0x29: {  	[tilespmem:$0x490] =	vst v1  }
0x2a: {  	[tilespmem:$0x4A0] =	vst v1  }
0x2b: {  	[tilespmem:$0x4B0] =	vst v1  }
0x2c: {  	[tilespmem:$0x4C0] =	vst v1  }
0x2d: {  	[tilespmem:$0x4D0] =	vst v1  }
0x2e: {  	[tilespmem:$0x4E0] =	vst v1  }
0x2f: {  	[tilespmem:$0x4F0] =	vst v1  }
0x30: {  	[tilespmem:$0x500] =	vst v1  }
0x31: {  	[tilespmem:$0x510] =	vst v1  }
0x32: {  	[tilespmem:$0x520] =	vst v1  }
0x33: {  	[tilespmem:$0x530] =	vst v1  }
0x34: {  	[tilespmem:$0x540] =	vst v1  }
0x35: {  	[tilespmem:$0x550] =	vst v1  }
0x36: {  	[tilespmem:$0x560] =	vst v1  }
0x37: {  	[tilespmem:$0x570] =	vst v1  }
0x38: {  	[tilespmem:$0x580] =	vst v1  }
0x39: {  	[tilespmem:$0x590] =	vst v1  }
0x3a: {  	[tilespmem:$0x5A0] =	vst v1  }
0x3b: {  	[tilespmem:$0x5B0] =	vst v1  }
0x3c: {  	[tilespmem:$0x5C0] =	vst v1  }
0x3d: {  	[tilespmem:$0x5D0] =	vst v1  }
0x3e: {  	[tilespmem:$0x5E0] =	vst v1  }
0x3f: {  	[tilespmem:$0x5F0] =	vst v1  }
0x40: {  	[tilespmem:$0x600] =	vst v1  }
0x41: {  	[tilespmem:$0x610] =	vst v1  }
0x42: {  	[tilespmem:$0x620] =	vst v1  }
0x43: {  	[tilespmem:$0x630] =	vst v1  }
0x44: {  	[tilespmem:$0x640] =	vst v1  }
0x45: {  	[tilespmem:$0x650] =	vst v1  }
0x46: {  	[tilespmem:$0x660] =	vst v1  }
0x47: {  	[tilespmem:$0x670] =	vst v1  }
0x48: {  	[tilespmem:$0x680] =	vst v1  }
0x49: {  	[tilespmem:$0x690] =	vst v1  }
0x4a: {  	[tilespmem:$0x6A0] =	vst v1  }
0x4b: {  	[tilespmem:$0x6B0] =	vst v1  }
0x4c: {  	[tilespmem:$0x6C0] =	vst v1  }
0x4d: {  	[tilespmem:$0x6D0] =	vst v1  }
0x4e: {  	[tilespmem:$0x6E0] =	vst v1  }
0x4f: {  	[dreg:$0x16] =	wrdreg s14;
	[tilespmem:$0x6F0] =	vst v1;
	s4 =	simm.s32 $0x480  }
0x50: {  	[spmem:s16] =	stream.linear.scatter [tilespmem:s4], [sflag:$0x11], $0x280, $0x38;
	[tilespmem:$0x980] =	vst v63  }
0x51: {  	_ =	swait.ge [sflag:s5], $0x280  }
0x52: {  	[sflag:s5] =	ssyncset.done $0x0  }
0x53: {  	[sflag:s5] =	ssyncadd.s32 $0xFFFFFD80  }
0x54: {  	[bflag:$0x0] =	sbarrier.arrive $0xFFFF  }
0x55: {  	s16 =	rddreg [dreg:$0xb]  }
0x56: {  	[tilespmem:s3], [sflag:$0x1] =	stream.linear.gather [hbm4b:s16+s3], $0x20, $0x38;
	[tilespmem:$0x980] =	vst v63  }
0x57: {  	s5 =	rddreg [dreg:$0xd]  }
0x58: {  	[tilespmem:s17], [sflag:$0x2] =	stream.linear.gather [hbm4b:s5+s3], $0x20, $0x38;
	[tilespmem:$0x980] =	vst v63  }
0x59: {  	s14 =	rddreg [dreg:$0xe]  }
0x5a: {  	[tilespmem:s18], [sflag:$0x3] =	stream.linear.gather [hbm4b:s14+s3], $0x20, $0x38;
	[tilespmem:$0x980] =	vst v63  }
0x5b: {  	s16 =	rddreg [dreg:$0xf]  }
0x5c: {  	[tilespmem:s19], [sflag:$0x4] =	stream.linear.gather [hbm4b:s16+s3], $0x20, $0x38;
	[tilespmem:$0x980] =	vst v63  }
0x5d: {  	s5 =	rddreg [dreg:$0x10]  }
0x5e: {  	[tilespmem:s20], [sflag:$0x5] =	stream.linear.gather [hbm4b:s5+s3], $0x20, $0x38;
	[tilespmem:$0x980] =	vst v63  }
0x5f: {  	s14 =	rddreg [dreg:$0x11]  }
0x60: {  	[tilespmem:s21], [sflag:$0x6] =	stream.linear.gather [hbm4b:s14+s3], $0x20, $0x38;
	[tilespmem:$0x980] =	vst v63  }
0x61: {  	s16 =	rddreg [dreg:$0x12]  }
0x62: {  	[tilespmem:s22], [sflag:$0x7] =	stream.linear.gather [hbm4b:s16+s3], $0x20, $0x38;
	[tilespmem:$0x980] =	vst v63  }
0x63: {  	s5 =	rddreg [dreg:$0x13]  }
0x64: {  	[tilespmem:s23], [sflag:$0x8] =	stream.linear.gather [hbm4b:s5+s3], $0x20, $0x38;
	[tilespmem:$0x980] =	vst v63  }
0x65: {  	_ =	swait.ge [sflag:s24], $0x20  }
0x66: {  	[sflag:s24] =	ssyncset.done $0x0  }
0x67: {  	[sflag:s24] =	ssyncadd.s32 $0xFFFFFFE0  }
0x68: {  	[spmem:s2] =	stream.indirect.scatter.add.f32 [tilespmem:s26], [sflag:$0x9], $0x1, s3, s25, $0xb8;
	[tilespmem:$0x980] =	vst v63  }
0x69: {  	_ =	swait.ge [sflag:s28], $0x20  }
0x6a: {  	[sflag:s28] =	ssyncset.done $0x0  }
0x6b: {  	[sflag:s28] =	ssyncadd.s32 $0xFFFFFFE0  }
0x6c: {  	[spmem:s2] =	stream.indirect.scatter.add.f32 [tilespmem:s26], [sflag:$0xA], $0x1, s17, s25, $0xb8;
	[tilespmem:$0x980] =	vst v63  }
0x6d: {  	_ =	swait.ge [sflag:s29], $0x20  }
0x6e: {  	[sflag:s29] =	ssyncset.done $0x0  }
0x6f: {  	[sflag:s29] =	ssyncadd.s32 $0xFFFFFFE0  }
0x70: {  	[spmem:s2] =	stream.indirect.scatter.add.f32 [tilespmem:s26], [sflag:$0xB], $0x1, s18, s25, $0xb8;
	[tilespmem:$0x980] =	vst v63  }
0x71: {  	_ =	swait.ge [sflag:s30], $0x20  }
0x72: {  	[sflag:s30] =	ssyncset.done $0x0  }
0x73: {  	[sflag:s30] =	ssyncadd.s32 $0xFFFFFFE0  }
0x74: {  	[spmem:s2] =	stream.indirect.scatter.add.f32 [tilespmem:s26], [sflag:$0xC], $0x1, s19, s25, $0xb8;
	[tilespmem:$0x980] =	vst v63  }
0x75: {  	_ =	swait.ge [sflag:s31], $0x20  }
0x76: {  	[sflag:s31] =	ssyncset.done $0x0  }
0x77: {  	[sflag:s31] =	ssyncadd.s32 $0xFFFFFFE0  }
0x78: {  	[spmem:s2] =	stream.indirect.scatter.add.f32 [tilespmem:s26], [sflag:$0xD], $0x1, s20, s25, $0xb8;
	[tilespmem:$0x980] =	vst v63  }
0x79: {  	_ =	swait.ge [sflag:s0], $0x20  }
0x7a: {  	[sflag:s0] =	ssyncset.done $0x0  }
0x7b: {  	[sflag:s0] =	ssyncadd.s32 $0xFFFFFFE0  }
0x7c: {  	[spmem:s2] =	stream.indirect.scatter.add.f32 [tilespmem:s26], [sflag:$0xE], $0x1, s21, s25, $0xb8;
	[tilespmem:$0x980] =	vst v63  }
0x7d: {  	_ =	swait.ge [sflag:s1], $0x20  }
0x7e: {  	[sflag:s1] =	ssyncset.done $0x0  }
0x7f: {  	[sflag:s1] =	ssyncadd.s32 $0xFFFFFFE0  }
0x80: {  	[spmem:s2] =	stream.indirect.scatter.add.f32 [tilespmem:s26], [sflag:$0xF], $0x1, s22, s25, $0xb8;
	[tilespmem:$0x980] =	vst v63  }
0x81: {  	_ =	swait.ge [sflag:s15], $0x20  }
0x82: {  	[sflag:s15] =	ssyncset.done $0x0  }
0x83: {  	[sflag:s15] =	ssyncadd.s32 $0xFFFFFFE0  }
0x84: {  	[spmem:s2] =	stream.indirect.scatter.add.f32 [tilespmem:s26], [sflag:$0x10], $0x1, s23, s25, $0xb8;
	[tilespmem:$0x980] =	vst v63  }
0x85: {  	_ =	swait.ge [sflag:s6], $0x20  }
0x86: {  	s14 =	rddreg [dreg:$0xa];
	[sflag:s6] =	ssyncset.done $0x0  }
0x87: {  	[sflag:s6] =	ssyncadd.s32 $0xFFFFFFE0;
	s4 =	sadd.s32 $0x0, s14  }
0x88: {  	[tilespmem:s3], [sflag:$0x1] =	stream.linear.gather [hbm4b:s4+s3], $0x20, $0x38;
	[tilespmem:$0x980] =	vst v63  }
0x89: {  	_ =	swait.ge [sflag:s7], $0x20  }
0x8a: {  	s16 =	rddreg [dreg:$0x9];
	[sflag:s7] =	ssyncset.done $0x0  }
0x8b: {  	[sflag:s7] =	ssyncadd.s32 $0xFFFFFFE0;
	s4 =	sadd.s32 $0x0, s16  }
0x8c: {  	[tilespmem:s17], [sflag:$0x2] =	stream.linear.gather [hbm4b:s4+s3], $0x20, $0x38;
	[tilespmem:$0x980] =	vst v63  }
0x8d: {  	_ =	swait.ge [sflag:s8], $0x20  }
0x8e: {  	s5 =	rddreg [dreg:$0x8];
	[sflag:s8] =	ssyncset.done $0x0  }
0x8f: {  	[sflag:s8] =	ssyncadd.s32 $0xFFFFFFE0;
	s4 =	sadd.s32 $0x0, s5  }
0x90: {  	[tilespmem:s18], [sflag:$0x3] =	stream.linear.gather [hbm4b:s4+s3], $0x20, $0x38;
	[tilespmem:$0x980] =	vst v63  }
0x91: {  	_ =	swait.ge [sflag:s9], $0x20  }
0x92: {  	s14 =	rddreg [dreg:$0x7];
	[sflag:s9] =	ssyncset.done $0x0  }
0x93: {  	[sflag:s9] =	ssyncadd.s32 $0xFFFFFFE0;
	s4 =	sadd.s32 $0x0, s14  }
0x94: {  	[tilespmem:s19], [sflag:$0x4] =	stream.linear.gather [hbm4b:s4+s3], $0x20, $0x38;
	[tilespmem:$0x980] =	vst v63  }
0x95: {  	_ =	swait.ge [sflag:s10], $0x20  }
0x96: {  	s16 =	rddreg [dreg:$0x6];
	[sflag:s10] =	ssyncset.done $0x0  }
0x97: {  	[sflag:s10] =	ssyncadd.s32 $0xFFFFFFE0;
	s4 =	sadd.s32 $0x0, s16  }
0x98: {  	[tilespmem:s20], [sflag:$0x5] =	stream.linear.gather [hbm4b:s4+s3], $0x20, $0x38;
	[tilespmem:$0x980] =	vst v63  }
0x99: {  	_ =	swait.ge [sflag:s11], $0x20  }
0x9a: {  	s5 =	rddreg [dreg:$0x5];
	[sflag:s11] =	ssyncset.done $0x0  }
0x9b: {  	[sflag:s11] =	ssyncadd.s32 $0xFFFFFFE0;
	s4 =	sadd.s32 $0x0, s5  }
0x9c: {  	[tilespmem:s21], [sflag:$0x6] =	stream.linear.gather [hbm4b:s4+s3], $0x20, $0x38;
	[tilespmem:$0x980] =	vst v63  }
0x9d: {  	_ =	swait.ge [sflag:s12], $0x20  }
0x9e: {  	s14 =	rddreg [dreg:$0x4];
	[sflag:s12] =	ssyncset.done $0x0  }
0x9f: {  	[sflag:s12] =	ssyncadd.s32 $0xFFFFFFE0;
	s4 =	sadd.s32 $0x0, s14  }
0xa0: {  	[tilespmem:s22], [sflag:$0x7] =	stream.linear.gather [hbm4b:s4+s3], $0x20, $0x38;
	[tilespmem:$0x980] =	vst v63  }
0xa1: {  	_ =	swait.ge [sflag:s13], $0x20  }
0xa2: {  	s16 =	rddreg [dreg:$0x3];
	[sflag:s13] =	ssyncset.done $0x0  }
0xa3: {  	[sflag:s13] =	ssyncadd.s32 $0xFFFFFFE0;
	s4 =	sadd.s32 $0x0, s16  }
0xa4: {  	[tilespmem:s23], [sflag:$0x8] =	stream.linear.gather [hbm4b:s4+s3], $0x20, $0x38;
	[tilespmem:$0x980] =	vst v63  }
0xa5: {  	_ =	swait.ge [sflag:s24], $0x20  }
0xa6: {  	[sflag:s24] =	ssyncset.done $0x0  }
0xa7: {  	[sflag:s24] =	ssyncadd.s32 $0xFFFFFFE0  }
0xa8: {  	[spmem:s2] =	stream.indirect.scatter.add.f32 [tilespmem:s26], [sflag:$0x9], $0x1, s3, s25, $0xb8;
	[tilespmem:$0x980] =	vst v63  }
0xa9: {  	_ =	swait.ge [sflag:s28], $0x20  }
0xaa: {  	[sflag:s28] =	ssyncset.done $0x0  }
0xab: {  	[sflag:s28] =	ssyncadd.s32 $0xFFFFFFE0  }
0xac: {  	[spmem:s2] =	stream.indirect.scatter.add.f32 [tilespmem:s26], [sflag:$0xA], $0x1, s17, s25, $0xb8;
	[tilespmem:$0x980] =	vst v63  }
0xad: {  	_ =	swait.ge [sflag:s29], $0x20  }
0xae: {  	[sflag:s29] =	ssyncset.done $0x0  }
0xaf: {  	[sflag:s29] =	ssyncadd.s32 $0xFFFFFFE0  }
0xb0: {  	[spmem:s2] =	stream.indirect.scatter.add.f32 [tilespmem:s26], [sflag:$0xB], $0x1, s18, s25, $0xb8;
	[tilespmem:$0x980] =	vst v63  }
0xb1: {  	_ =	swait.ge [sflag:s30], $0x20  }
0xb2: {  	[sflag:s30] =	ssyncset.done $0x0  }
0xb3: {  	[sflag:s30] =	ssyncadd.s32 $0xFFFFFFE0  }
0xb4: {  	[spmem:s2] =	stream.indirect.scatter.add.f32 [tilespmem:s26], [sflag:$0xC], $0x1, s19, s25, $0xb8;
	[tilespmem:$0x980] =	vst v63  }
0xb5: {  	_ =	swait.ge [sflag:s31], $0x20  }
0xb6: {  	[sflag:s31] =	ssyncset.done $0x0  }
0xb7: {  	[sflag:s31] =	ssyncadd.s32 $0xFFFFFFE0  }
0xb8: {  	[spmem:s2] =	stream.indirect.scatter.add.f32 [tilespmem:s26], [sflag:$0xD], $0x1, s20, s25, $0xb8;
	[tilespmem:$0x980] =	vst v63  }
0xb9: {  	_ =	swait.ge [sflag:s0], $0x20  }
0xba: {  	[sflag:s0] =	ssyncset.done $0x0  }
0xbb: {  	[sflag:s0] =	ssyncadd.s32 $0xFFFFFFE0  }
0xbc: {  	[spmem:s2] =	stream.indirect.scatter.add.f32 [tilespmem:s26], [sflag:$0xE], $0x1, s21, s25, $0xb8;
	[tilespmem:$0x980] =	vst v63  }
0xbd: {  	_ =	swait.ge [sflag:s1], $0x20  }
0xbe: {  	[sflag:s1] =	ssyncset.done $0x0  }
0xbf: {  	[sflag:s1] =	ssyncadd.s32 $0xFFFFFFE0  }
0xc0: {  	[spmem:s2] =	stream.indirect.scatter.add.f32 [tilespmem:s26], [sflag:$0xF], $0x1, s22, s25, $0xb8;
	[tilespmem:$0x980] =	vst v63  }
0xc1: {  	_ =	swait.ge [sflag:s15], $0x20  }
0xc2: {  	[sflag:s15] =	ssyncset.done $0x0  }
0xc3: {  	s4 =	simm.s32 $0x20;
	[sflag:s15] =	ssyncadd.s32 $0xFFFFFFE0  }
.LBB2_2:
0xc4: {  	[spmem:s2] =	stream.indirect.scatter.add.f32 [tilespmem:s26], [sflag:$0x10], $0x1, s23, s25, $0xb8;
	[tilespmem:$0x980] =	vst v63  }
0xc5: {  	_ =	swait.ge [sflag:s6], $0x20  }
0xc6: {  	s5 =	smov.u32 s4;
	s16 =	rddreg [dreg:$0xa];
	[sflag:s6] =	ssyncset.done $0x0  }
0xc7: {  	[sflag:s6] =	ssyncadd.s32 $0xFFFFFFE0;
	s16 =	sadd.s32 s5, s16  }
0xc8: {  	[tilespmem:s3], [sflag:$0x1] =	stream.linear.gather [hbm4b:s16+s3], $0x20, $0x38;
	[tilespmem:$0x980] =	vst v63  }
0xc9: {  	_ =	swait.ge [sflag:s7], $0x20  }
0xca: {  	s14 =	rddreg [dreg:$0x9];
	[sflag:s7] =	ssyncset.done $0x0  }
0xcb: {  	[sflag:s7] =	ssyncadd.s32 $0xFFFFFFE0;
	s16 =	sadd.s32 s5, s14  }
0xcc: {  	[tilespmem:s17], [sflag:$0x2] =	stream.linear.gather [hbm4b:s16+s3], $0x20, $0x38;
	[tilespmem:$0x980] =	vst v63  }
0xcd: {  	_ =	swait.ge [sflag:s8], $0x20  }
0xce: {  	s14 =	rddreg [dreg:$0x8];
	[sflag:s8] =	ssyncset.done $0x0  }
0xcf: {  	[sflag:s8] =	ssyncadd.s32 $0xFFFFFFE0;
	s16 =	sadd.s32 s5, s14  }
0xd0: {  	[tilespmem:s18], [sflag:$0x3] =	stream.linear.gather [hbm4b:s16+s3], $0x20, $0x38;
	[tilespmem:$0x980] =	vst v63  }
0xd1: {  	_ =	swait.ge [sflag:s9], $0x20  }
0xd2: {  	s14 =	rddreg [dreg:$0x7];
	[sflag:s9] =	ssyncset.done $0x0  }
0xd3: {  	[sflag:s9] =	ssyncadd.s32 $0xFFFFFFE0;
	s16 =	sadd.s32 s5, s14  }
0xd4: {  	[tilespmem:s19], [sflag:$0x4] =	stream.linear.gather [hbm4b:s16+s3], $0x20, $0x38;
	[tilespmem:$0x980] =	vst v63  }
0xd5: {  	_ =	swait.ge [sflag:s10], $0x20  }
0xd6: {  	s14 =	rddreg [dreg:$0x6];
	[sflag:s10] =	ssyncset.done $0x0  }
0xd7: {  	[sflag:s10] =	ssyncadd.s32 $0xFFFFFFE0;
	s16 =	sadd.s32 s5, s14  }
0xd8: {  	[tilespmem:s20], [sflag:$0x5] =	stream.linear.gather [hbm4b:s16+s3], $0x20, $0x38;
	[tilespmem:$0x980] =	vst v63  }
0xd9: {  	_ =	swait.ge [sflag:s11], $0x20  }
0xda: {  	s14 =	rddreg [dreg:$0x5];
	[sflag:s11] =	ssyncset.done $0x0  }
0xdb: {  	[sflag:s11] =	ssyncadd.s32 $0xFFFFFFE0;
	s16 =	sadd.s32 s5, s14  }
0xdc: {  	[tilespmem:s21], [sflag:$0x6] =	stream.linear.gather [hbm4b:s16+s3], $0x20, $0x38;
	[tilespmem:$0x980] =	vst v63  }
0xdd: {  	_ =	swait.ge [sflag:s12], $0x20  }
0xde: {  	s14 =	rddreg [dreg:$0x4];
	[sflag:s12] =	ssyncset.done $0x0  }
0xdf: {  	[sflag:s12] =	ssyncadd.s32 $0xFFFFFFE0;
	s16 =	sadd.s32 s5, s14  }
0xe0: {  	[tilespmem:s22], [sflag:$0x7] =	stream.linear.gather [hbm4b:s16+s3], $0x20, $0x38;
	[tilespmem:$0x980] =	vst v63  }
0xe1: {  	_ =	swait.ge [sflag:s13], $0x20  }
0xe2: {  	s14 =	rddreg [dreg:$0x3];
	[sflag:s13] =	ssyncset.done $0x0  }
0xe3: {  	[sflag:s13] =	ssyncadd.s32 $0xFFFFFFE0;
	s5 =	sadd.s32 s5, s14  }
0xe4: {  	[tilespmem:s23], [sflag:$0x8] =	stream.linear.gather [hbm4b:s5+s3], $0x20, $0x38;
	[tilespmem:$0x980] =	vst v63  }
0xe5: {  	_ =	swait.ge [sflag:s24], $0x20  }
0xe6: {  	[sflag:s24] =	ssyncset.done $0x0  }
0xe7: {  	[sflag:s24] =	ssyncadd.s32 $0xFFFFFFE0  }
0xe8: {  	[spmem:s2] =	stream.indirect.scatter.add.f32 [tilespmem:s26], [sflag:$0x9], $0x1, s3, s25, $0xb8;
	[tilespmem:$0x980] =	vst v63  }
0xe9: {  	_ =	swait.ge [sflag:s28], $0x20  }
0xea: {  	[sflag:s28] =	ssyncset.done $0x0  }
0xeb: {  	[sflag:s28] =	ssyncadd.s32 $0xFFFFFFE0  }
0xec: {  	[spmem:s2] =	stream.indirect.scatter.add.f32 [tilespmem:s26], [sflag:$0xA], $0x1, s17, s25, $0xb8;
	[tilespmem:$0x980] =	vst v63  }
0xed: {  	_ =	swait.ge [sflag:s29], $0x20  }
0xee: {  	[sflag:s29] =	ssyncset.done $0x0  }
0xef: {  	[sflag:s29] =	ssyncadd.s32 $0xFFFFFFE0  }
0xf0: {  	[spmem:s2] =	stream.indirect.scatter.add.f32 [tilespmem:s26], [sflag:$0xB], $0x1, s18, s25, $0xb8;
	[tilespmem:$0x980] =	vst v63  }
0xf1: {  	_ =	swait.ge [sflag:s30], $0x20  }
0xf2: {  	[sflag:s30] =	ssyncset.done $0x0  }
0xf3: {  	[sflag:s30] =	ssyncadd.s32 $0xFFFFFFE0  }
0xf4: {  	[spmem:s2] =	stream.indirect.scatter.add.f32 [tilespmem:s26], [sflag:$0xC], $0x1, s19, s25, $0xb8;
	[tilespmem:$0x980] =	vst v63  }
0xf5: {  	_ =	swait.ge [sflag:s31], $0x20  }
0xf6: {  	[sflag:s31] =	ssyncset.done $0x0  }
0xf7: {  	[sflag:s31] =	ssyncadd.s32 $0xFFFFFFE0  }
0xf8: {  	[spmem:s2] =	stream.indirect.scatter.add.f32 [tilespmem:s26], [sflag:$0xD], $0x1, s20, s25, $0xb8;
	[tilespmem:$0x980] =	vst v63  }
0xf9: {  	_ =	swait.ge [sflag:s0], $0x20  }
0xfa: {  	[sflag:s0] =	ssyncset.done $0x0  }
0xfb: {  	[sflag:s0] =	ssyncadd.s32 $0xFFFFFFE0  }
0xfc: {  	[spmem:s2] =	stream.indirect.scatter.add.f32 [tilespmem:s26], [sflag:$0xE], $0x1, s21, s25, $0xb8;
	[tilespmem:$0x980] =	vst v63  }
0xfd: {  	_ =	swait.ge [sflag:s1], $0x20  }
0xfe: {  	p0 =	sne.s32 s4, $0x4C0;
	[sflag:s1] =	ssyncset.done $0x0  }
.Ltmp0:
0xff: {  	[sflag:s1] =	ssyncadd.s32 $0xFFFFFFE0;
	(pc) =	sbr.rel @p0 .LBB2_2-.Ltmp0, $4  }
0x100: {  	[spmem:s2] =	stream.indirect.scatter.add.f32 [tilespmem:s26], [sflag:$0xF], $0x1, s22, s25, $0xb8;
	[tilespmem:$0x980] =	vst v63  }
0x101: {  	_ =	swait.ge [sflag:s15], $0x20  }
0x102: {  	[sflag:s15] =	ssyncset.done $0x0  }
0x103: {  	s4 =	sadd.s32 $0x20, s4;
	[sflag:s15] =	ssyncadd.s32 $0xFFFFFFE0  }
0x104: {  	[spmem:s2] =	stream.indirect.scatter.add.f32 [tilespmem:s26], [sflag:$0x10], $0x1, s23, s25, $0xb8;
	[tilespmem:$0x980] =	vst v63  }
0x105: {  	_ =	swait.ge [sflag:s6], $0x20  }
0x106: {  	[sflag:s6] =	ssyncset.done $0x0  }
0x107: {  	[sflag:s6] =	ssyncadd.s32 $0xFFFFFFE0  }
0x108: {  	_ =	swait.ge [sflag:s7], $0x20  }
0x109: {  	[sflag:s7] =	ssyncset.done $0x0  }
0x10a: {  	[sflag:s7] =	ssyncadd.s32 $0xFFFFFFE0  }
0x10b: {  	_ =	swait.ge [sflag:s8], $0x20  }
0x10c: {  	[sflag:s8] =	ssyncset.done $0x0  }
0x10d: {  	[sflag:s8] =	ssyncadd.s32 $0xFFFFFFE0  }
0x10e: {  	_ =	swait.ge [sflag:s9], $0x20  }
0x10f: {  	[sflag:s9] =	ssyncset.done $0x0  }
0x110: {  	[sflag:s9] =	ssyncadd.s32 $0xFFFFFFE0  }
0x111: {  	_ =	swait.ge [sflag:s10], $0x20  }
0x112: {  	[sflag:s10] =	ssyncset.done $0x0  }
0x113: {  	[sflag:s10] =	ssyncadd.s32 $0xFFFFFFE0  }
0x114: {  	_ =	swait.ge [sflag:s11], $0x20  }
0x115: {  	[sflag:s11] =	ssyncset.done $0x0  }
0x116: {  	[sflag:s11] =	ssyncadd.s32 $0xFFFFFFE0  }
0x117: {  	_ =	swait.ge [sflag:s12], $0x20  }
0x118: {  	[sflag:s12] =	ssyncset.done $0x0  }
0x119: {  	[sflag:s12] =	ssyncadd.s32 $0xFFFFFFE0  }
0x11a: {  	_ =	swait.ge [sflag:s13], $0x20  }
0x11b: {  	[sflag:s13] =	ssyncset.done $0x0  }
0x11c: {  	[sflag:s13] =	ssyncadd.s32 $0xFFFFFFE0  }
0x11d: {  	s4 =	stileid.u32;
	[bflag:$0x0] =	sbarrier.arrive $0xFFFF  }
0x11e: {  	s4 =	sshll.u32 s4, $0x6;
	s16 =	rddreg [dreg:$0xc]  }
0x11f: {  	s4 =	sor.u32 $0x1C11, s4;
	s14 =	rddreg [dreg:$0x14];
	s5 =	sshrl.u32 s16, $0x3  }
0x120: {  	[hbm:s14@s25], [sflag:s4] =	dma.strided [spmem:s5@s13], $0x50, s24, $0x10   }
0x121: {  	s5 =	simm.s32 $0x11  }
0x122: {  	_ =	swait.ge [sflag:s5], $0x50  }
0x123: {  	s4 =	rddreg [dreg:$0x16]  }
0x124: {  	s14 =	sadd.s32 $0x1, s4;
	s4 =	rddreg [dreg:$0x15]  }
0x125: {  	p0 =	sne.s32 s14, s4  }
.Ltmp1:
0x126: {  	_ = 	snop;
	(pc) =	sbr.rel @p0 .LBB2_1-.Ltmp1, $3  }
0x127: {  	_ =	sdelay $0x1  }
0x128: {  	[sflag:s5] =	ssyncset.done $0x0  }
0x129: {  	[sflag:s5] =	ssyncadd.s32 $0xFFFFFFB0  }
0x12a: {  	_ =	sfence.sel $0x180000  }
0x12b: {  	[bflag:$0x0] =	sbarrier.arrive $0xFFFF  }
0x12c: {  	_ =	strace $0x90000047  }
0x12d: {  	s0 =	stileid.u32;
	[bflag:$0x2] =	sbarrier.arrive $0xFFFF  }
0x12e: {  	p0 =	sne.s32 s0, $0x0;
	s0 =	rddreg [dreg:$0x2]  }
0x12f: {  	s0 =	sadd.s32 @!p0 $0x100000, s0  }
0x130: {  	[sflag:s0] =	ssyncadd.tile.s32 @!p0 $0x1;
	_ =	shalt  }
.Lfunc_end2:
_tile_overlayer_lowered:
.L_overlay_start_2:
0x131: {  	(tag) =	ssettag $0x2  }
0x132: {  	s0 =	rddreg [dreg:$0x0];
	s2 =	stileid.u32  }
0x133: {  	s1 =	rddreg [dreg:$0x1];
	p0 =	sne.s32 s2, $0x0  }
0x134: {  	s3 =	rddreg [dreg:$0x2];
	[bflag:$0x3] =	sbarrier.arrive $0xFFFF;
	s2 =	simm.s32 @!p0 $0x1C11  }
0x135: {  	[timem:s3], [sflag:s2] =	dma.local @!p0 [hbm:s0], s1  }
0x136: {  	s0 =	simm.s32 @!p0 $0x11  }
0x137: {  	_ =	swait.ge @!p0 [sflag:s0], s1  }
0x138: {  	s1 =	ssub.s32 @!p0 $0x0, s1;
	[sflag:s0] =	ssyncset.done @!p0 $0x0  }
0x139: {  	[sflag:s0] =	ssyncadd.s32 @!p0 s1  }
0x13a: {  	[bflag:$0x3] =	sbarrier.arrive $0xFFFF  }
0x13b: {  	_ =	shalt  }

</sc_bundles>
